<compile_context>
chip_gen: v7x
topology: tpu7x:2x2x1
jax: 0.10.2.dev20260603
libtpu: 0.0.44.dev20260713+nightly
codegen_flags: <defaults>
</compile_context>

<pallas_src>
import functools

import jax
import jax.numpy as jnp
from jax import lax
from jax.experimental import pallas as pl
from jax.experimental.pallas import tpu as pltpu
from jax.experimental.pallas import tpu_sc as plsc

N = 10000
D = 128
NC = 2
NS = 16
NW = NC * NS
CH = 128
SLAB = 56
STAGES1 = (56, 56, 48)
STAGES3 = (56, 24)
EPT = 20480
E_PAD = NS * EPT
IDXROWS = E_PAD // CH
ACC_ROWS = 10112
RPT = ACC_ROWS // NS
RB = 2048

_f32 = jnp.float32

_SLABS = [(o, min(CH, RPT - o)) for o in range(0, RPT, CH)]



def _zero_rbuf(rb):
    @pl.loop(0, CH * (D // 16))
    def _z(i):
        rb[i // (D // 16), pl.ds((i % (D // 16)) * 16, 16)] = (
            jnp.zeros((16,), _f32))


def _agg(src_h, dst_h, tbl_h, s_out, c_out, acc, cnt, sidx, didx,
         rbufs, onesb, cbuf, gsems, sid, row0, stages, with_counts):
    _zero_rbuf(rbufs[0])
    for off, n in _SLABS:
        pltpu.sync_copy(rbufs[0].at[pl.ds(0, n), :],
                        acc.at[pl.ds(sid * RPT + off, n), :])
    if with_counts:
        for off, n in _SLABS:
            pltpu.sync_copy(rbufs[0].at[0, pl.ds(0, n)],
                            cnt.at[pl.ds(sid * RPT + off, n)])
    plsc.subcore_barrier()

    r0 = row0
    for sn in stages:
        pltpu.sync_copy(src_h.at[pl.ds(r0, sn), :],
                        sidx.at[pl.ds(0, sn), :])
        pltpu.sync_copy(dst_h.at[pl.ds(r0, sn), :],
                        didx.at[pl.ds(0, sn), :])
        for b in range(2):
            pltpu.async_copy(tbl_h.at[sidx.at[b]], rbufs[b], gsems[b])
        r0 += sn

        @pl.loop(0, sn // 2)
        def _pair(p):
            for b in range(2):
                j = 2 * p + b
                pltpu.make_async_copy(
                    tbl_h.at[sidx.at[b]], rbufs[b], gsems[b]).wait()
                pltpu.sync_copy(rbufs[b], acc.at[didx.at[j]], add=True)
                if with_counts:
                    pltpu.sync_copy(onesb, cnt.at[didx.at[j]], add=True)

                @pl.when(j + 2 < sn)
                def _pf():
                    pltpu.async_copy(tbl_h.at[sidx.at[j + 2]], rbufs[b],
                                     gsems[b])

    plsc.subcore_barrier()
    pltpu.sync_copy(acc.at[pl.ds(sid * RPT, RPT), :],
                    s_out.at[pl.ds(sid * RPT, RPT), :])
    if with_counts:
        pltpu.sync_copy(cnt.at[pl.ds(sid * RPT, RPT)], cbuf)
        pltpu.sync_copy(cbuf, c_out.at[pl.ds(sid * RPT, RPT)])
    plsc.subcore_barrier()


def _init_ones(onesb):
    @pl.loop(0, CH // 16)
    def _o(i):
        onesb[pl.ds(i * 16, 16)] = jnp.ones((16,), _f32)


def _mesh():
    return plsc.VectorSubcoreMesh(core_axis_name="c", subcore_axis_name="s")


def _sc_two_aggs(si, di, su, du, x):

    @functools.partial(
        pl.kernel,
        out_type=(
            jax.ShapeDtypeStruct((ACC_ROWS, D), _f32),
            jax.ShapeDtypeStruct((ACC_ROWS,), _f32),
            jax.ShapeDtypeStruct((ACC_ROWS, D), _f32),
            jax.ShapeDtypeStruct((ACC_ROWS,), _f32),
        ),
        mesh=_mesh(),
        scratch_types=[
            pltpu.VMEM_SHARED((ACC_ROWS, D), _f32),
            pltpu.VMEM_SHARED((ACC_ROWS,), _f32),
            pltpu.VMEM((SLAB, CH), jnp.int32),
            pltpu.VMEM((SLAB, CH), jnp.int32),
            pltpu.VMEM((CH, D), _f32),
            pltpu.VMEM((CH, D), _f32),
            pltpu.VMEM((CH,), _f32),
            pltpu.VMEM((RPT,), _f32),
            pltpu.SemaphoreType.DMA,
            pltpu.SemaphoreType.DMA,
        ],
    )
    def body(si_h, di_h, su_h, du_h, x_h, s1_h, c1_h, s2_h, c2_h,
             acc, cnt, sidx, didx, r0, r1, onesb, cbuf, g0, g1):
        cid = lax.axis_index("c")
        sid = lax.axis_index("s")
        rbufs = (r0, r1)
        gsems = (g0, g1)
        _init_ones(onesb)
        row0 = sid * (EPT // CH)

        @pl.when(cid == 0)
        def _ii():
            _agg(si_h, di_h, x_h, s1_h, c1_h, acc, cnt, sidx, didx,
                 rbufs, onesb, cbuf, gsems, sid, row0, STAGES1, True)

        @pl.when(cid == 1)
        def _iu():
            _agg(su_h, du_h, x_h, s2_h, c2_h, acc, cnt, sidx, didx,
                 rbufs, onesb, cbuf, gsems, sid, row0, STAGES1, True)

    return body(si, di, su, du, x)


def _sc_one_agg(su, du, x):

    @functools.partial(
        pl.kernel,
        out_type=jax.ShapeDtypeStruct((NC, ACC_ROWS, D), _f32),
        mesh=_mesh(),
        scratch_types=[
            pltpu.VMEM_SHARED((ACC_ROWS, D), _f32),
            pltpu.VMEM((SLAB, CH), jnp.int32),
            pltpu.VMEM((SLAB, CH), jnp.int32),
            pltpu.VMEM((CH, D), _f32),
            pltpu.VMEM((CH, D), _f32),
            pltpu.SemaphoreType.DMA,
            pltpu.SemaphoreType.DMA,
        ],
    )
    def body(su_h, du_h, x_h, s3_h, acc, sidx, didx, r0, r1, g0, g1):
        cid = lax.axis_index("c")
        sid = lax.axis_index("s")
        wid = cid * NS + sid
        row0 = wid * (EPT // NC // CH)
        _agg(su_h, du_h, x_h, s3_h.at[cid], None, acc, None, sidx,
             didx, (r0, r1), None, None, (g0, g1), sid, row0,
             STAGES3, False)

    return body(su, du, x)



def _row_spec():
    return pl.BlockSpec((RB, D), lambda i: (i, 0))


def _full_spec(shape):
    nd = len(shape)
    return pl.BlockSpec(shape, lambda i: (0,) * nd)


def _cnt_spec():
    return pl.BlockSpec((1, RB), lambda i: (0, i))


_GRID = ((N + RB - 1) // RB,)


def _tc_mid(t1, c1, w1l, t2, c2, w2l, xi, xu, w1r, w2r, w3r, b1, b2, b3):

    def body(t1_r, c1_r, w1l_r, t2_r, c2_r, w2l_r, xi_r, xu_r, w1r_r,
             w2r_r, w3r_r, b1_r, b2_r, b3_r, ix_r, r3_r):
        m1 = t1_r[...] / jnp.maximum(c1_r[...][0], 1.0)[:, None]
        r1 = jnp.dot(xi_r[...], w1r_r[...],
                     preferred_element_type=_f32) + b1_r[...]
        ix_r[...] = jnp.maximum(
            jnp.dot(m1, w1l_r[...], preferred_element_type=_f32) + r1, 0.0)
        m2 = t2_r[...] / jnp.maximum(c2_r[...][0], 1.0)[:, None]
        r2 = jnp.dot(xu_r[...], w2r_r[...],
                     preferred_element_type=_f32) + b2_r[...]
        u2 = jnp.maximum(
            jnp.dot(m2, w2l_r[...], preferred_element_type=_f32) + r2, 0.0)
        r3_r[...] = jnp.dot(u2, w3r_r[...],
                            preferred_element_type=_f32) + b3_r[...]

    o = jax.ShapeDtypeStruct((N, D), _f32)
    return pl.pallas_call(
        body,
        grid=_GRID,
        in_specs=[_row_spec(), _cnt_spec(), _full_spec((D, D)),
                  _row_spec(), _cnt_spec(), _full_spec((D, D)),
                  _row_spec(), _row_spec(), _full_spec((D, D)),
                  _full_spec((D, D)), _full_spec((D, D)),
                  _full_spec((1, D)), _full_spec((1, D)), _full_spec((1, D))],
        out_specs=[_row_spec()] * 2,
        out_shape=[o, o],
    )(t1, c1, w1l, t2, c2, w2l, xi, xu, w1r, w2r, w3r, b1, b2, b3)


def _tc_final(t3p, c2, r3, w3l, wlin, blin):
    def body(t3_r, c2_r, r3_r, w3l_r, wl_r, bl_r, out_r):
        t3 = t3_r[...][0] + t3_r[...][1]
        m3 = t3 / jnp.maximum(c2_r[...][0], 1.0)[:, None]
        u3 = jnp.maximum(
            jnp.dot(m3, w3l_r[...], preferred_element_type=_f32) + r3_r[...],
            0.0)
        out_r[...] = jnp.dot(u3, wl_r[...],
                             preferred_element_type=_f32) + bl_r[...]

    return pl.pallas_call(
        body,
        grid=_GRID,
        in_specs=[pl.BlockSpec((NC, RB, D), lambda i: (0, i, 0)), _cnt_spec(),
                  _row_spec(), _full_spec((D, D)), _full_spec((D, D)),
                  _full_spec((1, D))],
        out_specs=_row_spec(),
        out_shape=jax.ShapeDtypeStruct((N, D), _f32),
    )(t3p, c2, r3, w3l, wlin, blin)



def _prep_edges(edge_index):
    src = edge_index[0].astype(jnp.int32)
    dst = edge_index[1].astype(jnp.int32)
    npad = E_PAD - src.shape[0]
    ar = jnp.arange(npad, dtype=jnp.int32)
    pad_src = ar % N
    pad_dst = N + ar % (ACC_ROWS - N)
    src = jnp.concatenate([src, pad_src]).reshape(IDXROWS, CH)
    dst = jnp.concatenate([dst, pad_dst]).reshape(IDXROWS, CH)
    return src, dst


def kernel(x_item, x_user, edge_index_ii, edge_index_iu, W1l, b1l, W1r,
           W2l, b2l, W2r, W3l, b3l, W3r, Wlin, blin):
    si, di = _prep_edges(edge_index_ii)
    su, du = _prep_edges(edge_index_iu)
    b1 = b1l.reshape(1, D)
    b2 = b2l.reshape(1, D)
    b3 = b3l.reshape(1, D)
    bl = blin.reshape(1, D)

    t1, c1, t2, c2 = _sc_two_aggs(si, di, su, du, x_item)
    c1 = c1.reshape(1, ACC_ROWS)
    c2 = c2.reshape(1, ACC_ROWS)
    item_x, r3 = _tc_mid(t1, c1, W1l.T, t2, c2, W2l.T, x_item, x_user,
                         W1r.T, W2r.T, W3r.T, b1, b2, b3)
    t3p = _sc_one_agg(su, du, item_x)
    return _tc_final(t3p, c2, r3, W3l.T, Wlin.T, bl)

# --- scband reference (transcript-rebuilt; emitter-appended) ---
"""Pipeline reference for scband-user-gnnencoder-11768210391489 (READ-ONLY COPY).

The authoritative reference and input builder live on the scoring server;
editing this copy changes nothing except your own understanding.
"""

import jax, jax.numpy as jnp
import numpy as np

N_ITEM = 10000
N_USER = 10000
E_II = 320000
E_IU = 320000
D = 128
H = 128
OUT = 128


def setup_inputs(seed: int = 0) -> dict:
    key = jax.random.key(seed)
    ks = jax.random.split(key, 20)
    s = 0.05
    inp = {}
    inp['x_item'] = jax.random.normal(ks[0], (N_ITEM, D), dtype=jnp.float32)
    inp['x_user'] = jax.random.normal(ks[1], (N_USER, D), dtype=jnp.float32)
    inp['edge_index_ii'] = jax.random.randint(ks[2], (2, E_II), 0, N_ITEM)
    inp['edge_index_iu'] = jax.random.randint(ks[3], (2, E_IU), 0, N_ITEM)
    # SAGEConv params: lin_l (applied to mean-aggregated neighbors, with bias),
    # lin_r (applied to root/dst features, no bias)
    inp['W1l'] = jax.random.normal(ks[4], (H, D), dtype=jnp.float32) * s
    inp['b1l'] = jnp.zeros((H,), dtype=jnp.float32)
    inp['W1r'] = jax.random.normal(ks[5], (H, D), dtype=jnp.float32) * s
    inp['W2l'] = jax.random.normal(ks[6], (H, D), dtype=jnp.float32) * s
    inp['b2l'] = jnp.zeros((H,), dtype=jnp.float32)
    inp['W2r'] = jax.random.normal(ks[7], (H, D), dtype=jnp.float32) * s
    inp['W3l'] = jax.random.normal(ks[8], (H, H), dtype=jnp.float32) * s
    inp['b3l'] = jnp.zeros((H,), dtype=jnp.float32)
    inp['W3r'] = jax.random.normal(ks[9], (H, H), dtype=jnp.float32) * s
    inp['Wlin'] = jax.random.normal(ks[10], (OUT, H), dtype=jnp.float32) * s
    inp['blin'] = jnp.zeros((OUT,), dtype=jnp.float32)
    return inp


def sage_conv(x_src, x_dst, edge_index, W_l, b_l, W_r, num_dst):
    src = edge_index[0]
    dst = edge_index[1]
    msgs = jnp.take(x_src, src, axis=0)
    summed = jax.ops.segment_sum(msgs, dst, num_segments=num_dst)
    cnt = jax.ops.segment_sum(jnp.ones((edge_index.shape[1],), dtype=x_src.dtype), dst, num_segments=num_dst)
    mean = summed / jnp.clip(cnt, 1.0)[:, None]
    return mean @ W_l.T + b_l + x_dst @ W_r.T


def reference(x_item, x_user, edge_index_ii, edge_index_iu, W1l, b1l, W1r, W2l, b2l, W2r, W3l, b3l, W3r, Wlin, blin):
    item_x = jax.nn.relu(sage_conv(x_item, x_item, edge_index_ii, W1l, b1l, W1r, N_ITEM))
    user_x = jax.nn.relu(sage_conv(x_item, x_user, edge_index_iu, W2l, b2l, W2r, N_USER))
    user_x = jax.nn.relu(sage_conv(item_x, user_x, edge_index_iu, W3l, b3l, W3r, N_USER))
    return user_x @ Wlin.T + blin

if __name__ == "__main__":
    import jax
    _d = setup_inputs()
    print(jax.jit(kernel)(*tuple(_d.values())))

</pallas_src>

<mosaic_0001>
#map = affine_map<(d0, d1) -> (0, 0)>
#map1 = affine_map<(d0, d1) -> (0)>
module attributes {stable_mosaic.version = 14 : i64} {
  func.func @body(%arg0: i32, %arg1: i32, %arg2: memref<2560x128xi32, #tpu.memory_space<hbm>>, %arg3: memref<2560x128xi32, #tpu.memory_space<hbm>>, %arg4: memref<2560x128xi32, #tpu.memory_space<hbm>>, %arg5: memref<2560x128xi32, #tpu.memory_space<hbm>>, %arg6: memref<10000x128xf32, #tpu.memory_space<hbm>>, %arg7: memref<10112x128xf32, #tpu.memory_space<hbm>>, %arg8: memref<10112xf32, #tpu.memory_space<hbm>>, %arg9: memref<10112x128xf32, #tpu.memory_space<hbm>>, %arg10: memref<10112xf32, #tpu.memory_space<hbm>>, %arg11: memref<10112x128xf32, #tpu.memory_space<vmem_shared>>, %arg12: memref<10112xf32, #tpu.memory_space<vmem_shared>>, %arg13: memref<56x128xi32, #tpu.memory_space<vmem>>, %arg14: memref<56x128xi32, #tpu.memory_space<vmem>>, %arg15: memref<128x128xf32, #tpu.memory_space<vmem>>, %arg16: memref<128x128xf32, #tpu.memory_space<vmem>>, %arg17: memref<128xf32, #tpu.memory_space<vmem>>, %arg18: memref<632xf32, #tpu.memory_space<vmem>>, %arg19: memref<!tpu.dma_semaphore, #tpu.memory_space<semaphore_mem>>, %arg20: memref<!tpu.dma_semaphore, #tpu.memory_space<semaphore_mem>>) attributes {dimension_semantics = [#tpu.dimension_semantics<core_parallel>, #tpu.dimension_semantics<subcore_parallel>], iteration_bounds = array<i64: 2, 16>, scalar_prefetch = 0 : i64, scratch_operands = 10 : i64, tpu.core_type = #tpu.core_type<sc_vector_subcore>, window_params = [{transform_indices = #map}, {transform_indices = #map}, {transform_indices = #map}, {transform_indices = #map}, {transform_indices = #map}, {transform_indices = #map}, {transform_indices = #map1}, {transform_indices = #map}, {transform_indices = #map1}]} {
    %scan3A = arith.constant 0 : i32
    %scan3A_0 = arith.constant 8 : i32
    %scan3A_1 = arith.addi %scan3A, %scan3A_0 : i32
    %scan3A_2 = arith.constant 1 : i32
    scf.for %scan3A_12 = %scan3A to %scan3A_1 step %scan3A_2  : i32 {
      %mul3A_13 = arith.constant 1 : i32
      %mul3A_14 = arith.muli %scan3A_12, %mul3A_13 : i32
      %add3A = arith.constant 0 : i32
      %add3A_15 = arith.addi %add3A, %mul3A_14 : i32
      %broadcast_in_dim3A = arith.constant 1.000000e+00 : f32
      %broadcast_in_dim3A_16 = vector.broadcast %broadcast_in_dim3A : f32 to vector<16xf32>
      %mul3A_17 = arith.constant 16 : i32
      %mul3A_18 = arith.muli %add3A_15, %mul3A_17 : i32
      %swap3A = arith.index_cast %mul3A_18 : i32 to index
      %swap3A_19 = tpu.vector_load %arg17[%swap3A] {strides = array<i32>} : memref<128xf32, #tpu.memory_space<vmem>>, vector<16xf32>,
      %swap3A_20 = vector.shape_cast %swap3A_19 : vector<16xf32> to vector<16xf32>
      %swap3A_21 = vector.shape_cast %broadcast_in_dim3A_16 : vector<16xf32> to vector<16xf32>
      tpu.vector_store %arg17[%swap3A], %swap3A_21 {strides = array<i32>} : memref<128xf32, #tpu.memory_space<vmem>>, vector<16xf32>,
    }
    %scan3A_3 = arith.constant 8 : i32
    %mul3A = arith.constant 160 : i32
    %mul3A_4 = arith.muli %arg1, %mul3A : i32
    %eq3A = arith.constant 0 : i32
    %eq3A_5 = arith.cmpi eq, %arg0, %eq3A : i32
    %convert_element_type3A = arith.extui %eq3A_5 : i1 to i32
    %cond3A = arith.constant 0 : i32
    %cond3A_6 = arith.cmpi ne, %convert_element_type3A, %cond3A : i32
    scf.if %cond3A_6 {
      %scan3A_12 = arith.constant 0 : i32
      %scan3A_13 = arith.constant 1024 : i32
      %scan3A_14 = arith.addi %scan3A_12, %scan3A_13 : i32
      %scan3A_15 = arith.constant 1 : i32
      scf.for %scan3A_132 = %scan3A_12 to %scan3A_14 step %scan3A_15  : i32 {
        %mul3A_133 = arith.constant 1 : i32
        %mul3A_134 = arith.muli %scan3A_132, %mul3A_133 : i32
        %add3A_135 = arith.constant 0 : i32
        %add3A_136 = arith.addi %add3A_135, %mul3A_134 : i32
        %broadcast_in_dim3A = arith.constant 0.000000e+00 : f32
        %broadcast_in_dim3A_137 = vector.broadcast %broadcast_in_dim3A : f32 to vector<16xf32>
        %jit3A = arith.constant 8 : i32
        %div3A = arith.divsi %add3A_136, %jit3A : i32
        %sign3A = arith.constant 0 : i32
        %sign3A_138 = arith.cmpi sgt, %add3A_136, %sign3A : i32
        %sign3A_139 = arith.extui %sign3A_138 : i1 to i32
        %sign3A_140 = arith.constant 0 : i32
        %sign3A_141 = arith.cmpi slt, %add3A_136, %sign3A_140 : i32
        %sign3A_142 = arith.extui %sign3A_141 : i1 to i32
        %sign3A_143 = arith.subi %sign3A_139, %sign3A_142 : i32
        %sign3A_144 = arith.constant 0 : i32
        %sign3A_145 = arith.cmpi sgt, %jit3A, %sign3A_144 : i32
        %sign3A_146 = arith.extui %sign3A_145 : i1 to i32
        %sign3A_147 = arith.constant 0 : i32
        %sign3A_148 = arith.cmpi slt, %jit3A, %sign3A_147 : i32
        %sign3A_149 = arith.extui %sign3A_148 : i1 to i32
        %sign3A_150 = arith.subi %sign3A_146, %sign3A_149 : i32
        %ne3A = arith.cmpi ne, %sign3A_143, %sign3A_150 : i32
        %rem3A = arith.remsi %add3A_136, %jit3A : i32
        %ne3A_151 = arith.constant 0 : i32
        %ne3A_152 = arith.cmpi ne, %rem3A, %ne3A_151 : i32
        %and3A = arith.andi %ne3A, %ne3A_152 : i1
        %sub3A = arith.constant 1 : i32
        %sub3A_153 = arith.subi %div3A, %sub3A : i32
        %select_n3A = arith.select %and3A, %sub3A_153, %div3A : i32
        %jit3A_154 = arith.constant 8 : i32
        %eq3A_155 = arith.constant 0 : i32
        %eq3A_156 = arith.cmpi eq, %jit3A_154, %eq3A_155 : i32
        %jit3A_157 = arith.constant 1 : i32
        %select_n3A_158 = arith.select %eq3A_156, %jit3A_157, %jit3A_154 : i32
        %rem3A_159 = arith.remsi %add3A_136, %select_n3A_158 : i32
        %ne3A_160 = arith.constant 0 : i32
        %ne3A_161 = arith.cmpi ne, %rem3A_159, %ne3A_160 : i32
        %lt3A = arith.constant 0 : i32
        %lt3A_162 = arith.cmpi slt, %rem3A_159, %lt3A : i32
        %lt3A_163 = arith.constant 0 : i32
        %lt3A_164 = arith.cmpi slt, %select_n3A_158, %lt3A_163 : i32
        %ne3A_165 = arith.xori %lt3A_162, %lt3A_164 : i1
        %and3A_166 = arith.andi %ne3A_165, %ne3A_161 : i1
        %add3A_167 = arith.addi %rem3A_159, %select_n3A_158 : i32
        %select_n3A_168 = arith.select %and3A_166, %add3A_167, %rem3A_159 : i32
        %mul3A_169 = arith.constant 16 : i32
        %mul3A_170 = arith.muli %select_n3A_168, %mul3A_169 : i32
        %swap3A = arith.index_cast %select_n3A : i32 to index
        %swap3A_171 = arith.index_cast %mul3A_170 : i32 to index
        %swap3A_172 = tpu.vector_load %arg15[%swap3A, %swap3A_171] {strides = array<i32>} : memref<128x128xf32, #tpu.memory_space<vmem>>, vector<1x16xf32>,
        %swap3A_173 = vector.shape_cast %swap3A_172 : vector<1x16xf32> to vector<16xf32>
        %swap3A_174 = vector.shape_cast %broadcast_in_dim3A_137 : vector<16xf32> to vector<1x16xf32>
        tpu.vector_store %arg15[%swap3A, %swap3A_171], %swap3A_174 {strides = array<i32>} : memref<128x128xf32, #tpu.memory_space<vmem>>, vector<1x16xf32>,
      }
      %scan3A_16 = arith.constant 1024 : i32
      %mul3A_17 = arith.constant 632 : i32
      %mul3A_18 = arith.muli %arg1, %mul3A_17 : i32
      %add3A = arith.constant 0 : i32
      %add3A_19 = arith.addi %mul3A_18, %add3A : i32
      "tpu.region"() ({
        %run_scoped3A_132 = tpu.sem_alloc : memref<!tpu.dma_semaphore, #tpu.memory_space<semaphore_mem>>
        %dma_start3A_133 = arith.constant 0 : i32
        %dma_start3A_134 = arith.constant 0 : i32
        %dma_start3A_135 = tpu.memref_slice %arg15[%dma_start3A_133, %dma_start3A_134] : memref<128x128xf32, #tpu.memory_space<vmem>> -> memref<128x128xf32, #tpu.memory_space<vmem>>
        %dma_start3A_136 = arith.constant 0 : i32
        %dma_start3A_137 = tpu.memref_slice %arg11[%add3A_19, %dma_start3A_136] : memref<10112x128xf32, #tpu.memory_space<vmem_shared>> -> memref<128x128xf32, #tpu.memory_space<vmem_shared>>
        %dma_start3A_138 = arith.constant 0 : i32
        %dma_start3A_139 = tpu.memref_slice %arg11[%add3A_19, %dma_start3A_138] : memref<10112x128xf32, #tpu.memory_space<vmem_shared>> -> memref<128x128xf32, #tpu.memory_space<vmem_shared>>
        %dma_start3A_140 = arith.constant 0 : i32
        %dma_start3A_141 = arith.constant 0 : i32
        %dma_start3A_142 = tpu.memref_slice %arg15[%dma_start3A_140, %dma_start3A_141] : memref<128x128xf32, #tpu.memory_space<vmem>> -> memref<128x128xf32, #tpu.memory_space<vmem>>
        tpu.enqueue_dma source(%dma_start3A_142 : memref<128x128xf32, #tpu.memory_space<vmem>>) target(%dma_start3A_139 : memref<128x128xf32, #tpu.memory_space<vmem_shared>>) target_semaphore(%run_scoped3A_132 : memref<!tpu.dma_semaphore, #tpu.memory_space<semaphore_mem>>)
        %dma_wait3A = arith.constant 0 : i32
        %dma_wait3A_143 = arith.constant 0 : i32
        %dma_wait3A_144 = tpu.memref_slice %arg15[%dma_wait3A, %dma_wait3A_143] : memref<128x128xf32, #tpu.memory_space<vmem>> -> memref<128x128xf32, #tpu.memory_space<vmem>>
        %dma_wait3A_145 = arith.constant 0 : i32
        %dma_wait3A_146 = tpu.memref_slice %arg11[%add3A_19, %dma_wait3A_145] : memref<10112x128xf32, #tpu.memory_space<vmem_shared>> -> memref<128x128xf32, #tpu.memory_space<vmem_shared>>
        %dma_wait3A_147 = arith.constant 0 : i32
        %dma_wait3A_148 = tpu.memref_slice %arg11[%add3A_19, %dma_wait3A_147] : memref<10112x128xf32, #tpu.memory_space<vmem_shared>> -> memref<128x128xf32, #tpu.memory_space<vmem_shared>>
        %dma_wait3A_149 = arith.constant 0 : i32
        %dma_wait3A_150 = arith.constant 0 : i32
        %dma_wait3A_151 = tpu.memref_slice %arg15[%dma_wait3A_149, %dma_wait3A_150] : memref<128x128xf32, #tpu.memory_space<vmem>> -> memref<128x128xf32, #tpu.memory_space<vmem>>
        tpu.wait_dma2 semaphore(%run_scoped3A_132 : memref<!tpu.dma_semaphore, #tpu.memory_space<semaphore_mem>>) src(%dma_wait3A_151 : memref<128x128xf32, #tpu.memory_space<vmem>>) dst(%dma_wait3A_148 : memref<128x128xf32, #tpu.memory_space<vmem_shared>>)
        tpu.yield
      }) : () -> ()
      %mul3A_20 = arith.constant 632 : i32
      %mul3A_21 = arith.muli %arg1, %mul3A_20 : i32
      %add3A_22 = arith.constant 128 : i32
      %add3A_23 = arith.addi %mul3A_21, %add3A_22 : i32
      "tpu.region"() ({
        %run_scoped3A_132 = tpu.sem_alloc : memref<!tpu.dma_semaphore, #tpu.memory_space<semaphore_mem>>
        %dma_start3A_133 = arith.constant 0 : i32
        %dma_start3A_134 = arith.constant 0 : i32
        %dma_start3A_135 = tpu.memref_slice %arg15[%dma_start3A_133, %dma_start3A_134] : memref<128x128xf32, #tpu.memory_space<vmem>> -> memref<128x128xf32, #tpu.memory_space<vmem>>
        %dma_start3A_136 = arith.constant 0 : i32
        %dma_start3A_137 = tpu.memref_slice %arg11[%add3A_23, %dma_start3A_136] : memref<10112x128xf32, #tpu.memory_space<vmem_shared>> -> memref<128x128xf32, #tpu.memory_space<vmem_shared>>
        %dma_start3A_138 = arith.constant 0 : i32
        %dma_start3A_139 = tpu.memref_slice %arg11[%add3A_23, %dma_start3A_138] : memref<10112x128xf32, #tpu.memory_space<vmem_shared>> -> memref<128x128xf32, #tpu.memory_space<vmem_shared>>
        %dma_start3A_140 = arith.constant 0 : i32
        %dma_start3A_141 = arith.constant 0 : i32
        %dma_start3A_142 = tpu.memref_slice %arg15[%dma_start3A_140, %dma_start3A_141] : memref<128x128xf32, #tpu.memory_space<vmem>> -> memref<128x128xf32, #tpu.memory_space<vmem>>
        tpu.enqueue_dma source(%dma_start3A_142 : memref<128x128xf32, #tpu.memory_space<vmem>>) target(%dma_start3A_139 : memref<128x128xf32, #tpu.memory_space<vmem_shared>>) target_semaphore(%run_scoped3A_132 : memref<!tpu.dma_semaphore, #tpu.memory_space<semaphore_mem>>)
        %dma_wait3A = arith.constant 0 : i32
        %dma_wait3A_143 = arith.constant 0 : i32
        %dma_wait3A_144 = tpu.memref_slice %arg15[%dma_wait3A, %dma_wait3A_143] : memref<128x128xf32, #tpu.memory_space<vmem>> -> memref<128x128xf32, #tpu.memory_space<vmem>>
        %dma_wait3A_145 = arith.constant 0 : i32
        %dma_wait3A_146 = tpu.memref_slice %arg11[%add3A_23, %dma_wait3A_145] : memref<10112x128xf32, #tpu.memory_space<vmem_shared>> -> memref<128x128xf32, #tpu.memory_space<vmem_shared>>
        %dma_wait3A_147 = arith.constant 0 : i32
        %dma_wait3A_148 = tpu.memref_slice %arg11[%add3A_23, %dma_wait3A_147] : memref<10112x128xf32, #tpu.memory_space<vmem_shared>> -> memref<128x128xf32, #tpu.memory_space<vmem_shared>>
        %dma_wait3A_149 = arith.constant 0 : i32
        %dma_wait3A_150 = arith.constant 0 : i32
        %dma_wait3A_151 = tpu.memref_slice %arg15[%dma_wait3A_149, %dma_wait3A_150] : memref<128x128xf32, #tpu.memory_space<vmem>> -> memref<128x128xf32, #tpu.memory_space<vmem>>
        tpu.wait_dma2 semaphore(%run_scoped3A_132 : memref<!tpu.dma_semaphore, #tpu.memory_space<semaphore_mem>>) src(%dma_wait3A_151 : memref<128x128xf32, #tpu.memory_space<vmem>>) dst(%dma_wait3A_148 : memref<128x128xf32, #tpu.memory_space<vmem_shared>>)
        tpu.yield
      }) : () -> ()
      %mul3A_24 = arith.constant 632 : i32
      %mul3A_25 = arith.muli %arg1, %mul3A_24 : i32
      %add3A_26 = arith.constant 256 : i32
      %add3A_27 = arith.addi %mul3A_25, %add3A_26 : i32
      "tpu.region"() ({
        %run_scoped3A_132 = tpu.sem_alloc : memref<!tpu.dma_semaphore, #tpu.memory_space<semaphore_mem>>
        %dma_start3A_133 = arith.constant 0 : i32
        %dma_start3A_134 = arith.constant 0 : i32
        %dma_start3A_135 = tpu.memref_slice %arg15[%dma_start3A_133, %dma_start3A_134] : memref<128x128xf32, #tpu.memory_space<vmem>> -> memref<128x128xf32, #tpu.memory_space<vmem>>
        %dma_start3A_136 = arith.constant 0 : i32
        %dma_start3A_137 = tpu.memref_slice %arg11[%add3A_27, %dma_start3A_136] : memref<10112x128xf32, #tpu.memory_space<vmem_shared>> -> memref<128x128xf32, #tpu.memory_space<vmem_shared>>
        %dma_start3A_138 = arith.constant 0 : i32
        %dma_start3A_139 = tpu.memref_slice %arg11[%add3A_27, %dma_start3A_138] : memref<10112x128xf32, #tpu.memory_space<vmem_shared>> -> memref<128x128xf32, #tpu.memory_space<vmem_shared>>
        %dma_start3A_140 = arith.constant 0 : i32
        %dma_start3A_141 = arith.constant 0 : i32
        %dma_start3A_142 = tpu.memref_slice %arg15[%dma_start3A_140, %dma_start3A_141] : memref<128x128xf32, #tpu.memory_space<vmem>> -> memref<128x128xf32, #tpu.memory_space<vmem>>
        tpu.enqueue_dma source(%dma_start3A_142 : memref<128x128xf32, #tpu.memory_space<vmem>>) target(%dma_start3A_139 : memref<128x128xf32, #tpu.memory_space<vmem_shared>>) target_semaphore(%run_scoped3A_132 : memref<!tpu.dma_semaphore, #tpu.memory_space<semaphore_mem>>)
        %dma_wait3A = arith.constant 0 : i32
        %dma_wait3A_143 = arith.constant 0 : i32
        %dma_wait3A_144 = tpu.memref_slice %arg15[%dma_wait3A, %dma_wait3A_143] : memref<128x128xf32, #tpu.memory_space<vmem>> -> memref<128x128xf32, #tpu.memory_space<vmem>>
        %dma_wait3A_145 = arith.constant 0 : i32
        %dma_wait3A_146 = tpu.memref_slice %arg11[%add3A_27, %dma_wait3A_145] : memref<10112x128xf32, #tpu.memory_space<vmem_shared>> -> memref<128x128xf32, #tpu.memory_space<vmem_shared>>
        %dma_wait3A_147 = arith.constant 0 : i32
        %dma_wait3A_148 = tpu.memref_slice %arg11[%add3A_27, %dma_wait3A_147] : memref<10112x128xf32, #tpu.memory_space<vmem_shared>> -> memref<128x128xf32, #tpu.memory_space<vmem_shared>>
        %dma_wait3A_149 = arith.constant 0 : i32
        %dma_wait3A_150 = arith.constant 0 : i32
        %dma_wait3A_151 = tpu.memref_slice %arg15[%dma_wait3A_149, %dma_wait3A_150] : memref<128x128xf32, #tpu.memory_space<vmem>> -> memref<128x128xf32, #tpu.memory_space<vmem>>
        tpu.wait_dma2 semaphore(%run_scoped3A_132 : memref<!tpu.dma_semaphore, #tpu.memory_space<semaphore_mem>>) src(%dma_wait3A_151 : memref<128x128xf32, #tpu.memory_space<vmem>>) dst(%dma_wait3A_148 : memref<128x128xf32, #tpu.memory_space<vmem_shared>>)
        tpu.yield
      }) : () -> ()
      %mul3A_28 = arith.constant 632 : i32
      %mul3A_29 = arith.muli %arg1, %mul3A_28 : i32
      %add3A_30 = arith.constant 384 : i32
      %add3A_31 = arith.addi %mul3A_29, %add3A_30 : i32
      "tpu.region"() ({
        %run_scoped3A_132 = tpu.sem_alloc : memref<!tpu.dma_semaphore, #tpu.memory_space<semaphore_mem>>
        %dma_start3A_133 = arith.constant 0 : i32
        %dma_start3A_134 = arith.constant 0 : i32
        %dma_start3A_135 = tpu.memref_slice %arg15[%dma_start3A_133, %dma_start3A_134] : memref<128x128xf32, #tpu.memory_space<vmem>> -> memref<128x128xf32, #tpu.memory_space<vmem>>
        %dma_start3A_136 = arith.constant 0 : i32
        %dma_start3A_137 = tpu.memref_slice %arg11[%add3A_31, %dma_start3A_136] : memref<10112x128xf32, #tpu.memory_space<vmem_shared>> -> memref<128x128xf32, #tpu.memory_space<vmem_shared>>
        %dma_start3A_138 = arith.constant 0 : i32
        %dma_start3A_139 = tpu.memref_slice %arg11[%add3A_31, %dma_start3A_138] : memref<10112x128xf32, #tpu.memory_space<vmem_shared>> -> memref<128x128xf32, #tpu.memory_space<vmem_shared>>
        %dma_start3A_140 = arith.constant 0 : i32
        %dma_start3A_141 = arith.constant 0 : i32
        %dma_start3A_142 = tpu.memref_slice %arg15[%dma_start3A_140, %dma_start3A_141] : memref<128x128xf32, #tpu.memory_space<vmem>> -> memref<128x128xf32, #tpu.memory_space<vmem>>
        tpu.enqueue_dma source(%dma_start3A_142 : memref<128x128xf32, #tpu.memory_space<vmem>>) target(%dma_start3A_139 : memref<128x128xf32, #tpu.memory_space<vmem_shared>>) target_semaphore(%run_scoped3A_132 : memref<!tpu.dma_semaphore, #tpu.memory_space<semaphore_mem>>)
        %dma_wait3A = arith.constant 0 : i32
        %dma_wait3A_143 = arith.constant 0 : i32
        %dma_wait3A_144 = tpu.memref_slice %arg15[%dma_wait3A, %dma_wait3A_143] : memref<128x128xf32, #tpu.memory_space<vmem>> -> memref<128x128xf32, #tpu.memory_space<vmem>>
        %dma_wait3A_145 = arith.constant 0 : i32
        %dma_wait3A_146 = tpu.memref_slice %arg11[%add3A_31, %dma_wait3A_145] : memref<10112x128xf32, #tpu.memory_space<vmem_shared>> -> memref<128x128xf32, #tpu.memory_space<vmem_shared>>
        %dma_wait3A_147 = arith.constant 0 : i32
        %dma_wait3A_148 = tpu.memref_slice %arg11[%add3A_31, %dma_wait3A_147] : memref<10112x128xf32, #tpu.memory_space<vmem_shared>> -> memref<128x128xf32, #tpu.memory_space<vmem_shared>>
        %dma_wait3A_149 = arith.constant 0 : i32
        %dma_wait3A_150 = arith.constant 0 : i32
        %dma_wait3A_151 = tpu.memref_slice %arg15[%dma_wait3A_149, %dma_wait3A_150] : memref<128x128xf32, #tpu.memory_space<vmem>> -> memref<128x128xf32, #tpu.memory_space<vmem>>
        tpu.wait_dma2 semaphore(%run_scoped3A_132 : memref<!tpu.dma_semaphore, #tpu.memory_space<semaphore_mem>>) src(%dma_wait3A_151 : memref<128x128xf32, #tpu.memory_space<vmem>>) dst(%dma_wait3A_148 : memref<128x128xf32, #tpu.memory_space<vmem_shared>>)
        tpu.yield
      }) : () -> ()
      %mul3A_32 = arith.constant 632 : i32
      %mul3A_33 = arith.muli %arg1, %mul3A_32 : i32
      %add3A_34 = arith.constant 512 : i32
      %add3A_35 = arith.addi %mul3A_33, %add3A_34 : i32
      "tpu.region"() ({
        %run_scoped3A_132 = tpu.sem_alloc : memref<!tpu.dma_semaphore, #tpu.memory_space<semaphore_mem>>
        %dma_start3A_133 = arith.constant 0 : i32
        %dma_start3A_134 = arith.constant 0 : i32
        %dma_start3A_135 = tpu.memref_slice %arg15[%dma_start3A_133, %dma_start3A_134] : memref<128x128xf32, #tpu.memory_space<vmem>> -> memref<120x128xf32, #tpu.memory_space<vmem>>
        %dma_start3A_136 = arith.constant 0 : i32
        %dma_start3A_137 = tpu.memref_slice %arg11[%add3A_35, %dma_start3A_136] : memref<10112x128xf32, #tpu.memory_space<vmem_shared>> -> memref<120x128xf32, #tpu.memory_space<vmem_shared>>
        %dma_start3A_138 = arith.constant 0 : i32
        %dma_start3A_139 = tpu.memref_slice %arg11[%add3A_35, %dma_start3A_138] : memref<10112x128xf32, #tpu.memory_space<vmem_shared>> -> memref<120x128xf32, #tpu.memory_space<vmem_shared>>
        %dma_start3A_140 = arith.constant 0 : i32
        %dma_start3A_141 = arith.constant 0 : i32
        %dma_start3A_142 = tpu.memref_slice %arg15[%dma_start3A_140, %dma_start3A_141] : memref<128x128xf32, #tpu.memory_space<vmem>> -> memref<120x128xf32, #tpu.memory_space<vmem>>
        tpu.enqueue_dma source(%dma_start3A_142 : memref<120x128xf32, #tpu.memory_space<vmem>>) target(%dma_start3A_139 : memref<120x128xf32, #tpu.memory_space<vmem_shared>>) target_semaphore(%run_scoped3A_132 : memref<!tpu.dma_semaphore, #tpu.memory_space<semaphore_mem>>)
        %dma_wait3A = arith.constant 0 : i32
        %dma_wait3A_143 = arith.constant 0 : i32
        %dma_wait3A_144 = tpu.memref_slice %arg15[%dma_wait3A, %dma_wait3A_143] : memref<128x128xf32, #tpu.memory_space<vmem>> -> memref<120x128xf32, #tpu.memory_space<vmem>>
        %dma_wait3A_145 = arith.constant 0 : i32
        %dma_wait3A_146 = tpu.memref_slice %arg11[%add3A_35, %dma_wait3A_145] : memref<10112x128xf32, #tpu.memory_space<vmem_shared>> -> memref<120x128xf32, #tpu.memory_space<vmem_shared>>
        %dma_wait3A_147 = arith.constant 0 : i32
        %dma_wait3A_148 = tpu.memref_slice %arg11[%add3A_35, %dma_wait3A_147] : memref<10112x128xf32, #tpu.memory_space<vmem_shared>> -> memref<120x128xf32, #tpu.memory_space<vmem_shared>>
        %dma_wait3A_149 = arith.constant 0 : i32
        %dma_wait3A_150 = arith.constant 0 : i32
        %dma_wait3A_151 = tpu.memref_slice %arg15[%dma_wait3A_149, %dma_wait3A_150] : memref<128x128xf32, #tpu.memory_space<vmem>> -> memref<120x128xf32, #tpu.memory_space<vmem>>
        tpu.wait_dma2 semaphore(%run_scoped3A_132 : memref<!tpu.dma_semaphore, #tpu.memory_space<semaphore_mem>>) src(%dma_wait3A_151 : memref<120x128xf32, #tpu.memory_space<vmem>>) dst(%dma_wait3A_148 : memref<120x128xf32, #tpu.memory_space<vmem_shared>>)
        tpu.yield
      }) : () -> ()
      %mul3A_36 = arith.constant 632 : i32
      %mul3A_37 = arith.muli %arg1, %mul3A_36 : i32
      %add3A_38 = arith.constant 0 : i32
      %add3A_39 = arith.addi %mul3A_37, %add3A_38 : i32
      %run_scoped3A = arith.constant 0 : i32
      "tpu.region"() ({
        %run_scoped3A_132 = tpu.sem_alloc : memref<!tpu.dma_semaphore, #tpu.memory_space<semaphore_mem>>
        %dma_start3A_133 = arith.constant 0 : i32
        %dma_start3A_134 = tpu.memref_slice %arg15[%run_scoped3A, %dma_start3A_133] : memref<128x128xf32, #tpu.memory_space<vmem>> -> memref<1x128xf32, #tpu.memory_space<vmem>>
        %dma_start3A_135 = tpu.memref_squeeze %dma_start3A_134 : memref<1x128xf32, #tpu.memory_space<vmem>> -> memref<128xf32, #tpu.memory_space<vmem>>
        %dma_start3A_136 = tpu.memref_slice %arg12[%add3A_39] : memref<10112xf32, #tpu.memory_space<vmem_shared>> -> memref<128xf32, #tpu.memory_space<vmem_shared>>
        %dma_start3A_137 = tpu.memref_slice %arg12[%add3A_39] : memref<10112xf32, #tpu.memory_space<vmem_shared>> -> memref<128xf32, #tpu.memory_space<vmem_shared>>
        %dma_start3A_138 = arith.constant 0 : i32
        %dma_start3A_139 = tpu.memref_slice %arg15[%run_scoped3A, %dma_start3A_138] : memref<128x128xf32, #tpu.memory_space<vmem>> -> memref<1x128xf32, #tpu.memory_space<vmem>>
        %dma_start3A_140 = tpu.memref_squeeze %dma_start3A_139 : memref<1x128xf32, #tpu.memory_space<vmem>> -> memref<128xf32, #tpu.memory_space<vmem>>
        tpu.enqueue_dma source(%dma_start3A_140 : memref<128xf32, #tpu.memory_space<vmem>>) target(%dma_start3A_137 : memref<128xf32, #tpu.memory_space<vmem_shared>>) target_semaphore(%run_scoped3A_132 : memref<!tpu.dma_semaphore, #tpu.memory_space<semaphore_mem>>)
        %dma_wait3A = arith.constant 0 : i32
        %dma_wait3A_141 = tpu.memref_slice %arg15[%run_scoped3A, %dma_wait3A] : memref<128x128xf32, #tpu.memory_space<vmem>> -> memref<1x128xf32, #tpu.memory_space<vmem>>
        %dma_wait3A_142 = tpu.memref_squeeze %dma_wait3A_141 : memref<1x128xf32, #tpu.memory_space<vmem>> -> memref<128xf32, #tpu.memory_space<vmem>>
        %dma_wait3A_143 = tpu.memref_slice %arg12[%add3A_39] : memref<10112xf32, #tpu.memory_space<vmem_shared>> -> memref<128xf32, #tpu.memory_space<vmem_shared>>
        %dma_wait3A_144 = tpu.memref_slice %arg12[%add3A_39] : memref<10112xf32, #tpu.memory_space<vmem_shared>> -> memref<128xf32, #tpu.memory_space<vmem_shared>>
        %dma_wait3A_145 = arith.constant 0 : i32
        %dma_wait3A_146 = tpu.memref_slice %arg15[%run_scoped3A, %dma_wait3A_145] : memref<128x128xf32, #tpu.memory_space<vmem>> -> memref<1x128xf32, #tpu.memory_space<vmem>>
        %dma_wait3A_147 = tpu.memref_squeeze %dma_wait3A_146 : memref<1x128xf32, #tpu.memory_space<vmem>> -> memref<128xf32, #tpu.memory_space<vmem>>
        tpu.wait_dma2 semaphore(%run_scoped3A_132 : memref<!tpu.dma_semaphore, #tpu.memory_space<semaphore_mem>>) src(%dma_wait3A_147 : memref<128xf32, #tpu.memory_space<vmem>>) dst(%dma_wait3A_144 : memref<128xf32, #tpu.memory_space<vmem_shared>>)
        tpu.yield
      }) : () -> ()
      %mul3A_40 = arith.constant 632 : i32
      %mul3A_41 = arith.muli %arg1, %mul3A_40 : i32
      %add3A_42 = arith.constant 128 : i32
      %add3A_43 = arith.addi %mul3A_41, %add3A_42 : i32
      %run_scoped3A_44 = arith.constant 0 : i32
      "tpu.region"() ({
        %run_scoped3A_132 = tpu.sem_alloc : memref<!tpu.dma_semaphore, #tpu.memory_space<semaphore_mem>>
        %dma_start3A_133 = arith.constant 0 : i32
        %dma_start3A_134 = tpu.memref_slice %arg15[%run_scoped3A_44, %dma_start3A_133] : memref<128x128xf32, #tpu.memory_space<vmem>> -> memref<1x128xf32, #tpu.memory_space<vmem>>
        %dma_start3A_135 = tpu.memref_squeeze %dma_start3A_134 : memref<1x128xf32, #tpu.memory_space<vmem>> -> memref<128xf32, #tpu.memory_space<vmem>>
        %dma_start3A_136 = tpu.memref_slice %arg12[%add3A_43] : memref<10112xf32, #tpu.memory_space<vmem_shared>> -> memref<128xf32, #tpu.memory_space<vmem_shared>>
        %dma_start3A_137 = tpu.memref_slice %arg12[%add3A_43] : memref<10112xf32, #tpu.memory_space<vmem_shared>> -> memref<128xf32, #tpu.memory_space<vmem_shared>>
        %dma_start3A_138 = arith.constant 0 : i32
        %dma_start3A_139 = tpu.memref_slice %arg15[%run_scoped3A_44, %dma_start3A_138] : memref<128x128xf32, #tpu.memory_space<vmem>> -> memref<1x128xf32, #tpu.memory_space<vmem>>
        %dma_start3A_140 = tpu.memref_squeeze %dma_start3A_139 : memref<1x128xf32, #tpu.memory_space<vmem>> -> memref<128xf32, #tpu.memory_space<vmem>>
        tpu.enqueue_dma source(%dma_start3A_140 : memref<128xf32, #tpu.memory_space<vmem>>) target(%dma_start3A_137 : memref<128xf32, #tpu.memory_space<vmem_shared>>) target_semaphore(%run_scoped3A_132 : memref<!tpu.dma_semaphore, #tpu.memory_space<semaphore_mem>>)
        %dma_wait3A = arith.constant 0 : i32
        %dma_wait3A_141 = tpu.memref_slice %arg15[%run_scoped3A_44, %dma_wait3A] : memref<128x128xf32, #tpu.memory_space<vmem>> -> memref<1x128xf32, #tpu.memory_space<vmem>>
        %dma_wait3A_142 = tpu.memref_squeeze %dma_wait3A_141 : memref<1x128xf32, #tpu.memory_space<vmem>> -> memref<128xf32, #tpu.memory_space<vmem>>
        %dma_wait3A_143 = tpu.memref_slice %arg12[%add3A_43] : memref<10112xf32, #tpu.memory_space<vmem_shared>> -> memref<128xf32, #tpu.memory_space<vmem_shared>>
        %dma_wait3A_144 = tpu.memref_slice %arg12[%add3A_43] : memref<10112xf32, #tpu.memory_space<vmem_shared>> -> memref<128xf32, #tpu.memory_space<vmem_shared>>
        %dma_wait3A_145 = arith.constant 0 : i32
        %dma_wait3A_146 = tpu.memref_slice %arg15[%run_scoped3A_44, %dma_wait3A_145] : memref<128x128xf32, #tpu.memory_space<vmem>> -> memref<1x128xf32, #tpu.memory_space<vmem>>
        %dma_wait3A_147 = tpu.memref_squeeze %dma_wait3A_146 : memref<1x128xf32, #tpu.memory_space<vmem>> -> memref<128xf32, #tpu.memory_space<vmem>>
        tpu.wait_dma2 semaphore(%run_scoped3A_132 : memref<!tpu.dma_semaphore, #tpu.memory_space<semaphore_mem>>) src(%dma_wait3A_147 : memref<128xf32, #tpu.memory_space<vmem>>) dst(%dma_wait3A_144 : memref<128xf32, #tpu.memory_space<vmem_shared>>)
        tpu.yield
      }) : () -> ()
      %mul3A_45 = arith.constant 632 : i32
      %mul3A_46 = arith.muli %arg1, %mul3A_45 : i32
      %add3A_47 = arith.constant 256 : i32
      %add3A_48 = arith.addi %mul3A_46, %add3A_47 : i32
      %run_scoped3A_49 = arith.constant 0 : i32
      "tpu.region"() ({
        %run_scoped3A_132 = tpu.sem_alloc : memref<!tpu.dma_semaphore, #tpu.memory_space<semaphore_mem>>
        %dma_start3A_133 = arith.constant 0 : i32
        %dma_start3A_134 = tpu.memref_slice %arg15[%run_scoped3A_49, %dma_start3A_133] : memref<128x128xf32, #tpu.memory_space<vmem>> -> memref<1x128xf32, #tpu.memory_space<vmem>>
        %dma_start3A_135 = tpu.memref_squeeze %dma_start3A_134 : memref<1x128xf32, #tpu.memory_space<vmem>> -> memref<128xf32, #tpu.memory_space<vmem>>
        %dma_start3A_136 = tpu.memref_slice %arg12[%add3A_48] : memref<10112xf32, #tpu.memory_space<vmem_shared>> -> memref<128xf32, #tpu.memory_space<vmem_shared>>
        %dma_start3A_137 = tpu.memref_slice %arg12[%add3A_48] : memref<10112xf32, #tpu.memory_space<vmem_shared>> -> memref<128xf32, #tpu.memory_space<vmem_shared>>
        %dma_start3A_138 = arith.constant 0 : i32
        %dma_start3A_139 = tpu.memref_slice %arg15[%run_scoped3A_49, %dma_start3A_138] : memref<128x128xf32, #tpu.memory_space<vmem>> -> memref<1x128xf32, #tpu.memory_space<vmem>>
        %dma_start3A_140 = tpu.memref_squeeze %dma_start3A_139 : memref<1x128xf32, #tpu.memory_space<vmem>> -> memref<128xf32, #tpu.memory_space<vmem>>
        tpu.enqueue_dma source(%dma_start3A_140 : memref<128xf32, #tpu.memory_space<vmem>>) target(%dma_start3A_137 : memref<128xf32, #tpu.memory_space<vmem_shared>>) target_semaphore(%run_scoped3A_132 : memref<!tpu.dma_semaphore, #tpu.memory_space<semaphore_mem>>)
        %dma_wait3A = arith.constant 0 : i32
        %dma_wait3A_141 = tpu.memref_slice %arg15[%run_scoped3A_49, %dma_wait3A] : memref<128x128xf32, #tpu.memory_space<vmem>> -> memref<1x128xf32, #tpu.memory_space<vmem>>
        %dma_wait3A_142 = tpu.memref_squeeze %dma_wait3A_141 : memref<1x128xf32, #tpu.memory_space<vmem>> -> memref<128xf32, #tpu.memory_space<vmem>>
        %dma_wait3A_143 = tpu.memref_slice %arg12[%add3A_48] : memref<10112xf32, #tpu.memory_space<vmem_shared>> -> memref<128xf32, #tpu.memory_space<vmem_shared>>
        %dma_wait3A_144 = tpu.memref_slice %arg12[%add3A_48] : memref<10112xf32, #tpu.memory_space<vmem_shared>> -> memref<128xf32, #tpu.memory_space<vmem_shared>>
        %dma_wait3A_145 = arith.constant 0 : i32
        %dma_wait3A_146 = tpu.memref_slice %arg15[%run_scoped3A_49, %dma_wait3A_145] : memref<128x128xf32, #tpu.memory_space<vmem>> -> memref<1x128xf32, #tpu.memory_space<vmem>>
        %dma_wait3A_147 = tpu.memref_squeeze %dma_wait3A_146 : memref<1x128xf32, #tpu.memory_space<vmem>> -> memref<128xf32, #tpu.memory_space<vmem>>
        tpu.wait_dma2 semaphore(%run_scoped3A_132 : memref<!tpu.dma_semaphore, #tpu.memory_space<semaphore_mem>>) src(%dma_wait3A_147 : memref<128xf32, #tpu.memory_space<vmem>>) dst(%dma_wait3A_144 : memref<128xf32, #tpu.memory_space<vmem_shared>>)
        tpu.yield
      }) : () -> ()
      %mul3A_50 = arith.constant 632 : i32
      %mul3A_51 = arith.muli %arg1, %mul3A_50 : i32
      %add3A_52 = arith.constant 384 : i32
      %add3A_53 = arith.addi %mul3A_51, %add3A_52 : i32
      %run_scoped3A_54 = arith.constant 0 : i32
      "tpu.region"() ({
        %run_scoped3A_132 = tpu.sem_alloc : memref<!tpu.dma_semaphore, #tpu.memory_space<semaphore_mem>>
        %dma_start3A_133 = arith.constant 0 : i32
        %dma_start3A_134 = tpu.memref_slice %arg15[%run_scoped3A_54, %dma_start3A_133] : memref<128x128xf32, #tpu.memory_space<vmem>> -> memref<1x128xf32, #tpu.memory_space<vmem>>
        %dma_start3A_135 = tpu.memref_squeeze %dma_start3A_134 : memref<1x128xf32, #tpu.memory_space<vmem>> -> memref<128xf32, #tpu.memory_space<vmem>>
        %dma_start3A_136 = tpu.memref_slice %arg12[%add3A_53] : memref<10112xf32, #tpu.memory_space<vmem_shared>> -> memref<128xf32, #tpu.memory_space<vmem_shared>>
        %dma_start3A_137 = tpu.memref_slice %arg12[%add3A_53] : memref<10112xf32, #tpu.memory_space<vmem_shared>> -> memref<128xf32, #tpu.memory_space<vmem_shared>>
        %dma_start3A_138 = arith.constant 0 : i32
        %dma_start3A_139 = tpu.memref_slice %arg15[%run_scoped3A_54, %dma_start3A_138] : memref<128x128xf32, #tpu.memory_space<vmem>> -> memref<1x128xf32, #tpu.memory_space<vmem>>
        %dma_start3A_140 = tpu.memref_squeeze %dma_start3A_139 : memref<1x128xf32, #tpu.memory_space<vmem>> -> memref<128xf32, #tpu.memory_space<vmem>>
        tpu.enqueue_dma source(%dma_start3A_140 : memref<128xf32, #tpu.memory_space<vmem>>) target(%dma_start3A_137 : memref<128xf32, #tpu.memory_space<vmem_shared>>) target_semaphore(%run_scoped3A_132 : memref<!tpu.dma_semaphore, #tpu.memory_space<semaphore_mem>>)
        %dma_wait3A = arith.constant 0 : i32
        %dma_wait3A_141 = tpu.memref_slice %arg15[%run_scoped3A_54, %dma_wait3A] : memref<128x128xf32, #tpu.memory_space<vmem>> -> memref<1x128xf32, #tpu.memory_space<vmem>>
        %dma_wait3A_142 = tpu.memref_squeeze %dma_wait3A_141 : memref<1x128xf32, #tpu.memory_space<vmem>> -> memref<128xf32, #tpu.memory_space<vmem>>
        %dma_wait3A_143 = tpu.memref_slice %arg12[%add3A_53] : memref<10112xf32, #tpu.memory_space<vmem_shared>> -> memref<128xf32, #tpu.memory_space<vmem_shared>>
        %dma_wait3A_144 = tpu.memref_slice %arg12[%add3A_53] : memref<10112xf32, #tpu.memory_space<vmem_shared>> -> memref<128xf32, #tpu.memory_space<vmem_shared>>
        %dma_wait3A_145 = arith.constant 0 : i32
        %dma_wait3A_146 = tpu.memref_slice %arg15[%run_scoped3A_54, %dma_wait3A_145] : memref<128x128xf32, #tpu.memory_space<vmem>> -> memref<1x128xf32, #tpu.memory_space<vmem>>
        %dma_wait3A_147 = tpu.memref_squeeze %dma_wait3A_146 : memref<1x128xf32, #tpu.memory_space<vmem>> -> memref<128xf32, #tpu.memory_space<vmem>>
        tpu.wait_dma2 semaphore(%run_scoped3A_132 : memref<!tpu.dma_semaphore, #tpu.memory_space<semaphore_mem>>) src(%dma_wait3A_147 : memref<128xf32, #tpu.memory_space<vmem>>) dst(%dma_wait3A_144 : memref<128xf32, #tpu.memory_space<vmem_shared>>)
        tpu.yield
      }) : () -> ()
      %mul3A_55 = arith.constant 632 : i32
      %mul3A_56 = arith.muli %arg1, %mul3A_55 : i32
      %add3A_57 = arith.constant 512 : i32
      %add3A_58 = arith.addi %mul3A_56, %add3A_57 : i32
      %run_scoped3A_59 = arith.constant 0 : i32
      "tpu.region"() ({
        %run_scoped3A_132 = tpu.sem_alloc : memref<!tpu.dma_semaphore, #tpu.memory_space<semaphore_mem>>
        %dma_start3A_133 = arith.constant 0 : i32
        %dma_start3A_134 = tpu.memref_slice %arg15[%run_scoped3A_59, %dma_start3A_133] : memref<128x128xf32, #tpu.memory_space<vmem>> -> memref<1x120xf32, #tpu.memory_space<vmem>>
        %dma_start3A_135 = tpu.memref_squeeze %dma_start3A_134 : memref<1x120xf32, #tpu.memory_space<vmem>> -> memref<120xf32, #tpu.memory_space<vmem>>
        %dma_start3A_136 = tpu.memref_slice %arg12[%add3A_58] : memref<10112xf32, #tpu.memory_space<vmem_shared>> -> memref<120xf32, #tpu.memory_space<vmem_shared>>
        %dma_start3A_137 = tpu.memref_slice %arg12[%add3A_58] : memref<10112xf32, #tpu.memory_space<vmem_shared>> -> memref<120xf32, #tpu.memory_space<vmem_shared>>
        %dma_start3A_138 = arith.constant 0 : i32
        %dma_start3A_139 = tpu.memref_slice %arg15[%run_scoped3A_59, %dma_start3A_138] : memref<128x128xf32, #tpu.memory_space<vmem>> -> memref<1x120xf32, #tpu.memory_space<vmem>>
        %dma_start3A_140 = tpu.memref_squeeze %dma_start3A_139 : memref<1x120xf32, #tpu.memory_space<vmem>> -> memref<120xf32, #tpu.memory_space<vmem>>
        tpu.enqueue_dma source(%dma_start3A_140 : memref<120xf32, #tpu.memory_space<vmem>>) target(%dma_start3A_137 : memref<120xf32, #tpu.memory_space<vmem_shared>>) target_semaphore(%run_scoped3A_132 : memref<!tpu.dma_semaphore, #tpu.memory_space<semaphore_mem>>)
        %dma_wait3A = arith.constant 0 : i32
        %dma_wait3A_141 = tpu.memref_slice %arg15[%run_scoped3A_59, %dma_wait3A] : memref<128x128xf32, #tpu.memory_space<vmem>> -> memref<1x120xf32, #tpu.memory_space<vmem>>
        %dma_wait3A_142 = tpu.memref_squeeze %dma_wait3A_141 : memref<1x120xf32, #tpu.memory_space<vmem>> -> memref<120xf32, #tpu.memory_space<vmem>>
        %dma_wait3A_143 = tpu.memref_slice %arg12[%add3A_58] : memref<10112xf32, #tpu.memory_space<vmem_shared>> -> memref<120xf32, #tpu.memory_space<vmem_shared>>
        %dma_wait3A_144 = tpu.memref_slice %arg12[%add3A_58] : memref<10112xf32, #tpu.memory_space<vmem_shared>> -> memref<120xf32, #tpu.memory_space<vmem_shared>>
        %dma_wait3A_145 = arith.constant 0 : i32
        %dma_wait3A_146 = tpu.memref_slice %arg15[%run_scoped3A_59, %dma_wait3A_145] : memref<128x128xf32, #tpu.memory_space<vmem>> -> memref<1x120xf32, #tpu.memory_space<vmem>>
        %dma_wait3A_147 = tpu.memref_squeeze %dma_wait3A_146 : memref<1x120xf32, #tpu.memory_space<vmem>> -> memref<120xf32, #tpu.memory_space<vmem>>
        tpu.wait_dma2 semaphore(%run_scoped3A_132 : memref<!tpu.dma_semaphore, #tpu.memory_space<semaphore_mem>>) src(%dma_wait3A_147 : memref<120xf32, #tpu.memory_space<vmem>>) dst(%dma_wait3A_144 : memref<120xf32, #tpu.memory_space<vmem_shared>>)
        tpu.yield
      }) : () -> ()
      %barrier3A = arith.constant 0 : index
      tpu.barrier barrier_id(%barrier3A)
      "tpu.region"() ({
        %run_scoped3A_132 = tpu.sem_alloc : memref<!tpu.dma_semaphore, #tpu.memory_space<semaphore_mem>>
        %dma_start3A_133 = arith.constant 0 : i32
        %dma_start3A_134 = arith.constant 0 : i32
        %dma_start3A_135 = tpu.memref_slice %arg13[%dma_start3A_133, %dma_start3A_134] : memref<56x128xi32, #tpu.memory_space<vmem>> -> memref<56x128xi32, #tpu.memory_space<vmem>>
        %dma_start3A_136 = arith.constant 0 : i32
        %dma_start3A_137 = tpu.memref_slice %arg2[%mul3A_4, %dma_start3A_136] : memref<2560x128xi32, #tpu.memory_space<hbm>> -> memref<56x128xi32, #tpu.memory_space<hbm>>
        %dma_start3A_138 = arith.constant 0 : i32
        %dma_start3A_139 = arith.constant 0 : i32
        %dma_start3A_140 = tpu.memref_slice %arg13[%dma_start3A_138, %dma_start3A_139] : memref<56x128xi32, #tpu.memory_space<vmem>> -> memref<56x128xi32, #tpu.memory_space<vmem>>
        %dma_start3A_141 = arith.constant 0 : i32
        %dma_start3A_142 = tpu.memref_slice %arg2[%mul3A_4, %dma_start3A_141] : memref<2560x128xi32, #tpu.memory_space<hbm>> -> memref<56x128xi32, #tpu.memory_space<hbm>>
        tpu.enqueue_dma source(%dma_start3A_142 : memref<56x128xi32, #tpu.memory_space<hbm>>) target(%dma_start3A_140 : memref<56x128xi32, #tpu.memory_space<vmem>>) target_semaphore(%run_scoped3A_132 : memref<!tpu.dma_semaphore, #tpu.memory_space<semaphore_mem>>)
        %dma_wait3A = arith.constant 0 : i32
        %dma_wait3A_143 = arith.constant 0 : i32
        %dma_wait3A_144 = tpu.memref_slice %arg13[%dma_wait3A, %dma_wait3A_143] : memref<56x128xi32, #tpu.memory_space<vmem>> -> memref<56x128xi32, #tpu.memory_space<vmem>>
        %dma_wait3A_145 = arith.constant 0 : i32
        %dma_wait3A_146 = tpu.memref_slice %arg2[%mul3A_4, %dma_wait3A_145] : memref<2560x128xi32, #tpu.memory_space<hbm>> -> memref<56x128xi32, #tpu.memory_space<hbm>>
        %dma_wait3A_147 = arith.constant 0 : i32
        %dma_wait3A_148 = arith.constant 0 : i32
        %dma_wait3A_149 = tpu.memref_slice %arg13[%dma_wait3A_147, %dma_wait3A_148] : memref<56x128xi32, #tpu.memory_space<vmem>> -> memref<56x128xi32, #tpu.memory_space<vmem>>
        %dma_wait3A_150 = arith.constant 0 : i32
        %dma_wait3A_151 = tpu.memref_slice %arg2[%mul3A_4, %dma_wait3A_150] : memref<2560x128xi32, #tpu.memory_space<hbm>> -> memref<56x128xi32, #tpu.memory_space<hbm>>
        tpu.wait_dma2 semaphore(%run_scoped3A_132 : memref<!tpu.dma_semaphore, #tpu.memory_space<semaphore_mem>>) src(%dma_wait3A_151 : memref<56x128xi32, #tpu.memory_space<hbm>>) dst(%dma_wait3A_149 : memref<56x128xi32, #tpu.memory_space<vmem>>)
        tpu.yield
      }) : () -> ()
      "tpu.region"() ({
        %run_scoped3A_132 = tpu.sem_alloc : memref<!tpu.dma_semaphore, #tpu.memory_space<semaphore_mem>>
        %dma_start3A_133 = arith.constant 0 : i32
        %dma_start3A_134 = arith.constant 0 : i32
        %dma_start3A_135 = tpu.memref_slice %arg14[%dma_start3A_133, %dma_start3A_134] : memref<56x128xi32, #tpu.memory_space<vmem>> -> memref<56x128xi32, #tpu.memory_space<vmem>>
        %dma_start3A_136 = arith.constant 0 : i32
        %dma_start3A_137 = tpu.memref_slice %arg3[%mul3A_4, %dma_start3A_136] : memref<2560x128xi32, #tpu.memory_space<hbm>> -> memref<56x128xi32, #tpu.memory_space<hbm>>
        %dma_start3A_138 = arith.constant 0 : i32
        %dma_start3A_139 = arith.constant 0 : i32
        %dma_start3A_140 = tpu.memref_slice %arg14[%dma_start3A_138, %dma_start3A_139] : memref<56x128xi32, #tpu.memory_space<vmem>> -> memref<56x128xi32, #tpu.memory_space<vmem>>
        %dma_start3A_141 = arith.constant 0 : i32
        %dma_start3A_142 = tpu.memref_slice %arg3[%mul3A_4, %dma_start3A_141] : memref<2560x128xi32, #tpu.memory_space<hbm>> -> memref<56x128xi32, #tpu.memory_space<hbm>>
        tpu.enqueue_dma source(%dma_start3A_142 : memref<56x128xi32, #tpu.memory_space<hbm>>) target(%dma_start3A_140 : memref<56x128xi32, #tpu.memory_space<vmem>>) target_semaphore(%run_scoped3A_132 : memref<!tpu.dma_semaphore, #tpu.memory_space<semaphore_mem>>)
        %dma_wait3A = arith.constant 0 : i32
        %dma_wait3A_143 = arith.constant 0 : i32
        %dma_wait3A_144 = tpu.memref_slice %arg14[%dma_wait3A, %dma_wait3A_143] : memref<56x128xi32, #tpu.memory_space<vmem>> -> memref<56x128xi32, #tpu.memory_space<vmem>>
        %dma_wait3A_145 = arith.constant 0 : i32
        %dma_wait3A_146 = tpu.memref_slice %arg3[%mul3A_4, %dma_wait3A_145] : memref<2560x128xi32, #tpu.memory_space<hbm>> -> memref<56x128xi32, #tpu.memory_space<hbm>>
        %dma_wait3A_147 = arith.constant 0 : i32
        %dma_wait3A_148 = arith.constant 0 : i32
        %dma_wait3A_149 = tpu.memref_slice %arg14[%dma_wait3A_147, %dma_wait3A_148] : memref<56x128xi32, #tpu.memory_space<vmem>> -> memref<56x128xi32, #tpu.memory_space<vmem>>
        %dma_wait3A_150 = arith.constant 0 : i32
        %dma_wait3A_151 = tpu.memref_slice %arg3[%mul3A_4, %dma_wait3A_150] : memref<2560x128xi32, #tpu.memory_space<hbm>> -> memref<56x128xi32, #tpu.memory_space<hbm>>
        tpu.wait_dma2 semaphore(%run_scoped3A_132 : memref<!tpu.dma_semaphore, #tpu.memory_space<semaphore_mem>>) src(%dma_wait3A_151 : memref<56x128xi32, #tpu.memory_space<hbm>>) dst(%dma_wait3A_149 : memref<56x128xi32, #tpu.memory_space<vmem>>)
        tpu.yield
      }) : () -> ()
      %dma_start3A = arith.constant 0 : i32
      %dma_start3A_60 = arith.constant 0 : i32
      %dma_start3A_61 = tpu.memref_slice %arg13[%dma_start3A, %dma_start3A_60] : memref<56x128xi32, #tpu.memory_space<vmem>> -> memref<1x128xi32, #tpu.memory_space<vmem>>
      %dma_start3A_62 = tpu.memref_squeeze %dma_start3A_61 : memref<1x128xi32, #tpu.memory_space<vmem>> -> memref<128xi32, #tpu.memory_space<vmem>>
      %dma_start3A_63 = arith.constant 0 : i32
      %dma_start3A_64 = arith.constant 0 : i32
      %dma_start3A_65 = tpu.memref_slice %arg6[%dma_start3A_63, %dma_start3A_64] : memref<10000x128xf32, #tpu.memory_space<hbm>> -> memref<10000x128xf32, #tpu.memory_space<hbm>>
      tpu.enqueue_indirect_dma source(%dma_start3A_65 : memref<10000x128xf32, #tpu.memory_space<hbm>>) target(%arg15 : memref<128x128xf32, #tpu.memory_space<vmem>>) offsets(%dma_start3A_62 : memref<128xi32, #tpu.memory_space<vmem>>) semaphore(%arg19 : memref<!tpu.dma_semaphore, #tpu.memory_space<semaphore_mem>>)
      %dma_start3A_66 = arith.constant 1 : i32
      %dma_start3A_67 = arith.constant 0 : i32
      %dma_start3A_68 = tpu.memref_slice %arg13[%dma_start3A_66, %dma_start3A_67] : memref<56x128xi32, #tpu.memory_space<vmem>> -> memref<1x128xi32, #tpu.memory_space<vmem>>
      %dma_start3A_69 = tpu.memref_squeeze %dma_start3A_68 : memref<1x128xi32, #tpu.memory_space<vmem>> -> memref<128xi32, #tpu.memory_space<vmem>>
      %dma_start3A_70 = arith.constant 0 : i32
      %dma_start3A_71 = arith.constant 0 : i32
      %dma_start3A_72 = tpu.memref_slice %arg6[%dma_start3A_70, %dma_start3A_71] : memref<10000x128xf32, #tpu.memory_space<hbm>> -> memref<10000x128xf32, #tpu.memory_space<hbm>>
      tpu.enqueue_indirect_dma source(%dma_start3A_72 : memref<10000x128xf32, #tpu.memory_space<hbm>>) target(%arg16 : memref<128x128xf32, #tpu.memory_space<vmem>>) offsets(%dma_start3A_69 : memref<128xi32, #tpu.memory_space<vmem>>) semaphore(%arg20 : memref<!tpu.dma_semaphore, #tpu.memory_space<semaphore_mem>>)
      %add3A_73 = arith.constant 56 : i32
      %add3A_74 = arith.addi %mul3A_4, %add3A_73 : i32
      %scan3A_75 = arith.constant 0 : i32
      %scan3A_76 = arith.constant 28 : i32
      %scan3A_77 = arith.addi %scan3A_75, %scan3A_76 : i32
      %scan3A_78 = arith.constant 1 : i32
      scf.for %scan3A_132 = %scan3A_75 to %scan3A_77 step %scan3A_78  : i32 {
        %mul3A_133 = arith.constant 1 : i32
        %mul3A_134 = arith.muli %scan3A_132, %mul3A_133 : i32
        %add3A_135 = arith.constant 0 : i32
        %add3A_136 = arith.addi %add3A_135, %mul3A_134 : i32
        %mul3A_137 = arith.constant 2 : i32
        %mul3A_138 = arith.muli %mul3A_137, %add3A_136 : i32
        %add3A_139 = arith.constant 0 : i32
        %add3A_140 = arith.addi %mul3A_138, %add3A_139 : i32
        %dma_wait3A = arith.constant 0 : i32
        %dma_wait3A_141 = arith.constant 0 : i32
        %dma_wait3A_142 = tpu.memref_slice %arg13[%dma_wait3A, %dma_wait3A_141] : memref<56x128xi32, #tpu.memory_space<vmem>> -> memref<1x128xi32, #tpu.memory_space<vmem>>
        %dma_wait3A_143 = tpu.memref_squeeze %dma_wait3A_142 : memref<1x128xi32, #tpu.memory_space<vmem>> -> memref<128xi32, #tpu.memory_space<vmem>>
        %dma_wait3A_144 = arith.constant 0 : i32
        %dma_wait3A_145 = arith.constant 0 : i32
        %dma_wait3A_146 = tpu.memref_slice %arg6[%dma_wait3A_144, %dma_wait3A_145] : memref<10000x128xf32, #tpu.memory_space<hbm>> -> memref<10000x128xf32, #tpu.memory_space<hbm>>
        tpu.wait_indirect_dma semaphore(%arg19 : memref<!tpu.dma_semaphore, #tpu.memory_space<semaphore_mem>>) src(%dma_wait3A_146 : memref<10000x128xf32, #tpu.memory_space<hbm>>) dst(%arg15 : memref<128x128xf32, #tpu.memory_space<vmem>>)
        "tpu.region"() ({
          %run_scoped3A_171 = tpu.sem_alloc : memref<!tpu.dma_semaphore, #tpu.memory_space<semaphore_mem>>
          %dma_start3A_172 = arith.constant 0 : i32
          %dma_start3A_173 = tpu.memref_slice %arg14[%add3A_140, %dma_start3A_172] : memref<56x128xi32, #tpu.memory_space<vmem>> -> memref<1x128xi32, #tpu.memory_space<vmem>>
          %dma_start3A_174 = tpu.memref_squeeze %dma_start3A_173 : memref<1x128xi32, #tpu.memory_space<vmem>> -> memref<128xi32, #tpu.memory_space<vmem>>
          %dma_start3A_175 = arith.constant 0 : i32
          %dma_start3A_176 = arith.constant 0 : i32
          %dma_start3A_177 = tpu.memref_slice %arg11[%dma_start3A_175, %dma_start3A_176] : memref<10112x128xf32, #tpu.memory_space<vmem_shared>> -> memref<10112x128xf32, #tpu.memory_space<vmem_shared>>
          tpu.enqueue_indirect_dma source(%arg15 : memref<128x128xf32, #tpu.memory_space<vmem>>) target(%dma_start3A_177 : memref<10112x128xf32, #tpu.memory_space<vmem_shared>>) offsets(%dma_start3A_174 : memref<128xi32, #tpu.memory_space<vmem>>) semaphore(%run_scoped3A_171 : memref<!tpu.dma_semaphore, #tpu.memory_space<semaphore_mem>>) {add = true}
          %dma_wait3A_178 = arith.constant 0 : i32
          %dma_wait3A_179 = tpu.memref_slice %arg14[%add3A_140, %dma_wait3A_178] : memref<56x128xi32, #tpu.memory_space<vmem>> -> memref<1x128xi32, #tpu.memory_space<vmem>>
          %dma_wait3A_180 = tpu.memref_squeeze %dma_wait3A_179 : memref<1x128xi32, #tpu.memory_space<vmem>> -> memref<128xi32, #tpu.memory_space<vmem>>
          %dma_wait3A_181 = arith.constant 0 : i32
          %dma_wait3A_182 = arith.constant 0 : i32
          %dma_wait3A_183 = tpu.memref_slice %arg11[%dma_wait3A_181, %dma_wait3A_182] : memref<10112x128xf32, #tpu.memory_space<vmem_shared>> -> memref<10112x128xf32, #tpu.memory_space<vmem_shared>>
          tpu.wait_indirect_dma semaphore(%run_scoped3A_171 : memref<!tpu.dma_semaphore, #tpu.memory_space<semaphore_mem>>) src(%arg15 : memref<128x128xf32, #tpu.memory_space<vmem>>) dst(%dma_wait3A_183 : memref<10112x128xf32, #tpu.memory_space<vmem_shared>>)
          tpu.yield
        }) : () -> ()
        "tpu.region"() ({
          %run_scoped3A_171 = tpu.sem_alloc : memref<!tpu.dma_semaphore, #tpu.memory_space<semaphore_mem>>
          %dma_start3A_172 = arith.constant 0 : i32
          %dma_start3A_173 = tpu.memref_slice %arg14[%add3A_140, %dma_start3A_172] : memref<56x128xi32, #tpu.memory_space<vmem>> -> memref<1x128xi32, #tpu.memory_space<vmem>>
          %dma_start3A_174 = tpu.memref_squeeze %dma_start3A_173 : memref<1x128xi32, #tpu.memory_space<vmem>> -> memref<128xi32, #tpu.memory_space<vmem>>
          %dma_start3A_175 = arith.constant 0 : i32
          %dma_start3A_176 = tpu.memref_slice %arg12[%dma_start3A_175] : memref<10112xf32, #tpu.memory_space<vmem_shared>> -> memref<10112xf32, #tpu.memory_space<vmem_shared>>
          tpu.enqueue_indirect_dma source(%arg17 : memref<128xf32, #tpu.memory_space<vmem>>) target(%dma_start3A_176 : memref<10112xf32, #tpu.memory_space<vmem_shared>>) offsets(%dma_start3A_174 : memref<128xi32, #tpu.memory_space<vmem>>) semaphore(%run_scoped3A_171 : memref<!tpu.dma_semaphore, #tpu.memory_space<semaphore_mem>>) {add = true}
          %dma_wait3A_177 = arith.constant 0 : i32
          %dma_wait3A_178 = tpu.memref_slice %arg14[%add3A_140, %dma_wait3A_177] : memref<56x128xi32, #tpu.memory_space<vmem>> -> memref<1x128xi32, #tpu.memory_space<vmem>>
          %dma_wait3A_179 = tpu.memref_squeeze %dma_wait3A_178 : memref<1x128xi32, #tpu.memory_space<vmem>> -> memref<128xi32, #tpu.memory_space<vmem>>
          %dma_wait3A_180 = arith.constant 0 : i32
          %dma_wait3A_181 = tpu.memref_slice %arg12[%dma_wait3A_180] : memref<10112xf32, #tpu.memory_space<vmem_shared>> -> memref<10112xf32, #tpu.memory_space<vmem_shared>>
          tpu.wait_indirect_dma semaphore(%run_scoped3A_171 : memref<!tpu.dma_semaphore, #tpu.memory_space<semaphore_mem>>) src(%arg17 : memref<128xf32, #tpu.memory_space<vmem>>) dst(%dma_wait3A_181 : memref<10112xf32, #tpu.memory_space<vmem_shared>>)
          tpu.yield
        }) : () -> ()
        %add3A_147 = arith.constant 2 : i32
        %add3A_148 = arith.addi %add3A_140, %add3A_147 : i32
        %lt3A = arith.constant 56 : i32
        %lt3A_149 = arith.cmpi slt, %add3A_148, %lt3A : i32
        %convert_element_type3A_150 = arith.extui %lt3A_149 : i1 to i32
        %cond3A_151 = arith.constant 0 : i32
        %cond3A_152 = arith.cmpi ne, %convert_element_type3A_150, %cond3A_151 : i32
        scf.if %cond3A_152 {
          %add3A_171 = arith.constant 2 : i32
          %add3A_172 = arith.addi %add3A_140, %add3A_171 : i32
          %dma_start3A_173 = arith.constant 0 : i32
          %dma_start3A_174 = tpu.memref_slice %arg13[%add3A_172, %dma_start3A_173] : memref<56x128xi32, #tpu.memory_space<vmem>> -> memref<1x128xi32, #tpu.memory_space<vmem>>
          %dma_start3A_175 = tpu.memref_squeeze %dma_start3A_174 : memref<1x128xi32, #tpu.memory_space<vmem>> -> memref<128xi32, #tpu.memory_space<vmem>>
          %dma_start3A_176 = arith.constant 0 : i32
          %dma_start3A_177 = arith.constant 0 : i32
          %dma_start3A_178 = tpu.memref_slice %arg6[%dma_start3A_176, %dma_start3A_177] : memref<10000x128xf32, #tpu.memory_space<hbm>> -> memref<10000x128xf32, #tpu.memory_space<hbm>>
          tpu.enqueue_indirect_dma source(%dma_start3A_178 : memref<10000x128xf32, #tpu.memory_space<hbm>>) target(%arg15 : memref<128x128xf32, #tpu.memory_space<vmem>>) offsets(%dma_start3A_175 : memref<128xi32, #tpu.memory_space<vmem>>) semaphore(%arg19 : memref<!tpu.dma_semaphore, #tpu.memory_space<semaphore_mem>>)
        } else {
        }
        %mul3A_153 = arith.constant 2 : i32
        %mul3A_154 = arith.muli %mul3A_153, %add3A_136 : i32
        %add3A_155 = arith.constant 1 : i32
        %add3A_156 = arith.addi %mul3A_154, %add3A_155 : i32
        %dma_wait3A_157 = arith.constant 1 : i32
        %dma_wait3A_158 = arith.constant 0 : i32
        %dma_wait3A_159 = tpu.memref_slice %arg13[%dma_wait3A_157, %dma_wait3A_158] : memref<56x128xi32, #tpu.memory_space<vmem>> -> memref<1x128xi32, #tpu.memory_space<vmem>>
        %dma_wait3A_160 = tpu.memref_squeeze %dma_wait3A_159 : memref<1x128xi32, #tpu.memory_space<vmem>> -> memref<128xi32, #tpu.memory_space<vmem>>
        %dma_wait3A_161 = arith.constant 0 : i32
        %dma_wait3A_162 = arith.constant 0 : i32
        %dma_wait3A_163 = tpu.memref_slice %arg6[%dma_wait3A_161, %dma_wait3A_162] : memref<10000x128xf32, #tpu.memory_space<hbm>> -> memref<10000x128xf32, #tpu.memory_space<hbm>>
        tpu.wait_indirect_dma semaphore(%arg20 : memref<!tpu.dma_semaphore, #tpu.memory_space<semaphore_mem>>) src(%dma_wait3A_163 : memref<10000x128xf32, #tpu.memory_space<hbm>>) dst(%arg16 : memref<128x128xf32, #tpu.memory_space<vmem>>)
        "tpu.region"() ({
          %run_scoped3A_171 = tpu.sem_alloc : memref<!tpu.dma_semaphore, #tpu.memory_space<semaphore_mem>>
          %dma_start3A_172 = arith.constant 0 : i32
          %dma_start3A_173 = tpu.memref_slice %arg14[%add3A_156, %dma_start3A_172] : memref<56x128xi32, #tpu.memory_space<vmem>> -> memref<1x128xi32, #tpu.memory_space<vmem>>
          %dma_start3A_174 = tpu.memref_squeeze %dma_start3A_173 : memref<1x128xi32, #tpu.memory_space<vmem>> -> memref<128xi32, #tpu.memory_space<vmem>>
          %dma_start3A_175 = arith.constant 0 : i32
          %dma_start3A_176 = arith.constant 0 : i32
          %dma_start3A_177 = tpu.memref_slice %arg11[%dma_start3A_175, %dma_start3A_176] : memref<10112x128xf32, #tpu.memory_space<vmem_shared>> -> memref<10112x128xf32, #tpu.memory_space<vmem_shared>>
          tpu.enqueue_indirect_dma source(%arg16 : memref<128x128xf32, #tpu.memory_space<vmem>>) target(%dma_start3A_177 : memref<10112x128xf32, #tpu.memory_space<vmem_shared>>) offsets(%dma_start3A_174 : memref<128xi32, #tpu.memory_space<vmem>>) semaphore(%run_scoped3A_171 : memref<!tpu.dma_semaphore, #tpu.memory_space<semaphore_mem>>) {add = true}
          %dma_wait3A_178 = arith.constant 0 : i32
          %dma_wait3A_179 = tpu.memref_slice %arg14[%add3A_156, %dma_wait3A_178] : memref<56x128xi32, #tpu.memory_space<vmem>> -> memref<1x128xi32, #tpu.memory_space<vmem>>
          %dma_wait3A_180 = tpu.memref_squeeze %dma_wait3A_179 : memref<1x128xi32, #tpu.memory_space<vmem>> -> memref<128xi32, #tpu.memory_space<vmem>>
          %dma_wait3A_181 = arith.constant 0 : i32
          %dma_wait3A_182 = arith.constant 0 : i32
          %dma_wait3A_183 = tpu.memref_slice %arg11[%dma_wait3A_181, %dma_wait3A_182] : memref<10112x128xf32, #tpu.memory_space<vmem_shared>> -> memref<10112x128xf32, #tpu.memory_space<vmem_shared>>
          tpu.wait_indirect_dma semaphore(%run_scoped3A_171 : memref<!tpu.dma_semaphore, #tpu.memory_space<semaphore_mem>>) src(%arg16 : memref<128x128xf32, #tpu.memory_space<vmem>>) dst(%dma_wait3A_183 : memref<10112x128xf32, #tpu.memory_space<vmem_shared>>)
          tpu.yield
        }) : () -> ()
        "tpu.region"() ({
          %run_scoped3A_171 = tpu.sem_alloc : memref<!tpu.dma_semaphore, #tpu.memory_space<semaphore_mem>>
          %dma_start3A_172 = arith.constant 0 : i32
          %dma_start3A_173 = tpu.memref_slice %arg14[%add3A_156, %dma_start3A_172] : memref<56x128xi32, #tpu.memory_space<vmem>> -> memref<1x128xi32, #tpu.memory_space<vmem>>
          %dma_start3A_174 = tpu.memref_squeeze %dma_start3A_173 : memref<1x128xi32, #tpu.memory_space<vmem>> -> memref<128xi32, #tpu.memory_space<vmem>>
          %dma_start3A_175 = arith.constant 0 : i32
          %dma_start3A_176 = tpu.memref_slice %arg12[%dma_start3A_175] : memref<10112xf32, #tpu.memory_space<vmem_shared>> -> memref<10112xf32, #tpu.memory_space<vmem_shared>>
          tpu.enqueue_indirect_dma source(%arg17 : memref<128xf32, #tpu.memory_space<vmem>>) target(%dma_start3A_176 : memref<10112xf32, #tpu.memory_space<vmem_shared>>) offsets(%dma_start3A_174 : memref<128xi32, #tpu.memory_space<vmem>>) semaphore(%run_scoped3A_171 : memref<!tpu.dma_semaphore, #tpu.memory_space<semaphore_mem>>) {add = true}
          %dma_wait3A_177 = arith.constant 0 : i32
          %dma_wait3A_178 = tpu.memref_slice %arg14[%add3A_156, %dma_wait3A_177] : memref<56x128xi32, #tpu.memory_space<vmem>> -> memref<1x128xi32, #tpu.memory_space<vmem>>
          %dma_wait3A_179 = tpu.memref_squeeze %dma_wait3A_178 : memref<1x128xi32, #tpu.memory_space<vmem>> -> memref<128xi32, #tpu.memory_space<vmem>>
          %dma_wait3A_180 = arith.constant 0 : i32
          %dma_wait3A_181 = tpu.memref_slice %arg12[%dma_wait3A_180] : memref<10112xf32, #tpu.memory_space<vmem_shared>> -> memref<10112xf32, #tpu.memory_space<vmem_shared>>
          tpu.wait_indirect_dma semaphore(%run_scoped3A_171 : memref<!tpu.dma_semaphore, #tpu.memory_space<semaphore_mem>>) src(%arg17 : memref<128xf32, #tpu.memory_space<vmem>>) dst(%dma_wait3A_181 : memref<10112xf32, #tpu.memory_space<vmem_shared>>)
          tpu.yield
        }) : () -> ()
        %add3A_164 = arith.constant 2 : i32
        %add3A_165 = arith.addi %add3A_156, %add3A_164 : i32
        %lt3A_166 = arith.constant 56 : i32
        %lt3A_167 = arith.cmpi slt, %add3A_165, %lt3A_166 : i32
        %convert_element_type3A_168 = arith.extui %lt3A_167 : i1 to i32
        %cond3A_169 = arith.constant 0 : i32
        %cond3A_170 = arith.cmpi ne, %convert_element_type3A_168, %cond3A_169 : i32
        scf.if %cond3A_170 {
          %add3A_171 = arith.constant 2 : i32
          %add3A_172 = arith.addi %add3A_156, %add3A_171 : i32
          %dma_start3A_173 = arith.constant 0 : i32
          %dma_start3A_174 = tpu.memref_slice %arg13[%add3A_172, %dma_start3A_173] : memref<56x128xi32, #tpu.memory_space<vmem>> -> memref<1x128xi32, #tpu.memory_space<vmem>>
          %dma_start3A_175 = tpu.memref_squeeze %dma_start3A_174 : memref<1x128xi32, #tpu.memory_space<vmem>> -> memref<128xi32, #tpu.memory_space<vmem>>
          %dma_start3A_176 = arith.constant 0 : i32
          %dma_start3A_177 = arith.constant 0 : i32
          %dma_start3A_178 = tpu.memref_slice %arg6[%dma_start3A_176, %dma_start3A_177] : memref<10000x128xf32, #tpu.memory_space<hbm>> -> memref<10000x128xf32, #tpu.memory_space<hbm>>
          tpu.enqueue_indirect_dma source(%dma_start3A_178 : memref<10000x128xf32, #tpu.memory_space<hbm>>) target(%arg16 : memref<128x128xf32, #tpu.memory_space<vmem>>) offsets(%dma_start3A_175 : memref<128xi32, #tpu.memory_space<vmem>>) semaphore(%arg20 : memref<!tpu.dma_semaphore, #tpu.memory_space<semaphore_mem>>)
        } else {
        }
      }
      %scan3A_79 = arith.constant 28 : i32
      "tpu.region"() ({
        %run_scoped3A_132 = tpu.sem_alloc : memref<!tpu.dma_semaphore, #tpu.memory_space<semaphore_mem>>
        %dma_start3A_133 = arith.constant 0 : i32
        %dma_start3A_134 = arith.constant 0 : i32
        %dma_start3A_135 = tpu.memref_slice %arg13[%dma_start3A_133, %dma_start3A_134] : memref<56x128xi32, #tpu.memory_space<vmem>> -> memref<56x128xi32, #tpu.memory_space<vmem>>
        %dma_start3A_136 = arith.constant 0 : i32
        %dma_start3A_137 = tpu.memref_slice %arg2[%add3A_74, %dma_start3A_136] : memref<2560x128xi32, #tpu.memory_space<hbm>> -> memref<56x128xi32, #tpu.memory_space<hbm>>
        %dma_start3A_138 = arith.constant 0 : i32
        %dma_start3A_139 = arith.constant 0 : i32
        %dma_start3A_140 = tpu.memref_slice %arg13[%dma_start3A_138, %dma_start3A_139] : memref<56x128xi32, #tpu.memory_space<vmem>> -> memref<56x128xi32, #tpu.memory_space<vmem>>
        %dma_start3A_141 = arith.constant 0 : i32
        %dma_start3A_142 = tpu.memref_slice %arg2[%add3A_74, %dma_start3A_141] : memref<2560x128xi32, #tpu.memory_space<hbm>> -> memref<56x128xi32, #tpu.memory_space<hbm>>
        tpu.enqueue_dma source(%dma_start3A_142 : memref<56x128xi32, #tpu.memory_space<hbm>>) target(%dma_start3A_140 : memref<56x128xi32, #tpu.memory_space<vmem>>) target_semaphore(%run_scoped3A_132 : memref<!tpu.dma_semaphore, #tpu.memory_space<semaphore_mem>>)
        %dma_wait3A = arith.constant 0 : i32
        %dma_wait3A_143 = arith.constant 0 : i32
        %dma_wait3A_144 = tpu.memref_slice %arg13[%dma_wait3A, %dma_wait3A_143] : memref<56x128xi32, #tpu.memory_space<vmem>> -> memref<56x128xi32, #tpu.memory_space<vmem>>
        %dma_wait3A_145 = arith.constant 0 : i32
        %dma_wait3A_146 = tpu.memref_slice %arg2[%add3A_74, %dma_wait3A_145] : memref<2560x128xi32, #tpu.memory_space<hbm>> -> memref<56x128xi32, #tpu.memory_space<hbm>>
        %dma_wait3A_147 = arith.constant 0 : i32
        %dma_wait3A_148 = arith.constant 0 : i32
        %dma_wait3A_149 = tpu.memref_slice %arg13[%dma_wait3A_147, %dma_wait3A_148] : memref<56x128xi32, #tpu.memory_space<vmem>> -> memref<56x128xi32, #tpu.memory_space<vmem>>
        %dma_wait3A_150 = arith.constant 0 : i32
        %dma_wait3A_151 = tpu.memref_slice %arg2[%add3A_74, %dma_wait3A_150] : memref<2560x128xi32, #tpu.memory_space<hbm>> -> memref<56x128xi32, #tpu.memory_space<hbm>>
        tpu.wait_dma2 semaphore(%run_scoped3A_132 : memref<!tpu.dma_semaphore, #tpu.memory_space<semaphore_mem>>) src(%dma_wait3A_151 : memref<56x128xi32, #tpu.memory_space<hbm>>) dst(%dma_wait3A_149 : memref<56x128xi32, #tpu.memory_space<vmem>>)
        tpu.yield
      }) : () -> ()
      "tpu.region"() ({
        %run_scoped3A_132 = tpu.sem_alloc : memref<!tpu.dma_semaphore, #tpu.memory_space<semaphore_mem>>
        %dma_start3A_133 = arith.constant 0 : i32
        %dma_start3A_134 = arith.constant 0 : i32
        %dma_start3A_135 = tpu.memref_slice %arg14[%dma_start3A_133, %dma_start3A_134] : memref<56x128xi32, #tpu.memory_space<vmem>> -> memref<56x128xi32, #tpu.memory_space<vmem>>
        %dma_start3A_136 = arith.constant 0 : i32
        %dma_start3A_137 = tpu.memref_slice %arg3[%add3A_74, %dma_start3A_136] : memref<2560x128xi32, #tpu.memory_space<hbm>> -> memref<56x128xi32, #tpu.memory_space<hbm>>
        %dma_start3A_138 = arith.constant 0 : i32
        %dma_start3A_139 = arith.constant 0 : i32
        %dma_start3A_140 = tpu.memref_slice %arg14[%dma_start3A_138, %dma_start3A_139] : memref<56x128xi32, #tpu.memory_space<vmem>> -> memref<56x128xi32, #tpu.memory_space<vmem>>
        %dma_start3A_141 = arith.constant 0 : i32
        %dma_start3A_142 = tpu.memref_slice %arg3[%add3A_74, %dma_start3A_141] : memref<2560x128xi32, #tpu.memory_space<hbm>> -> memref<56x128xi32, #tpu.memory_space<hbm>>
        tpu.enqueue_dma source(%dma_start3A_142 : memref<56x128xi32, #tpu.memory_space<hbm>>) target(%dma_start3A_140 : memref<56x128xi32, #tpu.memory_space<vmem>>) target_semaphore(%run_scoped3A_132 : memref<!tpu.dma_semaphore, #tpu.memory_space<semaphore_mem>>)
        %dma_wait3A = arith.constant 0 : i32
        %dma_wait3A_143 = arith.constant 0 : i32
        %dma_wait3A_144 = tpu.memref_slice %arg14[%dma_wait3A, %dma_wait3A_143] : memref<56x128xi32, #tpu.memory_space<vmem>> -> memref<56x128xi32, #tpu.memory_space<vmem>>
        %dma_wait3A_145 = arith.constant 0 : i32
        %dma_wait3A_146 = tpu.memref_slice %arg3[%add3A_74, %dma_wait3A_145] : memref<2560x128xi32, #tpu.memory_space<hbm>> -> memref<56x128xi32, #tpu.memory_space<hbm>>
        %dma_wait3A_147 = arith.constant 0 : i32
        %dma_wait3A_148 = arith.constant 0 : i32
        %dma_wait3A_149 = tpu.memref_slice %arg14[%dma_wait3A_147, %dma_wait3A_148] : memref<56x128xi32, #tpu.memory_space<vmem>> -> memref<56x128xi32, #tpu.memory_space<vmem>>
        %dma_wait3A_150 = arith.constant 0 : i32
        %dma_wait3A_151 = tpu.memref_slice %arg3[%add3A_74, %dma_wait3A_150] : memref<2560x128xi32, #tpu.memory_space<hbm>> -> memref<56x128xi32, #tpu.memory_space<hbm>>
        tpu.wait_dma2 semaphore(%run_scoped3A_132 : memref<!tpu.dma_semaphore, #tpu.memory_space<semaphore_mem>>) src(%dma_wait3A_151 : memref<56x128xi32, #tpu.memory_space<hbm>>) dst(%dma_wait3A_149 : memref<56x128xi32, #tpu.memory_space<vmem>>)
        tpu.yield
      }) : () -> ()
      %dma_start3A_80 = arith.constant 0 : i32
      %dma_start3A_81 = arith.constant 0 : i32
      %dma_start3A_82 = tpu.memref_slice %arg13[%dma_start3A_80, %dma_start3A_81] : memref<56x128xi32, #tpu.memory_space<vmem>> -> memref<1x128xi32, #tpu.memory_space<vmem>>
      %dma_start3A_83 = tpu.memref_squeeze %dma_start3A_82 : memref<1x128xi32, #tpu.memory_space<vmem>> -> memref<128xi32, #tpu.memory_space<vmem>>
      %dma_start3A_84 = arith.constant 0 : i32
      %dma_start3A_85 = arith.constant 0 : i32
      %dma_start3A_86 = tpu.memref_slice %arg6[%dma_start3A_84, %dma_start3A_85] : memref<10000x128xf32, #tpu.memory_space<hbm>> -> memref<10000x128xf32, #tpu.memory_space<hbm>>
      tpu.enqueue_indirect_dma source(%dma_start3A_86 : memref<10000x128xf32, #tpu.memory_space<hbm>>) target(%arg15 : memref<128x128xf32, #tpu.memory_space<vmem>>) offsets(%dma_start3A_83 : memref<128xi32, #tpu.memory_space<vmem>>) semaphore(%arg19 : memref<!tpu.dma_semaphore, #tpu.memory_space<semaphore_mem>>)
      %dma_start3A_87 = arith.constant 1 : i32
      %dma_start3A_88 = arith.constant 0 : i32
      %dma_start3A_89 = tpu.memref_slice %arg13[%dma_start3A_87, %dma_start3A_88] : memref<56x128xi32, #tpu.memory_space<vmem>> -> memref<1x128xi32, #tpu.memory_space<vmem>>
      %dma_start3A_90 = tpu.memref_squeeze %dma_start3A_89 : memref<1x128xi32, #tpu.memory_space<vmem>> -> memref<128xi32, #tpu.memory_space<vmem>>
      %dma_start3A_91 = arith.constant 0 : i32
      %dma_start3A_92 = arith.constant 0 : i32
      %dma_start3A_93 = tpu.memref_slice %arg6[%dma_start3A_91, %dma_start3A_92] : memref<10000x128xf32, #tpu.memory_space<hbm>> -> memref<10000x128xf32, #tpu.memory_space<hbm>>
      tpu.enqueue_indirect_dma source(%dma_start3A_93 : memref<10000x128xf32, #tpu.memory_space<hbm>>) target(%arg16 : memref<128x128xf32, #tpu.memory_space<vmem>>) offsets(%dma_start3A_90 : memref<128xi32, #tpu.memory_space<vmem>>) semaphore(%arg20 : memref<!tpu.dma_semaphore, #tpu.memory_space<semaphore_mem>>)
      %add3A_94 = arith.constant 56 : i32
      %add3A_95 = arith.addi %add3A_74, %add3A_94 : i32
      %scan3A_96 = arith.constant 0 : i32
      %scan3A_97 = arith.constant 28 : i32
      %scan3A_98 = arith.addi %scan3A_96, %scan3A_97 : i32
      %scan3A_99 = arith.constant 1 : i32
      scf.for %scan3A_132 = %scan3A_96 to %scan3A_98 step %scan3A_99  : i32 {
        %mul3A_133 = arith.constant 1 : i32
        %mul3A_134 = arith.muli %scan3A_132, %mul3A_133 : i32
        %add3A_135 = arith.constant 0 : i32
        %add3A_136 = arith.addi %add3A_135, %mul3A_134 : i32
        %mul3A_137 = arith.constant 2 : i32
        %mul3A_138 = arith.muli %mul3A_137, %add3A_136 : i32
        %add3A_139 = arith.constant 0 : i32
        %add3A_140 = arith.addi %mul3A_138, %add3A_139 : i32
        %dma_wait3A = arith.constant 0 : i32
        %dma_wait3A_141 = arith.constant 0 : i32
        %dma_wait3A_142 = tpu.memref_slice %arg13[%dma_wait3A, %dma_wait3A_141] : memref<56x128xi32, #tpu.memory_space<vmem>> -> memref<1x128xi32, #tpu.memory_space<vmem>>
        %dma_wait3A_143 = tpu.memref_squeeze %dma_wait3A_142 : memref<1x128xi32, #tpu.memory_space<vmem>> -> memref<128xi32, #tpu.memory_space<vmem>>
        %dma_wait3A_144 = arith.constant 0 : i32
        %dma_wait3A_145 = arith.constant 0 : i32
        %dma_wait3A_146 = tpu.memref_slice %arg6[%dma_wait3A_144, %dma_wait3A_145] : memref<10000x128xf32, #tpu.memory_space<hbm>> -> memref<10000x128xf32, #tpu.memory_space<hbm>>
        tpu.wait_indirect_dma semaphore(%arg19 : memref<!tpu.dma_semaphore, #tpu.memory_space<semaphore_mem>>) src(%dma_wait3A_146 : memref<10000x128xf32, #tpu.memory_space<hbm>>) dst(%arg15 : memref<128x128xf32, #tpu.memory_space<vmem>>)
        "tpu.region"() ({
          %run_scoped3A_171 = tpu.sem_alloc : memref<!tpu.dma_semaphore, #tpu.memory_space<semaphore_mem>>
          %dma_start3A_172 = arith.constant 0 : i32
          %dma_start3A_173 = tpu.memref_slice %arg14[%add3A_140, %dma_start3A_172] : memref<56x128xi32, #tpu.memory_space<vmem>> -> memref<1x128xi32, #tpu.memory_space<vmem>>
          %dma_start3A_174 = tpu.memref_squeeze %dma_start3A_173 : memref<1x128xi32, #tpu.memory_space<vmem>> -> memref<128xi32, #tpu.memory_space<vmem>>
          %dma_start3A_175 = arith.constant 0 : i32
          %dma_start3A_176 = arith.constant 0 : i32
          %dma_start3A_177 = tpu.memref_slice %arg11[%dma_start3A_175, %dma_start3A_176] : memref<10112x128xf32, #tpu.memory_space<vmem_shared>> -> memref<10112x128xf32, #tpu.memory_space<vmem_shared>>
          tpu.enqueue_indirect_dma source(%arg15 : memref<128x128xf32, #tpu.memory_space<vmem>>) target(%dma_start3A_177 : memref<10112x128xf32, #tpu.memory_space<vmem_shared>>) offsets(%dma_start3A_174 : memref<128xi32, #tpu.memory_space<vmem>>) semaphore(%run_scoped3A_171 : memref<!tpu.dma_semaphore, #tpu.memory_space<semaphore_mem>>) {add = true}
          %dma_wait3A_178 = arith.constant 0 : i32
          %dma_wait3A_179 = tpu.memref_slice %arg14[%add3A_140, %dma_wait3A_178] : memref<56x128xi32, #tpu.memory_space<vmem>> -> memref<1x128xi32, #tpu.memory_space<vmem>>
          %dma_wait3A_180 = tpu.memref_squeeze %dma_wait3A_179 : memref<1x128xi32, #tpu.memory_space<vmem>> -> memref<128xi32, #tpu.memory_space<vmem>>
          %dma_wait3A_181 = arith.constant 0 : i32
          %dma_wait3A_182 = arith.constant 0 : i32
          %dma_wait3A_183 = tpu.memref_slice %arg11[%dma_wait3A_181, %dma_wait3A_182] : memref<10112x128xf32, #tpu.memory_space<vmem_shared>> -> memref<10112x128xf32, #tpu.memory_space<vmem_shared>>
          tpu.wait_indirect_dma semaphore(%run_scoped3A_171 : memref<!tpu.dma_semaphore, #tpu.memory_space<semaphore_mem>>) src(%arg15 : memref<128x128xf32, #tpu.memory_space<vmem>>) dst(%dma_wait3A_183 : memref<10112x128xf32, #tpu.memory_space<vmem_shared>>)
          tpu.yield
        }) : () -> ()
        "tpu.region"() ({
          %run_scoped3A_171 = tpu.sem_alloc : memref<!tpu.dma_semaphore, #tpu.memory_space<semaphore_mem>>
          %dma_start3A_172 = arith.constant 0 : i32
          %dma_start3A_173 = tpu.memref_slice %arg14[%add3A_140, %dma_start3A_172] : memref<56x128xi32, #tpu.memory_space<vmem>> -> memref<1x128xi32, #tpu.memory_space<vmem>>
          %dma_start3A_174 = tpu.memref_squeeze %dma_start3A_173 : memref<1x128xi32, #tpu.memory_space<vmem>> -> memref<128xi32, #tpu.memory_space<vmem>>
          %dma_start3A_175 = arith.constant 0 : i32
          %dma_start3A_176 = tpu.memref_slice %arg12[%dma_start3A_175] : memref<10112xf32, #tpu.memory_space<vmem_shared>> -> memref<10112xf32, #tpu.memory_space<vmem_shared>>
          tpu.enqueue_indirect_dma source(%arg17 : memref<128xf32, #tpu.memory_space<vmem>>) target(%dma_start3A_176 : memref<10112xf32, #tpu.memory_space<vmem_shared>>) offsets(%dma_start3A_174 : memref<128xi32, #tpu.memory_space<vmem>>) semaphore(%run_scoped3A_171 : memref<!tpu.dma_semaphore, #tpu.memory_space<semaphore_mem>>) {add = true}
          %dma_wait3A_177 = arith.constant 0 : i32
          %dma_wait3A_178 = tpu.memref_slice %arg14[%add3A_140, %dma_wait3A_177] : memref<56x128xi32, #tpu.memory_space<vmem>> -> memref<1x128xi32, #tpu.memory_space<vmem>>
          %dma_wait3A_179 = tpu.memref_squeeze %dma_wait3A_178 : memref<1x128xi32, #tpu.memory_space<vmem>> -> memref<128xi32, #tpu.memory_space<vmem>>
          %dma_wait3A_180 = arith.constant 0 : i32
          %dma_wait3A_181 = tpu.memref_slice %arg12[%dma_wait3A_180] : memref<10112xf32, #tpu.memory_space<vmem_shared>> -> memref<10112xf32, #tpu.memory_space<vmem_shared>>
          tpu.wait_indirect_dma semaphore(%run_scoped3A_171 : memref<!tpu.dma_semaphore, #tpu.memory_space<semaphore_mem>>) src(%arg17 : memref<128xf32, #tpu.memory_space<vmem>>) dst(%dma_wait3A_181 : memref<10112xf32, #tpu.memory_space<vmem_shared>>)
          tpu.yield
        }) : () -> ()
        %add3A_147 = arith.constant 2 : i32
        %add3A_148 = arith.addi %add3A_140, %add3A_147 : i32
        %lt3A = arith.constant 56 : i32
        %lt3A_149 = arith.cmpi slt, %add3A_148, %lt3A : i32
        %convert_element_type3A_150 = arith.extui %lt3A_149 : i1 to i32
        %cond3A_151 = arith.constant 0 : i32
        %cond3A_152 = arith.cmpi ne, %convert_element_type3A_150, %cond3A_151 : i32
        scf.if %cond3A_152 {
          %add3A_171 = arith.constant 2 : i32
          %add3A_172 = arith.addi %add3A_140, %add3A_171 : i32
          %dma_start3A_173 = arith.constant 0 : i32
          %dma_start3A_174 = tpu.memref_slice %arg13[%add3A_172, %dma_start3A_173] : memref<56x128xi32, #tpu.memory_space<vmem>> -> memref<1x128xi32, #tpu.memory_space<vmem>>
          %dma_start3A_175 = tpu.memref_squeeze %dma_start3A_174 : memref<1x128xi32, #tpu.memory_space<vmem>> -> memref<128xi32, #tpu.memory_space<vmem>>
          %dma_start3A_176 = arith.constant 0 : i32
          %dma_start3A_177 = arith.constant 0 : i32
          %dma_start3A_178 = tpu.memref_slice %arg6[%dma_start3A_176, %dma_start3A_177] : memref<10000x128xf32, #tpu.memory_space<hbm>> -> memref<10000x128xf32, #tpu.memory_space<hbm>>
          tpu.enqueue_indirect_dma source(%dma_start3A_178 : memref<10000x128xf32, #tpu.memory_space<hbm>>) target(%arg15 : memref<128x128xf32, #tpu.memory_space<vmem>>) offsets(%dma_start3A_175 : memref<128xi32, #tpu.memory_space<vmem>>) semaphore(%arg19 : memref<!tpu.dma_semaphore, #tpu.memory_space<semaphore_mem>>)
        } else {
        }
        %mul3A_153 = arith.constant 2 : i32
        %mul3A_154 = arith.muli %mul3A_153, %add3A_136 : i32
        %add3A_155 = arith.constant 1 : i32
        %add3A_156 = arith.addi %mul3A_154, %add3A_155 : i32
        %dma_wait3A_157 = arith.constant 1 : i32
        %dma_wait3A_158 = arith.constant 0 : i32
        %dma_wait3A_159 = tpu.memref_slice %arg13[%dma_wait3A_157, %dma_wait3A_158] : memref<56x128xi32, #tpu.memory_space<vmem>> -> memref<1x128xi32, #tpu.memory_space<vmem>>
        %dma_wait3A_160 = tpu.memref_squeeze %dma_wait3A_159 : memref<1x128xi32, #tpu.memory_space<vmem>> -> memref<128xi32, #tpu.memory_space<vmem>>
        %dma_wait3A_161 = arith.constant 0 : i32
        %dma_wait3A_162 = arith.constant 0 : i32
        %dma_wait3A_163 = tpu.memref_slice %arg6[%dma_wait3A_161, %dma_wait3A_162] : memref<10000x128xf32, #tpu.memory_space<hbm>> -> memref<10000x128xf32, #tpu.memory_space<hbm>>
        tpu.wait_indirect_dma semaphore(%arg20 : memref<!tpu.dma_semaphore, #tpu.memory_space<semaphore_mem>>) src(%dma_wait3A_163 : memref<10000x128xf32, #tpu.memory_space<hbm>>) dst(%arg16 : memref<128x128xf32, #tpu.memory_space<vmem>>)
        "tpu.region"() ({
          %run_scoped3A_171 = tpu.sem_alloc : memref<!tpu.dma_semaphore, #tpu.memory_space<semaphore_mem>>
          %dma_start3A_172 = arith.constant 0 : i32
          %dma_start3A_173 = tpu.memref_slice %arg14[%add3A_156, %dma_start3A_172] : memref<56x128xi32, #tpu.memory_space<vmem>> -> memref<1x128xi32, #tpu.memory_space<vmem>>
          %dma_start3A_174 = tpu.memref_squeeze %dma_start3A_173 : memref<1x128xi32, #tpu.memory_space<vmem>> -> memref<128xi32, #tpu.memory_space<vmem>>
          %dma_start3A_175 = arith.constant 0 : i32
          %dma_start3A_176 = arith.constant 0 : i32
          %dma_start3A_177 = tpu.memref_slice %arg11[%dma_start3A_175, %dma_start3A_176] : memref<10112x128xf32, #tpu.memory_space<vmem_shared>> -> memref<10112x128xf32, #tpu.memory_space<vmem_shared>>
          tpu.enqueue_indirect_dma source(%arg16 : memref<128x128xf32, #tpu.memory_space<vmem>>) target(%dma_start3A_177 : memref<10112x128xf32, #tpu.memory_space<vmem_shared>>) offsets(%dma_start3A_174 : memref<128xi32, #tpu.memory_space<vmem>>) semaphore(%run_scoped3A_171 : memref<!tpu.dma_semaphore, #tpu.memory_space<semaphore_mem>>) {add = true}
          %dma_wait3A_178 = arith.constant 0 : i32
          %dma_wait3A_179 = tpu.memref_slice %arg14[%add3A_156, %dma_wait3A_178] : memref<56x128xi32, #tpu.memory_space<vmem>> -> memref<1x128xi32, #tpu.memory_space<vmem>>
          %dma_wait3A_180 = tpu.memref_squeeze %dma_wait3A_179 : memref<1x128xi32, #tpu.memory_space<vmem>> -> memref<128xi32, #tpu.memory_space<vmem>>
          %dma_wait3A_181 = arith.constant 0 : i32
          %dma_wait3A_182 = arith.constant 0 : i32
          %dma_wait3A_183 = tpu.memref_slice %arg11[%dma_wait3A_181, %dma_wait3A_182] : memref<10112x128xf32, #tpu.memory_space<vmem_shared>> -> memref<10112x128xf32, #tpu.memory_space<vmem_shared>>
          tpu.wait_indirect_dma semaphore(%run_scoped3A_171 : memref<!tpu.dma_semaphore, #tpu.memory_space<semaphore_mem>>) src(%arg16 : memref<128x128xf32, #tpu.memory_space<vmem>>) dst(%dma_wait3A_183 : memref<10112x128xf32, #tpu.memory_space<vmem_shared>>)
          tpu.yield
        }) : () -> ()
        "tpu.region"() ({
          %run_scoped3A_171 = tpu.sem_alloc : memref<!tpu.dma_semaphore, #tpu.memory_space<semaphore_mem>>
          %dma_start3A_172 = arith.constant 0 : i32
          %dma_start3A_173 = tpu.memref_slice %arg14[%add3A_156, %dma_start3A_172] : memref<56x128xi32, #tpu.memory_space<vmem>> -> memref<1x128xi32, #tpu.memory_space<vmem>>
          %dma_start3A_174 = tpu.memref_squeeze %dma_start3A_173 : memref<1x128xi32, #tpu.memory_space<vmem>> -> memref<128xi32, #tpu.memory_space<vmem>>
          %dma_start3A_175 = arith.constant 0 : i32
          %dma_start3A_176 = tpu.memref_slice %arg12[%dma_start3A_175] : memref<10112xf32, #tpu.memory_space<vmem_shared>> -> memref<10112xf32, #tpu.memory_space<vmem_shared>>
          tpu.enqueue_indirect_dma source(%arg17 : memref<128xf32, #tpu.memory_space<vmem>>) target(%dma_start3A_176 : memref<10112xf32, #tpu.memory_space<vmem_shared>>) offsets(%dma_start3A_174 : memref<128xi32, #tpu.memory_space<vmem>>) semaphore(%run_scoped3A_171 : memref<!tpu.dma_semaphore, #tpu.memory_space<semaphore_mem>>) {add = true}
          %dma_wait3A_177 = arith.constant 0 : i32
          %dma_wait3A_178 = tpu.memref_slice %arg14[%add3A_156, %dma_wait3A_177] : memref<56x128xi32, #tpu.memory_space<vmem>> -> memref<1x128xi32, #tpu.memory_space<vmem>>
          %dma_wait3A_179 = tpu.memref_squeeze %dma_wait3A_178 : memref<1x128xi32, #tpu.memory_space<vmem>> -> memref<128xi32, #tpu.memory_space<vmem>>
          %dma_wait3A_180 = arith.constant 0 : i32
          %dma_wait3A_181 = tpu.memref_slice %arg12[%dma_wait3A_180] : memref<10112xf32, #tpu.memory_space<vmem_shared>> -> memref<10112xf32, #tpu.memory_space<vmem_shared>>
          tpu.wait_indirect_dma semaphore(%run_scoped3A_171 : memref<!tpu.dma_semaphore, #tpu.memory_space<semaphore_mem>>) src(%arg17 : memref<128xf32, #tpu.memory_space<vmem>>) dst(%dma_wait3A_181 : memref<10112xf32, #tpu.memory_space<vmem_shared>>)
          tpu.yield
        }) : () -> ()
        %add3A_164 = arith.constant 2 : i32
        %add3A_165 = arith.addi %add3A_156, %add3A_164 : i32
        %lt3A_166 = arith.constant 56 : i32
        %lt3A_167 = arith.cmpi slt, %add3A_165, %lt3A_166 : i32
        %convert_element_type3A_168 = arith.extui %lt3A_167 : i1 to i32
        %cond3A_169 = arith.constant 0 : i32
        %cond3A_170 = arith.cmpi ne, %convert_element_type3A_168, %cond3A_169 : i32
        scf.if %cond3A_170 {
          %add3A_171 = arith.constant 2 : i32
          %add3A_172 = arith.addi %add3A_156, %add3A_171 : i32
          %dma_start3A_173 = arith.constant 0 : i32
          %dma_start3A_174 = tpu.memref_slice %arg13[%add3A_172, %dma_start3A_173] : memref<56x128xi32, #tpu.memory_space<vmem>> -> memref<1x128xi32, #tpu.memory_space<vmem>>
          %dma_start3A_175 = tpu.memref_squeeze %dma_start3A_174 : memref<1x128xi32, #tpu.memory_space<vmem>> -> memref<128xi32, #tpu.memory_space<vmem>>
          %dma_start3A_176 = arith.constant 0 : i32
          %dma_start3A_177 = arith.constant 0 : i32
          %dma_start3A_178 = tpu.memref_slice %arg6[%dma_start3A_176, %dma_start3A_177] : memref<10000x128xf32, #tpu.memory_space<hbm>> -> memref<10000x128xf32, #tpu.memory_space<hbm>>
          tpu.enqueue_indirect_dma source(%dma_start3A_178 : memref<10000x128xf32, #tpu.memory_space<hbm>>) target(%arg16 : memref<128x128xf32, #tpu.memory_space<vmem>>) offsets(%dma_start3A_175 : memref<128xi32, #tpu.memory_space<vmem>>) semaphore(%arg20 : memref<!tpu.dma_semaphore, #tpu.memory_space<semaphore_mem>>)
        } else {
        }
      }
      %scan3A_100 = arith.constant 28 : i32
      "tpu.region"() ({
        %run_scoped3A_132 = tpu.sem_alloc : memref<!tpu.dma_semaphore, #tpu.memory_space<semaphore_mem>>
        %dma_start3A_133 = arith.constant 0 : i32
        %dma_start3A_134 = arith.constant 0 : i32
        %dma_start3A_135 = tpu.memref_slice %arg13[%dma_start3A_133, %dma_start3A_134] : memref<56x128xi32, #tpu.memory_space<vmem>> -> memref<48x128xi32, #tpu.memory_space<vmem>>
        %dma_start3A_136 = arith.constant 0 : i32
        %dma_start3A_137 = tpu.memref_slice %arg2[%add3A_95, %dma_start3A_136] : memref<2560x128xi32, #tpu.memory_space<hbm>> -> memref<48x128xi32, #tpu.memory_space<hbm>>
        %dma_start3A_138 = arith.constant 0 : i32
        %dma_start3A_139 = arith.constant 0 : i32
        %dma_start3A_140 = tpu.memref_slice %arg13[%dma_start3A_138, %dma_start3A_139] : memref<56x128xi32, #tpu.memory_space<vmem>> -> memref<48x128xi32, #tpu.memory_space<vmem>>
        %dma_start3A_141 = arith.constant 0 : i32
        %dma_start3A_142 = tpu.memref_slice %arg2[%add3A_95, %dma_start3A_141] : memref<2560x128xi32, #tpu.memory_space<hbm>> -> memref<48x128xi32, #tpu.memory_space<hbm>>
        tpu.enqueue_dma source(%dma_start3A_142 : memref<48x128xi32, #tpu.memory_space<hbm>>) target(%dma_start3A_140 : memref<48x128xi32, #tpu.memory_space<vmem>>) target_semaphore(%run_scoped3A_132 : memref<!tpu.dma_semaphore, #tpu.memory_space<semaphore_mem>>)
        %dma_wait3A = arith.constant 0 : i32
        %dma_wait3A_143 = arith.constant 0 : i32
        %dma_wait3A_144 = tpu.memref_slice %arg13[%dma_wait3A, %dma_wait3A_143] : memref<56x128xi32, #tpu.memory_space<vmem>> -> memref<48x128xi32, #tpu.memory_space<vmem>>
        %dma_wait3A_145 = arith.constant 0 : i32
        %dma_wait3A_146 = tpu.memref_slice %arg2[%add3A_95, %dma_wait3A_145] : memref<2560x128xi32, #tpu.memory_space<hbm>> -> memref<48x128xi32, #tpu.memory_space<hbm>>
        %dma_wait3A_147 = arith.constant 0 : i32
        %dma_wait3A_148 = arith.constant 0 : i32
        %dma_wait3A_149 = tpu.memref_slice %arg13[%dma_wait3A_147, %dma_wait3A_148] : memref<56x128xi32, #tpu.memory_space<vmem>> -> memref<48x128xi32, #tpu.memory_space<vmem>>
        %dma_wait3A_150 = arith.constant 0 : i32
        %dma_wait3A_151 = tpu.memref_slice %arg2[%add3A_95, %dma_wait3A_150] : memref<2560x128xi32, #tpu.memory_space<hbm>> -> memref<48x128xi32, #tpu.memory_space<hbm>>
        tpu.wait_dma2 semaphore(%run_scoped3A_132 : memref<!tpu.dma_semaphore, #tpu.memory_space<semaphore_mem>>) src(%dma_wait3A_151 : memref<48x128xi32, #tpu.memory_space<hbm>>) dst(%dma_wait3A_149 : memref<48x128xi32, #tpu.memory_space<vmem>>)
        tpu.yield
      }) : () -> ()
      "tpu.region"() ({
        %run_scoped3A_132 = tpu.sem_alloc : memref<!tpu.dma_semaphore, #tpu.memory_space<semaphore_mem>>
        %dma_start3A_133 = arith.constant 0 : i32
        %dma_start3A_134 = arith.constant 0 : i32
        %dma_start3A_135 = tpu.memref_slice %arg14[%dma_start3A_133, %dma_start3A_134] : memref<56x128xi32, #tpu.memory_space<vmem>> -> memref<48x128xi32, #tpu.memory_space<vmem>>
        %dma_start3A_136 = arith.constant 0 : i32
        %dma_start3A_137 = tpu.memref_slice %arg3[%add3A_95, %dma_start3A_136] : memref<2560x128xi32, #tpu.memory_space<hbm>> -> memref<48x128xi32, #tpu.memory_space<hbm>>
        %dma_start3A_138 = arith.constant 0 : i32
        %dma_start3A_139 = arith.constant 0 : i32
        %dma_start3A_140 = tpu.memref_slice %arg14[%dma_start3A_138, %dma_start3A_139] : memref<56x128xi32, #tpu.memory_space<vmem>> -> memref<48x128xi32, #tpu.memory_space<vmem>>
        %dma_start3A_141 = arith.constant 0 : i32
        %dma_start3A_142 = tpu.memref_slice %arg3[%add3A_95, %dma_start3A_141] : memref<2560x128xi32, #tpu.memory_space<hbm>> -> memref<48x128xi32, #tpu.memory_space<hbm>>
        tpu.enqueue_dma source(%dma_start3A_142 : memref<48x128xi32, #tpu.memory_space<hbm>>) target(%dma_start3A_140 : memref<48x128xi32, #tpu.memory_space<vmem>>) target_semaphore(%run_scoped3A_132 : memref<!tpu.dma_semaphore, #tpu.memory_space<semaphore_mem>>)
        %dma_wait3A = arith.constant 0 : i32
        %dma_wait3A_143 = arith.constant 0 : i32
        %dma_wait3A_144 = tpu.memref_slice %arg14[%dma_wait3A, %dma_wait3A_143] : memref<56x128xi32, #tpu.memory_space<vmem>> -> memref<48x128xi32, #tpu.memory_space<vmem>>
        %dma_wait3A_145 = arith.constant 0 : i32
        %dma_wait3A_146 = tpu.memref_slice %arg3[%add3A_95, %dma_wait3A_145] : memref<2560x128xi32, #tpu.memory_space<hbm>> -> memref<48x128xi32, #tpu.memory_space<hbm>>
        %dma_wait3A_147 = arith.constant 0 : i32
        %dma_wait3A_148 = arith.constant 0 : i32
        %dma_wait3A_149 = tpu.memref_slice %arg14[%dma_wait3A_147, %dma_wait3A_148] : memref<56x128xi32, #tpu.memory_space<vmem>> -> memref<48x128xi32, #tpu.memory_space<vmem>>
        %dma_wait3A_150 = arith.constant 0 : i32
        %dma_wait3A_151 = tpu.memref_slice %arg3[%add3A_95, %dma_wait3A_150] : memref<2560x128xi32, #tpu.memory_space<hbm>> -> memref<48x128xi32, #tpu.memory_space<hbm>>
        tpu.wait_dma2 semaphore(%run_scoped3A_132 : memref<!tpu.dma_semaphore, #tpu.memory_space<semaphore_mem>>) src(%dma_wait3A_151 : memref<48x128xi32, #tpu.memory_space<hbm>>) dst(%dma_wait3A_149 : memref<48x128xi32, #tpu.memory_space<vmem>>)
        tpu.yield
      }) : () -> ()
      %dma_start3A_101 = arith.constant 0 : i32
      %dma_start3A_102 = arith.constant 0 : i32
      %dma_start3A_103 = tpu.memref_slice %arg13[%dma_start3A_101, %dma_start3A_102] : memref<56x128xi32, #tpu.memory_space<vmem>> -> memref<1x128xi32, #tpu.memory_space<vmem>>
      %dma_start3A_104 = tpu.memref_squeeze %dma_start3A_103 : memref<1x128xi32, #tpu.memory_space<vmem>> -> memref<128xi32, #tpu.memory_space<vmem>>
      %dma_start3A_105 = arith.constant 0 : i32
      %dma_start3A_106 = arith.constant 0 : i32
      %dma_start3A_107 = tpu.memref_slice %arg6[%dma_start3A_105, %dma_start3A_106] : memref<10000x128xf32, #tpu.memory_space<hbm>> -> memref<10000x128xf32, #tpu.memory_space<hbm>>
      tpu.enqueue_indirect_dma source(%dma_start3A_107 : memref<10000x128xf32, #tpu.memory_space<hbm>>) target(%arg15 : memref<128x128xf32, #tpu.memory_space<vmem>>) offsets(%dma_start3A_104 : memref<128xi32, #tpu.memory_space<vmem>>) semaphore(%arg19 : memref<!tpu.dma_semaphore, #tpu.memory_space<semaphore_mem>>)
      %dma_start3A_108 = arith.constant 1 : i32
      %dma_start3A_109 = arith.constant 0 : i32
      %dma_start3A_110 = tpu.memref_slice %arg13[%dma_start3A_108, %dma_start3A_109] : memref<56x128xi32, #tpu.memory_space<vmem>> -> memref<1x128xi32, #tpu.memory_space<vmem>>
      %dma_start3A_111 = tpu.memref_squeeze %dma_start3A_110 : memref<1x128xi32, #tpu.memory_space<vmem>> -> memref<128xi32, #tpu.memory_space<vmem>>
      %dma_start3A_112 = arith.constant 0 : i32
      %dma_start3A_113 = arith.constant 0 : i32
      %dma_start3A_114 = tpu.memref_slice %arg6[%dma_start3A_112, %dma_start3A_113] : memref<10000x128xf32, #tpu.memory_space<hbm>> -> memref<10000x128xf32, #tpu.memory_space<hbm>>
      tpu.enqueue_indirect_dma source(%dma_start3A_114 : memref<10000x128xf32, #tpu.memory_space<hbm>>) target(%arg16 : memref<128x128xf32, #tpu.memory_space<vmem>>) offsets(%dma_start3A_111 : memref<128xi32, #tpu.memory_space<vmem>>) semaphore(%arg20 : memref<!tpu.dma_semaphore, #tpu.memory_space<semaphore_mem>>)
      %add3A_115 = arith.constant 48 : i32
      %add3A_116 = arith.addi %add3A_95, %add3A_115 : i32
      %scan3A_117 = arith.constant 0 : i32
      %scan3A_118 = arith.constant 24 : i32
      %scan3A_119 = arith.addi %scan3A_117, %scan3A_118 : i32
      %scan3A_120 = arith.constant 1 : i32
      scf.for %scan3A_132 = %scan3A_117 to %scan3A_119 step %scan3A_120  : i32 {
        %mul3A_133 = arith.constant 1 : i32
        %mul3A_134 = arith.muli %scan3A_132, %mul3A_133 : i32
        %add3A_135 = arith.constant 0 : i32
        %add3A_136 = arith.addi %add3A_135, %mul3A_134 : i32
        %mul3A_137 = arith.constant 2 : i32
        %mul3A_138 = arith.muli %mul3A_137, %add3A_136 : i32
        %add3A_139 = arith.constant 0 : i32
        %add3A_140 = arith.addi %mul3A_138, %add3A_139 : i32
        %dma_wait3A = arith.constant 0 : i32
        %dma_wait3A_141 = arith.constant 0 : i32
        %dma_wait3A_142 = tpu.memref_slice %arg13[%dma_wait3A, %dma_wait3A_141] : memref<56x128xi32, #tpu.memory_space<vmem>> -> memref<1x128xi32, #tpu.memory_space<vmem>>
        %dma_wait3A_143 = tpu.memref_squeeze %dma_wait3A_142 : memref<1x128xi32, #tpu.memory_space<vmem>> -> memref<128xi32, #tpu.memory_space<vmem>>
        %dma_wait3A_144 = arith.constant 0 : i32
        %dma_wait3A_145 = arith.constant 0 : i32
        %dma_wait3A_146 = tpu.memref_slice %arg6[%dma_wait3A_144, %dma_wait3A_145] : memref<10000x128xf32, #tpu.memory_space<hbm>> -> memref<10000x128xf32, #tpu.memory_space<hbm>>
        tpu.wait_indirect_dma semaphore(%arg19 : memref<!tpu.dma_semaphore, #tpu.memory_space<semaphore_mem>>) src(%dma_wait3A_146 : memref<10000x128xf32, #tpu.memory_space<hbm>>) dst(%arg15 : memref<128x128xf32, #tpu.memory_space<vmem>>)
        "tpu.region"() ({
          %run_scoped3A_171 = tpu.sem_alloc : memref<!tpu.dma_semaphore, #tpu.memory_space<semaphore_mem>>
          %dma_start3A_172 = arith.constant 0 : i32
          %dma_start3A_173 = tpu.memref_slice %arg14[%add3A_140, %dma_start3A_172] : memref<56x128xi32, #tpu.memory_space<vmem>> -> memref<1x128xi32, #tpu.memory_space<vmem>>
          %dma_start3A_174 = tpu.memref_squeeze %dma_start3A_173 : memref<1x128xi32, #tpu.memory_space<vmem>> -> memref<128xi32, #tpu.memory_space<vmem>>
          %dma_start3A_175 = arith.constant 0 : i32
          %dma_start3A_176 = arith.constant 0 : i32
          %dma_start3A_177 = tpu.memref_slice %arg11[%dma_start3A_175, %dma_start3A_176] : memref<10112x128xf32, #tpu.memory_space<vmem_shared>> -> memref<10112x128xf32, #tpu.memory_space<vmem_shared>>
          tpu.enqueue_indirect_dma source(%arg15 : memref<128x128xf32, #tpu.memory_space<vmem>>) target(%dma_start3A_177 : memref<10112x128xf32, #tpu.memory_space<vmem_shared>>) offsets(%dma_start3A_174 : memref<128xi32, #tpu.memory_space<vmem>>) semaphore(%run_scoped3A_171 : memref<!tpu.dma_semaphore, #tpu.memory_space<semaphore_mem>>) {add = true}
          %dma_wait3A_178 = arith.constant 0 : i32
          %dma_wait3A_179 = tpu.memref_slice %arg14[%add3A_140, %dma_wait3A_178] : memref<56x128xi32, #tpu.memory_space<vmem>> -> memref<1x128xi32, #tpu.memory_space<vmem>>
          %dma_wait3A_180 = tpu.memref_squeeze %dma_wait3A_179 : memref<1x128xi32, #tpu.memory_space<vmem>> -> memref<128xi32, #tpu.memory_space<vmem>>
          %dma_wait3A_181 = arith.constant 0 : i32
          %dma_wait3A_182 = arith.constant 0 : i32
          %dma_wait3A_183 = tpu.memref_slice %arg11[%dma_wait3A_181, %dma_wait3A_182] : memref<10112x128xf32, #tpu.memory_space<vmem_shared>> -> memref<10112x128xf32, #tpu.memory_space<vmem_shared>>
          tpu.wait_indirect_dma semaphore(%run_scoped3A_171 : memref<!tpu.dma_semaphore, #tpu.memory_space<semaphore_mem>>) src(%arg15 : memref<128x128xf32, #tpu.memory_space<vmem>>) dst(%dma_wait3A_183 : memref<10112x128xf32, #tpu.memory_space<vmem_shared>>)
          tpu.yield
        }) : () -> ()
        "tpu.region"() ({
          %run_scoped3A_171 = tpu.sem_alloc : memref<!tpu.dma_semaphore, #tpu.memory_space<semaphore_mem>>
          %dma_start3A_172 = arith.constant 0 : i32
          %dma_start3A_173 = tpu.memref_slice %arg14[%add3A_140, %dma_start3A_172] : memref<56x128xi32, #tpu.memory_space<vmem>> -> memref<1x128xi32, #tpu.memory_space<vmem>>
          %dma_start3A_174 = tpu.memref_squeeze %dma_start3A_173 : memref<1x128xi32, #tpu.memory_space<vmem>> -> memref<128xi32, #tpu.memory_space<vmem>>
          %dma_start3A_175 = arith.constant 0 : i32
          %dma_start3A_176 = tpu.memref_slice %arg12[%dma_start3A_175] : memref<10112xf32, #tpu.memory_space<vmem_shared>> -> memref<10112xf32, #tpu.memory_space<vmem_shared>>
          tpu.enqueue_indirect_dma source(%arg17 : memref<128xf32, #tpu.memory_space<vmem>>) target(%dma_start3A_176 : memref<10112xf32, #tpu.memory_space<vmem_shared>>) offsets(%dma_start3A_174 : memref<128xi32, #tpu.memory_space<vmem>>) semaphore(%run_scoped3A_171 : memref<!tpu.dma_semaphore, #tpu.memory_space<semaphore_mem>>) {add = true}
          %dma_wait3A_177 = arith.constant 0 : i32
          %dma_wait3A_178 = tpu.memref_slice %arg14[%add3A_140, %dma_wait3A_177] : memref<56x128xi32, #tpu.memory_space<vmem>> -> memref<1x128xi32, #tpu.memory_space<vmem>>
          %dma_wait3A_179 = tpu.memref_squeeze %dma_wait3A_178 : memref<1x128xi32, #tpu.memory_space<vmem>> -> memref<128xi32, #tpu.memory_space<vmem>>
          %dma_wait3A_180 = arith.constant 0 : i32
          %dma_wait3A_181 = tpu.memref_slice %arg12[%dma_wait3A_180] : memref<10112xf32, #tpu.memory_space<vmem_shared>> -> memref<10112xf32, #tpu.memory_space<vmem_shared>>
          tpu.wait_indirect_dma semaphore(%run_scoped3A_171 : memref<!tpu.dma_semaphore, #tpu.memory_space<semaphore_mem>>) src(%arg17 : memref<128xf32, #tpu.memory_space<vmem>>) dst(%dma_wait3A_181 : memref<10112xf32, #tpu.memory_space<vmem_shared>>)
          tpu.yield
        }) : () -> ()
        %add3A_147 = arith.constant 2 : i32
        %add3A_148 = arith.addi %add3A_140, %add3A_147 : i32
        %lt3A = arith.constant 48 : i32
        %lt3A_149 = arith.cmpi slt, %add3A_148, %lt3A : i32
        %convert_element_type3A_150 = arith.extui %lt3A_149 : i1 to i32
        %cond3A_151 = arith.constant 0 : i32
        %cond3A_152 = arith.cmpi ne, %convert_element_type3A_150, %cond3A_151 : i32
        scf.if %cond3A_152 {
          %add3A_171 = arith.constant 2 : i32
          %add3A_172 = arith.addi %add3A_140, %add3A_171 : i32
          %dma_start3A_173 = arith.constant 0 : i32
          %dma_start3A_174 = tpu.memref_slice %arg13[%add3A_172, %dma_start3A_173] : memref<56x128xi32, #tpu.memory_space<vmem>> -> memref<1x128xi32, #tpu.memory_space<vmem>>
          %dma_start3A_175 = tpu.memref_squeeze %dma_start3A_174 : memref<1x128xi32, #tpu.memory_space<vmem>> -> memref<128xi32, #tpu.memory_space<vmem>>
          %dma_start3A_176 = arith.constant 0 : i32
          %dma_start3A_177 = arith.constant 0 : i32
          %dma_start3A_178 = tpu.memref_slice %arg6[%dma_start3A_176, %dma_start3A_177] : memref<10000x128xf32, #tpu.memory_space<hbm>> -> memref<10000x128xf32, #tpu.memory_space<hbm>>
          tpu.enqueue_indirect_dma source(%dma_start3A_178 : memref<10000x128xf32, #tpu.memory_space<hbm>>) target(%arg15 : memref<128x128xf32, #tpu.memory_space<vmem>>) offsets(%dma_start3A_175 : memref<128xi32, #tpu.memory_space<vmem>>) semaphore(%arg19 : memref<!tpu.dma_semaphore, #tpu.memory_space<semaphore_mem>>)
        } else {
        }
        %mul3A_153 = arith.constant 2 : i32
        %mul3A_154 = arith.muli %mul3A_153, %add3A_136 : i32
        %add3A_155 = arith.constant 1 : i32
        %add3A_156 = arith.addi %mul3A_154, %add3A_155 : i32
        %dma_wait3A_157 = arith.constant 1 : i32
        %dma_wait3A_158 = arith.constant 0 : i32
        %dma_wait3A_159 = tpu.memref_slice %arg13[%dma_wait3A_157, %dma_wait3A_158] : memref<56x128xi32, #tpu.memory_space<vmem>> -> memref<1x128xi32, #tpu.memory_space<vmem>>
        %dma_wait3A_160 = tpu.memref_squeeze %dma_wait3A_159 : memref<1x128xi32, #tpu.memory_space<vmem>> -> memref<128xi32, #tpu.memory_space<vmem>>
        %dma_wait3A_161 = arith.constant 0 : i32
        %dma_wait3A_162 = arith.constant 0 : i32
        %dma_wait3A_163 = tpu.memref_slice %arg6[%dma_wait3A_161, %dma_wait3A_162] : memref<10000x128xf32, #tpu.memory_space<hbm>> -> memref<10000x128xf32, #tpu.memory_space<hbm>>
        tpu.wait_indirect_dma semaphore(%arg20 : memref<!tpu.dma_semaphore, #tpu.memory_space<semaphore_mem>>) src(%dma_wait3A_163 : memref<10000x128xf32, #tpu.memory_space<hbm>>) dst(%arg16 : memref<128x128xf32, #tpu.memory_space<vmem>>)
        "tpu.region"() ({
          %run_scoped3A_171 = tpu.sem_alloc : memref<!tpu.dma_semaphore, #tpu.memory_space<semaphore_mem>>
          %dma_start3A_172 = arith.constant 0 : i32
          %dma_start3A_173 = tpu.memref_slice %arg14[%add3A_156, %dma_start3A_172] : memref<56x128xi32, #tpu.memory_space<vmem>> -> memref<1x128xi32, #tpu.memory_space<vmem>>
          %dma_start3A_174 = tpu.memref_squeeze %dma_start3A_173 : memref<1x128xi32, #tpu.memory_space<vmem>> -> memref<128xi32, #tpu.memory_space<vmem>>
          %dma_start3A_175 = arith.constant 0 : i32
          %dma_start3A_176 = arith.constant 0 : i32
          %dma_start3A_177 = tpu.memref_slice %arg11[%dma_start3A_175, %dma_start3A_176] : memref<10112x128xf32, #tpu.memory_space<vmem_shared>> -> memref<10112x128xf32, #tpu.memory_space<vmem_shared>>
          tpu.enqueue_indirect_dma source(%arg16 : memref<128x128xf32, #tpu.memory_space<vmem>>) target(%dma_start3A_177 : memref<10112x128xf32, #tpu.memory_space<vmem_shared>>) offsets(%dma_start3A_174 : memref<128xi32, #tpu.memory_space<vmem>>) semaphore(%run_scoped3A_171 : memref<!tpu.dma_semaphore, #tpu.memory_space<semaphore_mem>>) {add = true}
          %dma_wait3A_178 = arith.constant 0 : i32
          %dma_wait3A_179 = tpu.memref_slice %arg14[%add3A_156, %dma_wait3A_178] : memref<56x128xi32, #tpu.memory_space<vmem>> -> memref<1x128xi32, #tpu.memory_space<vmem>>
          %dma_wait3A_180 = tpu.memref_squeeze %dma_wait3A_179 : memref<1x128xi32, #tpu.memory_space<vmem>> -> memref<128xi32, #tpu.memory_space<vmem>>
          %dma_wait3A_181 = arith.constant 0 : i32
          %dma_wait3A_182 = arith.constant 0 : i32
          %dma_wait3A_183 = tpu.memref_slice %arg11[%dma_wait3A_181, %dma_wait3A_182] : memref<10112x128xf32, #tpu.memory_space<vmem_shared>> -> memref<10112x128xf32, #tpu.memory_space<vmem_shared>>
          tpu.wait_indirect_dma semaphore(%run_scoped3A_171 : memref<!tpu.dma_semaphore, #tpu.memory_space<semaphore_mem>>) src(%arg16 : memref<128x128xf32, #tpu.memory_space<vmem>>) dst(%dma_wait3A_183 : memref<10112x128xf32, #tpu.memory_space<vmem_shared>>)
          tpu.yield
        }) : () -> ()
        "tpu.region"() ({
          %run_scoped3A_171 = tpu.sem_alloc : memref<!tpu.dma_semaphore, #tpu.memory_space<semaphore_mem>>
          %dma_start3A_172 = arith.constant 0 : i32
          %dma_start3A_173 = tpu.memref_slice %arg14[%add3A_156, %dma_start3A_172] : memref<56x128xi32, #tpu.memory_space<vmem>> -> memref<1x128xi32, #tpu.memory_space<vmem>>
          %dma_start3A_174 = tpu.memref_squeeze %dma_start3A_173 : memref<1x128xi32, #tpu.memory_space<vmem>> -> memref<128xi32, #tpu.memory_space<vmem>>
          %dma_start3A_175 = arith.constant 0 : i32
          %dma_start3A_176 = tpu.memref_slice %arg12[%dma_start3A_175] : memref<10112xf32, #tpu.memory_space<vmem_shared>> -> memref<10112xf32, #tpu.memory_space<vmem_shared>>
          tpu.enqueue_indirect_dma source(%arg17 : memref<128xf32, #tpu.memory_space<vmem>>) target(%dma_start3A_176 : memref<10112xf32, #tpu.memory_space<vmem_shared>>) offsets(%dma_start3A_174 : memref<128xi32, #tpu.memory_space<vmem>>) semaphore(%run_scoped3A_171 : memref<!tpu.dma_semaphore, #tpu.memory_space<semaphore_mem>>) {add = true}
          %dma_wait3A_177 = arith.constant 0 : i32
          %dma_wait3A_178 = tpu.memref_slice %arg14[%add3A_156, %dma_wait3A_177] : memref<56x128xi32, #tpu.memory_space<vmem>> -> memref<1x128xi32, #tpu.memory_space<vmem>>
          %dma_wait3A_179 = tpu.memref_squeeze %dma_wait3A_178 : memref<1x128xi32, #tpu.memory_space<vmem>> -> memref<128xi32, #tpu.memory_space<vmem>>
          %dma_wait3A_180 = arith.constant 0 : i32
          %dma_wait3A_181 = tpu.memref_slice %arg12[%dma_wait3A_180] : memref<10112xf32, #tpu.memory_space<vmem_shared>> -> memref<10112xf32, #tpu.memory_space<vmem_shared>>
          tpu.wait_indirect_dma semaphore(%run_scoped3A_171 : memref<!tpu.dma_semaphore, #tpu.memory_space<semaphore_mem>>) src(%arg17 : memref<128xf32, #tpu.memory_space<vmem>>) dst(%dma_wait3A_181 : memref<10112xf32, #tpu.memory_space<vmem_shared>>)
          tpu.yield
        }) : () -> ()
        %add3A_164 = arith.constant 2 : i32
        %add3A_165 = arith.addi %add3A_156, %add3A_164 : i32
        %lt3A_166 = arith.constant 48 : i32
        %lt3A_167 = arith.cmpi slt, %add3A_165, %lt3A_166 : i32
        %convert_element_type3A_168 = arith.extui %lt3A_167 : i1 to i32
        %cond3A_169 = arith.constant 0 : i32
        %cond3A_170 = arith.cmpi ne, %convert_element_type3A_168, %cond3A_169 : i32
        scf.if %cond3A_170 {
          %add3A_171 = arith.constant 2 : i32
          %add3A_172 = arith.addi %add3A_156, %add3A_171 : i32
          %dma_start3A_173 = arith.constant 0 : i32
          %dma_start3A_174 = tpu.memref_slice %arg13[%add3A_172, %dma_start3A_173] : memref<56x128xi32, #tpu.memory_space<vmem>> -> memref<1x128xi32, #tpu.memory_space<vmem>>
          %dma_start3A_175 = tpu.memref_squeeze %dma_start3A_174 : memref<1x128xi32, #tpu.memory_space<vmem>> -> memref<128xi32, #tpu.memory_space<vmem>>
          %dma_start3A_176 = arith.constant 0 : i32
          %dma_start3A_177 = arith.constant 0 : i32
          %dma_start3A_178 = tpu.memref_slice %arg6[%dma_start3A_176, %dma_start3A_177] : memref<10000x128xf32, #tpu.memory_space<hbm>> -> memref<10000x128xf32, #tpu.memory_space<hbm>>
          tpu.enqueue_indirect_dma source(%dma_start3A_178 : memref<10000x128xf32, #tpu.memory_space<hbm>>) target(%arg16 : memref<128x128xf32, #tpu.memory_space<vmem>>) offsets(%dma_start3A_175 : memref<128xi32, #tpu.memory_space<vmem>>) semaphore(%arg20 : memref<!tpu.dma_semaphore, #tpu.memory_space<semaphore_mem>>)
        } else {
        }
      }
      %scan3A_121 = arith.constant 24 : i32
      %barrier3A_122 = arith.constant 0 : index
      tpu.barrier barrier_id(%barrier3A_122)
      %mul3A_123 = arith.constant 632 : i32
      %mul3A_124 = arith.muli %arg1, %mul3A_123 : i32
      %mul3A_125 = arith.constant 632 : i32
      %mul3A_126 = arith.muli %arg1, %mul3A_125 : i32
      "tpu.region"() ({
        %run_scoped3A_132 = tpu.sem_alloc : memref<!tpu.dma_semaphore, #tpu.memory_space<semaphore_mem>>
        %dma_start3A_133 = arith.constant 0 : i32
        %dma_start3A_134 = tpu.memref_slice %arg7[%mul3A_126, %dma_start3A_133] : memref<10112x128xf32, #tpu.memory_space<hbm>> -> memref<632x128xf32, #tpu.memory_space<hbm>>
        %dma_start3A_135 = arith.constant 0 : i32
        %dma_start3A_136 = tpu.memref_slice %arg11[%mul3A_124, %dma_start3A_135] : memref<10112x128xf32, #tpu.memory_space<vmem_shared>> -> memref<632x128xf32, #tpu.memory_space<vmem_shared>>
        tpu.enqueue_dma source(%dma_start3A_136 : memref<632x128xf32, #tpu.memory_space<vmem_shared>>) target(%dma_start3A_134 : memref<632x128xf32, #tpu.memory_space<hbm>>) target_semaphore(%run_scoped3A_132 : memref<!tpu.dma_semaphore, #tpu.memory_space<semaphore_mem>>)
        %dma_wait3A = arith.constant 0 : i32
        %dma_wait3A_137 = tpu.memref_slice %arg7[%mul3A_126, %dma_wait3A] : memref<10112x128xf32, #tpu.memory_space<hbm>> -> memref<632x128xf32, #tpu.memory_space<hbm>>
        %dma_wait3A_138 = arith.constant 0 : i32
        %dma_wait3A_139 = tpu.memref_slice %arg11[%mul3A_124, %dma_wait3A_138] : memref<10112x128xf32, #tpu.memory_space<vmem_shared>> -> memref<632x128xf32, #tpu.memory_space<vmem_shared>>
        tpu.wait_dma2 semaphore(%run_scoped3A_132 : memref<!tpu.dma_semaphore, #tpu.memory_space<semaphore_mem>>) src(%dma_wait3A_139 : memref<632x128xf32, #tpu.memory_space<vmem_shared>>) dst(%dma_wait3A_137 : memref<632x128xf32, #tpu.memory_space<hbm>>)
        tpu.yield
      }) : () -> ()
      %mul3A_127 = arith.constant 632 : i32
      %mul3A_128 = arith.muli %arg1, %mul3A_127 : i32
      "tpu.region"() ({
        %run_scoped3A_132 = tpu.sem_alloc : memref<!tpu.dma_semaphore, #tpu.memory_space<semaphore_mem>>
        %dma_start3A_133 = tpu.memref_slice %arg12[%mul3A_128] : memref<10112xf32, #tpu.memory_space<vmem_shared>> -> memref<632xf32, #tpu.memory_space<vmem_shared>>
        %dma_start3A_134 = tpu.memref_slice %arg12[%mul3A_128] : memref<10112xf32, #tpu.memory_space<vmem_shared>> -> memref<632xf32, #tpu.memory_space<vmem_shared>>
        tpu.enqueue_dma source(%dma_start3A_134 : memref<632xf32, #tpu.memory_space<vmem_shared>>) target(%arg18 : memref<632xf32, #tpu.memory_space<vmem>>) target_semaphore(%run_scoped3A_132 : memref<!tpu.dma_semaphore, #tpu.memory_space<semaphore_mem>>)
        %dma_wait3A = tpu.memref_slice %arg12[%mul3A_128] : memref<10112xf32, #tpu.memory_space<vmem_shared>> -> memref<632xf32, #tpu.memory_space<vmem_shared>>
        %dma_wait3A_135 = tpu.memref_slice %arg12[%mul3A_128] : memref<10112xf32, #tpu.memory_space<vmem_shared>> -> memref<632xf32, #tpu.memory_space<vmem_shared>>
        tpu.wait_dma2 semaphore(%run_scoped3A_132 : memref<!tpu.dma_semaphore, #tpu.memory_space<semaphore_mem>>) src(%dma_wait3A_135 : memref<632xf32, #tpu.memory_space<vmem_shared>>) dst(%arg18 : memref<632xf32, #tpu.memory_space<vmem>>)
        tpu.yield
      }) : () -> ()
      %mul3A_129 = arith.constant 632 : i32
      %mul3A_130 = arith.muli %arg1, %mul3A_129 : i32
      "tpu.region"() ({
        %run_scoped3A_132 = tpu.sem_alloc : memref<!tpu.dma_semaphore, #tpu.memory_space<semaphore_mem>>
        %dma_start3A_133 = tpu.memref_slice %arg8[%mul3A_130] : memref<10112xf32, #tpu.memory_space<hbm>> -> memref<632xf32, #tpu.memory_space<hbm>>
        %dma_start3A_134 = tpu.memref_slice %arg8[%mul3A_130] : memref<10112xf32, #tpu.memory_space<hbm>> -> memref<632xf32, #tpu.memory_space<hbm>>
        tpu.enqueue_dma source(%arg18 : memref<632xf32, #tpu.memory_space<vmem>>) target(%dma_start3A_134 : memref<632xf32, #tpu.memory_space<hbm>>) target_semaphore(%run_scoped3A_132 : memref<!tpu.dma_semaphore, #tpu.memory_space<semaphore_mem>>)
        %dma_wait3A = tpu.memref_slice %arg8[%mul3A_130] : memref<10112xf32, #tpu.memory_space<hbm>> -> memref<632xf32, #tpu.memory_space<hbm>>
        %dma_wait3A_135 = tpu.memref_slice %arg8[%mul3A_130] : memref<10112xf32, #tpu.memory_space<hbm>> -> memref<632xf32, #tpu.memory_space<hbm>>
        tpu.wait_dma2 semaphore(%run_scoped3A_132 : memref<!tpu.dma_semaphore, #tpu.memory_space<semaphore_mem>>) src(%arg18 : memref<632xf32, #tpu.memory_space<vmem>>) dst(%dma_wait3A_135 : memref<632xf32, #tpu.memory_space<hbm>>)
        tpu.yield
      }) : () -> ()
      %barrier3A_131 = arith.constant 0 : index
      tpu.barrier barrier_id(%barrier3A_131)
    } else {
    }
    %eq3A_7 = arith.constant 1 : i32
    %eq3A_8 = arith.cmpi eq, %arg0, %eq3A_7 : i32
    %convert_element_type3A_9 = arith.extui %eq3A_8 : i1 to i32
    %cond3A_10 = arith.constant 0 : i32
    %cond3A_11 = arith.cmpi ne, %convert_element_type3A_9, %cond3A_10 : i32
    scf.if %cond3A_11 {
      %scan3A_12 = arith.constant 0 : i32
      %scan3A_13 = arith.constant 1024 : i32
      %scan3A_14 = arith.addi %scan3A_12, %scan3A_13 : i32
      %scan3A_15 = arith.constant 1 : i32
      scf.for %scan3A_132 = %scan3A_12 to %scan3A_14 step %scan3A_15  : i32 {
        %mul3A_133 = arith.constant 1 : i32
        %mul3A_134 = arith.muli %scan3A_132, %mul3A_133 : i32
        %add3A_135 = arith.constant 0 : i32
        %add3A_136 = arith.addi %add3A_135, %mul3A_134 : i32
        %broadcast_in_dim3A = arith.constant 0.000000e+00 : f32
        %broadcast_in_dim3A_137 = vector.broadcast %broadcast_in_dim3A : f32 to vector<16xf32>
        %jit3A = arith.constant 8 : i32
        %div3A = arith.divsi %add3A_136, %jit3A : i32
        %sign3A = arith.constant 0 : i32
        %sign3A_138 = arith.cmpi sgt, %add3A_136, %sign3A : i32
        %sign3A_139 = arith.extui %sign3A_138 : i1 to i32
        %sign3A_140 = arith.constant 0 : i32
        %sign3A_141 = arith.cmpi slt, %add3A_136, %sign3A_140 : i32
        %sign3A_142 = arith.extui %sign3A_141 : i1 to i32
        %sign3A_143 = arith.subi %sign3A_139, %sign3A_142 : i32
        %sign3A_144 = arith.constant 0 : i32
        %sign3A_145 = arith.cmpi sgt, %jit3A, %sign3A_144 : i32
        %sign3A_146 = arith.extui %sign3A_145 : i1 to i32
        %sign3A_147 = arith.constant 0 : i32
        %sign3A_148 = arith.cmpi slt, %jit3A, %sign3A_147 : i32
        %sign3A_149 = arith.extui %sign3A_148 : i1 to i32
        %sign3A_150 = arith.subi %sign3A_146, %sign3A_149 : i32
        %ne3A = arith.cmpi ne, %sign3A_143, %sign3A_150 : i32
        %rem3A = arith.remsi %add3A_136, %jit3A : i32
        %ne3A_151 = arith.constant 0 : i32
        %ne3A_152 = arith.cmpi ne, %rem3A, %ne3A_151 : i32
        %and3A = arith.andi %ne3A, %ne3A_152 : i1
        %sub3A = arith.constant 1 : i32
        %sub3A_153 = arith.subi %div3A, %sub3A : i32
        %select_n3A = arith.select %and3A, %sub3A_153, %div3A : i32
        %jit3A_154 = arith.constant 8 : i32
        %eq3A_155 = arith.constant 0 : i32
        %eq3A_156 = arith.cmpi eq, %jit3A_154, %eq3A_155 : i32
        %jit3A_157 = arith.constant 1 : i32
        %select_n3A_158 = arith.select %eq3A_156, %jit3A_157, %jit3A_154 : i32
        %rem3A_159 = arith.remsi %add3A_136, %select_n3A_158 : i32
        %ne3A_160 = arith.constant 0 : i32
        %ne3A_161 = arith.cmpi ne, %rem3A_159, %ne3A_160 : i32
        %lt3A = arith.constant 0 : i32
        %lt3A_162 = arith.cmpi slt, %rem3A_159, %lt3A : i32
        %lt3A_163 = arith.constant 0 : i32
        %lt3A_164 = arith.cmpi slt, %select_n3A_158, %lt3A_163 : i32
        %ne3A_165 = arith.xori %lt3A_162, %lt3A_164 : i1
        %and3A_166 = arith.andi %ne3A_165, %ne3A_161 : i1
        %add3A_167 = arith.addi %rem3A_159, %select_n3A_158 : i32
        %select_n3A_168 = arith.select %and3A_166, %add3A_167, %rem3A_159 : i32
        %mul3A_169 = arith.constant 16 : i32
        %mul3A_170 = arith.muli %select_n3A_168, %mul3A_169 : i32
        %swap3A = arith.index_cast %select_n3A : i32 to index
        %swap3A_171 = arith.index_cast %mul3A_170 : i32 to index
        %swap3A_172 = tpu.vector_load %arg15[%swap3A, %swap3A_171] {strides = array<i32>} : memref<128x128xf32, #tpu.memory_space<vmem>>, vector<1x16xf32>,
        %swap3A_173 = vector.shape_cast %swap3A_172 : vector<1x16xf32> to vector<16xf32>
        %swap3A_174 = vector.shape_cast %broadcast_in_dim3A_137 : vector<16xf32> to vector<1x16xf32>
        tpu.vector_store %arg15[%swap3A, %swap3A_171], %swap3A_174 {strides = array<i32>} : memref<128x128xf32, #tpu.memory_space<vmem>>, vector<1x16xf32>,
      }
      %scan3A_16 = arith.constant 1024 : i32
      %mul3A_17 = arith.constant 632 : i32
      %mul3A_18 = arith.muli %arg1, %mul3A_17 : i32
      %add3A = arith.constant 0 : i32
      %add3A_19 = arith.addi %mul3A_18, %add3A : i32
      "tpu.region"() ({
        %run_scoped3A_132 = tpu.sem_alloc : memref<!tpu.dma_semaphore, #tpu.memory_space<semaphore_mem>>
        %dma_start3A_133 = arith.constant 0 : i32
        %dma_start3A_134 = arith.constant 0 : i32
        %dma_start3A_135 = tpu.memref_slice %arg15[%dma_start3A_133, %dma_start3A_134] : memref<128x128xf32, #tpu.memory_space<vmem>> -> memref<128x128xf32, #tpu.memory_space<vmem>>
        %dma_start3A_136 = arith.constant 0 : i32
        %dma_start3A_137 = tpu.memref_slice %arg11[%add3A_19, %dma_start3A_136] : memref<10112x128xf32, #tpu.memory_space<vmem_shared>> -> memref<128x128xf32, #tpu.memory_space<vmem_shared>>
        %dma_start3A_138 = arith.constant 0 : i32
        %dma_start3A_139 = tpu.memref_slice %arg11[%add3A_19, %dma_start3A_138] : memref<10112x128xf32, #tpu.memory_space<vmem_shared>> -> memref<128x128xf32, #tpu.memory_space<vmem_shared>>
        %dma_start3A_140 = arith.constant 0 : i32
        %dma_start3A_141 = arith.constant 0 : i32
        %dma_start3A_142 = tpu.memref_slice %arg15[%dma_start3A_140, %dma_start3A_141] : memref<128x128xf32, #tpu.memory_space<vmem>> -> memref<128x128xf32, #tpu.memory_space<vmem>>
        tpu.enqueue_dma source(%dma_start3A_142 : memref<128x128xf32, #tpu.memory_space<vmem>>) target(%dma_start3A_139 : memref<128x128xf32, #tpu.memory_space<vmem_shared>>) target_semaphore(%run_scoped3A_132 : memref<!tpu.dma_semaphore, #tpu.memory_space<semaphore_mem>>)
        %dma_wait3A = arith.constant 0 : i32
        %dma_wait3A_143 = arith.constant 0 : i32
        %dma_wait3A_144 = tpu.memref_slice %arg15[%dma_wait3A, %dma_wait3A_143] : memref<128x128xf32, #tpu.memory_space<vmem>> -> memref<128x128xf32, #tpu.memory_space<vmem>>
        %dma_wait3A_145 = arith.constant 0 : i32
        %dma_wait3A_146 = tpu.memref_slice %arg11[%add3A_19, %dma_wait3A_145] : memref<10112x128xf32, #tpu.memory_space<vmem_shared>> -> memref<128x128xf32, #tpu.memory_space<vmem_shared>>
        %dma_wait3A_147 = arith.constant 0 : i32
        %dma_wait3A_148 = tpu.memref_slice %arg11[%add3A_19, %dma_wait3A_147] : memref<10112x128xf32, #tpu.memory_space<vmem_shared>> -> memref<128x128xf32, #tpu.memory_space<vmem_shared>>
        %dma_wait3A_149 = arith.constant 0 : i32
        %dma_wait3A_150 = arith.constant 0 : i32
        %dma_wait3A_151 = tpu.memref_slice %arg15[%dma_wait3A_149, %dma_wait3A_150] : memref<128x128xf32, #tpu.memory_space<vmem>> -> memref<128x128xf32, #tpu.memory_space<vmem>>
        tpu.wait_dma2 semaphore(%run_scoped3A_132 : memref<!tpu.dma_semaphore, #tpu.memory_space<semaphore_mem>>) src(%dma_wait3A_151 : memref<128x128xf32, #tpu.memory_space<vmem>>) dst(%dma_wait3A_148 : memref<128x128xf32, #tpu.memory_space<vmem_shared>>)
        tpu.yield
      }) : () -> ()
      %mul3A_20 = arith.constant 632 : i32
      %mul3A_21 = arith.muli %arg1, %mul3A_20 : i32
      %add3A_22 = arith.constant 128 : i32
      %add3A_23 = arith.addi %mul3A_21, %add3A_22 : i32
      "tpu.region"() ({
        %run_scoped3A_132 = tpu.sem_alloc : memref<!tpu.dma_semaphore, #tpu.memory_space<semaphore_mem>>
        %dma_start3A_133 = arith.constant 0 : i32
        %dma_start3A_134 = arith.constant 0 : i32
        %dma_start3A_135 = tpu.memref_slice %arg15[%dma_start3A_133, %dma_start3A_134] : memref<128x128xf32, #tpu.memory_space<vmem>> -> memref<128x128xf32, #tpu.memory_space<vmem>>
        %dma_start3A_136 = arith.constant 0 : i32
        %dma_start3A_137 = tpu.memref_slice %arg11[%add3A_23, %dma_start3A_136] : memref<10112x128xf32, #tpu.memory_space<vmem_shared>> -> memref<128x128xf32, #tpu.memory_space<vmem_shared>>
        %dma_start3A_138 = arith.constant 0 : i32
        %dma_start3A_139 = tpu.memref_slice %arg11[%add3A_23, %dma_start3A_138] : memref<10112x128xf32, #tpu.memory_space<vmem_shared>> -> memref<128x128xf32, #tpu.memory_space<vmem_shared>>
        %dma_start3A_140 = arith.constant 0 : i32
        %dma_start3A_141 = arith.constant 0 : i32
        %dma_start3A_142 = tpu.memref_slice %arg15[%dma_start3A_140, %dma_start3A_141] : memref<128x128xf32, #tpu.memory_space<vmem>> -> memref<128x128xf32, #tpu.memory_space<vmem>>
        tpu.enqueue_dma source(%dma_start3A_142 : memref<128x128xf32, #tpu.memory_space<vmem>>) target(%dma_start3A_139 : memref<128x128xf32, #tpu.memory_space<vmem_shared>>) target_semaphore(%run_scoped3A_132 : memref<!tpu.dma_semaphore, #tpu.memory_space<semaphore_mem>>)
        %dma_wait3A = arith.constant 0 : i32
        %dma_wait3A_143 = arith.constant 0 : i32
        %dma_wait3A_144 = tpu.memref_slice %arg15[%dma_wait3A, %dma_wait3A_143] : memref<128x128xf32, #tpu.memory_space<vmem>> -> memref<128x128xf32, #tpu.memory_space<vmem>>
        %dma_wait3A_145 = arith.constant 0 : i32
        %dma_wait3A_146 = tpu.memref_slice %arg11[%add3A_23, %dma_wait3A_145] : memref<10112x128xf32, #tpu.memory_space<vmem_shared>> -> memref<128x128xf32, #tpu.memory_space<vmem_shared>>
        %dma_wait3A_147 = arith.constant 0 : i32
        %dma_wait3A_148 = tpu.memref_slice %arg11[%add3A_23, %dma_wait3A_147] : memref<10112x128xf32, #tpu.memory_space<vmem_shared>> -> memref<128x128xf32, #tpu.memory_space<vmem_shared>>
        %dma_wait3A_149 = arith.constant 0 : i32
        %dma_wait3A_150 = arith.constant 0 : i32
        %dma_wait3A_151 = tpu.memref_slice %arg15[%dma_wait3A_149, %dma_wait3A_150] : memref<128x128xf32, #tpu.memory_space<vmem>> -> memref<128x128xf32, #tpu.memory_space<vmem>>
        tpu.wait_dma2 semaphore(%run_scoped3A_132 : memref<!tpu.dma_semaphore, #tpu.memory_space<semaphore_mem>>) src(%dma_wait3A_151 : memref<128x128xf32, #tpu.memory_space<vmem>>) dst(%dma_wait3A_148 : memref<128x128xf32, #tpu.memory_space<vmem_shared>>)
        tpu.yield
      }) : () -> ()
      %mul3A_24 = arith.constant 632 : i32
      %mul3A_25 = arith.muli %arg1, %mul3A_24 : i32
      %add3A_26 = arith.constant 256 : i32
      %add3A_27 = arith.addi %mul3A_25, %add3A_26 : i32
      "tpu.region"() ({
        %run_scoped3A_132 = tpu.sem_alloc : memref<!tpu.dma_semaphore, #tpu.memory_space<semaphore_mem>>
        %dma_start3A_133 = arith.constant 0 : i32
        %dma_start3A_134 = arith.constant 0 : i32
        %dma_start3A_135 = tpu.memref_slice %arg15[%dma_start3A_133, %dma_start3A_134] : memref<128x128xf32, #tpu.memory_space<vmem>> -> memref<128x128xf32, #tpu.memory_space<vmem>>
        %dma_start3A_136 = arith.constant 0 : i32
        %dma_start3A_137 = tpu.memref_slice %arg11[%add3A_27, %dma_start3A_136] : memref<10112x128xf32, #tpu.memory_space<vmem_shared>> -> memref<128x128xf32, #tpu.memory_space<vmem_shared>>
        %dma_start3A_138 = arith.constant 0 : i32
        %dma_start3A_139 = tpu.memref_slice %arg11[%add3A_27, %dma_start3A_138] : memref<10112x128xf32, #tpu.memory_space<vmem_shared>> -> memref<128x128xf32, #tpu.memory_space<vmem_shared>>
        %dma_start3A_140 = arith.constant 0 : i32
        %dma_start3A_141 = arith.constant 0 : i32
        %dma_start3A_142 = tpu.memref_slice %arg15[%dma_start3A_140, %dma_start3A_141] : memref<128x128xf32, #tpu.memory_space<vmem>> -> memref<128x128xf32, #tpu.memory_space<vmem>>
        tpu.enqueue_dma source(%dma_start3A_142 : memref<128x128xf32, #tpu.memory_space<vmem>>) target(%dma_start3A_139 : memref<128x128xf32, #tpu.memory_space<vmem_shared>>) target_semaphore(%run_scoped3A_132 : memref<!tpu.dma_semaphore, #tpu.memory_space<semaphore_mem>>)
        %dma_wait3A = arith.constant 0 : i32
        %dma_wait3A_143 = arith.constant 0 : i32
        %dma_wait3A_144 = tpu.memref_slice %arg15[%dma_wait3A, %dma_wait3A_143] : memref<128x128xf32, #tpu.memory_space<vmem>> -> memref<128x128xf32, #tpu.memory_space<vmem>>
        %dma_wait3A_145 = arith.constant 0 : i32
        %dma_wait3A_146 = tpu.memref_slice %arg11[%add3A_27, %dma_wait3A_145] : memref<10112x128xf32, #tpu.memory_space<vmem_shared>> -> memref<128x128xf32, #tpu.memory_space<vmem_shared>>
        %dma_wait3A_147 = arith.constant 0 : i32
        %dma_wait3A_148 = tpu.memref_slice %arg11[%add3A_27, %dma_wait3A_147] : memref<10112x128xf32, #tpu.memory_space<vmem_shared>> -> memref<128x128xf32, #tpu.memory_space<vmem_shared>>
        %dma_wait3A_149 = arith.constant 0 : i32
        %dma_wait3A_150 = arith.constant 0 : i32
        %dma_wait3A_151 = tpu.memref_slice %arg15[%dma_wait3A_149, %dma_wait3A_150] : memref<128x128xf32, #tpu.memory_space<vmem>> -> memref<128x128xf32, #tpu.memory_space<vmem>>
        tpu.wait_dma2 semaphore(%run_scoped3A_132 : memref<!tpu.dma_semaphore, #tpu.memory_space<semaphore_mem>>) src(%dma_wait3A_151 : memref<128x128xf32, #tpu.memory_space<vmem>>) dst(%dma_wait3A_148 : memref<128x128xf32, #tpu.memory_space<vmem_shared>>)
        tpu.yield
      }) : () -> ()
      %mul3A_28 = arith.constant 632 : i32
      %mul3A_29 = arith.muli %arg1, %mul3A_28 : i32
      %add3A_30 = arith.constant 384 : i32
      %add3A_31 = arith.addi %mul3A_29, %add3A_30 : i32
      "tpu.region"() ({
        %run_scoped3A_132 = tpu.sem_alloc : memref<!tpu.dma_semaphore, #tpu.memory_space<semaphore_mem>>
        %dma_start3A_133 = arith.constant 0 : i32
        %dma_start3A_134 = arith.constant 0 : i32
        %dma_start3A_135 = tpu.memref_slice %arg15[%dma_start3A_133, %dma_start3A_134] : memref<128x128xf32, #tpu.memory_space<vmem>> -> memref<128x128xf32, #tpu.memory_space<vmem>>
        %dma_start3A_136 = arith.constant 0 : i32
        %dma_start3A_137 = tpu.memref_slice %arg11[%add3A_31, %dma_start3A_136] : memref<10112x128xf32, #tpu.memory_space<vmem_shared>> -> memref<128x128xf32, #tpu.memory_space<vmem_shared>>
        %dma_start3A_138 = arith.constant 0 : i32
        %dma_start3A_139 = tpu.memref_slice %arg11[%add3A_31, %dma_start3A_138] : memref<10112x128xf32, #tpu.memory_space<vmem_shared>> -> memref<128x128xf32, #tpu.memory_space<vmem_shared>>
        %dma_start3A_140 = arith.constant 0 : i32
        %dma_start3A_141 = arith.constant 0 : i32
        %dma_start3A_142 = tpu.memref_slice %arg15[%dma_start3A_140, %dma_start3A_141] : memref<128x128xf32, #tpu.memory_space<vmem>> -> memref<128x128xf32, #tpu.memory_space<vmem>>
        tpu.enqueue_dma source(%dma_start3A_142 : memref<128x128xf32, #tpu.memory_space<vmem>>) target(%dma_start3A_139 : memref<128x128xf32, #tpu.memory_space<vmem_shared>>) target_semaphore(%run_scoped3A_132 : memref<!tpu.dma_semaphore, #tpu.memory_space<semaphore_mem>>)
        %dma_wait3A = arith.constant 0 : i32
        %dma_wait3A_143 = arith.constant 0 : i32
        %dma_wait3A_144 = tpu.memref_slice %arg15[%dma_wait3A, %dma_wait3A_143] : memref<128x128xf32, #tpu.memory_space<vmem>> -> memref<128x128xf32, #tpu.memory_space<vmem>>
        %dma_wait3A_145 = arith.constant 0 : i32
        %dma_wait3A_146 = tpu.memref_slice %arg11[%add3A_31, %dma_wait3A_145] : memref<10112x128xf32, #tpu.memory_space<vmem_shared>> -> memref<128x128xf32, #tpu.memory_space<vmem_shared>>
        %dma_wait3A_147 = arith.constant 0 : i32
        %dma_wait3A_148 = tpu.memref_slice %arg11[%add3A_31, %dma_wait3A_147] : memref<10112x128xf32, #tpu.memory_space<vmem_shared>> -> memref<128x128xf32, #tpu.memory_space<vmem_shared>>
        %dma_wait3A_149 = arith.constant 0 : i32
        %dma_wait3A_150 = arith.constant 0 : i32
        %dma_wait3A_151 = tpu.memref_slice %arg15[%dma_wait3A_149, %dma_wait3A_150] : memref<128x128xf32, #tpu.memory_space<vmem>> -> memref<128x128xf32, #tpu.memory_space<vmem>>
        tpu.wait_dma2 semaphore(%run_scoped3A_132 : memref<!tpu.dma_semaphore, #tpu.memory_space<semaphore_mem>>) src(%dma_wait3A_151 : memref<128x128xf32, #tpu.memory_space<vmem>>) dst(%dma_wait3A_148 : memref<128x128xf32, #tpu.memory_space<vmem_shared>>)
        tpu.yield
      }) : () -> ()
      %mul3A_32 = arith.constant 632 : i32
      %mul3A_33 = arith.muli %arg1, %mul3A_32 : i32
      %add3A_34 = arith.constant 512 : i32
      %add3A_35 = arith.addi %mul3A_33, %add3A_34 : i32
      "tpu.region"() ({
        %run_scoped3A_132 = tpu.sem_alloc : memref<!tpu.dma_semaphore, #tpu.memory_space<semaphore_mem>>
        %dma_start3A_133 = arith.constant 0 : i32
        %dma_start3A_134 = arith.constant 0 : i32
        %dma_start3A_135 = tpu.memref_slice %arg15[%dma_start3A_133, %dma_start3A_134] : memref<128x128xf32, #tpu.memory_space<vmem>> -> memref<120x128xf32, #tpu.memory_space<vmem>>
        %dma_start3A_136 = arith.constant 0 : i32
        %dma_start3A_137 = tpu.memref_slice %arg11[%add3A_35, %dma_start3A_136] : memref<10112x128xf32, #tpu.memory_space<vmem_shared>> -> memref<120x128xf32, #tpu.memory_space<vmem_shared>>
        %dma_start3A_138 = arith.constant 0 : i32
        %dma_start3A_139 = tpu.memref_slice %arg11[%add3A_35, %dma_start3A_138] : memref<10112x128xf32, #tpu.memory_space<vmem_shared>> -> memref<120x128xf32, #tpu.memory_space<vmem_shared>>
        %dma_start3A_140 = arith.constant 0 : i32
        %dma_start3A_141 = arith.constant 0 : i32
        %dma_start3A_142 = tpu.memref_slice %arg15[%dma_start3A_140, %dma_start3A_141] : memref<128x128xf32, #tpu.memory_space<vmem>> -> memref<120x128xf32, #tpu.memory_space<vmem>>
        tpu.enqueue_dma source(%dma_start3A_142 : memref<120x128xf32, #tpu.memory_space<vmem>>) target(%dma_start3A_139 : memref<120x128xf32, #tpu.memory_space<vmem_shared>>) target_semaphore(%run_scoped3A_132 : memref<!tpu.dma_semaphore, #tpu.memory_space<semaphore_mem>>)
        %dma_wait3A = arith.constant 0 : i32
        %dma_wait3A_143 = arith.constant 0 : i32
        %dma_wait3A_144 = tpu.memref_slice %arg15[%dma_wait3A, %dma_wait3A_143] : memref<128x128xf32, #tpu.memory_space<vmem>> -> memref<120x128xf32, #tpu.memory_space<vmem>>
        %dma_wait3A_145 = arith.constant 0 : i32
        %dma_wait3A_146 = tpu.memref_slice %arg11[%add3A_35, %dma_wait3A_145] : memref<10112x128xf32, #tpu.memory_space<vmem_shared>> -> memref<120x128xf32, #tpu.memory_space<vmem_shared>>
        %dma_wait3A_147 = arith.constant 0 : i32
        %dma_wait3A_148 = tpu.memref_slice %arg11[%add3A_35, %dma_wait3A_147] : memref<10112x128xf32, #tpu.memory_space<vmem_shared>> -> memref<120x128xf32, #tpu.memory_space<vmem_shared>>
        %dma_wait3A_149 = arith.constant 0 : i32
        %dma_wait3A_150 = arith.constant 0 : i32
        %dma_wait3A_151 = tpu.memref_slice %arg15[%dma_wait3A_149, %dma_wait3A_150] : memref<128x128xf32, #tpu.memory_space<vmem>> -> memref<120x128xf32, #tpu.memory_space<vmem>>
        tpu.wait_dma2 semaphore(%run_scoped3A_132 : memref<!tpu.dma_semaphore, #tpu.memory_space<semaphore_mem>>) src(%dma_wait3A_151 : memref<120x128xf32, #tpu.memory_space<vmem>>) dst(%dma_wait3A_148 : memref<120x128xf32, #tpu.memory_space<vmem_shared>>)
        tpu.yield
      }) : () -> ()
      %mul3A_36 = arith.constant 632 : i32
      %mul3A_37 = arith.muli %arg1, %mul3A_36 : i32
      %add3A_38 = arith.constant 0 : i32
      %add3A_39 = arith.addi %mul3A_37, %add3A_38 : i32
      %run_scoped3A = arith.constant 0 : i32
      "tpu.region"() ({
        %run_scoped3A_132 = tpu.sem_alloc : memref<!tpu.dma_semaphore, #tpu.memory_space<semaphore_mem>>
        %dma_start3A_133 = arith.constant 0 : i32
        %dma_start3A_134 = tpu.memref_slice %arg15[%run_scoped3A, %dma_start3A_133] : memref<128x128xf32, #tpu.memory_space<vmem>> -> memref<1x128xf32, #tpu.memory_space<vmem>>
        %dma_start3A_135 = tpu.memref_squeeze %dma_start3A_134 : memref<1x128xf32, #tpu.memory_space<vmem>> -> memref<128xf32, #tpu.memory_space<vmem>>
        %dma_start3A_136 = tpu.memref_slice %arg12[%add3A_39] : memref<10112xf32, #tpu.memory_space<vmem_shared>> -> memref<128xf32, #tpu.memory_space<vmem_shared>>
        %dma_start3A_137 = tpu.memref_slice %arg12[%add3A_39] : memref<10112xf32, #tpu.memory_space<vmem_shared>> -> memref<128xf32, #tpu.memory_space<vmem_shared>>
        %dma_start3A_138 = arith.constant 0 : i32
        %dma_start3A_139 = tpu.memref_slice %arg15[%run_scoped3A, %dma_start3A_138] : memref<128x128xf32, #tpu.memory_space<vmem>> -> memref<1x128xf32, #tpu.memory_space<vmem>>
        %dma_start3A_140 = tpu.memref_squeeze %dma_start3A_139 : memref<1x128xf32, #tpu.memory_space<vmem>> -> memref<128xf32, #tpu.memory_space<vmem>>
        tpu.enqueue_dma source(%dma_start3A_140 : memref<128xf32, #tpu.memory_space<vmem>>) target(%dma_start3A_137 : memref<128xf32, #tpu.memory_space<vmem_shared>>) target_semaphore(%run_scoped3A_132 : memref<!tpu.dma_semaphore, #tpu.memory_space<semaphore_mem>>)
        %dma_wait3A = arith.constant 0 : i32
        %dma_wait3A_141 = tpu.memref_slice %arg15[%run_scoped3A, %dma_wait3A] : memref<128x128xf32, #tpu.memory_space<vmem>> -> memref<1x128xf32, #tpu.memory_space<vmem>>
        %dma_wait3A_142 = tpu.memref_squeeze %dma_wait3A_141 : memref<1x128xf32, #tpu.memory_space<vmem>> -> memref<128xf32, #tpu.memory_space<vmem>>
        %dma_wait3A_143 = tpu.memref_slice %arg12[%add3A_39] : memref<10112xf32, #tpu.memory_space<vmem_shared>> -> memref<128xf32, #tpu.memory_space<vmem_shared>>
        %dma_wait3A_144 = tpu.memref_slice %arg12[%add3A_39] : memref<10112xf32, #tpu.memory_space<vmem_shared>> -> memref<128xf32, #tpu.memory_space<vmem_shared>>
        %dma_wait3A_145 = arith.constant 0 : i32
        %dma_wait3A_146 = tpu.memref_slice %arg15[%run_scoped3A, %dma_wait3A_145] : memref<128x128xf32, #tpu.memory_space<vmem>> -> memref<1x128xf32, #tpu.memory_space<vmem>>
        %dma_wait3A_147 = tpu.memref_squeeze %dma_wait3A_146 : memref<1x128xf32, #tpu.memory_space<vmem>> -> memref<128xf32, #tpu.memory_space<vmem>>
        tpu.wait_dma2 semaphore(%run_scoped3A_132 : memref<!tpu.dma_semaphore, #tpu.memory_space<semaphore_mem>>) src(%dma_wait3A_147 : memref<128xf32, #tpu.memory_space<vmem>>) dst(%dma_wait3A_144 : memref<128xf32, #tpu.memory_space<vmem_shared>>)
        tpu.yield
      }) : () -> ()
      %mul3A_40 = arith.constant 632 : i32
      %mul3A_41 = arith.muli %arg1, %mul3A_40 : i32
      %add3A_42 = arith.constant 128 : i32
      %add3A_43 = arith.addi %mul3A_41, %add3A_42 : i32
      %run_scoped3A_44 = arith.constant 0 : i32
      "tpu.region"() ({
        %run_scoped3A_132 = tpu.sem_alloc : memref<!tpu.dma_semaphore, #tpu.memory_space<semaphore_mem>>
        %dma_start3A_133 = arith.constant 0 : i32
        %dma_start3A_134 = tpu.memref_slice %arg15[%run_scoped3A_44, %dma_start3A_133] : memref<128x128xf32, #tpu.memory_space<vmem>> -> memref<1x128xf32, #tpu.memory_space<vmem>>
        %dma_start3A_135 = tpu.memref_squeeze %dma_start3A_134 : memref<1x128xf32, #tpu.memory_space<vmem>> -> memref<128xf32, #tpu.memory_space<vmem>>
        %dma_start3A_136 = tpu.memref_slice %arg12[%add3A_43] : memref<10112xf32, #tpu.memory_space<vmem_shared>> -> memref<128xf32, #tpu.memory_space<vmem_shared>>
        %dma_start3A_137 = tpu.memref_slice %arg12[%add3A_43] : memref<10112xf32, #tpu.memory_space<vmem_shared>> -> memref<128xf32, #tpu.memory_space<vmem_shared>>
        %dma_start3A_138 = arith.constant 0 : i32
        %dma_start3A_139 = tpu.memref_slice %arg15[%run_scoped3A_44, %dma_start3A_138] : memref<128x128xf32, #tpu.memory_space<vmem>> -> memref<1x128xf32, #tpu.memory_space<vmem>>
        %dma_start3A_140 = tpu.memref_squeeze %dma_start3A_139 : memref<1x128xf32, #tpu.memory_space<vmem>> -> memref<128xf32, #tpu.memory_space<vmem>>
        tpu.enqueue_dma source(%dma_start3A_140 : memref<128xf32, #tpu.memory_space<vmem>>) target(%dma_start3A_137 : memref<128xf32, #tpu.memory_space<vmem_shared>>) target_semaphore(%run_scoped3A_132 : memref<!tpu.dma_semaphore, #tpu.memory_space<semaphore_mem>>)
        %dma_wait3A = arith.constant 0 : i32
        %dma_wait3A_141 = tpu.memref_slice %arg15[%run_scoped3A_44, %dma_wait3A] : memref<128x128xf32, #tpu.memory_space<vmem>> -> memref<1x128xf32, #tpu.memory_space<vmem>>
        %dma_wait3A_142 = tpu.memref_squeeze %dma_wait3A_141 : memref<1x128xf32, #tpu.memory_space<vmem>> -> memref<128xf32, #tpu.memory_space<vmem>>
        %dma_wait3A_143 = tpu.memref_slice %arg12[%add3A_43] : memref<10112xf32, #tpu.memory_space<vmem_shared>> -> memref<128xf32, #tpu.memory_space<vmem_shared>>
        %dma_wait3A_144 = tpu.memref_slice %arg12[%add3A_43] : memref<10112xf32, #tpu.memory_space<vmem_shared>> -> memref<128xf32, #tpu.memory_space<vmem_shared>>
        %dma_wait3A_145 = arith.constant 0 : i32
        %dma_wait3A_146 = tpu.memref_slice %arg15[%run_scoped3A_44, %dma_wait3A_145] : memref<128x128xf32, #tpu.memory_space<vmem>> -> memref<1x128xf32, #tpu.memory_space<vmem>>
        %dma_wait3A_147 = tpu.memref_squeeze %dma_wait3A_146 : memref<1x128xf32, #tpu.memory_space<vmem>> -> memref<128xf32, #tpu.memory_space<vmem>>
        tpu.wait_dma2 semaphore(%run_scoped3A_132 : memref<!tpu.dma_semaphore, #tpu.memory_space<semaphore_mem>>) src(%dma_wait3A_147 : memref<128xf32, #tpu.memory_space<vmem>>) dst(%dma_wait3A_144 : memref<128xf32, #tpu.memory_space<vmem_shared>>)
        tpu.yield
      }) : () -> ()
      %mul3A_45 = arith.constant 632 : i32
      %mul3A_46 = arith.muli %arg1, %mul3A_45 : i32
      %add3A_47 = arith.constant 256 : i32
      %add3A_48 = arith.addi %mul3A_46, %add3A_47 : i32
      %run_scoped3A_49 = arith.constant 0 : i32
      "tpu.region"() ({
        %run_scoped3A_132 = tpu.sem_alloc : memref<!tpu.dma_semaphore, #tpu.memory_space<semaphore_mem>>
        %dma_start3A_133 = arith.constant 0 : i32
        %dma_start3A_134 = tpu.memref_slice %arg15[%run_scoped3A_49, %dma_start3A_133] : memref<128x128xf32, #tpu.memory_space<vmem>> -> memref<1x128xf32, #tpu.memory_space<vmem>>
        %dma_start3A_135 = tpu.memref_squeeze %dma_start3A_134 : memref<1x128xf32, #tpu.memory_space<vmem>> -> memref<128xf32, #tpu.memory_space<vmem>>
        %dma_start3A_136 = tpu.memref_slice %arg12[%add3A_48] : memref<10112xf32, #tpu.memory_space<vmem_shared>> -> memref<128xf32, #tpu.memory_space<vmem_shared>>
        %dma_start3A_137 = tpu.memref_slice %arg12[%add3A_48] : memref<10112xf32, #tpu.memory_space<vmem_shared>> -> memref<128xf32, #tpu.memory_space<vmem_shared>>
        %dma_start3A_138 = arith.constant 0 : i32
        %dma_start3A_139 = tpu.memref_slice %arg15[%run_scoped3A_49, %dma_start3A_138] : memref<128x128xf32, #tpu.memory_space<vmem>> -> memref<1x128xf32, #tpu.memory_space<vmem>>
        %dma_start3A_140 = tpu.memref_squeeze %dma_start3A_139 : memref<1x128xf32, #tpu.memory_space<vmem>> -> memref<128xf32, #tpu.memory_space<vmem>>
        tpu.enqueue_dma source(%dma_start3A_140 : memref<128xf32, #tpu.memory_space<vmem>>) target(%dma_start3A_137 : memref<128xf32, #tpu.memory_space<vmem_shared>>) target_semaphore(%run_scoped3A_132 : memref<!tpu.dma_semaphore, #tpu.memory_space<semaphore_mem>>)
        %dma_wait3A = arith.constant 0 : i32
        %dma_wait3A_141 = tpu.memref_slice %arg15[%run_scoped3A_49, %dma_wait3A] : memref<128x128xf32, #tpu.memory_space<vmem>> -> memref<1x128xf32, #tpu.memory_space<vmem>>
        %dma_wait3A_142 = tpu.memref_squeeze %dma_wait3A_141 : memref<1x128xf32, #tpu.memory_space<vmem>> -> memref<128xf32, #tpu.memory_space<vmem>>
        %dma_wait3A_143 = tpu.memref_slice %arg12[%add3A_48] : memref<10112xf32, #tpu.memory_space<vmem_shared>> -> memref<128xf32, #tpu.memory_space<vmem_shared>>
        %dma_wait3A_144 = tpu.memref_slice %arg12[%add3A_48] : memref<10112xf32, #tpu.memory_space<vmem_shared>> -> memref<128xf32, #tpu.memory_space<vmem_shared>>
        %dma_wait3A_145 = arith.constant 0 : i32
        %dma_wait3A_146 = tpu.memref_slice %arg15[%run_scoped3A_49, %dma_wait3A_145] : memref<128x128xf32, #tpu.memory_space<vmem>> -> memref<1x128xf32, #tpu.memory_space<vmem>>
        %dma_wait3A_147 = tpu.memref_squeeze %dma_wait3A_146 : memref<1x128xf32, #tpu.memory_space<vmem>> -> memref<128xf32, #tpu.memory_space<vmem>>
        tpu.wait_dma2 semaphore(%run_scoped3A_132 : memref<!tpu.dma_semaphore, #tpu.memory_space<semaphore_mem>>) src(%dma_wait3A_147 : memref<128xf32, #tpu.memory_space<vmem>>) dst(%dma_wait3A_144 : memref<128xf32, #tpu.memory_space<vmem_shared>>)
        tpu.yield
      }) : () -> ()
      %mul3A_50 = arith.constant 632 : i32
      %mul3A_51 = arith.muli %arg1, %mul3A_50 : i32
      %add3A_52 = arith.constant 384 : i32
      %add3A_53 = arith.addi %mul3A_51, %add3A_52 : i32
      %run_scoped3A_54 = arith.constant 0 : i32
      "tpu.region"() ({
        %run_scoped3A_132 = tpu.sem_alloc : memref<!tpu.dma_semaphore, #tpu.memory_space<semaphore_mem>>
        %dma_start3A_133 = arith.constant 0 : i32
        %dma_start3A_134 = tpu.memref_slice %arg15[%run_scoped3A_54, %dma_start3A_133] : memref<128x128xf32, #tpu.memory_space<vmem>> -> memref<1x128xf32, #tpu.memory_space<vmem>>
        %dma_start3A_135 = tpu.memref_squeeze %dma_start3A_134 : memref<1x128xf32, #tpu.memory_space<vmem>> -> memref<128xf32, #tpu.memory_space<vmem>>
        %dma_start3A_136 = tpu.memref_slice %arg12[%add3A_53] : memref<10112xf32, #tpu.memory_space<vmem_shared>> -> memref<128xf32, #tpu.memory_space<vmem_shared>>
        %dma_start3A_137 = tpu.memref_slice %arg12[%add3A_53] : memref<10112xf32, #tpu.memory_space<vmem_shared>> -> memref<128xf32, #tpu.memory_space<vmem_shared>>
        %dma_start3A_138 = arith.constant 0 : i32
        %dma_start3A_139 = tpu.memref_slice %arg15[%run_scoped3A_54, %dma_start3A_138] : memref<128x128xf32, #tpu.memory_space<vmem>> -> memref<1x128xf32, #tpu.memory_space<vmem>>
        %dma_start3A_140 = tpu.memref_squeeze %dma_start3A_139 : memref<1x128xf32, #tpu.memory_space<vmem>> -> memref<128xf32, #tpu.memory_space<vmem>>
        tpu.enqueue_dma source(%dma_start3A_140 : memref<128xf32, #tpu.memory_space<vmem>>) target(%dma_start3A_137 : memref<128xf32, #tpu.memory_space<vmem_shared>>) target_semaphore(%run_scoped3A_132 : memref<!tpu.dma_semaphore, #tpu.memory_space<semaphore_mem>>)
        %dma_wait3A = arith.constant 0 : i32
        %dma_wait3A_141 = tpu.memref_slice %arg15[%run_scoped3A_54, %dma_wait3A] : memref<128x128xf32, #tpu.memory_space<vmem>> -> memref<1x128xf32, #tpu.memory_space<vmem>>
        %dma_wait3A_142 = tpu.memref_squeeze %dma_wait3A_141 : memref<1x128xf32, #tpu.memory_space<vmem>> -> memref<128xf32, #tpu.memory_space<vmem>>
        %dma_wait3A_143 = tpu.memref_slice %arg12[%add3A_53] : memref<10112xf32, #tpu.memory_space<vmem_shared>> -> memref<128xf32, #tpu.memory_space<vmem_shared>>
        %dma_wait3A_144 = tpu.memref_slice %arg12[%add3A_53] : memref<10112xf32, #tpu.memory_space<vmem_shared>> -> memref<128xf32, #tpu.memory_space<vmem_shared>>
        %dma_wait3A_145 = arith.constant 0 : i32
        %dma_wait3A_146 = tpu.memref_slice %arg15[%run_scoped3A_54, %dma_wait3A_145] : memref<128x128xf32, #tpu.memory_space<vmem>> -> memref<1x128xf32, #tpu.memory_space<vmem>>
        %dma_wait3A_147 = tpu.memref_squeeze %dma_wait3A_146 : memref<1x128xf32, #tpu.memory_space<vmem>> -> memref<128xf32, #tpu.memory_space<vmem>>
        tpu.wait_dma2 semaphore(%run_scoped3A_132 : memref<!tpu.dma_semaphore, #tpu.memory_space<semaphore_mem>>) src(%dma_wait3A_147 : memref<128xf32, #tpu.memory_space<vmem>>) dst(%dma_wait3A_144 : memref<128xf32, #tpu.memory_space<vmem_shared>>)
        tpu.yield
      }) : () -> ()
      %mul3A_55 = arith.constant 632 : i32
      %mul3A_56 = arith.muli %arg1, %mul3A_55 : i32
      %add3A_57 = arith.constant 512 : i32
      %add3A_58 = arith.addi %mul3A_56, %add3A_57 : i32
      %run_scoped3A_59 = arith.constant 0 : i32
      "tpu.region"() ({
        %run_scoped3A_132 = tpu.sem_alloc : memref<!tpu.dma_semaphore, #tpu.memory_space<semaphore_mem>>
        %dma_start3A_133 = arith.constant 0 : i32
        %dma_start3A_134 = tpu.memref_slice %arg15[%run_scoped3A_59, %dma_start3A_133] : memref<128x128xf32, #tpu.memory_space<vmem>> -> memref<1x120xf32, #tpu.memory_space<vmem>>
        %dma_start3A_135 = tpu.memref_squeeze %dma_start3A_134 : memref<1x120xf32, #tpu.memory_space<vmem>> -> memref<120xf32, #tpu.memory_space<vmem>>
        %dma_start3A_136 = tpu.memref_slice %arg12[%add3A_58] : memref<10112xf32, #tpu.memory_space<vmem_shared>> -> memref<120xf32, #tpu.memory_space<vmem_shared>>
        %dma_start3A_137 = tpu.memref_slice %arg12[%add3A_58] : memref<10112xf32, #tpu.memory_space<vmem_shared>> -> memref<120xf32, #tpu.memory_space<vmem_shared>>
        %dma_start3A_138 = arith.constant 0 : i32
        %dma_start3A_139 = tpu.memref_slice %arg15[%run_scoped3A_59, %dma_start3A_138] : memref<128x128xf32, #tpu.memory_space<vmem>> -> memref<1x120xf32, #tpu.memory_space<vmem>>
        %dma_start3A_140 = tpu.memref_squeeze %dma_start3A_139 : memref<1x120xf32, #tpu.memory_space<vmem>> -> memref<120xf32, #tpu.memory_space<vmem>>
        tpu.enqueue_dma source(%dma_start3A_140 : memref<120xf32, #tpu.memory_space<vmem>>) target(%dma_start3A_137 : memref<120xf32, #tpu.memory_space<vmem_shared>>) target_semaphore(%run_scoped3A_132 : memref<!tpu.dma_semaphore, #tpu.memory_space<semaphore_mem>>)
        %dma_wait3A = arith.constant 0 : i32
        %dma_wait3A_141 = tpu.memref_slice %arg15[%run_scoped3A_59, %dma_wait3A] : memref<128x128xf32, #tpu.memory_space<vmem>> -> memref<1x120xf32, #tpu.memory_space<vmem>>
        %dma_wait3A_142 = tpu.memref_squeeze %dma_wait3A_141 : memref<1x120xf32, #tpu.memory_space<vmem>> -> memref<120xf32, #tpu.memory_space<vmem>>
        %dma_wait3A_143 = tpu.memref_slice %arg12[%add3A_58] : memref<10112xf32, #tpu.memory_space<vmem_shared>> -> memref<120xf32, #tpu.memory_space<vmem_shared>>
        %dma_wait3A_144 = tpu.memref_slice %arg12[%add3A_58] : memref<10112xf32, #tpu.memory_space<vmem_shared>> -> memref<120xf32, #tpu.memory_space<vmem_shared>>
        %dma_wait3A_145 = arith.constant 0 : i32
        %dma_wait3A_146 = tpu.memref_slice %arg15[%run_scoped3A_59, %dma_wait3A_145] : memref<128x128xf32, #tpu.memory_space<vmem>> -> memref<1x120xf32, #tpu.memory_space<vmem>>
        %dma_wait3A_147 = tpu.memref_squeeze %dma_wait3A_146 : memref<1x120xf32, #tpu.memory_space<vmem>> -> memref<120xf32, #tpu.memory_space<vmem>>
        tpu.wait_dma2 semaphore(%run_scoped3A_132 : memref<!tpu.dma_semaphore, #tpu.memory_space<semaphore_mem>>) src(%dma_wait3A_147 : memref<120xf32, #tpu.memory_space<vmem>>) dst(%dma_wait3A_144 : memref<120xf32, #tpu.memory_space<vmem_shared>>)
        tpu.yield
      }) : () -> ()
      %barrier3A = arith.constant 0 : index
      tpu.barrier barrier_id(%barrier3A)
      "tpu.region"() ({
        %run_scoped3A_132 = tpu.sem_alloc : memref<!tpu.dma_semaphore, #tpu.memory_space<semaphore_mem>>
        %dma_start3A_133 = arith.constant 0 : i32
        %dma_start3A_134 = arith.constant 0 : i32
        %dma_start3A_135 = tpu.memref_slice %arg13[%dma_start3A_133, %dma_start3A_134] : memref<56x128xi32, #tpu.memory_space<vmem>> -> memref<56x128xi32, #tpu.memory_space<vmem>>
        %dma_start3A_136 = arith.constant 0 : i32
        %dma_start3A_137 = tpu.memref_slice %arg4[%mul3A_4, %dma_start3A_136] : memref<2560x128xi32, #tpu.memory_space<hbm>> -> memref<56x128xi32, #tpu.memory_space<hbm>>
        %dma_start3A_138 = arith.constant 0 : i32
        %dma_start3A_139 = arith.constant 0 : i32
        %dma_start3A_140 = tpu.memref_slice %arg13[%dma_start3A_138, %dma_start3A_139] : memref<56x128xi32, #tpu.memory_space<vmem>> -> memref<56x128xi32, #tpu.memory_space<vmem>>
        %dma_start3A_141 = arith.constant 0 : i32
        %dma_start3A_142 = tpu.memref_slice %arg4[%mul3A_4, %dma_start3A_141] : memref<2560x128xi32, #tpu.memory_space<hbm>> -> memref<56x128xi32, #tpu.memory_space<hbm>>
        tpu.enqueue_dma source(%dma_start3A_142 : memref<56x128xi32, #tpu.memory_space<hbm>>) target(%dma_start3A_140 : memref<56x128xi32, #tpu.memory_space<vmem>>) target_semaphore(%run_scoped3A_132 : memref<!tpu.dma_semaphore, #tpu.memory_space<semaphore_mem>>)
        %dma_wait3A = arith.constant 0 : i32
        %dma_wait3A_143 = arith.constant 0 : i32
        %dma_wait3A_144 = tpu.memref_slice %arg13[%dma_wait3A, %dma_wait3A_143] : memref<56x128xi32, #tpu.memory_space<vmem>> -> memref<56x128xi32, #tpu.memory_space<vmem>>
        %dma_wait3A_145 = arith.constant 0 : i32
        %dma_wait3A_146 = tpu.memref_slice %arg4[%mul3A_4, %dma_wait3A_145] : memref<2560x128xi32, #tpu.memory_space<hbm>> -> memref<56x128xi32, #tpu.memory_space<hbm>>
        %dma_wait3A_147 = arith.constant 0 : i32
        %dma_wait3A_148 = arith.constant 0 : i32
        %dma_wait3A_149 = tpu.memref_slice %arg13[%dma_wait3A_147, %dma_wait3A_148] : memref<56x128xi32, #tpu.memory_space<vmem>> -> memref<56x128xi32, #tpu.memory_space<vmem>>
        %dma_wait3A_150 = arith.constant 0 : i32
        %dma_wait3A_151 = tpu.memref_slice %arg4[%mul3A_4, %dma_wait3A_150] : memref<2560x128xi32, #tpu.memory_space<hbm>> -> memref<56x128xi32, #tpu.memory_space<hbm>>
        tpu.wait_dma2 semaphore(%run_scoped3A_132 : memref<!tpu.dma_semaphore, #tpu.memory_space<semaphore_mem>>) src(%dma_wait3A_151 : memref<56x128xi32, #tpu.memory_space<hbm>>) dst(%dma_wait3A_149 : memref<56x128xi32, #tpu.memory_space<vmem>>)
        tpu.yield
      }) : () -> ()
      "tpu.region"() ({
        %run_scoped3A_132 = tpu.sem_alloc : memref<!tpu.dma_semaphore, #tpu.memory_space<semaphore_mem>>
        %dma_start3A_133 = arith.constant 0 : i32
        %dma_start3A_134 = arith.constant 0 : i32
        %dma_start3A_135 = tpu.memref_slice %arg14[%dma_start3A_133, %dma_start3A_134] : memref<56x128xi32, #tpu.memory_space<vmem>> -> memref<56x128xi32, #tpu.memory_space<vmem>>
        %dma_start3A_136 = arith.constant 0 : i32
        %dma_start3A_137 = tpu.memref_slice %arg5[%mul3A_4, %dma_start3A_136] : memref<2560x128xi32, #tpu.memory_space<hbm>> -> memref<56x128xi32, #tpu.memory_space<hbm>>
        %dma_start3A_138 = arith.constant 0 : i32
        %dma_start3A_139 = arith.constant 0 : i32
        %dma_start3A_140 = tpu.memref_slice %arg14[%dma_start3A_138, %dma_start3A_139] : memref<56x128xi32, #tpu.memory_space<vmem>> -> memref<56x128xi32, #tpu.memory_space<vmem>>
        %dma_start3A_141 = arith.constant 0 : i32
        %dma_start3A_142 = tpu.memref_slice %arg5[%mul3A_4, %dma_start3A_141] : memref<2560x128xi32, #tpu.memory_space<hbm>> -> memref<56x128xi32, #tpu.memory_space<hbm>>
        tpu.enqueue_dma source(%dma_start3A_142 : memref<56x128xi32, #tpu.memory_space<hbm>>) target(%dma_start3A_140 : memref<56x128xi32, #tpu.memory_space<vmem>>) target_semaphore(%run_scoped3A_132 : memref<!tpu.dma_semaphore, #tpu.memory_space<semaphore_mem>>)
        %dma_wait3A = arith.constant 0 : i32
        %dma_wait3A_143 = arith.constant 0 : i32
        %dma_wait3A_144 = tpu.memref_slice %arg14[%dma_wait3A, %dma_wait3A_143] : memref<56x128xi32, #tpu.memory_space<vmem>> -> memref<56x128xi32, #tpu.memory_space<vmem>>
        %dma_wait3A_145 = arith.constant 0 : i32
        %dma_wait3A_146 = tpu.memref_slice %arg5[%mul3A_4, %dma_wait3A_145] : memref<2560x128xi32, #tpu.memory_space<hbm>> -> memref<56x128xi32, #tpu.memory_space<hbm>>
        %dma_wait3A_147 = arith.constant 0 : i32
        %dma_wait3A_148 = arith.constant 0 : i32
        %dma_wait3A_149 = tpu.memref_slice %arg14[%dma_wait3A_147, %dma_wait3A_148] : memref<56x128xi32, #tpu.memory_space<vmem>> -> memref<56x128xi32, #tpu.memory_space<vmem>>
        %dma_wait3A_150 = arith.constant 0 : i32
        %dma_wait3A_151 = tpu.memref_slice %arg5[%mul3A_4, %dma_wait3A_150] : memref<2560x128xi32, #tpu.memory_space<hbm>> -> memref<56x128xi32, #tpu.memory_space<hbm>>
        tpu.wait_dma2 semaphore(%run_scoped3A_132 : memref<!tpu.dma_semaphore, #tpu.memory_space<semaphore_mem>>) src(%dma_wait3A_151 : memref<56x128xi32, #tpu.memory_space<hbm>>) dst(%dma_wait3A_149 : memref<56x128xi32, #tpu.memory_space<vmem>>)
        tpu.yield
      }) : () -> ()
      %dma_start3A = arith.constant 0 : i32
      %dma_start3A_60 = arith.constant 0 : i32
      %dma_start3A_61 = tpu.memref_slice %arg13[%dma_start3A, %dma_start3A_60] : memref<56x128xi32, #tpu.memory_space<vmem>> -> memref<1x128xi32, #tpu.memory_space<vmem>>
      %dma_start3A_62 = tpu.memref_squeeze %dma_start3A_61 : memref<1x128xi32, #tpu.memory_space<vmem>> -> memref<128xi32, #tpu.memory_space<vmem>>
      %dma_start3A_63 = arith.constant 0 : i32
      %dma_start3A_64 = arith.constant 0 : i32
      %dma_start3A_65 = tpu.memref_slice %arg6[%dma_start3A_63, %dma_start3A_64] : memref<10000x128xf32, #tpu.memory_space<hbm>> -> memref<10000x128xf32, #tpu.memory_space<hbm>>
      tpu.enqueue_indirect_dma source(%dma_start3A_65 : memref<10000x128xf32, #tpu.memory_space<hbm>>) target(%arg15 : memref<128x128xf32, #tpu.memory_space<vmem>>) offsets(%dma_start3A_62 : memref<128xi32, #tpu.memory_space<vmem>>) semaphore(%arg19 : memref<!tpu.dma_semaphore, #tpu.memory_space<semaphore_mem>>)
      %dma_start3A_66 = arith.constant 1 : i32
      %dma_start3A_67 = arith.constant 0 : i32
      %dma_start3A_68 = tpu.memref_slice %arg13[%dma_start3A_66, %dma_start3A_67] : memref<56x128xi32, #tpu.memory_space<vmem>> -> memref<1x128xi32, #tpu.memory_space<vmem>>
      %dma_start3A_69 = tpu.memref_squeeze %dma_start3A_68 : memref<1x128xi32, #tpu.memory_space<vmem>> -> memref<128xi32, #tpu.memory_space<vmem>>
      %dma_start3A_70 = arith.constant 0 : i32
      %dma_start3A_71 = arith.constant 0 : i32
      %dma_start3A_72 = tpu.memref_slice %arg6[%dma_start3A_70, %dma_start3A_71] : memref<10000x128xf32, #tpu.memory_space<hbm>> -> memref<10000x128xf32, #tpu.memory_space<hbm>>
      tpu.enqueue_indirect_dma source(%dma_start3A_72 : memref<10000x128xf32, #tpu.memory_space<hbm>>) target(%arg16 : memref<128x128xf32, #tpu.memory_space<vmem>>) offsets(%dma_start3A_69 : memref<128xi32, #tpu.memory_space<vmem>>) semaphore(%arg20 : memref<!tpu.dma_semaphore, #tpu.memory_space<semaphore_mem>>)
      %add3A_73 = arith.constant 56 : i32
      %add3A_74 = arith.addi %mul3A_4, %add3A_73 : i32
      %scan3A_75 = arith.constant 0 : i32
      %scan3A_76 = arith.constant 28 : i32
      %scan3A_77 = arith.addi %scan3A_75, %scan3A_76 : i32
      %scan3A_78 = arith.constant 1 : i32
      scf.for %scan3A_132 = %scan3A_75 to %scan3A_77 step %scan3A_78  : i32 {
        %mul3A_133 = arith.constant 1 : i32
        %mul3A_134 = arith.muli %scan3A_132, %mul3A_133 : i32
        %add3A_135 = arith.constant 0 : i32
        %add3A_136 = arith.addi %add3A_135, %mul3A_134 : i32
        %mul3A_137 = arith.constant 2 : i32
        %mul3A_138 = arith.muli %mul3A_137, %add3A_136 : i32
        %add3A_139 = arith.constant 0 : i32
        %add3A_140 = arith.addi %mul3A_138, %add3A_139 : i32
        %dma_wait3A = arith.constant 0 : i32
        %dma_wait3A_141 = arith.constant 0 : i32
        %dma_wait3A_142 = tpu.memref_slice %arg13[%dma_wait3A, %dma_wait3A_141] : memref<56x128xi32, #tpu.memory_space<vmem>> -> memref<1x128xi32, #tpu.memory_space<vmem>>
        %dma_wait3A_143 = tpu.memref_squeeze %dma_wait3A_142 : memref<1x128xi32, #tpu.memory_space<vmem>> -> memref<128xi32, #tpu.memory_space<vmem>>
        %dma_wait3A_144 = arith.constant 0 : i32
        %dma_wait3A_145 = arith.constant 0 : i32
        %dma_wait3A_146 = tpu.memref_slice %arg6[%dma_wait3A_144, %dma_wait3A_145] : memref<10000x128xf32, #tpu.memory_space<hbm>> -> memref<10000x128xf32, #tpu.memory_space<hbm>>
        tpu.wait_indirect_dma semaphore(%arg19 : memref<!tpu.dma_semaphore, #tpu.memory_space<semaphore_mem>>) src(%dma_wait3A_146 : memref<10000x128xf32, #tpu.memory_space<hbm>>) dst(%arg15 : memref<128x128xf32, #tpu.memory_space<vmem>>)
        "tpu.region"() ({
          %run_scoped3A_171 = tpu.sem_alloc : memref<!tpu.dma_semaphore, #tpu.memory_space<semaphore_mem>>
          %dma_start3A_172 = arith.constant 0 : i32
          %dma_start3A_173 = tpu.memref_slice %arg14[%add3A_140, %dma_start3A_172] : memref<56x128xi32, #tpu.memory_space<vmem>> -> memref<1x128xi32, #tpu.memory_space<vmem>>
          %dma_start3A_174 = tpu.memref_squeeze %dma_start3A_173 : memref<1x128xi32, #tpu.memory_space<vmem>> -> memref<128xi32, #tpu.memory_space<vmem>>
          %dma_start3A_175 = arith.constant 0 : i32
          %dma_start3A_176 = arith.constant 0 : i32
          %dma_start3A_177 = tpu.memref_slice %arg11[%dma_start3A_175, %dma_start3A_176] : memref<10112x128xf32, #tpu.memory_space<vmem_shared>> -> memref<10112x128xf32, #tpu.memory_space<vmem_shared>>
          tpu.enqueue_indirect_dma source(%arg15 : memref<128x128xf32, #tpu.memory_space<vmem>>) target(%dma_start3A_177 : memref<10112x128xf32, #tpu.memory_space<vmem_shared>>) offsets(%dma_start3A_174 : memref<128xi32, #tpu.memory_space<vmem>>) semaphore(%run_scoped3A_171 : memref<!tpu.dma_semaphore, #tpu.memory_space<semaphore_mem>>) {add = true}
          %dma_wait3A_178 = arith.constant 0 : i32
          %dma_wait3A_179 = tpu.memref_slice %arg14[%add3A_140, %dma_wait3A_178] : memref<56x128xi32, #tpu.memory_space<vmem>> -> memref<1x128xi32, #tpu.memory_space<vmem>>
          %dma_wait3A_180 = tpu.memref_squeeze %dma_wait3A_179 : memref<1x128xi32, #tpu.memory_space<vmem>> -> memref<128xi32, #tpu.memory_space<vmem>>
          %dma_wait3A_181 = arith.constant 0 : i32
          %dma_wait3A_182 = arith.constant 0 : i32
          %dma_wait3A_183 = tpu.memref_slice %arg11[%dma_wait3A_181, %dma_wait3A_182] : memref<10112x128xf32, #tpu.memory_space<vmem_shared>> -> memref<10112x128xf32, #tpu.memory_space<vmem_shared>>
          tpu.wait_indirect_dma semaphore(%run_scoped3A_171 : memref<!tpu.dma_semaphore, #tpu.memory_space<semaphore_mem>>) src(%arg15 : memref<128x128xf32, #tpu.memory_space<vmem>>) dst(%dma_wait3A_183 : memref<10112x128xf32, #tpu.memory_space<vmem_shared>>)
          tpu.yield
        }) : () -> ()
        "tpu.region"() ({
          %run_scoped3A_171 = tpu.sem_alloc : memref<!tpu.dma_semaphore, #tpu.memory_space<semaphore_mem>>
          %dma_start3A_172 = arith.constant 0 : i32
          %dma_start3A_173 = tpu.memref_slice %arg14[%add3A_140, %dma_start3A_172] : memref<56x128xi32, #tpu.memory_space<vmem>> -> memref<1x128xi32, #tpu.memory_space<vmem>>
          %dma_start3A_174 = tpu.memref_squeeze %dma_start3A_173 : memref<1x128xi32, #tpu.memory_space<vmem>> -> memref<128xi32, #tpu.memory_space<vmem>>
          %dma_start3A_175 = arith.constant 0 : i32
          %dma_start3A_176 = tpu.memref_slice %arg12[%dma_start3A_175] : memref<10112xf32, #tpu.memory_space<vmem_shared>> -> memref<10112xf32, #tpu.memory_space<vmem_shared>>
          tpu.enqueue_indirect_dma source(%arg17 : memref<128xf32, #tpu.memory_space<vmem>>) target(%dma_start3A_176 : memref<10112xf32, #tpu.memory_space<vmem_shared>>) offsets(%dma_start3A_174 : memref<128xi32, #tpu.memory_space<vmem>>) semaphore(%run_scoped3A_171 : memref<!tpu.dma_semaphore, #tpu.memory_space<semaphore_mem>>) {add = true}
          %dma_wait3A_177 = arith.constant 0 : i32
          %dma_wait3A_178 = tpu.memref_slice %arg14[%add3A_140, %dma_wait3A_177] : memref<56x128xi32, #tpu.memory_space<vmem>> -> memref<1x128xi32, #tpu.memory_space<vmem>>
          %dma_wait3A_179 = tpu.memref_squeeze %dma_wait3A_178 : memref<1x128xi32, #tpu.memory_space<vmem>> -> memref<128xi32, #tpu.memory_space<vmem>>
          %dma_wait3A_180 = arith.constant 0 : i32
          %dma_wait3A_181 = tpu.memref_slice %arg12[%dma_wait3A_180] : memref<10112xf32, #tpu.memory_space<vmem_shared>> -> memref<10112xf32, #tpu.memory_space<vmem_shared>>
          tpu.wait_indirect_dma semaphore(%run_scoped3A_171 : memref<!tpu.dma_semaphore, #tpu.memory_space<semaphore_mem>>) src(%arg17 : memref<128xf32, #tpu.memory_space<vmem>>) dst(%dma_wait3A_181 : memref<10112xf32, #tpu.memory_space<vmem_shared>>)
          tpu.yield
        }) : () -> ()
        %add3A_147 = arith.constant 2 : i32
        %add3A_148 = arith.addi %add3A_140, %add3A_147 : i32
        %lt3A = arith.constant 56 : i32
        %lt3A_149 = arith.cmpi slt, %add3A_148, %lt3A : i32
        %convert_element_type3A_150 = arith.extui %lt3A_149 : i1 to i32
        %cond3A_151 = arith.constant 0 : i32
        %cond3A_152 = arith.cmpi ne, %convert_element_type3A_150, %cond3A_151 : i32
        scf.if %cond3A_152 {
          %add3A_171 = arith.constant 2 : i32
          %add3A_172 = arith.addi %add3A_140, %add3A_171 : i32
          %dma_start3A_173 = arith.constant 0 : i32
          %dma_start3A_174 = tpu.memref_slice %arg13[%add3A_172, %dma_start3A_173] : memref<56x128xi32, #tpu.memory_space<vmem>> -> memref<1x128xi32, #tpu.memory_space<vmem>>
          %dma_start3A_175 = tpu.memref_squeeze %dma_start3A_174 : memref<1x128xi32, #tpu.memory_space<vmem>> -> memref<128xi32, #tpu.memory_space<vmem>>
          %dma_start3A_176 = arith.constant 0 : i32
          %dma_start3A_177 = arith.constant 0 : i32
          %dma_start3A_178 = tpu.memref_slice %arg6[%dma_start3A_176, %dma_start3A_177] : memref<10000x128xf32, #tpu.memory_space<hbm>> -> memref<10000x128xf32, #tpu.memory_space<hbm>>
          tpu.enqueue_indirect_dma source(%dma_start3A_178 : memref<10000x128xf32, #tpu.memory_space<hbm>>) target(%arg15 : memref<128x128xf32, #tpu.memory_space<vmem>>) offsets(%dma_start3A_175 : memref<128xi32, #tpu.memory_space<vmem>>) semaphore(%arg19 : memref<!tpu.dma_semaphore, #tpu.memory_space<semaphore_mem>>)
        } else {
        }
        %mul3A_153 = arith.constant 2 : i32
        %mul3A_154 = arith.muli %mul3A_153, %add3A_136 : i32
        %add3A_155 = arith.constant 1 : i32
        %add3A_156 = arith.addi %mul3A_154, %add3A_155 : i32
        %dma_wait3A_157 = arith.constant 1 : i32
        %dma_wait3A_158 = arith.constant 0 : i32
        %dma_wait3A_159 = tpu.memref_slice %arg13[%dma_wait3A_157, %dma_wait3A_158] : memref<56x128xi32, #tpu.memory_space<vmem>> -> memref<1x128xi32, #tpu.memory_space<vmem>>
        %dma_wait3A_160 = tpu.memref_squeeze %dma_wait3A_159 : memref<1x128xi32, #tpu.memory_space<vmem>> -> memref<128xi32, #tpu.memory_space<vmem>>
        %dma_wait3A_161 = arith.constant 0 : i32
        %dma_wait3A_162 = arith.constant 0 : i32
        %dma_wait3A_163 = tpu.memref_slice %arg6[%dma_wait3A_161, %dma_wait3A_162] : memref<10000x128xf32, #tpu.memory_space<hbm>> -> memref<10000x128xf32, #tpu.memory_space<hbm>>
        tpu.wait_indirect_dma semaphore(%arg20 : memref<!tpu.dma_semaphore, #tpu.memory_space<semaphore_mem>>) src(%dma_wait3A_163 : memref<10000x128xf32, #tpu.memory_space<hbm>>) dst(%arg16 : memref<128x128xf32, #tpu.memory_space<vmem>>)
        "tpu.region"() ({
          %run_scoped3A_171 = tpu.sem_alloc : memref<!tpu.dma_semaphore, #tpu.memory_space<semaphore_mem>>
          %dma_start3A_172 = arith.constant 0 : i32
          %dma_start3A_173 = tpu.memref_slice %arg14[%add3A_156, %dma_start3A_172] : memref<56x128xi32, #tpu.memory_space<vmem>> -> memref<1x128xi32, #tpu.memory_space<vmem>>
          %dma_start3A_174 = tpu.memref_squeeze %dma_start3A_173 : memref<1x128xi32, #tpu.memory_space<vmem>> -> memref<128xi32, #tpu.memory_space<vmem>>
          %dma_start3A_175 = arith.constant 0 : i32
          %dma_start3A_176 = arith.constant 0 : i32
          %dma_start3A_177 = tpu.memref_slice %arg11[%dma_start3A_175, %dma_start3A_176] : memref<10112x128xf32, #tpu.memory_space<vmem_shared>> -> memref<10112x128xf32, #tpu.memory_space<vmem_shared>>
          tpu.enqueue_indirect_dma source(%arg16 : memref<128x128xf32, #tpu.memory_space<vmem>>) target(%dma_start3A_177 : memref<10112x128xf32, #tpu.memory_space<vmem_shared>>) offsets(%dma_start3A_174 : memref<128xi32, #tpu.memory_space<vmem>>) semaphore(%run_scoped3A_171 : memref<!tpu.dma_semaphore, #tpu.memory_space<semaphore_mem>>) {add = true}
          %dma_wait3A_178 = arith.constant 0 : i32
          %dma_wait3A_179 = tpu.memref_slice %arg14[%add3A_156, %dma_wait3A_178] : memref<56x128xi32, #tpu.memory_space<vmem>> -> memref<1x128xi32, #tpu.memory_space<vmem>>
          %dma_wait3A_180 = tpu.memref_squeeze %dma_wait3A_179 : memref<1x128xi32, #tpu.memory_space<vmem>> -> memref<128xi32, #tpu.memory_space<vmem>>
          %dma_wait3A_181 = arith.constant 0 : i32
          %dma_wait3A_182 = arith.constant 0 : i32
          %dma_wait3A_183 = tpu.memref_slice %arg11[%dma_wait3A_181, %dma_wait3A_182] : memref<10112x128xf32, #tpu.memory_space<vmem_shared>> -> memref<10112x128xf32, #tpu.memory_space<vmem_shared>>
          tpu.wait_indirect_dma semaphore(%run_scoped3A_171 : memref<!tpu.dma_semaphore, #tpu.memory_space<semaphore_mem>>) src(%arg16 : memref<128x128xf32, #tpu.memory_space<vmem>>) dst(%dma_wait3A_183 : memref<10112x128xf32, #tpu.memory_space<vmem_shared>>)
          tpu.yield
        }) : () -> ()
        "tpu.region"() ({
          %run_scoped3A_171 = tpu.sem_alloc : memref<!tpu.dma_semaphore, #tpu.memory_space<semaphore_mem>>
          %dma_start3A_172 = arith.constant 0 : i32
          %dma_start3A_173 = tpu.memref_slice %arg14[%add3A_156, %dma_start3A_172] : memref<56x128xi32, #tpu.memory_space<vmem>> -> memref<1x128xi32, #tpu.memory_space<vmem>>
          %dma_start3A_174 = tpu.memref_squeeze %dma_start3A_173 : memref<1x128xi32, #tpu.memory_space<vmem>> -> memref<128xi32, #tpu.memory_space<vmem>>
          %dma_start3A_175 = arith.constant 0 : i32
          %dma_start3A_176 = tpu.memref_slice %arg12[%dma_start3A_175] : memref<10112xf32, #tpu.memory_space<vmem_shared>> -> memref<10112xf32, #tpu.memory_space<vmem_shared>>
          tpu.enqueue_indirect_dma source(%arg17 : memref<128xf32, #tpu.memory_space<vmem>>) target(%dma_start3A_176 : memref<10112xf32, #tpu.memory_space<vmem_shared>>) offsets(%dma_start3A_174 : memref<128xi32, #tpu.memory_space<vmem>>) semaphore(%run_scoped3A_171 : memref<!tpu.dma_semaphore, #tpu.memory_space<semaphore_mem>>) {add = true}
          %dma_wait3A_177 = arith.constant 0 : i32
          %dma_wait3A_178 = tpu.memref_slice %arg14[%add3A_156, %dma_wait3A_177] : memref<56x128xi32, #tpu.memory_space<vmem>> -> memref<1x128xi32, #tpu.memory_space<vmem>>
          %dma_wait3A_179 = tpu.memref_squeeze %dma_wait3A_178 : memref<1x128xi32, #tpu.memory_space<vmem>> -> memref<128xi32, #tpu.memory_space<vmem>>
          %dma_wait3A_180 = arith.constant 0 : i32
          %dma_wait3A_181 = tpu.memref_slice %arg12[%dma_wait3A_180] : memref<10112xf32, #tpu.memory_space<vmem_shared>> -> memref<10112xf32, #tpu.memory_space<vmem_shared>>
          tpu.wait_indirect_dma semaphore(%run_scoped3A_171 : memref<!tpu.dma_semaphore, #tpu.memory_space<semaphore_mem>>) src(%arg17 : memref<128xf32, #tpu.memory_space<vmem>>) dst(%dma_wait3A_181 : memref<10112xf32, #tpu.memory_space<vmem_shared>>)
          tpu.yield
        }) : () -> ()
        %add3A_164 = arith.constant 2 : i32
        %add3A_165 = arith.addi %add3A_156, %add3A_164 : i32
        %lt3A_166 = arith.constant 56 : i32
        %lt3A_167 = arith.cmpi slt, %add3A_165, %lt3A_166 : i32
        %convert_element_type3A_168 = arith.extui %lt3A_167 : i1 to i32
        %cond3A_169 = arith.constant 0 : i32
        %cond3A_170 = arith.cmpi ne, %convert_element_type3A_168, %cond3A_169 : i32
        scf.if %cond3A_170 {
          %add3A_171 = arith.constant 2 : i32
          %add3A_172 = arith.addi %add3A_156, %add3A_171 : i32
          %dma_start3A_173 = arith.constant 0 : i32
          %dma_start3A_174 = tpu.memref_slice %arg13[%add3A_172, %dma_start3A_173] : memref<56x128xi32, #tpu.memory_space<vmem>> -> memref<1x128xi32, #tpu.memory_space<vmem>>
          %dma_start3A_175 = tpu.memref_squeeze %dma_start3A_174 : memref<1x128xi32, #tpu.memory_space<vmem>> -> memref<128xi32, #tpu.memory_space<vmem>>
          %dma_start3A_176 = arith.constant 0 : i32
          %dma_start3A_177 = arith.constant 0 : i32
          %dma_start3A_178 = tpu.memref_slice %arg6[%dma_start3A_176, %dma_start3A_177] : memref<10000x128xf32, #tpu.memory_space<hbm>> -> memref<10000x128xf32, #tpu.memory_space<hbm>>
          tpu.enqueue_indirect_dma source(%dma_start3A_178 : memref<10000x128xf32, #tpu.memory_space<hbm>>) target(%arg16 : memref<128x128xf32, #tpu.memory_space<vmem>>) offsets(%dma_start3A_175 : memref<128xi32, #tpu.memory_space<vmem>>) semaphore(%arg20 : memref<!tpu.dma_semaphore, #tpu.memory_space<semaphore_mem>>)
        } else {
        }
      }
      %scan3A_79 = arith.constant 28 : i32
      "tpu.region"() ({
        %run_scoped3A_132 = tpu.sem_alloc : memref<!tpu.dma_semaphore, #tpu.memory_space<semaphore_mem>>
        %dma_start3A_133 = arith.constant 0 : i32
        %dma_start3A_134 = arith.constant 0 : i32
        %dma_start3A_135 = tpu.memref_slice %arg13[%dma_start3A_133, %dma_start3A_134] : memref<56x128xi32, #tpu.memory_space<vmem>> -> memref<56x128xi32, #tpu.memory_space<vmem>>
        %dma_start3A_136 = arith.constant 0 : i32
        %dma_start3A_137 = tpu.memref_slice %arg4[%add3A_74, %dma_start3A_136] : memref<2560x128xi32, #tpu.memory_space<hbm>> -> memref<56x128xi32, #tpu.memory_space<hbm>>
        %dma_start3A_138 = arith.constant 0 : i32
        %dma_start3A_139 = arith.constant 0 : i32
        %dma_start3A_140 = tpu.memref_slice %arg13[%dma_start3A_138, %dma_start3A_139] : memref<56x128xi32, #tpu.memory_space<vmem>> -> memref<56x128xi32, #tpu.memory_space<vmem>>
        %dma_start3A_141 = arith.constant 0 : i32
        %dma_start3A_142 = tpu.memref_slice %arg4[%add3A_74, %dma_start3A_141] : memref<2560x128xi32, #tpu.memory_space<hbm>> -> memref<56x128xi32, #tpu.memory_space<hbm>>
        tpu.enqueue_dma source(%dma_start3A_142 : memref<56x128xi32, #tpu.memory_space<hbm>>) target(%dma_start3A_140 : memref<56x128xi32, #tpu.memory_space<vmem>>) target_semaphore(%run_scoped3A_132 : memref<!tpu.dma_semaphore, #tpu.memory_space<semaphore_mem>>)
        %dma_wait3A = arith.constant 0 : i32
        %dma_wait3A_143 = arith.constant 0 : i32
        %dma_wait3A_144 = tpu.memref_slice %arg13[%dma_wait3A, %dma_wait3A_143] : memref<56x128xi32, #tpu.memory_space<vmem>> -> memref<56x128xi32, #tpu.memory_space<vmem>>
        %dma_wait3A_145 = arith.constant 0 : i32
        %dma_wait3A_146 = tpu.memref_slice %arg4[%add3A_74, %dma_wait3A_145] : memref<2560x128xi32, #tpu.memory_space<hbm>> -> memref<56x128xi32, #tpu.memory_space<hbm>>
        %dma_wait3A_147 = arith.constant 0 : i32
        %dma_wait3A_148 = arith.constant 0 : i32
        %dma_wait3A_149 = tpu.memref_slice %arg13[%dma_wait3A_147, %dma_wait3A_148] : memref<56x128xi32, #tpu.memory_space<vmem>> -> memref<56x128xi32, #tpu.memory_space<vmem>>
        %dma_wait3A_150 = arith.constant 0 : i32
        %dma_wait3A_151 = tpu.memref_slice %arg4[%add3A_74, %dma_wait3A_150] : memref<2560x128xi32, #tpu.memory_space<hbm>> -> memref<56x128xi32, #tpu.memory_space<hbm>>
        tpu.wait_dma2 semaphore(%run_scoped3A_132 : memref<!tpu.dma_semaphore, #tpu.memory_space<semaphore_mem>>) src(%dma_wait3A_151 : memref<56x128xi32, #tpu.memory_space<hbm>>) dst(%dma_wait3A_149 : memref<56x128xi32, #tpu.memory_space<vmem>>)
        tpu.yield
      }) : () -> ()
      "tpu.region"() ({
        %run_scoped3A_132 = tpu.sem_alloc : memref<!tpu.dma_semaphore, #tpu.memory_space<semaphore_mem>>
        %dma_start3A_133 = arith.constant 0 : i32
        %dma_start3A_134 = arith.constant 0 : i32
        %dma_start3A_135 = tpu.memref_slice %arg14[%dma_start3A_133, %dma_start3A_134] : memref<56x128xi32, #tpu.memory_space<vmem>> -> memref<56x128xi32, #tpu.memory_space<vmem>>
        %dma_start3A_136 = arith.constant 0 : i32
        %dma_start3A_137 = tpu.memref_slice %arg5[%add3A_74, %dma_start3A_136] : memref<2560x128xi32, #tpu.memory_space<hbm>> -> memref<56x128xi32, #tpu.memory_space<hbm>>
        %dma_start3A_138 = arith.constant 0 : i32
        %dma_start3A_139 = arith.constant 0 : i32
        %dma_start3A_140 = tpu.memref_slice %arg14[%dma_start3A_138, %dma_start3A_139] : memref<56x128xi32, #tpu.memory_space<vmem>> -> memref<56x128xi32, #tpu.memory_space<vmem>>
        %dma_start3A_141 = arith.constant 0 : i32
        %dma_start3A_142 = tpu.memref_slice %arg5[%add3A_74, %dma_start3A_141] : memref<2560x128xi32, #tpu.memory_space<hbm>> -> memref<56x128xi32, #tpu.memory_space<hbm>>
        tpu.enqueue_dma source(%dma_start3A_142 : memref<56x128xi32, #tpu.memory_space<hbm>>) target(%dma_start3A_140 : memref<56x128xi32, #tpu.memory_space<vmem>>) target_semaphore(%run_scoped3A_132 : memref<!tpu.dma_semaphore, #tpu.memory_space<semaphore_mem>>)
        %dma_wait3A = arith.constant 0 : i32
        %dma_wait3A_143 = arith.constant 0 : i32
        %dma_wait3A_144 = tpu.memref_slice %arg14[%dma_wait3A, %dma_wait3A_143] : memref<56x128xi32, #tpu.memory_space<vmem>> -> memref<56x128xi32, #tpu.memory_space<vmem>>
        %dma_wait3A_145 = arith.constant 0 : i32
        %dma_wait3A_146 = tpu.memref_slice %arg5[%add3A_74, %dma_wait3A_145] : memref<2560x128xi32, #tpu.memory_space<hbm>> -> memref<56x128xi32, #tpu.memory_space<hbm>>
        %dma_wait3A_147 = arith.constant 0 : i32
        %dma_wait3A_148 = arith.constant 0 : i32
        %dma_wait3A_149 = tpu.memref_slice %arg14[%dma_wait3A_147, %dma_wait3A_148] : memref<56x128xi32, #tpu.memory_space<vmem>> -> memref<56x128xi32, #tpu.memory_space<vmem>>
        %dma_wait3A_150 = arith.constant 0 : i32
        %dma_wait3A_151 = tpu.memref_slice %arg5[%add3A_74, %dma_wait3A_150] : memref<2560x128xi32, #tpu.memory_space<hbm>> -> memref<56x128xi32, #tpu.memory_space<hbm>>
        tpu.wait_dma2 semaphore(%run_scoped3A_132 : memref<!tpu.dma_semaphore, #tpu.memory_space<semaphore_mem>>) src(%dma_wait3A_151 : memref<56x128xi32, #tpu.memory_space<hbm>>) dst(%dma_wait3A_149 : memref<56x128xi32, #tpu.memory_space<vmem>>)
        tpu.yield
      }) : () -> ()
      %dma_start3A_80 = arith.constant 0 : i32
      %dma_start3A_81 = arith.constant 0 : i32
      %dma_start3A_82 = tpu.memref_slice %arg13[%dma_start3A_80, %dma_start3A_81] : memref<56x128xi32, #tpu.memory_space<vmem>> -> memref<1x128xi32, #tpu.memory_space<vmem>>
      %dma_start3A_83 = tpu.memref_squeeze %dma_start3A_82 : memref<1x128xi32, #tpu.memory_space<vmem>> -> memref<128xi32, #tpu.memory_space<vmem>>
      %dma_start3A_84 = arith.constant 0 : i32
      %dma_start3A_85 = arith.constant 0 : i32
      %dma_start3A_86 = tpu.memref_slice %arg6[%dma_start3A_84, %dma_start3A_85] : memref<10000x128xf32, #tpu.memory_space<hbm>> -> memref<10000x128xf32, #tpu.memory_space<hbm>>
      tpu.enqueue_indirect_dma source(%dma_start3A_86 : memref<10000x128xf32, #tpu.memory_space<hbm>>) target(%arg15 : memref<128x128xf32, #tpu.memory_space<vmem>>) offsets(%dma_start3A_83 : memref<128xi32, #tpu.memory_space<vmem>>) semaphore(%arg19 : memref<!tpu.dma_semaphore, #tpu.memory_space<semaphore_mem>>)
      %dma_start3A_87 = arith.constant 1 : i32
      %dma_start3A_88 = arith.constant 0 : i32
      %dma_start3A_89 = tpu.memref_slice %arg13[%dma_start3A_87, %dma_start3A_88] : memref<56x128xi32, #tpu.memory_space<vmem>> -> memref<1x128xi32, #tpu.memory_space<vmem>>
      %dma_start3A_90 = tpu.memref_squeeze %dma_start3A_89 : memref<1x128xi32, #tpu.memory_space<vmem>> -> memref<128xi32, #tpu.memory_space<vmem>>
      %dma_start3A_91 = arith.constant 0 : i32
      %dma_start3A_92 = arith.constant 0 : i32
      %dma_start3A_93 = tpu.memref_slice %arg6[%dma_start3A_91, %dma_start3A_92] : memref<10000x128xf32, #tpu.memory_space<hbm>> -> memref<10000x128xf32, #tpu.memory_space<hbm>>
      tpu.enqueue_indirect_dma source(%dma_start3A_93 : memref<10000x128xf32, #tpu.memory_space<hbm>>) target(%arg16 : memref<128x128xf32, #tpu.memory_space<vmem>>) offsets(%dma_start3A_90 : memref<128xi32, #tpu.memory_space<vmem>>) semaphore(%arg20 : memref<!tpu.dma_semaphore, #tpu.memory_space<semaphore_mem>>)
      %add3A_94 = arith.constant 56 : i32
      %add3A_95 = arith.addi %add3A_74, %add3A_94 : i32
      %scan3A_96 = arith.constant 0 : i32
      %scan3A_97 = arith.constant 28 : i32
      %scan3A_98 = arith.addi %scan3A_96, %scan3A_97 : i32
      %scan3A_99 = arith.constant 1 : i32
      scf.for %scan3A_132 = %scan3A_96 to %scan3A_98 step %scan3A_99  : i32 {
        %mul3A_133 = arith.constant 1 : i32
        %mul3A_134 = arith.muli %scan3A_132, %mul3A_133 : i32
        %add3A_135 = arith.constant 0 : i32
        %add3A_136 = arith.addi %add3A_135, %mul3A_134 : i32
        %mul3A_137 = arith.constant 2 : i32
        %mul3A_138 = arith.muli %mul3A_137, %add3A_136 : i32
        %add3A_139 = arith.constant 0 : i32
        %add3A_140 = arith.addi %mul3A_138, %add3A_139 : i32
        %dma_wait3A = arith.constant 0 : i32
        %dma_wait3A_141 = arith.constant 0 : i32
        %dma_wait3A_142 = tpu.memref_slice %arg13[%dma_wait3A, %dma_wait3A_141] : memref<56x128xi32, #tpu.memory_space<vmem>> -> memref<1x128xi32, #tpu.memory_space<vmem>>
        %dma_wait3A_143 = tpu.memref_squeeze %dma_wait3A_142 : memref<1x128xi32, #tpu.memory_space<vmem>> -> memref<128xi32, #tpu.memory_space<vmem>>
        %dma_wait3A_144 = arith.constant 0 : i32
        %dma_wait3A_145 = arith.constant 0 : i32
        %dma_wait3A_146 = tpu.memref_slice %arg6[%dma_wait3A_144, %dma_wait3A_145] : memref<10000x128xf32, #tpu.memory_space<hbm>> -> memref<10000x128xf32, #tpu.memory_space<hbm>>
        tpu.wait_indirect_dma semaphore(%arg19 : memref<!tpu.dma_semaphore, #tpu.memory_space<semaphore_mem>>) src(%dma_wait3A_146 : memref<10000x128xf32, #tpu.memory_space<hbm>>) dst(%arg15 : memref<128x128xf32, #tpu.memory_space<vmem>>)
        "tpu.region"() ({
          %run_scoped3A_171 = tpu.sem_alloc : memref<!tpu.dma_semaphore, #tpu.memory_space<semaphore_mem>>
          %dma_start3A_172 = arith.constant 0 : i32
          %dma_start3A_173 = tpu.memref_slice %arg14[%add3A_140, %dma_start3A_172] : memref<56x128xi32, #tpu.memory_space<vmem>> -> memref<1x128xi32, #tpu.memory_space<vmem>>
          %dma_start3A_174 = tpu.memref_squeeze %dma_start3A_173 : memref<1x128xi32, #tpu.memory_space<vmem>> -> memref<128xi32, #tpu.memory_space<vmem>>
          %dma_start3A_175 = arith.constant 0 : i32
          %dma_start3A_176 = arith.constant 0 : i32
          %dma_start3A_177 = tpu.memref_slice %arg11[%dma_start3A_175, %dma_start3A_176] : memref<10112x128xf32, #tpu.memory_space<vmem_shared>> -> memref<10112x128xf32, #tpu.memory_space<vmem_shared>>
          tpu.enqueue_indirect_dma source(%arg15 : memref<128x128xf32, #tpu.memory_space<vmem>>) target(%dma_start3A_177 : memref<10112x128xf32, #tpu.memory_space<vmem_shared>>) offsets(%dma_start3A_174 : memref<128xi32, #tpu.memory_space<vmem>>) semaphore(%run_scoped3A_171 : memref<!tpu.dma_semaphore, #tpu.memory_space<semaphore_mem>>) {add = true}
          %dma_wait3A_178 = arith.constant 0 : i32
          %dma_wait3A_179 = tpu.memref_slice %arg14[%add3A_140, %dma_wait3A_178] : memref<56x128xi32, #tpu.memory_space<vmem>> -> memref<1x128xi32, #tpu.memory_space<vmem>>
          %dma_wait3A_180 = tpu.memref_squeeze %dma_wait3A_179 : memref<1x128xi32, #tpu.memory_space<vmem>> -> memref<128xi32, #tpu.memory_space<vmem>>
          %dma_wait3A_181 = arith.constant 0 : i32
          %dma_wait3A_182 = arith.constant 0 : i32
          %dma_wait3A_183 = tpu.memref_slice %arg11[%dma_wait3A_181, %dma_wait3A_182] : memref<10112x128xf32, #tpu.memory_space<vmem_shared>> -> memref<10112x128xf32, #tpu.memory_space<vmem_shared>>
          tpu.wait_indirect_dma semaphore(%run_scoped3A_171 : memref<!tpu.dma_semaphore, #tpu.memory_space<semaphore_mem>>) src(%arg15 : memref<128x128xf32, #tpu.memory_space<vmem>>) dst(%dma_wait3A_183 : memref<10112x128xf32, #tpu.memory_space<vmem_shared>>)
          tpu.yield
        }) : () -> ()
        "tpu.region"() ({
          %run_scoped3A_171 = tpu.sem_alloc : memref<!tpu.dma_semaphore, #tpu.memory_space<semaphore_mem>>
          %dma_start3A_172 = arith.constant 0 : i32
          %dma_start3A_173 = tpu.memref_slice %arg14[%add3A_140, %dma_start3A_172] : memref<56x128xi32, #tpu.memory_space<vmem>> -> memref<1x128xi32, #tpu.memory_space<vmem>>
          %dma_start3A_174 = tpu.memref_squeeze %dma_start3A_173 : memref<1x128xi32, #tpu.memory_space<vmem>> -> memref<128xi32, #tpu.memory_space<vmem>>
          %dma_start3A_175 = arith.constant 0 : i32
          %dma_start3A_176 = tpu.memref_slice %arg12[%dma_start3A_175] : memref<10112xf32, #tpu.memory_space<vmem_shared>> -> memref<10112xf32, #tpu.memory_space<vmem_shared>>
          tpu.enqueue_indirect_dma source(%arg17 : memref<128xf32, #tpu.memory_space<vmem>>) target(%dma_start3A_176 : memref<10112xf32, #tpu.memory_space<vmem_shared>>) offsets(%dma_start3A_174 : memref<128xi32, #tpu.memory_space<vmem>>) semaphore(%run_scoped3A_171 : memref<!tpu.dma_semaphore, #tpu.memory_space<semaphore_mem>>) {add = true}
          %dma_wait3A_177 = arith.constant 0 : i32
          %dma_wait3A_178 = tpu.memref_slice %arg14[%add3A_140, %dma_wait3A_177] : memref<56x128xi32, #tpu.memory_space<vmem>> -> memref<1x128xi32, #tpu.memory_space<vmem>>
          %dma_wait3A_179 = tpu.memref_squeeze %dma_wait3A_178 : memref<1x128xi32, #tpu.memory_space<vmem>> -> memref<128xi32, #tpu.memory_space<vmem>>
          %dma_wait3A_180 = arith.constant 0 : i32
          %dma_wait3A_181 = tpu.memref_slice %arg12[%dma_wait3A_180] : memref<10112xf32, #tpu.memory_space<vmem_shared>> -> memref<10112xf32, #tpu.memory_space<vmem_shared>>
          tpu.wait_indirect_dma semaphore(%run_scoped3A_171 : memref<!tpu.dma_semaphore, #tpu.memory_space<semaphore_mem>>) src(%arg17 : memref<128xf32, #tpu.memory_space<vmem>>) dst(%dma_wait3A_181 : memref<10112xf32, #tpu.memory_space<vmem_shared>>)
          tpu.yield
        }) : () -> ()
        %add3A_147 = arith.constant 2 : i32
        %add3A_148 = arith.addi %add3A_140, %add3A_147 : i32
        %lt3A = arith.constant 56 : i32
        %lt3A_149 = arith.cmpi slt, %add3A_148, %lt3A : i32
        %convert_element_type3A_150 = arith.extui %lt3A_149 : i1 to i32
        %cond3A_151 = arith.constant 0 : i32
        %cond3A_152 = arith.cmpi ne, %convert_element_type3A_150, %cond3A_151 : i32
        scf.if %cond3A_152 {
          %add3A_171 = arith.constant 2 : i32
          %add3A_172 = arith.addi %add3A_140, %add3A_171 : i32
          %dma_start3A_173 = arith.constant 0 : i32
          %dma_start3A_174 = tpu.memref_slice %arg13[%add3A_172, %dma_start3A_173] : memref<56x128xi32, #tpu.memory_space<vmem>> -> memref<1x128xi32, #tpu.memory_space<vmem>>
          %dma_start3A_175 = tpu.memref_squeeze %dma_start3A_174 : memref<1x128xi32, #tpu.memory_space<vmem>> -> memref<128xi32, #tpu.memory_space<vmem>>
          %dma_start3A_176 = arith.constant 0 : i32
          %dma_start3A_177 = arith.constant 0 : i32
          %dma_start3A_178 = tpu.memref_slice %arg6[%dma_start3A_176, %dma_start3A_177] : memref<10000x128xf32, #tpu.memory_space<hbm>> -> memref<10000x128xf32, #tpu.memory_space<hbm>>
          tpu.enqueue_indirect_dma source(%dma_start3A_178 : memref<10000x128xf32, #tpu.memory_space<hbm>>) target(%arg15 : memref<128x128xf32, #tpu.memory_space<vmem>>) offsets(%dma_start3A_175 : memref<128xi32, #tpu.memory_space<vmem>>) semaphore(%arg19 : memref<!tpu.dma_semaphore, #tpu.memory_space<semaphore_mem>>)
        } else {
        }
        %mul3A_153 = arith.constant 2 : i32
        %mul3A_154 = arith.muli %mul3A_153, %add3A_136 : i32
        %add3A_155 = arith.constant 1 : i32
        %add3A_156 = arith.addi %mul3A_154, %add3A_155 : i32
        %dma_wait3A_157 = arith.constant 1 : i32
        %dma_wait3A_158 = arith.constant 0 : i32
        %dma_wait3A_159 = tpu.memref_slice %arg13[%dma_wait3A_157, %dma_wait3A_158] : memref<56x128xi32, #tpu.memory_space<vmem>> -> memref<1x128xi32, #tpu.memory_space<vmem>>
        %dma_wait3A_160 = tpu.memref_squeeze %dma_wait3A_159 : memref<1x128xi32, #tpu.memory_space<vmem>> -> memref<128xi32, #tpu.memory_space<vmem>>
        %dma_wait3A_161 = arith.constant 0 : i32
        %dma_wait3A_162 = arith.constant 0 : i32
        %dma_wait3A_163 = tpu.memref_slice %arg6[%dma_wait3A_161, %dma_wait3A_162] : memref<10000x128xf32, #tpu.memory_space<hbm>> -> memref<10000x128xf32, #tpu.memory_space<hbm>>
        tpu.wait_indirect_dma semaphore(%arg20 : memref<!tpu.dma_semaphore, #tpu.memory_space<semaphore_mem>>) src(%dma_wait3A_163 : memref<10000x128xf32, #tpu.memory_space<hbm>>) dst(%arg16 : memref<128x128xf32, #tpu.memory_space<vmem>>)
        "tpu.region"() ({
          %run_scoped3A_171 = tpu.sem_alloc : memref<!tpu.dma_semaphore, #tpu.memory_space<semaphore_mem>>
          %dma_start3A_172 = arith.constant 0 : i32
          %dma_start3A_173 = tpu.memref_slice %arg14[%add3A_156, %dma_start3A_172] : memref<56x128xi32, #tpu.memory_space<vmem>> -> memref<1x128xi32, #tpu.memory_space<vmem>>
          %dma_start3A_174 = tpu.memref_squeeze %dma_start3A_173 : memref<1x128xi32, #tpu.memory_space<vmem>> -> memref<128xi32, #tpu.memory_space<vmem>>
          %dma_start3A_175 = arith.constant 0 : i32
          %dma_start3A_176 = arith.constant 0 : i32
          %dma_start3A_177 = tpu.memref_slice %arg11[%dma_start3A_175, %dma_start3A_176] : memref<10112x128xf32, #tpu.memory_space<vmem_shared>> -> memref<10112x128xf32, #tpu.memory_space<vmem_shared>>
          tpu.enqueue_indirect_dma source(%arg16 : memref<128x128xf32, #tpu.memory_space<vmem>>) target(%dma_start3A_177 : memref<10112x128xf32, #tpu.memory_space<vmem_shared>>) offsets(%dma_start3A_174 : memref<128xi32, #tpu.memory_space<vmem>>) semaphore(%run_scoped3A_171 : memref<!tpu.dma_semaphore, #tpu.memory_space<semaphore_mem>>) {add = true}
          %dma_wait3A_178 = arith.constant 0 : i32
          %dma_wait3A_179 = tpu.memref_slice %arg14[%add3A_156, %dma_wait3A_178] : memref<56x128xi32, #tpu.memory_space<vmem>> -> memref<1x128xi32, #tpu.memory_space<vmem>>
          %dma_wait3A_180 = tpu.memref_squeeze %dma_wait3A_179 : memref<1x128xi32, #tpu.memory_space<vmem>> -> memref<128xi32, #tpu.memory_space<vmem>>
          %dma_wait3A_181 = arith.constant 0 : i32
          %dma_wait3A_182 = arith.constant 0 : i32
          %dma_wait3A_183 = tpu.memref_slice %arg11[%dma_wait3A_181, %dma_wait3A_182] : memref<10112x128xf32, #tpu.memory_space<vmem_shared>> -> memref<10112x128xf32, #tpu.memory_space<vmem_shared>>
          tpu.wait_indirect_dma semaphore(%run_scoped3A_171 : memref<!tpu.dma_semaphore, #tpu.memory_space<semaphore_mem>>) src(%arg16 : memref<128x128xf32, #tpu.memory_space<vmem>>) dst(%dma_wait3A_183 : memref<10112x128xf32, #tpu.memory_space<vmem_shared>>)
          tpu.yield
        }) : () -> ()
        "tpu.region"() ({
          %run_scoped3A_171 = tpu.sem_alloc : memref<!tpu.dma_semaphore, #tpu.memory_space<semaphore_mem>>
          %dma_start3A_172 = arith.constant 0 : i32
          %dma_start3A_173 = tpu.memref_slice %arg14[%add3A_156, %dma_start3A_172] : memref<56x128xi32, #tpu.memory_space<vmem>> -> memref<1x128xi32, #tpu.memory_space<vmem>>
          %dma_start3A_174 = tpu.memref_squeeze %dma_start3A_173 : memref<1x128xi32, #tpu.memory_space<vmem>> -> memref<128xi32, #tpu.memory_space<vmem>>
          %dma_start3A_175 = arith.constant 0 : i32
          %dma_start3A_176 = tpu.memref_slice %arg12[%dma_start3A_175] : memref<10112xf32, #tpu.memory_space<vmem_shared>> -> memref<10112xf32, #tpu.memory_space<vmem_shared>>
          tpu.enqueue_indirect_dma source(%arg17 : memref<128xf32, #tpu.memory_space<vmem>>) target(%dma_start3A_176 : memref<10112xf32, #tpu.memory_space<vmem_shared>>) offsets(%dma_start3A_174 : memref<128xi32, #tpu.memory_space<vmem>>) semaphore(%run_scoped3A_171 : memref<!tpu.dma_semaphore, #tpu.memory_space<semaphore_mem>>) {add = true}
          %dma_wait3A_177 = arith.constant 0 : i32
          %dma_wait3A_178 = tpu.memref_slice %arg14[%add3A_156, %dma_wait3A_177] : memref<56x128xi32, #tpu.memory_space<vmem>> -> memref<1x128xi32, #tpu.memory_space<vmem>>
          %dma_wait3A_179 = tpu.memref_squeeze %dma_wait3A_178 : memref<1x128xi32, #tpu.memory_space<vmem>> -> memref<128xi32, #tpu.memory_space<vmem>>
          %dma_wait3A_180 = arith.constant 0 : i32
          %dma_wait3A_181 = tpu.memref_slice %arg12[%dma_wait3A_180] : memref<10112xf32, #tpu.memory_space<vmem_shared>> -> memref<10112xf32, #tpu.memory_space<vmem_shared>>
          tpu.wait_indirect_dma semaphore(%run_scoped3A_171 : memref<!tpu.dma_semaphore, #tpu.memory_space<semaphore_mem>>) src(%arg17 : memref<128xf32, #tpu.memory_space<vmem>>) dst(%dma_wait3A_181 : memref<10112xf32, #tpu.memory_space<vmem_shared>>)
          tpu.yield
        }) : () -> ()
        %add3A_164 = arith.constant 2 : i32
        %add3A_165 = arith.addi %add3A_156, %add3A_164 : i32
        %lt3A_166 = arith.constant 56 : i32
        %lt3A_167 = arith.cmpi slt, %add3A_165, %lt3A_166 : i32
        %convert_element_type3A_168 = arith.extui %lt3A_167 : i1 to i32
        %cond3A_169 = arith.constant 0 : i32
        %cond3A_170 = arith.cmpi ne, %convert_element_type3A_168, %cond3A_169 : i32
        scf.if %cond3A_170 {
          %add3A_171 = arith.constant 2 : i32
          %add3A_172 = arith.addi %add3A_156, %add3A_171 : i32
          %dma_start3A_173 = arith.constant 0 : i32
          %dma_start3A_174 = tpu.memref_slice %arg13[%add3A_172, %dma_start3A_173] : memref<56x128xi32, #tpu.memory_space<vmem>> -> memref<1x128xi32, #tpu.memory_space<vmem>>
          %dma_start3A_175 = tpu.memref_squeeze %dma_start3A_174 : memref<1x128xi32, #tpu.memory_space<vmem>> -> memref<128xi32, #tpu.memory_space<vmem>>
          %dma_start3A_176 = arith.constant 0 : i32
          %dma_start3A_177 = arith.constant 0 : i32
          %dma_start3A_178 = tpu.memref_slice %arg6[%dma_start3A_176, %dma_start3A_177] : memref<10000x128xf32, #tpu.memory_space<hbm>> -> memref<10000x128xf32, #tpu.memory_space<hbm>>
          tpu.enqueue_indirect_dma source(%dma_start3A_178 : memref<10000x128xf32, #tpu.memory_space<hbm>>) target(%arg16 : memref<128x128xf32, #tpu.memory_space<vmem>>) offsets(%dma_start3A_175 : memref<128xi32, #tpu.memory_space<vmem>>) semaphore(%arg20 : memref<!tpu.dma_semaphore, #tpu.memory_space<semaphore_mem>>)
        } else {
        }
      }
      %scan3A_100 = arith.constant 28 : i32
      "tpu.region"() ({
        %run_scoped3A_132 = tpu.sem_alloc : memref<!tpu.dma_semaphore, #tpu.memory_space<semaphore_mem>>
        %dma_start3A_133 = arith.constant 0 : i32
        %dma_start3A_134 = arith.constant 0 : i32
        %dma_start3A_135 = tpu.memref_slice %arg13[%dma_start3A_133, %dma_start3A_134] : memref<56x128xi32, #tpu.memory_space<vmem>> -> memref<48x128xi32, #tpu.memory_space<vmem>>
        %dma_start3A_136 = arith.constant 0 : i32
        %dma_start3A_137 = tpu.memref_slice %arg4[%add3A_95, %dma_start3A_136] : memref<2560x128xi32, #tpu.memory_space<hbm>> -> memref<48x128xi32, #tpu.memory_space<hbm>>
        %dma_start3A_138 = arith.constant 0 : i32
        %dma_start3A_139 = arith.constant 0 : i32
        %dma_start3A_140 = tpu.memref_slice %arg13[%dma_start3A_138, %dma_start3A_139] : memref<56x128xi32, #tpu.memory_space<vmem>> -> memref<48x128xi32, #tpu.memory_space<vmem>>
        %dma_start3A_141 = arith.constant 0 : i32
        %dma_start3A_142 = tpu.memref_slice %arg4[%add3A_95, %dma_start3A_141] : memref<2560x128xi32, #tpu.memory_space<hbm>> -> memref<48x128xi32, #tpu.memory_space<hbm>>
        tpu.enqueue_dma source(%dma_start3A_142 : memref<48x128xi32, #tpu.memory_space<hbm>>) target(%dma_start3A_140 : memref<48x128xi32, #tpu.memory_space<vmem>>) target_semaphore(%run_scoped3A_132 : memref<!tpu.dma_semaphore, #tpu.memory_space<semaphore_mem>>)
        %dma_wait3A = arith.constant 0 : i32
        %dma_wait3A_143 = arith.constant 0 : i32
        %dma_wait3A_144 = tpu.memref_slice %arg13[%dma_wait3A, %dma_wait3A_143] : memref<56x128xi32, #tpu.memory_space<vmem>> -> memref<48x128xi32, #tpu.memory_space<vmem>>
        %dma_wait3A_145 = arith.constant 0 : i32
        %dma_wait3A_146 = tpu.memref_slice %arg4[%add3A_95, %dma_wait3A_145] : memref<2560x128xi32, #tpu.memory_space<hbm>> -> memref<48x128xi32, #tpu.memory_space<hbm>>
        %dma_wait3A_147 = arith.constant 0 : i32
        %dma_wait3A_148 = arith.constant 0 : i32
        %dma_wait3A_149 = tpu.memref_slice %arg13[%dma_wait3A_147, %dma_wait3A_148] : memref<56x128xi32, #tpu.memory_space<vmem>> -> memref<48x128xi32, #tpu.memory_space<vmem>>
        %dma_wait3A_150 = arith.constant 0 : i32
        %dma_wait3A_151 = tpu.memref_slice %arg4[%add3A_95, %dma_wait3A_150] : memref<2560x128xi32, #tpu.memory_space<hbm>> -> memref<48x128xi32, #tpu.memory_space<hbm>>
        tpu.wait_dma2 semaphore(%run_scoped3A_132 : memref<!tpu.dma_semaphore, #tpu.memory_space<semaphore_mem>>) src(%dma_wait3A_151 : memref<48x128xi32, #tpu.memory_space<hbm>>) dst(%dma_wait3A_149 : memref<48x128xi32, #tpu.memory_space<vmem>>)
        tpu.yield
      }) : () -> ()
      "tpu.region"() ({
        %run_scoped3A_132 = tpu.sem_alloc : memref<!tpu.dma_semaphore, #tpu.memory_space<semaphore_mem>>
        %dma_start3A_133 = arith.constant 0 : i32
        %dma_start3A_134 = arith.constant 0 : i32
        %dma_start3A_135 = tpu.memref_slice %arg14[%dma_start3A_133, %dma_start3A_134] : memref<56x128xi32, #tpu.memory_space<vmem>> -> memref<48x128xi32, #tpu.memory_space<vmem>>
        %dma_start3A_136 = arith.constant 0 : i32
        %dma_start3A_137 = tpu.memref_slice %arg5[%add3A_95, %dma_start3A_136] : memref<2560x128xi32, #tpu.memory_space<hbm>> -> memref<48x128xi32, #tpu.memory_space<hbm>>
        %dma_start3A_138 = arith.constant 0 : i32
        %dma_start3A_139 = arith.constant 0 : i32
        %dma_start3A_140 = tpu.memref_slice %arg14[%dma_start3A_138, %dma_start3A_139] : memref<56x128xi32, #tpu.memory_space<vmem>> -> memref<48x128xi32, #tpu.memory_space<vmem>>
        %dma_start3A_141 = arith.constant 0 : i32
        %dma_start3A_142 = tpu.memref_slice %arg5[%add3A_95, %dma_start3A_141] : memref<2560x128xi32, #tpu.memory_space<hbm>> -> memref<48x128xi32, #tpu.memory_space<hbm>>
        tpu.enqueue_dma source(%dma_start3A_142 : memref<48x128xi32, #tpu.memory_space<hbm>>) target(%dma_start3A_140 : memref<48x128xi32, #tpu.memory_space<vmem>>) target_semaphore(%run_scoped3A_132 : memref<!tpu.dma_semaphore, #tpu.memory_space<semaphore_mem>>)
        %dma_wait3A = arith.constant 0 : i32
        %dma_wait3A_143 = arith.constant 0 : i32
        %dma_wait3A_144 = tpu.memref_slice %arg14[%dma_wait3A, %dma_wait3A_143] : memref<56x128xi32, #tpu.memory_space<vmem>> -> memref<48x128xi32, #tpu.memory_space<vmem>>
        %dma_wait3A_145 = arith.constant 0 : i32
        %dma_wait3A_146 = tpu.memref_slice %arg5[%add3A_95, %dma_wait3A_145] : memref<2560x128xi32, #tpu.memory_space<hbm>> -> memref<48x128xi32, #tpu.memory_space<hbm>>
        %dma_wait3A_147 = arith.constant 0 : i32
        %dma_wait3A_148 = arith.constant 0 : i32
        %dma_wait3A_149 = tpu.memref_slice %arg14[%dma_wait3A_147, %dma_wait3A_148] : memref<56x128xi32, #tpu.memory_space<vmem>> -> memref<48x128xi32, #tpu.memory_space<vmem>>
        %dma_wait3A_150 = arith.constant 0 : i32
        %dma_wait3A_151 = tpu.memref_slice %arg5[%add3A_95, %dma_wait3A_150] : memref<2560x128xi32, #tpu.memory_space<hbm>> -> memref<48x128xi32, #tpu.memory_space<hbm>>
        tpu.wait_dma2 semaphore(%run_scoped3A_132 : memref<!tpu.dma_semaphore, #tpu.memory_space<semaphore_mem>>) src(%dma_wait3A_151 : memref<48x128xi32, #tpu.memory_space<hbm>>) dst(%dma_wait3A_149 : memref<48x128xi32, #tpu.memory_space<vmem>>)
        tpu.yield
      }) : () -> ()
      %dma_start3A_101 = arith.constant 0 : i32
      %dma_start3A_102 = arith.constant 0 : i32
      %dma_start3A_103 = tpu.memref_slice %arg13[%dma_start3A_101, %dma_start3A_102] : memref<56x128xi32, #tpu.memory_space<vmem>> -> memref<1x128xi32, #tpu.memory_space<vmem>>
      %dma_start3A_104 = tpu.memref_squeeze %dma_start3A_103 : memref<1x128xi32, #tpu.memory_space<vmem>> -> memref<128xi32, #tpu.memory_space<vmem>>
      %dma_start3A_105 = arith.constant 0 : i32
      %dma_start3A_106 = arith.constant 0 : i32
      %dma_start3A_107 = tpu.memref_slice %arg6[%dma_start3A_105, %dma_start3A_106] : memref<10000x128xf32, #tpu.memory_space<hbm>> -> memref<10000x128xf32, #tpu.memory_space<hbm>>
      tpu.enqueue_indirect_dma source(%dma_start3A_107 : memref<10000x128xf32, #tpu.memory_space<hbm>>) target(%arg15 : memref<128x128xf32, #tpu.memory_space<vmem>>) offsets(%dma_start3A_104 : memref<128xi32, #tpu.memory_space<vmem>>) semaphore(%arg19 : memref<!tpu.dma_semaphore, #tpu.memory_space<semaphore_mem>>)
      %dma_start3A_108 = arith.constant 1 : i32
      %dma_start3A_109 = arith.constant 0 : i32
      %dma_start3A_110 = tpu.memref_slice %arg13[%dma_start3A_108, %dma_start3A_109] : memref<56x128xi32, #tpu.memory_space<vmem>> -> memref<1x128xi32, #tpu.memory_space<vmem>>
      %dma_start3A_111 = tpu.memref_squeeze %dma_start3A_110 : memref<1x128xi32, #tpu.memory_space<vmem>> -> memref<128xi32, #tpu.memory_space<vmem>>
      %dma_start3A_112 = arith.constant 0 : i32
      %dma_start3A_113 = arith.constant 0 : i32
      %dma_start3A_114 = tpu.memref_slice %arg6[%dma_start3A_112, %dma_start3A_113] : memref<10000x128xf32, #tpu.memory_space<hbm>> -> memref<10000x128xf32, #tpu.memory_space<hbm>>
      tpu.enqueue_indirect_dma source(%dma_start3A_114 : memref<10000x128xf32, #tpu.memory_space<hbm>>) target(%arg16 : memref<128x128xf32, #tpu.memory_space<vmem>>) offsets(%dma_start3A_111 : memref<128xi32, #tpu.memory_space<vmem>>) semaphore(%arg20 : memref<!tpu.dma_semaphore, #tpu.memory_space<semaphore_mem>>)
      %add3A_115 = arith.constant 48 : i32
      %add3A_116 = arith.addi %add3A_95, %add3A_115 : i32
      %scan3A_117 = arith.constant 0 : i32
      %scan3A_118 = arith.constant 24 : i32
      %scan3A_119 = arith.addi %scan3A_117, %scan3A_118 : i32
      %scan3A_120 = arith.constant 1 : i32
      scf.for %scan3A_132 = %scan3A_117 to %scan3A_119 step %scan3A_120  : i32 {
        %mul3A_133 = arith.constant 1 : i32
        %mul3A_134 = arith.muli %scan3A_132, %mul3A_133 : i32
        %add3A_135 = arith.constant 0 : i32
        %add3A_136 = arith.addi %add3A_135, %mul3A_134 : i32
        %mul3A_137 = arith.constant 2 : i32
        %mul3A_138 = arith.muli %mul3A_137, %add3A_136 : i32
        %add3A_139 = arith.constant 0 : i32
        %add3A_140 = arith.addi %mul3A_138, %add3A_139 : i32
        %dma_wait3A = arith.constant 0 : i32
        %dma_wait3A_141 = arith.constant 0 : i32
        %dma_wait3A_142 = tpu.memref_slice %arg13[%dma_wait3A, %dma_wait3A_141] : memref<56x128xi32, #tpu.memory_space<vmem>> -> memref<1x128xi32, #tpu.memory_space<vmem>>
        %dma_wait3A_143 = tpu.memref_squeeze %dma_wait3A_142 : memref<1x128xi32, #tpu.memory_space<vmem>> -> memref<128xi32, #tpu.memory_space<vmem>>
        %dma_wait3A_144 = arith.constant 0 : i32
        %dma_wait3A_145 = arith.constant 0 : i32
        %dma_wait3A_146 = tpu.memref_slice %arg6[%dma_wait3A_144, %dma_wait3A_145] : memref<10000x128xf32, #tpu.memory_space<hbm>> -> memref<10000x128xf32, #tpu.memory_space<hbm>>
        tpu.wait_indirect_dma semaphore(%arg19 : memref<!tpu.dma_semaphore, #tpu.memory_space<semaphore_mem>>) src(%dma_wait3A_146 : memref<10000x128xf32, #tpu.memory_space<hbm>>) dst(%arg15 : memref<128x128xf32, #tpu.memory_space<vmem>>)
        "tpu.region"() ({
          %run_scoped3A_171 = tpu.sem_alloc : memref<!tpu.dma_semaphore, #tpu.memory_space<semaphore_mem>>
          %dma_start3A_172 = arith.constant 0 : i32
          %dma_start3A_173 = tpu.memref_slice %arg14[%add3A_140, %dma_start3A_172] : memref<56x128xi32, #tpu.memory_space<vmem>> -> memref<1x128xi32, #tpu.memory_space<vmem>>
          %dma_start3A_174 = tpu.memref_squeeze %dma_start3A_173 : memref<1x128xi32, #tpu.memory_space<vmem>> -> memref<128xi32, #tpu.memory_space<vmem>>
          %dma_start3A_175 = arith.constant 0 : i32
          %dma_start3A_176 = arith.constant 0 : i32
          %dma_start3A_177 = tpu.memref_slice %arg11[%dma_start3A_175, %dma_start3A_176] : memref<10112x128xf32, #tpu.memory_space<vmem_shared>> -> memref<10112x128xf32, #tpu.memory_space<vmem_shared>>
          tpu.enqueue_indirect_dma source(%arg15 : memref<128x128xf32, #tpu.memory_space<vmem>>) target(%dma_start3A_177 : memref<10112x128xf32, #tpu.memory_space<vmem_shared>>) offsets(%dma_start3A_174 : memref<128xi32, #tpu.memory_space<vmem>>) semaphore(%run_scoped3A_171 : memref<!tpu.dma_semaphore, #tpu.memory_space<semaphore_mem>>) {add = true}
          %dma_wait3A_178 = arith.constant 0 : i32
          %dma_wait3A_179 = tpu.memref_slice %arg14[%add3A_140, %dma_wait3A_178] : memref<56x128xi32, #tpu.memory_space<vmem>> -> memref<1x128xi32, #tpu.memory_space<vmem>>
          %dma_wait3A_180 = tpu.memref_squeeze %dma_wait3A_179 : memref<1x128xi32, #tpu.memory_space<vmem>> -> memref<128xi32, #tpu.memory_space<vmem>>
          %dma_wait3A_181 = arith.constant 0 : i32
          %dma_wait3A_182 = arith.constant 0 : i32
          %dma_wait3A_183 = tpu.memref_slice %arg11[%dma_wait3A_181, %dma_wait3A_182] : memref<10112x128xf32, #tpu.memory_space<vmem_shared>> -> memref<10112x128xf32, #tpu.memory_space<vmem_shared>>
          tpu.wait_indirect_dma semaphore(%run_scoped3A_171 : memref<!tpu.dma_semaphore, #tpu.memory_space<semaphore_mem>>) src(%arg15 : memref<128x128xf32, #tpu.memory_space<vmem>>) dst(%dma_wait3A_183 : memref<10112x128xf32, #tpu.memory_space<vmem_shared>>)
          tpu.yield
        }) : () -> ()
        "tpu.region"() ({
          %run_scoped3A_171 = tpu.sem_alloc : memref<!tpu.dma_semaphore, #tpu.memory_space<semaphore_mem>>
          %dma_start3A_172 = arith.constant 0 : i32
          %dma_start3A_173 = tpu.memref_slice %arg14[%add3A_140, %dma_start3A_172] : memref<56x128xi32, #tpu.memory_space<vmem>> -> memref<1x128xi32, #tpu.memory_space<vmem>>
          %dma_start3A_174 = tpu.memref_squeeze %dma_start3A_173 : memref<1x128xi32, #tpu.memory_space<vmem>> -> memref<128xi32, #tpu.memory_space<vmem>>
          %dma_start3A_175 = arith.constant 0 : i32
          %dma_start3A_176 = tpu.memref_slice %arg12[%dma_start3A_175] : memref<10112xf32, #tpu.memory_space<vmem_shared>> -> memref<10112xf32, #tpu.memory_space<vmem_shared>>
          tpu.enqueue_indirect_dma source(%arg17 : memref<128xf32, #tpu.memory_space<vmem>>) target(%dma_start3A_176 : memref<10112xf32, #tpu.memory_space<vmem_shared>>) offsets(%dma_start3A_174 : memref<128xi32, #tpu.memory_space<vmem>>) semaphore(%run_scoped3A_171 : memref<!tpu.dma_semaphore, #tpu.memory_space<semaphore_mem>>) {add = true}
          %dma_wait3A_177 = arith.constant 0 : i32
          %dma_wait3A_178 = tpu.memref_slice %arg14[%add3A_140, %dma_wait3A_177] : memref<56x128xi32, #tpu.memory_space<vmem>> -> memref<1x128xi32, #tpu.memory_space<vmem>>
          %dma_wait3A_179 = tpu.memref_squeeze %dma_wait3A_178 : memref<1x128xi32, #tpu.memory_space<vmem>> -> memref<128xi32, #tpu.memory_space<vmem>>
          %dma_wait3A_180 = arith.constant 0 : i32
          %dma_wait3A_181 = tpu.memref_slice %arg12[%dma_wait3A_180] : memref<10112xf32, #tpu.memory_space<vmem_shared>> -> memref<10112xf32, #tpu.memory_space<vmem_shared>>
          tpu.wait_indirect_dma semaphore(%run_scoped3A_171 : memref<!tpu.dma_semaphore, #tpu.memory_space<semaphore_mem>>) src(%arg17 : memref<128xf32, #tpu.memory_space<vmem>>) dst(%dma_wait3A_181 : memref<10112xf32, #tpu.memory_space<vmem_shared>>)
          tpu.yield
        }) : () -> ()
        %add3A_147 = arith.constant 2 : i32
        %add3A_148 = arith.addi %add3A_140, %add3A_147 : i32
        %lt3A = arith.constant 48 : i32
        %lt3A_149 = arith.cmpi slt, %add3A_148, %lt3A : i32
        %convert_element_type3A_150 = arith.extui %lt3A_149 : i1 to i32
        %cond3A_151 = arith.constant 0 : i32
        %cond3A_152 = arith.cmpi ne, %convert_element_type3A_150, %cond3A_151 : i32
        scf.if %cond3A_152 {
          %add3A_171 = arith.constant 2 : i32
          %add3A_172 = arith.addi %add3A_140, %add3A_171 : i32
          %dma_start3A_173 = arith.constant 0 : i32
          %dma_start3A_174 = tpu.memref_slice %arg13[%add3A_172, %dma_start3A_173] : memref<56x128xi32, #tpu.memory_space<vmem>> -> memref<1x128xi32, #tpu.memory_space<vmem>>
          %dma_start3A_175 = tpu.memref_squeeze %dma_start3A_174 : memref<1x128xi32, #tpu.memory_space<vmem>> -> memref<128xi32, #tpu.memory_space<vmem>>
          %dma_start3A_176 = arith.constant 0 : i32
          %dma_start3A_177 = arith.constant 0 : i32
          %dma_start3A_178 = tpu.memref_slice %arg6[%dma_start3A_176, %dma_start3A_177] : memref<10000x128xf32, #tpu.memory_space<hbm>> -> memref<10000x128xf32, #tpu.memory_space<hbm>>
          tpu.enqueue_indirect_dma source(%dma_start3A_178 : memref<10000x128xf32, #tpu.memory_space<hbm>>) target(%arg15 : memref<128x128xf32, #tpu.memory_space<vmem>>) offsets(%dma_start3A_175 : memref<128xi32, #tpu.memory_space<vmem>>) semaphore(%arg19 : memref<!tpu.dma_semaphore, #tpu.memory_space<semaphore_mem>>)
        } else {
        }
        %mul3A_153 = arith.constant 2 : i32
        %mul3A_154 = arith.muli %mul3A_153, %add3A_136 : i32
        %add3A_155 = arith.constant 1 : i32
        %add3A_156 = arith.addi %mul3A_154, %add3A_155 : i32
        %dma_wait3A_157 = arith.constant 1 : i32
        %dma_wait3A_158 = arith.constant 0 : i32
        %dma_wait3A_159 = tpu.memref_slice %arg13[%dma_wait3A_157, %dma_wait3A_158] : memref<56x128xi32, #tpu.memory_space<vmem>> -> memref<1x128xi32, #tpu.memory_space<vmem>>
        %dma_wait3A_160 = tpu.memref_squeeze %dma_wait3A_159 : memref<1x128xi32, #tpu.memory_space<vmem>> -> memref<128xi32, #tpu.memory_space<vmem>>
        %dma_wait3A_161 = arith.constant 0 : i32
        %dma_wait3A_162 = arith.constant 0 : i32
        %dma_wait3A_163 = tpu.memref_slice %arg6[%dma_wait3A_161, %dma_wait3A_162] : memref<10000x128xf32, #tpu.memory_space<hbm>> -> memref<10000x128xf32, #tpu.memory_space<hbm>>
        tpu.wait_indirect_dma semaphore(%arg20 : memref<!tpu.dma_semaphore, #tpu.memory_space<semaphore_mem>>) src(%dma_wait3A_163 : memref<10000x128xf32, #tpu.memory_space<hbm>>) dst(%arg16 : memref<128x128xf32, #tpu.memory_space<vmem>>)
        "tpu.region"() ({
          %run_scoped3A_171 = tpu.sem_alloc : memref<!tpu.dma_semaphore, #tpu.memory_space<semaphore_mem>>
          %dma_start3A_172 = arith.constant 0 : i32
          %dma_start3A_173 = tpu.memref_slice %arg14[%add3A_156, %dma_start3A_172] : memref<56x128xi32, #tpu.memory_space<vmem>> -> memref<1x128xi32, #tpu.memory_space<vmem>>
          %dma_start3A_174 = tpu.memref_squeeze %dma_start3A_173 : memref<1x128xi32, #tpu.memory_space<vmem>> -> memref<128xi32, #tpu.memory_space<vmem>>
          %dma_start3A_175 = arith.constant 0 : i32
          %dma_start3A_176 = arith.constant 0 : i32
          %dma_start3A_177 = tpu.memref_slice %arg11[%dma_start3A_175, %dma_start3A_176] : memref<10112x128xf32, #tpu.memory_space<vmem_shared>> -> memref<10112x128xf32, #tpu.memory_space<vmem_shared>>
          tpu.enqueue_indirect_dma source(%arg16 : memref<128x128xf32, #tpu.memory_space<vmem>>) target(%dma_start3A_177 : memref<10112x128xf32, #tpu.memory_space<vmem_shared>>) offsets(%dma_start3A_174 : memref<128xi32, #tpu.memory_space<vmem>>) semaphore(%run_scoped3A_171 : memref<!tpu.dma_semaphore, #tpu.memory_space<semaphore_mem>>) {add = true}
          %dma_wait3A_178 = arith.constant 0 : i32
          %dma_wait3A_179 = tpu.memref_slice %arg14[%add3A_156, %dma_wait3A_178] : memref<56x128xi32, #tpu.memory_space<vmem>> -> memref<1x128xi32, #tpu.memory_space<vmem>>
          %dma_wait3A_180 = tpu.memref_squeeze %dma_wait3A_179 : memref<1x128xi32, #tpu.memory_space<vmem>> -> memref<128xi32, #tpu.memory_space<vmem>>
          %dma_wait3A_181 = arith.constant 0 : i32
          %dma_wait3A_182 = arith.constant 0 : i32
          %dma_wait3A_183 = tpu.memref_slice %arg11[%dma_wait3A_181, %dma_wait3A_182] : memref<10112x128xf32, #tpu.memory_space<vmem_shared>> -> memref<10112x128xf32, #tpu.memory_space<vmem_shared>>
          tpu.wait_indirect_dma semaphore(%run_scoped3A_171 : memref<!tpu.dma_semaphore, #tpu.memory_space<semaphore_mem>>) src(%arg16 : memref<128x128xf32, #tpu.memory_space<vmem>>) dst(%dma_wait3A_183 : memref<10112x128xf32, #tpu.memory_space<vmem_shared>>)
          tpu.yield
        }) : () -> ()
        "tpu.region"() ({
          %run_scoped3A_171 = tpu.sem_alloc : memref<!tpu.dma_semaphore, #tpu.memory_space<semaphore_mem>>
          %dma_start3A_172 = arith.constant 0 : i32
          %dma_start3A_173 = tpu.memref_slice %arg14[%add3A_156, %dma_start3A_172] : memref<56x128xi32, #tpu.memory_space<vmem>> -> memref<1x128xi32, #tpu.memory_space<vmem>>
          %dma_start3A_174 = tpu.memref_squeeze %dma_start3A_173 : memref<1x128xi32, #tpu.memory_space<vmem>> -> memref<128xi32, #tpu.memory_space<vmem>>
          %dma_start3A_175 = arith.constant 0 : i32
          %dma_start3A_176 = tpu.memref_slice %arg12[%dma_start3A_175] : memref<10112xf32, #tpu.memory_space<vmem_shared>> -> memref<10112xf32, #tpu.memory_space<vmem_shared>>
          tpu.enqueue_indirect_dma source(%arg17 : memref<128xf32, #tpu.memory_space<vmem>>) target(%dma_start3A_176 : memref<10112xf32, #tpu.memory_space<vmem_shared>>) offsets(%dma_start3A_174 : memref<128xi32, #tpu.memory_space<vmem>>) semaphore(%run_scoped3A_171 : memref<!tpu.dma_semaphore, #tpu.memory_space<semaphore_mem>>) {add = true}
          %dma_wait3A_177 = arith.constant 0 : i32
          %dma_wait3A_178 = tpu.memref_slice %arg14[%add3A_156, %dma_wait3A_177] : memref<56x128xi32, #tpu.memory_space<vmem>> -> memref<1x128xi32, #tpu.memory_space<vmem>>
          %dma_wait3A_179 = tpu.memref_squeeze %dma_wait3A_178 : memref<1x128xi32, #tpu.memory_space<vmem>> -> memref<128xi32, #tpu.memory_space<vmem>>
          %dma_wait3A_180 = arith.constant 0 : i32
          %dma_wait3A_181 = tpu.memref_slice %arg12[%dma_wait3A_180] : memref<10112xf32, #tpu.memory_space<vmem_shared>> -> memref<10112xf32, #tpu.memory_space<vmem_shared>>
          tpu.wait_indirect_dma semaphore(%run_scoped3A_171 : memref<!tpu.dma_semaphore, #tpu.memory_space<semaphore_mem>>) src(%arg17 : memref<128xf32, #tpu.memory_space<vmem>>) dst(%dma_wait3A_181 : memref<10112xf32, #tpu.memory_space<vmem_shared>>)
          tpu.yield
        }) : () -> ()
        %add3A_164 = arith.constant 2 : i32
        %add3A_165 = arith.addi %add3A_156, %add3A_164 : i32
        %lt3A_166 = arith.constant 48 : i32
        %lt3A_167 = arith.cmpi slt, %add3A_165, %lt3A_166 : i32
        %convert_element_type3A_168 = arith.extui %lt3A_167 : i1 to i32
        %cond3A_169 = arith.constant 0 : i32
        %cond3A_170 = arith.cmpi ne, %convert_element_type3A_168, %cond3A_169 : i32
        scf.if %cond3A_170 {
          %add3A_171 = arith.constant 2 : i32
          %add3A_172 = arith.addi %add3A_156, %add3A_171 : i32
          %dma_start3A_173 = arith.constant 0 : i32
          %dma_start3A_174 = tpu.memref_slice %arg13[%add3A_172, %dma_start3A_173] : memref<56x128xi32, #tpu.memory_space<vmem>> -> memref<1x128xi32, #tpu.memory_space<vmem>>
          %dma_start3A_175 = tpu.memref_squeeze %dma_start3A_174 : memref<1x128xi32, #tpu.memory_space<vmem>> -> memref<128xi32, #tpu.memory_space<vmem>>
          %dma_start3A_176 = arith.constant 0 : i32
          %dma_start3A_177 = arith.constant 0 : i32
          %dma_start3A_178 = tpu.memref_slice %arg6[%dma_start3A_176, %dma_start3A_177] : memref<10000x128xf32, #tpu.memory_space<hbm>> -> memref<10000x128xf32, #tpu.memory_space<hbm>>
          tpu.enqueue_indirect_dma source(%dma_start3A_178 : memref<10000x128xf32, #tpu.memory_space<hbm>>) target(%arg16 : memref<128x128xf32, #tpu.memory_space<vmem>>) offsets(%dma_start3A_175 : memref<128xi32, #tpu.memory_space<vmem>>) semaphore(%arg20 : memref<!tpu.dma_semaphore, #tpu.memory_space<semaphore_mem>>)
        } else {
        }
      }
      %scan3A_121 = arith.constant 24 : i32
      %barrier3A_122 = arith.constant 0 : index
      tpu.barrier barrier_id(%barrier3A_122)
      %mul3A_123 = arith.constant 632 : i32
      %mul3A_124 = arith.muli %arg1, %mul3A_123 : i32
      %mul3A_125 = arith.constant 632 : i32
      %mul3A_126 = arith.muli %arg1, %mul3A_125 : i32
      "tpu.region"() ({
        %run_scoped3A_132 = tpu.sem_alloc : memref<!tpu.dma_semaphore, #tpu.memory_space<semaphore_mem>>
        %dma_start3A_133 = arith.constant 0 : i32
        %dma_start3A_134 = tpu.memref_slice %arg9[%mul3A_126, %dma_start3A_133] : memref<10112x128xf32, #tpu.memory_space<hbm>> -> memref<632x128xf32, #tpu.memory_space<hbm>>
        %dma_start3A_135 = arith.constant 0 : i32
        %dma_start3A_136 = tpu.memref_slice %arg11[%mul3A_124, %dma_start3A_135] : memref<10112x128xf32, #tpu.memory_space<vmem_shared>> -> memref<632x128xf32, #tpu.memory_space<vmem_shared>>
        tpu.enqueue_dma source(%dma_start3A_136 : memref<632x128xf32, #tpu.memory_space<vmem_shared>>) target(%dma_start3A_134 : memref<632x128xf32, #tpu.memory_space<hbm>>) target_semaphore(%run_scoped3A_132 : memref<!tpu.dma_semaphore, #tpu.memory_space<semaphore_mem>>)
        %dma_wait3A = arith.constant 0 : i32
        %dma_wait3A_137 = tpu.memref_slice %arg9[%mul3A_126, %dma_wait3A] : memref<10112x128xf32, #tpu.memory_space<hbm>> -> memref<632x128xf32, #tpu.memory_space<hbm>>
        %dma_wait3A_138 = arith.constant 0 : i32
        %dma_wait3A_139 = tpu.memref_slice %arg11[%mul3A_124, %dma_wait3A_138] : memref<10112x128xf32, #tpu.memory_space<vmem_shared>> -> memref<632x128xf32, #tpu.memory_space<vmem_shared>>
        tpu.wait_dma2 semaphore(%run_scoped3A_132 : memref<!tpu.dma_semaphore, #tpu.memory_space<semaphore_mem>>) src(%dma_wait3A_139 : memref<632x128xf32, #tpu.memory_space<vmem_shared>>) dst(%dma_wait3A_137 : memref<632x128xf32, #tpu.memory_space<hbm>>)
        tpu.yield
      }) : () -> ()
      %mul3A_127 = arith.constant 632 : i32
      %mul3A_128 = arith.muli %arg1, %mul3A_127 : i32
      "tpu.region"() ({
        %run_scoped3A_132 = tpu.sem_alloc : memref<!tpu.dma_semaphore, #tpu.memory_space<semaphore_mem>>
        %dma_start3A_133 = tpu.memref_slice %arg12[%mul3A_128] : memref<10112xf32, #tpu.memory_space<vmem_shared>> -> memref<632xf32, #tpu.memory_space<vmem_shared>>
        %dma_start3A_134 = tpu.memref_slice %arg12[%mul3A_128] : memref<10112xf32, #tpu.memory_space<vmem_shared>> -> memref<632xf32, #tpu.memory_space<vmem_shared>>
        tpu.enqueue_dma source(%dma_start3A_134 : memref<632xf32, #tpu.memory_space<vmem_shared>>) target(%arg18 : memref<632xf32, #tpu.memory_space<vmem>>) target_semaphore(%run_scoped3A_132 : memref<!tpu.dma_semaphore, #tpu.memory_space<semaphore_mem>>)
        %dma_wait3A = tpu.memref_slice %arg12[%mul3A_128] : memref<10112xf32, #tpu.memory_space<vmem_shared>> -> memref<632xf32, #tpu.memory_space<vmem_shared>>
        %dma_wait3A_135 = tpu.memref_slice %arg12[%mul3A_128] : memref<10112xf32, #tpu.memory_space<vmem_shared>> -> memref<632xf32, #tpu.memory_space<vmem_shared>>
        tpu.wait_dma2 semaphore(%run_scoped3A_132 : memref<!tpu.dma_semaphore, #tpu.memory_space<semaphore_mem>>) src(%dma_wait3A_135 : memref<632xf32, #tpu.memory_space<vmem_shared>>) dst(%arg18 : memref<632xf32, #tpu.memory_space<vmem>>)
        tpu.yield
      }) : () -> ()
      %mul3A_129 = arith.constant 632 : i32
      %mul3A_130 = arith.muli %arg1, %mul3A_129 : i32
      "tpu.region"() ({
        %run_scoped3A_132 = tpu.sem_alloc : memref<!tpu.dma_semaphore, #tpu.memory_space<semaphore_mem>>
        %dma_start3A_133 = tpu.memref_slice %arg10[%mul3A_130] : memref<10112xf32, #tpu.memory_space<hbm>> -> memref<632xf32, #tpu.memory_space<hbm>>
        %dma_start3A_134 = tpu.memref_slice %arg10[%mul3A_130] : memref<10112xf32, #tpu.memory_space<hbm>> -> memref<632xf32, #tpu.memory_space<hbm>>
        tpu.enqueue_dma source(%arg18 : memref<632xf32, #tpu.memory_space<vmem>>) target(%dma_start3A_134 : memref<632xf32, #tpu.memory_space<hbm>>) target_semaphore(%run_scoped3A_132 : memref<!tpu.dma_semaphore, #tpu.memory_space<semaphore_mem>>)
        %dma_wait3A = tpu.memref_slice %arg10[%mul3A_130] : memref<10112xf32, #tpu.memory_space<hbm>> -> memref<632xf32, #tpu.memory_space<hbm>>
        %dma_wait3A_135 = tpu.memref_slice %arg10[%mul3A_130] : memref<10112xf32, #tpu.memory_space<hbm>> -> memref<632xf32, #tpu.memory_space<hbm>>
        tpu.wait_dma2 semaphore(%run_scoped3A_132 : memref<!tpu.dma_semaphore, #tpu.memory_space<semaphore_mem>>) src(%arg18 : memref<632xf32, #tpu.memory_space<vmem>>) dst(%dma_wait3A_135 : memref<632xf32, #tpu.memory_space<hbm>>)
        tpu.yield
      }) : () -> ()
      %barrier3A_131 = arith.constant 0 : index
      tpu.barrier barrier_id(%barrier3A_131)
    } else {
    }
    return
  }
}

#map = affine_map<(d0, d1) -> (0, 0)>
#map1 = affine_map<(d0, d1) -> (0, 0, 0)>
module attributes {stable_mosaic.version = 14 : i64} {
  func.func @body(%arg0: i32, %arg1: i32, %arg2: memref<2560x128xi32, #tpu.memory_space<hbm>>, %arg3: memref<2560x128xi32, #tpu.memory_space<hbm>>, %arg4: memref<10000x128xf32, #tpu.memory_space<hbm>>, %arg5: memref<2x10112x128xf32, #tpu.memory_space<hbm>>, %arg6: memref<10112x128xf32, #tpu.memory_space<vmem_shared>>, %arg7: memref<56x128xi32, #tpu.memory_space<vmem>>, %arg8: memref<56x128xi32, #tpu.memory_space<vmem>>, %arg9: memref<128x128xf32, #tpu.memory_space<vmem>>, %arg10: memref<128x128xf32, #tpu.memory_space<vmem>>, %arg11: memref<!tpu.dma_semaphore, #tpu.memory_space<semaphore_mem>>, %arg12: memref<!tpu.dma_semaphore, #tpu.memory_space<semaphore_mem>>) attributes {dimension_semantics = [#tpu.dimension_semantics<core_parallel>, #tpu.dimension_semantics<subcore_parallel>], iteration_bounds = array<i64: 2, 16>, scalar_prefetch = 0 : i64, scratch_operands = 7 : i64, tpu.core_type = #tpu.core_type<sc_vector_subcore>, window_params = [{transform_indices = #map}, {transform_indices = #map}, {transform_indices = #map}, {transform_indices = #map1}]} {
    %mul3A = arith.constant 16 : i32
    %mul3A_0 = arith.muli %arg0, %mul3A : i32
    %add3A = arith.addi %mul3A_0, %arg1 : i32
    %mul3A_1 = arith.constant 80 : i32
    %mul3A_2 = arith.muli %add3A, %mul3A_1 : i32
    %scan3A = arith.constant 0 : i32
    %scan3A_3 = arith.constant 1024 : i32
    %scan3A_4 = arith.addi %scan3A, %scan3A_3 : i32
    %scan3A_5 = arith.constant 1 : i32
    scf.for %scan3A_74 = %scan3A to %scan3A_4 step %scan3A_5  : i32 {
      %mul3A_75 = arith.constant 1 : i32
      %mul3A_76 = arith.muli %scan3A_74, %mul3A_75 : i32
      %add3A_77 = arith.constant 0 : i32
      %add3A_78 = arith.addi %add3A_77, %mul3A_76 : i32
      %broadcast_in_dim3A = arith.constant 0.000000e+00 : f32
      %broadcast_in_dim3A_79 = vector.broadcast %broadcast_in_dim3A : f32 to vector<16xf32>
      %jit3A = arith.constant 8 : i32
      %div3A = arith.divsi %add3A_78, %jit3A : i32
      %sign3A = arith.constant 0 : i32
      %sign3A_80 = arith.cmpi sgt, %add3A_78, %sign3A : i32
      %sign3A_81 = arith.extui %sign3A_80 : i1 to i32
      %sign3A_82 = arith.constant 0 : i32
      %sign3A_83 = arith.cmpi slt, %add3A_78, %sign3A_82 : i32
      %sign3A_84 = arith.extui %sign3A_83 : i1 to i32
      %sign3A_85 = arith.subi %sign3A_81, %sign3A_84 : i32
      %sign3A_86 = arith.constant 0 : i32
      %sign3A_87 = arith.cmpi sgt, %jit3A, %sign3A_86 : i32
      %sign3A_88 = arith.extui %sign3A_87 : i1 to i32
      %sign3A_89 = arith.constant 0 : i32
      %sign3A_90 = arith.cmpi slt, %jit3A, %sign3A_89 : i32
      %sign3A_91 = arith.extui %sign3A_90 : i1 to i32
      %sign3A_92 = arith.subi %sign3A_88, %sign3A_91 : i32
      %ne3A = arith.cmpi ne, %sign3A_85, %sign3A_92 : i32
      %rem3A = arith.remsi %add3A_78, %jit3A : i32
      %ne3A_93 = arith.constant 0 : i32
      %ne3A_94 = arith.cmpi ne, %rem3A, %ne3A_93 : i32
      %and3A = arith.andi %ne3A, %ne3A_94 : i1
      %sub3A = arith.constant 1 : i32
      %sub3A_95 = arith.subi %div3A, %sub3A : i32
      %select_n3A = arith.select %and3A, %sub3A_95, %div3A : i32
      %jit3A_96 = arith.constant 8 : i32
      %eq3A = arith.constant 0 : i32
      %eq3A_97 = arith.cmpi eq, %jit3A_96, %eq3A : i32
      %jit3A_98 = arith.constant 1 : i32
      %select_n3A_99 = arith.select %eq3A_97, %jit3A_98, %jit3A_96 : i32
      %rem3A_100 = arith.remsi %add3A_78, %select_n3A_99 : i32
      %ne3A_101 = arith.constant 0 : i32
      %ne3A_102 = arith.cmpi ne, %rem3A_100, %ne3A_101 : i32
      %lt3A = arith.constant 0 : i32
      %lt3A_103 = arith.cmpi slt, %rem3A_100, %lt3A : i32
      %lt3A_104 = arith.constant 0 : i32
      %lt3A_105 = arith.cmpi slt, %select_n3A_99, %lt3A_104 : i32
      %ne3A_106 = arith.xori %lt3A_103, %lt3A_105 : i1
      %and3A_107 = arith.andi %ne3A_106, %ne3A_102 : i1
      %add3A_108 = arith.addi %rem3A_100, %select_n3A_99 : i32
      %select_n3A_109 = arith.select %and3A_107, %add3A_108, %rem3A_100 : i32
      %mul3A_110 = arith.constant 16 : i32
      %mul3A_111 = arith.muli %select_n3A_109, %mul3A_110 : i32
      %swap3A = arith.index_cast %select_n3A : i32 to index
      %swap3A_112 = arith.index_cast %mul3A_111 : i32 to index
      %swap3A_113 = tpu.vector_load %arg9[%swap3A, %swap3A_112] {strides = array<i32>} : memref<128x128xf32, #tpu.memory_space<vmem>>, vector<1x16xf32>,
      %swap3A_114 = vector.shape_cast %swap3A_113 : vector<1x16xf32> to vector<16xf32>
      %swap3A_115 = vector.shape_cast %broadcast_in_dim3A_79 : vector<16xf32> to vector<1x16xf32>
      tpu.vector_store %arg9[%swap3A, %swap3A_112], %swap3A_115 {strides = array<i32>} : memref<128x128xf32, #tpu.memory_space<vmem>>, vector<1x16xf32>,
    }
    %scan3A_6 = arith.constant 1024 : i32
    %mul3A_7 = arith.constant 632 : i32
    %mul3A_8 = arith.muli %arg1, %mul3A_7 : i32
    %add3A_9 = arith.constant 0 : i32
    %add3A_10 = arith.addi %mul3A_8, %add3A_9 : i32
    "tpu.region"() ({
      %run_scoped3A = tpu.sem_alloc : memref<!tpu.dma_semaphore, #tpu.memory_space<semaphore_mem>>
      %dma_start3A_74 = arith.constant 0 : i32
      %dma_start3A_75 = arith.constant 0 : i32
      %dma_start3A_76 = tpu.memref_slice %arg9[%dma_start3A_74, %dma_start3A_75] : memref<128x128xf32, #tpu.memory_space<vmem>> -> memref<128x128xf32, #tpu.memory_space<vmem>>
      %dma_start3A_77 = arith.constant 0 : i32
      %dma_start3A_78 = tpu.memref_slice %arg6[%add3A_10, %dma_start3A_77] : memref<10112x128xf32, #tpu.memory_space<vmem_shared>> -> memref<128x128xf32, #tpu.memory_space<vmem_shared>>
      %dma_start3A_79 = arith.constant 0 : i32
      %dma_start3A_80 = tpu.memref_slice %arg6[%add3A_10, %dma_start3A_79] : memref<10112x128xf32, #tpu.memory_space<vmem_shared>> -> memref<128x128xf32, #tpu.memory_space<vmem_shared>>
      %dma_start3A_81 = arith.constant 0 : i32
      %dma_start3A_82 = arith.constant 0 : i32
      %dma_start3A_83 = tpu.memref_slice %arg9[%dma_start3A_81, %dma_start3A_82] : memref<128x128xf32, #tpu.memory_space<vmem>> -> memref<128x128xf32, #tpu.memory_space<vmem>>
      tpu.enqueue_dma source(%dma_start3A_83 : memref<128x128xf32, #tpu.memory_space<vmem>>) target(%dma_start3A_80 : memref<128x128xf32, #tpu.memory_space<vmem_shared>>) target_semaphore(%run_scoped3A : memref<!tpu.dma_semaphore, #tpu.memory_space<semaphore_mem>>)
      %dma_wait3A = arith.constant 0 : i32
      %dma_wait3A_84 = arith.constant 0 : i32
      %dma_wait3A_85 = tpu.memref_slice %arg9[%dma_wait3A, %dma_wait3A_84] : memref<128x128xf32, #tpu.memory_space<vmem>> -> memref<128x128xf32, #tpu.memory_space<vmem>>
      %dma_wait3A_86 = arith.constant 0 : i32
      %dma_wait3A_87 = tpu.memref_slice %arg6[%add3A_10, %dma_wait3A_86] : memref<10112x128xf32, #tpu.memory_space<vmem_shared>> -> memref<128x128xf32, #tpu.memory_space<vmem_shared>>
      %dma_wait3A_88 = arith.constant 0 : i32
      %dma_wait3A_89 = tpu.memref_slice %arg6[%add3A_10, %dma_wait3A_88] : memref<10112x128xf32, #tpu.memory_space<vmem_shared>> -> memref<128x128xf32, #tpu.memory_space<vmem_shared>>
      %dma_wait3A_90 = arith.constant 0 : i32
      %dma_wait3A_91 = arith.constant 0 : i32
      %dma_wait3A_92 = tpu.memref_slice %arg9[%dma_wait3A_90, %dma_wait3A_91] : memref<128x128xf32, #tpu.memory_space<vmem>> -> memref<128x128xf32, #tpu.memory_space<vmem>>
      tpu.wait_dma2 semaphore(%run_scoped3A : memref<!tpu.dma_semaphore, #tpu.memory_space<semaphore_mem>>) src(%dma_wait3A_92 : memref<128x128xf32, #tpu.memory_space<vmem>>) dst(%dma_wait3A_89 : memref<128x128xf32, #tpu.memory_space<vmem_shared>>)
      tpu.yield
    }) : () -> ()
    %mul3A_11 = arith.constant 632 : i32
    %mul3A_12 = arith.muli %arg1, %mul3A_11 : i32
    %add3A_13 = arith.constant 128 : i32
    %add3A_14 = arith.addi %mul3A_12, %add3A_13 : i32
    "tpu.region"() ({
      %run_scoped3A = tpu.sem_alloc : memref<!tpu.dma_semaphore, #tpu.memory_space<semaphore_mem>>
      %dma_start3A_74 = arith.constant 0 : i32
      %dma_start3A_75 = arith.constant 0 : i32
      %dma_start3A_76 = tpu.memref_slice %arg9[%dma_start3A_74, %dma_start3A_75] : memref<128x128xf32, #tpu.memory_space<vmem>> -> memref<128x128xf32, #tpu.memory_space<vmem>>
      %dma_start3A_77 = arith.constant 0 : i32
      %dma_start3A_78 = tpu.memref_slice %arg6[%add3A_14, %dma_start3A_77] : memref<10112x128xf32, #tpu.memory_space<vmem_shared>> -> memref<128x128xf32, #tpu.memory_space<vmem_shared>>
      %dma_start3A_79 = arith.constant 0 : i32
      %dma_start3A_80 = tpu.memref_slice %arg6[%add3A_14, %dma_start3A_79] : memref<10112x128xf32, #tpu.memory_space<vmem_shared>> -> memref<128x128xf32, #tpu.memory_space<vmem_shared>>
      %dma_start3A_81 = arith.constant 0 : i32
      %dma_start3A_82 = arith.constant 0 : i32
      %dma_start3A_83 = tpu.memref_slice %arg9[%dma_start3A_81, %dma_start3A_82] : memref<128x128xf32, #tpu.memory_space<vmem>> -> memref<128x128xf32, #tpu.memory_space<vmem>>
      tpu.enqueue_dma source(%dma_start3A_83 : memref<128x128xf32, #tpu.memory_space<vmem>>) target(%dma_start3A_80 : memref<128x128xf32, #tpu.memory_space<vmem_shared>>) target_semaphore(%run_scoped3A : memref<!tpu.dma_semaphore, #tpu.memory_space<semaphore_mem>>)
      %dma_wait3A = arith.constant 0 : i32
      %dma_wait3A_84 = arith.constant 0 : i32
      %dma_wait3A_85 = tpu.memref_slice %arg9[%dma_wait3A, %dma_wait3A_84] : memref<128x128xf32, #tpu.memory_space<vmem>> -> memref<128x128xf32, #tpu.memory_space<vmem>>
      %dma_wait3A_86 = arith.constant 0 : i32
      %dma_wait3A_87 = tpu.memref_slice %arg6[%add3A_14, %dma_wait3A_86] : memref<10112x128xf32, #tpu.memory_space<vmem_shared>> -> memref<128x128xf32, #tpu.memory_space<vmem_shared>>
      %dma_wait3A_88 = arith.constant 0 : i32
      %dma_wait3A_89 = tpu.memref_slice %arg6[%add3A_14, %dma_wait3A_88] : memref<10112x128xf32, #tpu.memory_space<vmem_shared>> -> memref<128x128xf32, #tpu.memory_space<vmem_shared>>
      %dma_wait3A_90 = arith.constant 0 : i32
      %dma_wait3A_91 = arith.constant 0 : i32
      %dma_wait3A_92 = tpu.memref_slice %arg9[%dma_wait3A_90, %dma_wait3A_91] : memref<128x128xf32, #tpu.memory_space<vmem>> -> memref<128x128xf32, #tpu.memory_space<vmem>>
      tpu.wait_dma2 semaphore(%run_scoped3A : memref<!tpu.dma_semaphore, #tpu.memory_space<semaphore_mem>>) src(%dma_wait3A_92 : memref<128x128xf32, #tpu.memory_space<vmem>>) dst(%dma_wait3A_89 : memref<128x128xf32, #tpu.memory_space<vmem_shared>>)
      tpu.yield
    }) : () -> ()
    %mul3A_15 = arith.constant 632 : i32
    %mul3A_16 = arith.muli %arg1, %mul3A_15 : i32
    %add3A_17 = arith.constant 256 : i32
    %add3A_18 = arith.addi %mul3A_16, %add3A_17 : i32
    "tpu.region"() ({
      %run_scoped3A = tpu.sem_alloc : memref<!tpu.dma_semaphore, #tpu.memory_space<semaphore_mem>>
      %dma_start3A_74 = arith.constant 0 : i32
      %dma_start3A_75 = arith.constant 0 : i32
      %dma_start3A_76 = tpu.memref_slice %arg9[%dma_start3A_74, %dma_start3A_75] : memref<128x128xf32, #tpu.memory_space<vmem>> -> memref<128x128xf32, #tpu.memory_space<vmem>>
      %dma_start3A_77 = arith.constant 0 : i32
      %dma_start3A_78 = tpu.memref_slice %arg6[%add3A_18, %dma_start3A_77] : memref<10112x128xf32, #tpu.memory_space<vmem_shared>> -> memref<128x128xf32, #tpu.memory_space<vmem_shared>>
      %dma_start3A_79 = arith.constant 0 : i32
      %dma_start3A_80 = tpu.memref_slice %arg6[%add3A_18, %dma_start3A_79] : memref<10112x128xf32, #tpu.memory_space<vmem_shared>> -> memref<128x128xf32, #tpu.memory_space<vmem_shared>>
      %dma_start3A_81 = arith.constant 0 : i32
      %dma_start3A_82 = arith.constant 0 : i32
      %dma_start3A_83 = tpu.memref_slice %arg9[%dma_start3A_81, %dma_start3A_82] : memref<128x128xf32, #tpu.memory_space<vmem>> -> memref<128x128xf32, #tpu.memory_space<vmem>>
      tpu.enqueue_dma source(%dma_start3A_83 : memref<128x128xf32, #tpu.memory_space<vmem>>) target(%dma_start3A_80 : memref<128x128xf32, #tpu.memory_space<vmem_shared>>) target_semaphore(%run_scoped3A : memref<!tpu.dma_semaphore, #tpu.memory_space<semaphore_mem>>)
      %dma_wait3A = arith.constant 0 : i32
      %dma_wait3A_84 = arith.constant 0 : i32
      %dma_wait3A_85 = tpu.memref_slice %arg9[%dma_wait3A, %dma_wait3A_84] : memref<128x128xf32, #tpu.memory_space<vmem>> -> memref<128x128xf32, #tpu.memory_space<vmem>>
      %dma_wait3A_86 = arith.constant 0 : i32
      %dma_wait3A_87 = tpu.memref_slice %arg6[%add3A_18, %dma_wait3A_86] : memref<10112x128xf32, #tpu.memory_space<vmem_shared>> -> memref<128x128xf32, #tpu.memory_space<vmem_shared>>
      %dma_wait3A_88 = arith.constant 0 : i32
      %dma_wait3A_89 = tpu.memref_slice %arg6[%add3A_18, %dma_wait3A_88] : memref<10112x128xf32, #tpu.memory_space<vmem_shared>> -> memref<128x128xf32, #tpu.memory_space<vmem_shared>>
      %dma_wait3A_90 = arith.constant 0 : i32
      %dma_wait3A_91 = arith.constant 0 : i32
      %dma_wait3A_92 = tpu.memref_slice %arg9[%dma_wait3A_90, %dma_wait3A_91] : memref<128x128xf32, #tpu.memory_space<vmem>> -> memref<128x128xf32, #tpu.memory_space<vmem>>
      tpu.wait_dma2 semaphore(%run_scoped3A : memref<!tpu.dma_semaphore, #tpu.memory_space<semaphore_mem>>) src(%dma_wait3A_92 : memref<128x128xf32, #tpu.memory_space<vmem>>) dst(%dma_wait3A_89 : memref<128x128xf32, #tpu.memory_space<vmem_shared>>)
      tpu.yield
    }) : () -> ()
    %mul3A_19 = arith.constant 632 : i32
    %mul3A_20 = arith.muli %arg1, %mul3A_19 : i32
    %add3A_21 = arith.constant 384 : i32
    %add3A_22 = arith.addi %mul3A_20, %add3A_21 : i32
    "tpu.region"() ({
      %run_scoped3A = tpu.sem_alloc : memref<!tpu.dma_semaphore, #tpu.memory_space<semaphore_mem>>
      %dma_start3A_74 = arith.constant 0 : i32
      %dma_start3A_75 = arith.constant 0 : i32
      %dma_start3A_76 = tpu.memref_slice %arg9[%dma_start3A_74, %dma_start3A_75] : memref<128x128xf32, #tpu.memory_space<vmem>> -> memref<128x128xf32, #tpu.memory_space<vmem>>
      %dma_start3A_77 = arith.constant 0 : i32
      %dma_start3A_78 = tpu.memref_slice %arg6[%add3A_22, %dma_start3A_77] : memref<10112x128xf32, #tpu.memory_space<vmem_shared>> -> memref<128x128xf32, #tpu.memory_space<vmem_shared>>
      %dma_start3A_79 = arith.constant 0 : i32
      %dma_start3A_80 = tpu.memref_slice %arg6[%add3A_22, %dma_start3A_79] : memref<10112x128xf32, #tpu.memory_space<vmem_shared>> -> memref<128x128xf32, #tpu.memory_space<vmem_shared>>
      %dma_start3A_81 = arith.constant 0 : i32
      %dma_start3A_82 = arith.constant 0 : i32
      %dma_start3A_83 = tpu.memref_slice %arg9[%dma_start3A_81, %dma_start3A_82] : memref<128x128xf32, #tpu.memory_space<vmem>> -> memref<128x128xf32, #tpu.memory_space<vmem>>
      tpu.enqueue_dma source(%dma_start3A_83 : memref<128x128xf32, #tpu.memory_space<vmem>>) target(%dma_start3A_80 : memref<128x128xf32, #tpu.memory_space<vmem_shared>>) target_semaphore(%run_scoped3A : memref<!tpu.dma_semaphore, #tpu.memory_space<semaphore_mem>>)
      %dma_wait3A = arith.constant 0 : i32
      %dma_wait3A_84 = arith.constant 0 : i32
      %dma_wait3A_85 = tpu.memref_slice %arg9[%dma_wait3A, %dma_wait3A_84] : memref<128x128xf32, #tpu.memory_space<vmem>> -> memref<128x128xf32, #tpu.memory_space<vmem>>
      %dma_wait3A_86 = arith.constant 0 : i32
      %dma_wait3A_87 = tpu.memref_slice %arg6[%add3A_22, %dma_wait3A_86] : memref<10112x128xf32, #tpu.memory_space<vmem_shared>> -> memref<128x128xf32, #tpu.memory_space<vmem_shared>>
      %dma_wait3A_88 = arith.constant 0 : i32
      %dma_wait3A_89 = tpu.memref_slice %arg6[%add3A_22, %dma_wait3A_88] : memref<10112x128xf32, #tpu.memory_space<vmem_shared>> -> memref<128x128xf32, #tpu.memory_space<vmem_shared>>
      %dma_wait3A_90 = arith.constant 0 : i32
      %dma_wait3A_91 = arith.constant 0 : i32
      %dma_wait3A_92 = tpu.memref_slice %arg9[%dma_wait3A_90, %dma_wait3A_91] : memref<128x128xf32, #tpu.memory_space<vmem>> -> memref<128x128xf32, #tpu.memory_space<vmem>>
      tpu.wait_dma2 semaphore(%run_scoped3A : memref<!tpu.dma_semaphore, #tpu.memory_space<semaphore_mem>>) src(%dma_wait3A_92 : memref<128x128xf32, #tpu.memory_space<vmem>>) dst(%dma_wait3A_89 : memref<128x128xf32, #tpu.memory_space<vmem_shared>>)
      tpu.yield
    }) : () -> ()
    %mul3A_23 = arith.constant 632 : i32
    %mul3A_24 = arith.muli %arg1, %mul3A_23 : i32
    %add3A_25 = arith.constant 512 : i32
    %add3A_26 = arith.addi %mul3A_24, %add3A_25 : i32
    "tpu.region"() ({
      %run_scoped3A = tpu.sem_alloc : memref<!tpu.dma_semaphore, #tpu.memory_space<semaphore_mem>>
      %dma_start3A_74 = arith.constant 0 : i32
      %dma_start3A_75 = arith.constant 0 : i32
      %dma_start3A_76 = tpu.memref_slice %arg9[%dma_start3A_74, %dma_start3A_75] : memref<128x128xf32, #tpu.memory_space<vmem>> -> memref<120x128xf32, #tpu.memory_space<vmem>>
      %dma_start3A_77 = arith.constant 0 : i32
      %dma_start3A_78 = tpu.memref_slice %arg6[%add3A_26, %dma_start3A_77] : memref<10112x128xf32, #tpu.memory_space<vmem_shared>> -> memref<120x128xf32, #tpu.memory_space<vmem_shared>>
      %dma_start3A_79 = arith.constant 0 : i32
      %dma_start3A_80 = tpu.memref_slice %arg6[%add3A_26, %dma_start3A_79] : memref<10112x128xf32, #tpu.memory_space<vmem_shared>> -> memref<120x128xf32, #tpu.memory_space<vmem_shared>>
      %dma_start3A_81 = arith.constant 0 : i32
      %dma_start3A_82 = arith.constant 0 : i32
      %dma_start3A_83 = tpu.memref_slice %arg9[%dma_start3A_81, %dma_start3A_82] : memref<128x128xf32, #tpu.memory_space<vmem>> -> memref<120x128xf32, #tpu.memory_space<vmem>>
      tpu.enqueue_dma source(%dma_start3A_83 : memref<120x128xf32, #tpu.memory_space<vmem>>) target(%dma_start3A_80 : memref<120x128xf32, #tpu.memory_space<vmem_shared>>) target_semaphore(%run_scoped3A : memref<!tpu.dma_semaphore, #tpu.memory_space<semaphore_mem>>)
      %dma_wait3A = arith.constant 0 : i32
      %dma_wait3A_84 = arith.constant 0 : i32
      %dma_wait3A_85 = tpu.memref_slice %arg9[%dma_wait3A, %dma_wait3A_84] : memref<128x128xf32, #tpu.memory_space<vmem>> -> memref<120x128xf32, #tpu.memory_space<vmem>>
      %dma_wait3A_86 = arith.constant 0 : i32
      %dma_wait3A_87 = tpu.memref_slice %arg6[%add3A_26, %dma_wait3A_86] : memref<10112x128xf32, #tpu.memory_space<vmem_shared>> -> memref<120x128xf32, #tpu.memory_space<vmem_shared>>
      %dma_wait3A_88 = arith.constant 0 : i32
      %dma_wait3A_89 = tpu.memref_slice %arg6[%add3A_26, %dma_wait3A_88] : memref<10112x128xf32, #tpu.memory_space<vmem_shared>> -> memref<120x128xf32, #tpu.memory_space<vmem_shared>>
      %dma_wait3A_90 = arith.constant 0 : i32
      %dma_wait3A_91 = arith.constant 0 : i32
      %dma_wait3A_92 = tpu.memref_slice %arg9[%dma_wait3A_90, %dma_wait3A_91] : memref<128x128xf32, #tpu.memory_space<vmem>> -> memref<120x128xf32, #tpu.memory_space<vmem>>
      tpu.wait_dma2 semaphore(%run_scoped3A : memref<!tpu.dma_semaphore, #tpu.memory_space<semaphore_mem>>) src(%dma_wait3A_92 : memref<120x128xf32, #tpu.memory_space<vmem>>) dst(%dma_wait3A_89 : memref<120x128xf32, #tpu.memory_space<vmem_shared>>)
      tpu.yield
    }) : () -> ()
    %barrier3A = arith.constant 0 : index
    tpu.barrier barrier_id(%barrier3A)
    "tpu.region"() ({
      %run_scoped3A = tpu.sem_alloc : memref<!tpu.dma_semaphore, #tpu.memory_space<semaphore_mem>>
      %dma_start3A_74 = arith.constant 0 : i32
      %dma_start3A_75 = arith.constant 0 : i32
      %dma_start3A_76 = tpu.memref_slice %arg7[%dma_start3A_74, %dma_start3A_75] : memref<56x128xi32, #tpu.memory_space<vmem>> -> memref<56x128xi32, #tpu.memory_space<vmem>>
      %dma_start3A_77 = arith.constant 0 : i32
      %dma_start3A_78 = tpu.memref_slice %arg2[%mul3A_2, %dma_start3A_77] : memref<2560x128xi32, #tpu.memory_space<hbm>> -> memref<56x128xi32, #tpu.memory_space<hbm>>
      %dma_start3A_79 = arith.constant 0 : i32
      %dma_start3A_80 = arith.constant 0 : i32
      %dma_start3A_81 = tpu.memref_slice %arg7[%dma_start3A_79, %dma_start3A_80] : memref<56x128xi32, #tpu.memory_space<vmem>> -> memref<56x128xi32, #tpu.memory_space<vmem>>
      %dma_start3A_82 = arith.constant 0 : i32
      %dma_start3A_83 = tpu.memref_slice %arg2[%mul3A_2, %dma_start3A_82] : memref<2560x128xi32, #tpu.memory_space<hbm>> -> memref<56x128xi32, #tpu.memory_space<hbm>>
      tpu.enqueue_dma source(%dma_start3A_83 : memref<56x128xi32, #tpu.memory_space<hbm>>) target(%dma_start3A_81 : memref<56x128xi32, #tpu.memory_space<vmem>>) target_semaphore(%run_scoped3A : memref<!tpu.dma_semaphore, #tpu.memory_space<semaphore_mem>>)
      %dma_wait3A = arith.constant 0 : i32
      %dma_wait3A_84 = arith.constant 0 : i32
      %dma_wait3A_85 = tpu.memref_slice %arg7[%dma_wait3A, %dma_wait3A_84] : memref<56x128xi32, #tpu.memory_space<vmem>> -> memref<56x128xi32, #tpu.memory_space<vmem>>
      %dma_wait3A_86 = arith.constant 0 : i32
      %dma_wait3A_87 = tpu.memref_slice %arg2[%mul3A_2, %dma_wait3A_86] : memref<2560x128xi32, #tpu.memory_space<hbm>> -> memref<56x128xi32, #tpu.memory_space<hbm>>
      %dma_wait3A_88 = arith.constant 0 : i32
      %dma_wait3A_89 = arith.constant 0 : i32
      %dma_wait3A_90 = tpu.memref_slice %arg7[%dma_wait3A_88, %dma_wait3A_89] : memref<56x128xi32, #tpu.memory_space<vmem>> -> memref<56x128xi32, #tpu.memory_space<vmem>>
      %dma_wait3A_91 = arith.constant 0 : i32
      %dma_wait3A_92 = tpu.memref_slice %arg2[%mul3A_2, %dma_wait3A_91] : memref<2560x128xi32, #tpu.memory_space<hbm>> -> memref<56x128xi32, #tpu.memory_space<hbm>>
      tpu.wait_dma2 semaphore(%run_scoped3A : memref<!tpu.dma_semaphore, #tpu.memory_space<semaphore_mem>>) src(%dma_wait3A_92 : memref<56x128xi32, #tpu.memory_space<hbm>>) dst(%dma_wait3A_90 : memref<56x128xi32, #tpu.memory_space<vmem>>)
      tpu.yield
    }) : () -> ()
    "tpu.region"() ({
      %run_scoped3A = tpu.sem_alloc : memref<!tpu.dma_semaphore, #tpu.memory_space<semaphore_mem>>
      %dma_start3A_74 = arith.constant 0 : i32
      %dma_start3A_75 = arith.constant 0 : i32
      %dma_start3A_76 = tpu.memref_slice %arg8[%dma_start3A_74, %dma_start3A_75] : memref<56x128xi32, #tpu.memory_space<vmem>> -> memref<56x128xi32, #tpu.memory_space<vmem>>
      %dma_start3A_77 = arith.constant 0 : i32
      %dma_start3A_78 = tpu.memref_slice %arg3[%mul3A_2, %dma_start3A_77] : memref<2560x128xi32, #tpu.memory_space<hbm>> -> memref<56x128xi32, #tpu.memory_space<hbm>>
      %dma_start3A_79 = arith.constant 0 : i32
      %dma_start3A_80 = arith.constant 0 : i32
      %dma_start3A_81 = tpu.memref_slice %arg8[%dma_start3A_79, %dma_start3A_80] : memref<56x128xi32, #tpu.memory_space<vmem>> -> memref<56x128xi32, #tpu.memory_space<vmem>>
      %dma_start3A_82 = arith.constant 0 : i32
      %dma_start3A_83 = tpu.memref_slice %arg3[%mul3A_2, %dma_start3A_82] : memref<2560x128xi32, #tpu.memory_space<hbm>> -> memref<56x128xi32, #tpu.memory_space<hbm>>
      tpu.enqueue_dma source(%dma_start3A_83 : memref<56x128xi32, #tpu.memory_space<hbm>>) target(%dma_start3A_81 : memref<56x128xi32, #tpu.memory_space<vmem>>) target_semaphore(%run_scoped3A : memref<!tpu.dma_semaphore, #tpu.memory_space<semaphore_mem>>)
      %dma_wait3A = arith.constant 0 : i32
      %dma_wait3A_84 = arith.constant 0 : i32
      %dma_wait3A_85 = tpu.memref_slice %arg8[%dma_wait3A, %dma_wait3A_84] : memref<56x128xi32, #tpu.memory_space<vmem>> -> memref<56x128xi32, #tpu.memory_space<vmem>>
      %dma_wait3A_86 = arith.constant 0 : i32
      %dma_wait3A_87 = tpu.memref_slice %arg3[%mul3A_2, %dma_wait3A_86] : memref<2560x128xi32, #tpu.memory_space<hbm>> -> memref<56x128xi32, #tpu.memory_space<hbm>>
      %dma_wait3A_88 = arith.constant 0 : i32
      %dma_wait3A_89 = arith.constant 0 : i32
      %dma_wait3A_90 = tpu.memref_slice %arg8[%dma_wait3A_88, %dma_wait3A_89] : memref<56x128xi32, #tpu.memory_space<vmem>> -> memref<56x128xi32, #tpu.memory_space<vmem>>
      %dma_wait3A_91 = arith.constant 0 : i32
      %dma_wait3A_92 = tpu.memref_slice %arg3[%mul3A_2, %dma_wait3A_91] : memref<2560x128xi32, #tpu.memory_space<hbm>> -> memref<56x128xi32, #tpu.memory_space<hbm>>
      tpu.wait_dma2 semaphore(%run_scoped3A : memref<!tpu.dma_semaphore, #tpu.memory_space<semaphore_mem>>) src(%dma_wait3A_92 : memref<56x128xi32, #tpu.memory_space<hbm>>) dst(%dma_wait3A_90 : memref<56x128xi32, #tpu.memory_space<vmem>>)
      tpu.yield
    }) : () -> ()
    %dma_start3A = arith.constant 0 : i32
    %dma_start3A_27 = arith.constant 0 : i32
    %dma_start3A_28 = tpu.memref_slice %arg7[%dma_start3A, %dma_start3A_27] : memref<56x128xi32, #tpu.memory_space<vmem>> -> memref<1x128xi32, #tpu.memory_space<vmem>>
    %dma_start3A_29 = tpu.memref_squeeze %dma_start3A_28 : memref<1x128xi32, #tpu.memory_space<vmem>> -> memref<128xi32, #tpu.memory_space<vmem>>
    %dma_start3A_30 = arith.constant 0 : i32
    %dma_start3A_31 = arith.constant 0 : i32
    %dma_start3A_32 = tpu.memref_slice %arg4[%dma_start3A_30, %dma_start3A_31] : memref<10000x128xf32, #tpu.memory_space<hbm>> -> memref<10000x128xf32, #tpu.memory_space<hbm>>
    tpu.enqueue_indirect_dma source(%dma_start3A_32 : memref<10000x128xf32, #tpu.memory_space<hbm>>) target(%arg9 : memref<128x128xf32, #tpu.memory_space<vmem>>) offsets(%dma_start3A_29 : memref<128xi32, #tpu.memory_space<vmem>>) semaphore(%arg11 : memref<!tpu.dma_semaphore, #tpu.memory_space<semaphore_mem>>)
    %dma_start3A_33 = arith.constant 1 : i32
    %dma_start3A_34 = arith.constant 0 : i32
    %dma_start3A_35 = tpu.memref_slice %arg7[%dma_start3A_33, %dma_start3A_34] : memref<56x128xi32, #tpu.memory_space<vmem>> -> memref<1x128xi32, #tpu.memory_space<vmem>>
    %dma_start3A_36 = tpu.memref_squeeze %dma_start3A_35 : memref<1x128xi32, #tpu.memory_space<vmem>> -> memref<128xi32, #tpu.memory_space<vmem>>
    %dma_start3A_37 = arith.constant 0 : i32
    %dma_start3A_38 = arith.constant 0 : i32
    %dma_start3A_39 = tpu.memref_slice %arg4[%dma_start3A_37, %dma_start3A_38] : memref<10000x128xf32, #tpu.memory_space<hbm>> -> memref<10000x128xf32, #tpu.memory_space<hbm>>
    tpu.enqueue_indirect_dma source(%dma_start3A_39 : memref<10000x128xf32, #tpu.memory_space<hbm>>) target(%arg10 : memref<128x128xf32, #tpu.memory_space<vmem>>) offsets(%dma_start3A_36 : memref<128xi32, #tpu.memory_space<vmem>>) semaphore(%arg12 : memref<!tpu.dma_semaphore, #tpu.memory_space<semaphore_mem>>)
    %add3A_40 = arith.constant 56 : i32
    %add3A_41 = arith.addi %mul3A_2, %add3A_40 : i32
    %scan3A_42 = arith.constant 0 : i32
    %scan3A_43 = arith.constant 28 : i32
    %scan3A_44 = arith.addi %scan3A_42, %scan3A_43 : i32
    %scan3A_45 = arith.constant 1 : i32
    scf.for %scan3A_74 = %scan3A_42 to %scan3A_44 step %scan3A_45  : i32 {
      %mul3A_75 = arith.constant 1 : i32
      %mul3A_76 = arith.muli %scan3A_74, %mul3A_75 : i32
      %add3A_77 = arith.constant 0 : i32
      %add3A_78 = arith.addi %add3A_77, %mul3A_76 : i32
      %mul3A_79 = arith.constant 2 : i32
      %mul3A_80 = arith.muli %mul3A_79, %add3A_78 : i32
      %add3A_81 = arith.constant 0 : i32
      %add3A_82 = arith.addi %mul3A_80, %add3A_81 : i32
      %dma_wait3A = arith.constant 0 : i32
      %dma_wait3A_83 = arith.constant 0 : i32
      %dma_wait3A_84 = tpu.memref_slice %arg7[%dma_wait3A, %dma_wait3A_83] : memref<56x128xi32, #tpu.memory_space<vmem>> -> memref<1x128xi32, #tpu.memory_space<vmem>>
      %dma_wait3A_85 = tpu.memref_squeeze %dma_wait3A_84 : memref<1x128xi32, #tpu.memory_space<vmem>> -> memref<128xi32, #tpu.memory_space<vmem>>
      %dma_wait3A_86 = arith.constant 0 : i32
      %dma_wait3A_87 = arith.constant 0 : i32
      %dma_wait3A_88 = tpu.memref_slice %arg4[%dma_wait3A_86, %dma_wait3A_87] : memref<10000x128xf32, #tpu.memory_space<hbm>> -> memref<10000x128xf32, #tpu.memory_space<hbm>>
      tpu.wait_indirect_dma semaphore(%arg11 : memref<!tpu.dma_semaphore, #tpu.memory_space<semaphore_mem>>) src(%dma_wait3A_88 : memref<10000x128xf32, #tpu.memory_space<hbm>>) dst(%arg9 : memref<128x128xf32, #tpu.memory_space<vmem>>)
      "tpu.region"() ({
        %run_scoped3A = tpu.sem_alloc : memref<!tpu.dma_semaphore, #tpu.memory_space<semaphore_mem>>
        %dma_start3A_111 = arith.constant 0 : i32
        %dma_start3A_112 = tpu.memref_slice %arg8[%add3A_82, %dma_start3A_111] : memref<56x128xi32, #tpu.memory_space<vmem>> -> memref<1x128xi32, #tpu.memory_space<vmem>>
        %dma_start3A_113 = tpu.memref_squeeze %dma_start3A_112 : memref<1x128xi32, #tpu.memory_space<vmem>> -> memref<128xi32, #tpu.memory_space<vmem>>
        %dma_start3A_114 = arith.constant 0 : i32
        %dma_start3A_115 = arith.constant 0 : i32
        %dma_start3A_116 = tpu.memref_slice %arg6[%dma_start3A_114, %dma_start3A_115] : memref<10112x128xf32, #tpu.memory_space<vmem_shared>> -> memref<10112x128xf32, #tpu.memory_space<vmem_shared>>
        tpu.enqueue_indirect_dma source(%arg9 : memref<128x128xf32, #tpu.memory_space<vmem>>) target(%dma_start3A_116 : memref<10112x128xf32, #tpu.memory_space<vmem_shared>>) offsets(%dma_start3A_113 : memref<128xi32, #tpu.memory_space<vmem>>) semaphore(%run_scoped3A : memref<!tpu.dma_semaphore, #tpu.memory_space<semaphore_mem>>) {add = true}
        %dma_wait3A_117 = arith.constant 0 : i32
        %dma_wait3A_118 = tpu.memref_slice %arg8[%add3A_82, %dma_wait3A_117] : memref<56x128xi32, #tpu.memory_space<vmem>> -> memref<1x128xi32, #tpu.memory_space<vmem>>
        %dma_wait3A_119 = tpu.memref_squeeze %dma_wait3A_118 : memref<1x128xi32, #tpu.memory_space<vmem>> -> memref<128xi32, #tpu.memory_space<vmem>>
        %dma_wait3A_120 = arith.constant 0 : i32
        %dma_wait3A_121 = arith.constant 0 : i32
        %dma_wait3A_122 = tpu.memref_slice %arg6[%dma_wait3A_120, %dma_wait3A_121] : memref<10112x128xf32, #tpu.memory_space<vmem_shared>> -> memref<10112x128xf32, #tpu.memory_space<vmem_shared>>
        tpu.wait_indirect_dma semaphore(%run_scoped3A : memref<!tpu.dma_semaphore, #tpu.memory_space<semaphore_mem>>) src(%arg9 : memref<128x128xf32, #tpu.memory_space<vmem>>) dst(%dma_wait3A_122 : memref<10112x128xf32, #tpu.memory_space<vmem_shared>>)
        tpu.yield
      }) : () -> ()
      %add3A_89 = arith.constant 2 : i32
      %add3A_90 = arith.addi %add3A_82, %add3A_89 : i32
      %lt3A = arith.constant 56 : i32
      %lt3A_91 = arith.cmpi slt, %add3A_90, %lt3A : i32
      %convert_element_type3A = arith.extui %lt3A_91 : i1 to i32
      %cond3A = arith.constant 0 : i32
      %cond3A_92 = arith.cmpi ne, %convert_element_type3A, %cond3A : i32
      scf.if %cond3A_92 {
        %add3A_111 = arith.constant 2 : i32
        %add3A_112 = arith.addi %add3A_82, %add3A_111 : i32
        %dma_start3A_113 = arith.constant 0 : i32
        %dma_start3A_114 = tpu.memref_slice %arg7[%add3A_112, %dma_start3A_113] : memref<56x128xi32, #tpu.memory_space<vmem>> -> memref<1x128xi32, #tpu.memory_space<vmem>>
        %dma_start3A_115 = tpu.memref_squeeze %dma_start3A_114 : memref<1x128xi32, #tpu.memory_space<vmem>> -> memref<128xi32, #tpu.memory_space<vmem>>
        %dma_start3A_116 = arith.constant 0 : i32
        %dma_start3A_117 = arith.constant 0 : i32
        %dma_start3A_118 = tpu.memref_slice %arg4[%dma_start3A_116, %dma_start3A_117] : memref<10000x128xf32, #tpu.memory_space<hbm>> -> memref<10000x128xf32, #tpu.memory_space<hbm>>
        tpu.enqueue_indirect_dma source(%dma_start3A_118 : memref<10000x128xf32, #tpu.memory_space<hbm>>) target(%arg9 : memref<128x128xf32, #tpu.memory_space<vmem>>) offsets(%dma_start3A_115 : memref<128xi32, #tpu.memory_space<vmem>>) semaphore(%arg11 : memref<!tpu.dma_semaphore, #tpu.memory_space<semaphore_mem>>)
      } else {
      }
      %mul3A_93 = arith.constant 2 : i32
      %mul3A_94 = arith.muli %mul3A_93, %add3A_78 : i32
      %add3A_95 = arith.constant 1 : i32
      %add3A_96 = arith.addi %mul3A_94, %add3A_95 : i32
      %dma_wait3A_97 = arith.constant 1 : i32
      %dma_wait3A_98 = arith.constant 0 : i32
      %dma_wait3A_99 = tpu.memref_slice %arg7[%dma_wait3A_97, %dma_wait3A_98] : memref<56x128xi32, #tpu.memory_space<vmem>> -> memref<1x128xi32, #tpu.memory_space<vmem>>
      %dma_wait3A_100 = tpu.memref_squeeze %dma_wait3A_99 : memref<1x128xi32, #tpu.memory_space<vmem>> -> memref<128xi32, #tpu.memory_space<vmem>>
      %dma_wait3A_101 = arith.constant 0 : i32
      %dma_wait3A_102 = arith.constant 0 : i32
      %dma_wait3A_103 = tpu.memref_slice %arg4[%dma_wait3A_101, %dma_wait3A_102] : memref<10000x128xf32, #tpu.memory_space<hbm>> -> memref<10000x128xf32, #tpu.memory_space<hbm>>
      tpu.wait_indirect_dma semaphore(%arg12 : memref<!tpu.dma_semaphore, #tpu.memory_space<semaphore_mem>>) src(%dma_wait3A_103 : memref<10000x128xf32, #tpu.memory_space<hbm>>) dst(%arg10 : memref<128x128xf32, #tpu.memory_space<vmem>>)
      "tpu.region"() ({
        %run_scoped3A = tpu.sem_alloc : memref<!tpu.dma_semaphore, #tpu.memory_space<semaphore_mem>>
        %dma_start3A_111 = arith.constant 0 : i32
        %dma_start3A_112 = tpu.memref_slice %arg8[%add3A_96, %dma_start3A_111] : memref<56x128xi32, #tpu.memory_space<vmem>> -> memref<1x128xi32, #tpu.memory_space<vmem>>
        %dma_start3A_113 = tpu.memref_squeeze %dma_start3A_112 : memref<1x128xi32, #tpu.memory_space<vmem>> -> memref<128xi32, #tpu.memory_space<vmem>>
        %dma_start3A_114 = arith.constant 0 : i32
        %dma_start3A_115 = arith.constant 0 : i32
        %dma_start3A_116 = tpu.memref_slice %arg6[%dma_start3A_114, %dma_start3A_115] : memref<10112x128xf32, #tpu.memory_space<vmem_shared>> -> memref<10112x128xf32, #tpu.memory_space<vmem_shared>>
        tpu.enqueue_indirect_dma source(%arg10 : memref<128x128xf32, #tpu.memory_space<vmem>>) target(%dma_start3A_116 : memref<10112x128xf32, #tpu.memory_space<vmem_shared>>) offsets(%dma_start3A_113 : memref<128xi32, #tpu.memory_space<vmem>>) semaphore(%run_scoped3A : memref<!tpu.dma_semaphore, #tpu.memory_space<semaphore_mem>>) {add = true}
        %dma_wait3A_117 = arith.constant 0 : i32
        %dma_wait3A_118 = tpu.memref_slice %arg8[%add3A_96, %dma_wait3A_117] : memref<56x128xi32, #tpu.memory_space<vmem>> -> memref<1x128xi32, #tpu.memory_space<vmem>>
        %dma_wait3A_119 = tpu.memref_squeeze %dma_wait3A_118 : memref<1x128xi32, #tpu.memory_space<vmem>> -> memref<128xi32, #tpu.memory_space<vmem>>
        %dma_wait3A_120 = arith.constant 0 : i32
        %dma_wait3A_121 = arith.constant 0 : i32
        %dma_wait3A_122 = tpu.memref_slice %arg6[%dma_wait3A_120, %dma_wait3A_121] : memref<10112x128xf32, #tpu.memory_space<vmem_shared>> -> memref<10112x128xf32, #tpu.memory_space<vmem_shared>>
        tpu.wait_indirect_dma semaphore(%run_scoped3A : memref<!tpu.dma_semaphore, #tpu.memory_space<semaphore_mem>>) src(%arg10 : memref<128x128xf32, #tpu.memory_space<vmem>>) dst(%dma_wait3A_122 : memref<10112x128xf32, #tpu.memory_space<vmem_shared>>)
        tpu.yield
      }) : () -> ()
      %add3A_104 = arith.constant 2 : i32
      %add3A_105 = arith.addi %add3A_96, %add3A_104 : i32
      %lt3A_106 = arith.constant 56 : i32
      %lt3A_107 = arith.cmpi slt, %add3A_105, %lt3A_106 : i32
      %convert_element_type3A_108 = arith.extui %lt3A_107 : i1 to i32
      %cond3A_109 = arith.constant 0 : i32
      %cond3A_110 = arith.cmpi ne, %convert_element_type3A_108, %cond3A_109 : i32
      scf.if %cond3A_110 {
        %add3A_111 = arith.constant 2 : i32
        %add3A_112 = arith.addi %add3A_96, %add3A_111 : i32
        %dma_start3A_113 = arith.constant 0 : i32
        %dma_start3A_114 = tpu.memref_slice %arg7[%add3A_112, %dma_start3A_113] : memref<56x128xi32, #tpu.memory_space<vmem>> -> memref<1x128xi32, #tpu.memory_space<vmem>>
        %dma_start3A_115 = tpu.memref_squeeze %dma_start3A_114 : memref<1x128xi32, #tpu.memory_space<vmem>> -> memref<128xi32, #tpu.memory_space<vmem>>
        %dma_start3A_116 = arith.constant 0 : i32
        %dma_start3A_117 = arith.constant 0 : i32
        %dma_start3A_118 = tpu.memref_slice %arg4[%dma_start3A_116, %dma_start3A_117] : memref<10000x128xf32, #tpu.memory_space<hbm>> -> memref<10000x128xf32, #tpu.memory_space<hbm>>
        tpu.enqueue_indirect_dma source(%dma_start3A_118 : memref<10000x128xf32, #tpu.memory_space<hbm>>) target(%arg10 : memref<128x128xf32, #tpu.memory_space<vmem>>) offsets(%dma_start3A_115 : memref<128xi32, #tpu.memory_space<vmem>>) semaphore(%arg12 : memref<!tpu.dma_semaphore, #tpu.memory_space<semaphore_mem>>)
      } else {
      }
    }
    %scan3A_46 = arith.constant 28 : i32
    "tpu.region"() ({
      %run_scoped3A = tpu.sem_alloc : memref<!tpu.dma_semaphore, #tpu.memory_space<semaphore_mem>>
      %dma_start3A_74 = arith.constant 0 : i32
      %dma_start3A_75 = arith.constant 0 : i32
      %dma_start3A_76 = tpu.memref_slice %arg7[%dma_start3A_74, %dma_start3A_75] : memref<56x128xi32, #tpu.memory_space<vmem>> -> memref<24x128xi32, #tpu.memory_space<vmem>>
      %dma_start3A_77 = arith.constant 0 : i32
      %dma_start3A_78 = tpu.memref_slice %arg2[%add3A_41, %dma_start3A_77] : memref<2560x128xi32, #tpu.memory_space<hbm>> -> memref<24x128xi32, #tpu.memory_space<hbm>>
      %dma_start3A_79 = arith.constant 0 : i32
      %dma_start3A_80 = arith.constant 0 : i32
      %dma_start3A_81 = tpu.memref_slice %arg7[%dma_start3A_79, %dma_start3A_80] : memref<56x128xi32, #tpu.memory_space<vmem>> -> memref<24x128xi32, #tpu.memory_space<vmem>>
      %dma_start3A_82 = arith.constant 0 : i32
      %dma_start3A_83 = tpu.memref_slice %arg2[%add3A_41, %dma_start3A_82] : memref<2560x128xi32, #tpu.memory_space<hbm>> -> memref<24x128xi32, #tpu.memory_space<hbm>>
      tpu.enqueue_dma source(%dma_start3A_83 : memref<24x128xi32, #tpu.memory_space<hbm>>) target(%dma_start3A_81 : memref<24x128xi32, #tpu.memory_space<vmem>>) target_semaphore(%run_scoped3A : memref<!tpu.dma_semaphore, #tpu.memory_space<semaphore_mem>>)
      %dma_wait3A = arith.constant 0 : i32
      %dma_wait3A_84 = arith.constant 0 : i32
      %dma_wait3A_85 = tpu.memref_slice %arg7[%dma_wait3A, %dma_wait3A_84] : memref<56x128xi32, #tpu.memory_space<vmem>> -> memref<24x128xi32, #tpu.memory_space<vmem>>
      %dma_wait3A_86 = arith.constant 0 : i32
      %dma_wait3A_87 = tpu.memref_slice %arg2[%add3A_41, %dma_wait3A_86] : memref<2560x128xi32, #tpu.memory_space<hbm>> -> memref<24x128xi32, #tpu.memory_space<hbm>>
      %dma_wait3A_88 = arith.constant 0 : i32
      %dma_wait3A_89 = arith.constant 0 : i32
      %dma_wait3A_90 = tpu.memref_slice %arg7[%dma_wait3A_88, %dma_wait3A_89] : memref<56x128xi32, #tpu.memory_space<vmem>> -> memref<24x128xi32, #tpu.memory_space<vmem>>
      %dma_wait3A_91 = arith.constant 0 : i32
      %dma_wait3A_92 = tpu.memref_slice %arg2[%add3A_41, %dma_wait3A_91] : memref<2560x128xi32, #tpu.memory_space<hbm>> -> memref<24x128xi32, #tpu.memory_space<hbm>>
      tpu.wait_dma2 semaphore(%run_scoped3A : memref<!tpu.dma_semaphore, #tpu.memory_space<semaphore_mem>>) src(%dma_wait3A_92 : memref<24x128xi32, #tpu.memory_space<hbm>>) dst(%dma_wait3A_90 : memref<24x128xi32, #tpu.memory_space<vmem>>)
      tpu.yield
    }) : () -> ()
    "tpu.region"() ({
      %run_scoped3A = tpu.sem_alloc : memref<!tpu.dma_semaphore, #tpu.memory_space<semaphore_mem>>
      %dma_start3A_74 = arith.constant 0 : i32
      %dma_start3A_75 = arith.constant 0 : i32
      %dma_start3A_76 = tpu.memref_slice %arg8[%dma_start3A_74, %dma_start3A_75] : memref<56x128xi32, #tpu.memory_space<vmem>> -> memref<24x128xi32, #tpu.memory_space<vmem>>
      %dma_start3A_77 = arith.constant 0 : i32
      %dma_start3A_78 = tpu.memref_slice %arg3[%add3A_41, %dma_start3A_77] : memref<2560x128xi32, #tpu.memory_space<hbm>> -> memref<24x128xi32, #tpu.memory_space<hbm>>
      %dma_start3A_79 = arith.constant 0 : i32
      %dma_start3A_80 = arith.constant 0 : i32
      %dma_start3A_81 = tpu.memref_slice %arg8[%dma_start3A_79, %dma_start3A_80] : memref<56x128xi32, #tpu.memory_space<vmem>> -> memref<24x128xi32, #tpu.memory_space<vmem>>
      %dma_start3A_82 = arith.constant 0 : i32
      %dma_start3A_83 = tpu.memref_slice %arg3[%add3A_41, %dma_start3A_82] : memref<2560x128xi32, #tpu.memory_space<hbm>> -> memref<24x128xi32, #tpu.memory_space<hbm>>
      tpu.enqueue_dma source(%dma_start3A_83 : memref<24x128xi32, #tpu.memory_space<hbm>>) target(%dma_start3A_81 : memref<24x128xi32, #tpu.memory_space<vmem>>) target_semaphore(%run_scoped3A : memref<!tpu.dma_semaphore, #tpu.memory_space<semaphore_mem>>)
      %dma_wait3A = arith.constant 0 : i32
      %dma_wait3A_84 = arith.constant 0 : i32
      %dma_wait3A_85 = tpu.memref_slice %arg8[%dma_wait3A, %dma_wait3A_84] : memref<56x128xi32, #tpu.memory_space<vmem>> -> memref<24x128xi32, #tpu.memory_space<vmem>>
      %dma_wait3A_86 = arith.constant 0 : i32
      %dma_wait3A_87 = tpu.memref_slice %arg3[%add3A_41, %dma_wait3A_86] : memref<2560x128xi32, #tpu.memory_space<hbm>> -> memref<24x128xi32, #tpu.memory_space<hbm>>
      %dma_wait3A_88 = arith.constant 0 : i32
      %dma_wait3A_89 = arith.constant 0 : i32
      %dma_wait3A_90 = tpu.memref_slice %arg8[%dma_wait3A_88, %dma_wait3A_89] : memref<56x128xi32, #tpu.memory_space<vmem>> -> memref<24x128xi32, #tpu.memory_space<vmem>>
      %dma_wait3A_91 = arith.constant 0 : i32
      %dma_wait3A_92 = tpu.memref_slice %arg3[%add3A_41, %dma_wait3A_91] : memref<2560x128xi32, #tpu.memory_space<hbm>> -> memref<24x128xi32, #tpu.memory_space<hbm>>
      tpu.wait_dma2 semaphore(%run_scoped3A : memref<!tpu.dma_semaphore, #tpu.memory_space<semaphore_mem>>) src(%dma_wait3A_92 : memref<24x128xi32, #tpu.memory_space<hbm>>) dst(%dma_wait3A_90 : memref<24x128xi32, #tpu.memory_space<vmem>>)
      tpu.yield
    }) : () -> ()
    %dma_start3A_47 = arith.constant 0 : i32
    %dma_start3A_48 = arith.constant 0 : i32
    %dma_start3A_49 = tpu.memref_slice %arg7[%dma_start3A_47, %dma_start3A_48] : memref<56x128xi32, #tpu.memory_space<vmem>> -> memref<1x128xi32, #tpu.memory_space<vmem>>
    %dma_start3A_50 = tpu.memref_squeeze %dma_start3A_49 : memref<1x128xi32, #tpu.memory_space<vmem>> -> memref<128xi32, #tpu.memory_space<vmem>>
    %dma_start3A_51 = arith.constant 0 : i32
    %dma_start3A_52 = arith.constant 0 : i32
    %dma_start3A_53 = tpu.memref_slice %arg4[%dma_start3A_51, %dma_start3A_52] : memref<10000x128xf32, #tpu.memory_space<hbm>> -> memref<10000x128xf32, #tpu.memory_space<hbm>>
    tpu.enqueue_indirect_dma source(%dma_start3A_53 : memref<10000x128xf32, #tpu.memory_space<hbm>>) target(%arg9 : memref<128x128xf32, #tpu.memory_space<vmem>>) offsets(%dma_start3A_50 : memref<128xi32, #tpu.memory_space<vmem>>) semaphore(%arg11 : memref<!tpu.dma_semaphore, #tpu.memory_space<semaphore_mem>>)
    %dma_start3A_54 = arith.constant 1 : i32
    %dma_start3A_55 = arith.constant 0 : i32
    %dma_start3A_56 = tpu.memref_slice %arg7[%dma_start3A_54, %dma_start3A_55] : memref<56x128xi32, #tpu.memory_space<vmem>> -> memref<1x128xi32, #tpu.memory_space<vmem>>
    %dma_start3A_57 = tpu.memref_squeeze %dma_start3A_56 : memref<1x128xi32, #tpu.memory_space<vmem>> -> memref<128xi32, #tpu.memory_space<vmem>>
    %dma_start3A_58 = arith.constant 0 : i32
    %dma_start3A_59 = arith.constant 0 : i32
    %dma_start3A_60 = tpu.memref_slice %arg4[%dma_start3A_58, %dma_start3A_59] : memref<10000x128xf32, #tpu.memory_space<hbm>> -> memref<10000x128xf32, #tpu.memory_space<hbm>>
    tpu.enqueue_indirect_dma source(%dma_start3A_60 : memref<10000x128xf32, #tpu.memory_space<hbm>>) target(%arg10 : memref<128x128xf32, #tpu.memory_space<vmem>>) offsets(%dma_start3A_57 : memref<128xi32, #tpu.memory_space<vmem>>) semaphore(%arg12 : memref<!tpu.dma_semaphore, #tpu.memory_space<semaphore_mem>>)
    %add3A_61 = arith.constant 24 : i32
    %add3A_62 = arith.addi %add3A_41, %add3A_61 : i32
    %scan3A_63 = arith.constant 0 : i32
    %scan3A_64 = arith.constant 12 : i32
    %scan3A_65 = arith.addi %scan3A_63, %scan3A_64 : i32
    %scan3A_66 = arith.constant 1 : i32
    scf.for %scan3A_74 = %scan3A_63 to %scan3A_65 step %scan3A_66  : i32 {
      %mul3A_75 = arith.constant 1 : i32
      %mul3A_76 = arith.muli %scan3A_74, %mul3A_75 : i32
      %add3A_77 = arith.constant 0 : i32
      %add3A_78 = arith.addi %add3A_77, %mul3A_76 : i32
      %mul3A_79 = arith.constant 2 : i32
      %mul3A_80 = arith.muli %mul3A_79, %add3A_78 : i32
      %add3A_81 = arith.constant 0 : i32
      %add3A_82 = arith.addi %mul3A_80, %add3A_81 : i32
      %dma_wait3A = arith.constant 0 : i32
      %dma_wait3A_83 = arith.constant 0 : i32
      %dma_wait3A_84 = tpu.memref_slice %arg7[%dma_wait3A, %dma_wait3A_83] : memref<56x128xi32, #tpu.memory_space<vmem>> -> memref<1x128xi32, #tpu.memory_space<vmem>>
      %dma_wait3A_85 = tpu.memref_squeeze %dma_wait3A_84 : memref<1x128xi32, #tpu.memory_space<vmem>> -> memref<128xi32, #tpu.memory_space<vmem>>
      %dma_wait3A_86 = arith.constant 0 : i32
      %dma_wait3A_87 = arith.constant 0 : i32
      %dma_wait3A_88 = tpu.memref_slice %arg4[%dma_wait3A_86, %dma_wait3A_87] : memref<10000x128xf32, #tpu.memory_space<hbm>> -> memref<10000x128xf32, #tpu.memory_space<hbm>>
      tpu.wait_indirect_dma semaphore(%arg11 : memref<!tpu.dma_semaphore, #tpu.memory_space<semaphore_mem>>) src(%dma_wait3A_88 : memref<10000x128xf32, #tpu.memory_space<hbm>>) dst(%arg9 : memref<128x128xf32, #tpu.memory_space<vmem>>)
      "tpu.region"() ({
        %run_scoped3A = tpu.sem_alloc : memref<!tpu.dma_semaphore, #tpu.memory_space<semaphore_mem>>
        %dma_start3A_111 = arith.constant 0 : i32
        %dma_start3A_112 = tpu.memref_slice %arg8[%add3A_82, %dma_start3A_111] : memref<56x128xi32, #tpu.memory_space<vmem>> -> memref<1x128xi32, #tpu.memory_space<vmem>>
        %dma_start3A_113 = tpu.memref_squeeze %dma_start3A_112 : memref<1x128xi32, #tpu.memory_space<vmem>> -> memref<128xi32, #tpu.memory_space<vmem>>
        %dma_start3A_114 = arith.constant 0 : i32
        %dma_start3A_115 = arith.constant 0 : i32
        %dma_start3A_116 = tpu.memref_slice %arg6[%dma_start3A_114, %dma_start3A_115] : memref<10112x128xf32, #tpu.memory_space<vmem_shared>> -> memref<10112x128xf32, #tpu.memory_space<vmem_shared>>
        tpu.enqueue_indirect_dma source(%arg9 : memref<128x128xf32, #tpu.memory_space<vmem>>) target(%dma_start3A_116 : memref<10112x128xf32, #tpu.memory_space<vmem_shared>>) offsets(%dma_start3A_113 : memref<128xi32, #tpu.memory_space<vmem>>) semaphore(%run_scoped3A : memref<!tpu.dma_semaphore, #tpu.memory_space<semaphore_mem>>) {add = true}
        %dma_wait3A_117 = arith.constant 0 : i32
        %dma_wait3A_118 = tpu.memref_slice %arg8[%add3A_82, %dma_wait3A_117] : memref<56x128xi32, #tpu.memory_space<vmem>> -> memref<1x128xi32, #tpu.memory_space<vmem>>
        %dma_wait3A_119 = tpu.memref_squeeze %dma_wait3A_118 : memref<1x128xi32, #tpu.memory_space<vmem>> -> memref<128xi32, #tpu.memory_space<vmem>>
        %dma_wait3A_120 = arith.constant 0 : i32
        %dma_wait3A_121 = arith.constant 0 : i32
        %dma_wait3A_122 = tpu.memref_slice %arg6[%dma_wait3A_120, %dma_wait3A_121] : memref<10112x128xf32, #tpu.memory_space<vmem_shared>> -> memref<10112x128xf32, #tpu.memory_space<vmem_shared>>
        tpu.wait_indirect_dma semaphore(%run_scoped3A : memref<!tpu.dma_semaphore, #tpu.memory_space<semaphore_mem>>) src(%arg9 : memref<128x128xf32, #tpu.memory_space<vmem>>) dst(%dma_wait3A_122 : memref<10112x128xf32, #tpu.memory_space<vmem_shared>>)
        tpu.yield
      }) : () -> ()
      %add3A_89 = arith.constant 2 : i32
      %add3A_90 = arith.addi %add3A_82, %add3A_89 : i32
      %lt3A = arith.constant 24 : i32
      %lt3A_91 = arith.cmpi slt, %add3A_90, %lt3A : i32
      %convert_element_type3A = arith.extui %lt3A_91 : i1 to i32
      %cond3A = arith.constant 0 : i32
      %cond3A_92 = arith.cmpi ne, %convert_element_type3A, %cond3A : i32
      scf.if %cond3A_92 {
        %add3A_111 = arith.constant 2 : i32
        %add3A_112 = arith.addi %add3A_82, %add3A_111 : i32
        %dma_start3A_113 = arith.constant 0 : i32
        %dma_start3A_114 = tpu.memref_slice %arg7[%add3A_112, %dma_start3A_113] : memref<56x128xi32, #tpu.memory_space<vmem>> -> memref<1x128xi32, #tpu.memory_space<vmem>>
        %dma_start3A_115 = tpu.memref_squeeze %dma_start3A_114 : memref<1x128xi32, #tpu.memory_space<vmem>> -> memref<128xi32, #tpu.memory_space<vmem>>
        %dma_start3A_116 = arith.constant 0 : i32
        %dma_start3A_117 = arith.constant 0 : i32
        %dma_start3A_118 = tpu.memref_slice %arg4[%dma_start3A_116, %dma_start3A_117] : memref<10000x128xf32, #tpu.memory_space<hbm>> -> memref<10000x128xf32, #tpu.memory_space<hbm>>
        tpu.enqueue_indirect_dma source(%dma_start3A_118 : memref<10000x128xf32, #tpu.memory_space<hbm>>) target(%arg9 : memref<128x128xf32, #tpu.memory_space<vmem>>) offsets(%dma_start3A_115 : memref<128xi32, #tpu.memory_space<vmem>>) semaphore(%arg11 : memref<!tpu.dma_semaphore, #tpu.memory_space<semaphore_mem>>)
      } else {
      }
      %mul3A_93 = arith.constant 2 : i32
      %mul3A_94 = arith.muli %mul3A_93, %add3A_78 : i32
      %add3A_95 = arith.constant 1 : i32
      %add3A_96 = arith.addi %mul3A_94, %add3A_95 : i32
      %dma_wait3A_97 = arith.constant 1 : i32
      %dma_wait3A_98 = arith.constant 0 : i32
      %dma_wait3A_99 = tpu.memref_slice %arg7[%dma_wait3A_97, %dma_wait3A_98] : memref<56x128xi32, #tpu.memory_space<vmem>> -> memref<1x128xi32, #tpu.memory_space<vmem>>
      %dma_wait3A_100 = tpu.memref_squeeze %dma_wait3A_99 : memref<1x128xi32, #tpu.memory_space<vmem>> -> memref<128xi32, #tpu.memory_space<vmem>>
      %dma_wait3A_101 = arith.constant 0 : i32
      %dma_wait3A_102 = arith.constant 0 : i32
      %dma_wait3A_103 = tpu.memref_slice %arg4[%dma_wait3A_101, %dma_wait3A_102] : memref<10000x128xf32, #tpu.memory_space<hbm>> -> memref<10000x128xf32, #tpu.memory_space<hbm>>
      tpu.wait_indirect_dma semaphore(%arg12 : memref<!tpu.dma_semaphore, #tpu.memory_space<semaphore_mem>>) src(%dma_wait3A_103 : memref<10000x128xf32, #tpu.memory_space<hbm>>) dst(%arg10 : memref<128x128xf32, #tpu.memory_space<vmem>>)
      "tpu.region"() ({
        %run_scoped3A = tpu.sem_alloc : memref<!tpu.dma_semaphore, #tpu.memory_space<semaphore_mem>>
        %dma_start3A_111 = arith.constant 0 : i32
        %dma_start3A_112 = tpu.memref_slice %arg8[%add3A_96, %dma_start3A_111] : memref<56x128xi32, #tpu.memory_space<vmem>> -> memref<1x128xi32, #tpu.memory_space<vmem>>
        %dma_start3A_113 = tpu.memref_squeeze %dma_start3A_112 : memref<1x128xi32, #tpu.memory_space<vmem>> -> memref<128xi32, #tpu.memory_space<vmem>>
        %dma_start3A_114 = arith.constant 0 : i32
        %dma_start3A_115 = arith.constant 0 : i32
        %dma_start3A_116 = tpu.memref_slice %arg6[%dma_start3A_114, %dma_start3A_115] : memref<10112x128xf32, #tpu.memory_space<vmem_shared>> -> memref<10112x128xf32, #tpu.memory_space<vmem_shared>>
        tpu.enqueue_indirect_dma source(%arg10 : memref<128x128xf32, #tpu.memory_space<vmem>>) target(%dma_start3A_116 : memref<10112x128xf32, #tpu.memory_space<vmem_shared>>) offsets(%dma_start3A_113 : memref<128xi32, #tpu.memory_space<vmem>>) semaphore(%run_scoped3A : memref<!tpu.dma_semaphore, #tpu.memory_space<semaphore_mem>>) {add = true}
        %dma_wait3A_117 = arith.constant 0 : i32
        %dma_wait3A_118 = tpu.memref_slice %arg8[%add3A_96, %dma_wait3A_117] : memref<56x128xi32, #tpu.memory_space<vmem>> -> memref<1x128xi32, #tpu.memory_space<vmem>>
        %dma_wait3A_119 = tpu.memref_squeeze %dma_wait3A_118 : memref<1x128xi32, #tpu.memory_space<vmem>> -> memref<128xi32, #tpu.memory_space<vmem>>
        %dma_wait3A_120 = arith.constant 0 : i32
        %dma_wait3A_121 = arith.constant 0 : i32
        %dma_wait3A_122 = tpu.memref_slice %arg6[%dma_wait3A_120, %dma_wait3A_121] : memref<10112x128xf32, #tpu.memory_space<vmem_shared>> -> memref<10112x128xf32, #tpu.memory_space<vmem_shared>>
        tpu.wait_indirect_dma semaphore(%run_scoped3A : memref<!tpu.dma_semaphore, #tpu.memory_space<semaphore_mem>>) src(%arg10 : memref<128x128xf32, #tpu.memory_space<vmem>>) dst(%dma_wait3A_122 : memref<10112x128xf32, #tpu.memory_space<vmem_shared>>)
        tpu.yield
      }) : () -> ()
      %add3A_104 = arith.constant 2 : i32
      %add3A_105 = arith.addi %add3A_96, %add3A_104 : i32
      %lt3A_106 = arith.constant 24 : i32
      %lt3A_107 = arith.cmpi slt, %add3A_105, %lt3A_106 : i32
      %convert_element_type3A_108 = arith.extui %lt3A_107 : i1 to i32
      %cond3A_109 = arith.constant 0 : i32
      %cond3A_110 = arith.cmpi ne, %convert_element_type3A_108, %cond3A_109 : i32
      scf.if %cond3A_110 {
        %add3A_111 = arith.constant 2 : i32
        %add3A_112 = arith.addi %add3A_96, %add3A_111 : i32
        %dma_start3A_113 = arith.constant 0 : i32
        %dma_start3A_114 = tpu.memref_slice %arg7[%add3A_112, %dma_start3A_113] : memref<56x128xi32, #tpu.memory_space<vmem>> -> memref<1x128xi32, #tpu.memory_space<vmem>>
        %dma_start3A_115 = tpu.memref_squeeze %dma_start3A_114 : memref<1x128xi32, #tpu.memory_space<vmem>> -> memref<128xi32, #tpu.memory_space<vmem>>
        %dma_start3A_116 = arith.constant 0 : i32
        %dma_start3A_117 = arith.constant 0 : i32
        %dma_start3A_118 = tpu.memref_slice %arg4[%dma_start3A_116, %dma_start3A_117] : memref<10000x128xf32, #tpu.memory_space<hbm>> -> memref<10000x128xf32, #tpu.memory_space<hbm>>
        tpu.enqueue_indirect_dma source(%dma_start3A_118 : memref<10000x128xf32, #tpu.memory_space<hbm>>) target(%arg10 : memref<128x128xf32, #tpu.memory_space<vmem>>) offsets(%dma_start3A_115 : memref<128xi32, #tpu.memory_space<vmem>>) semaphore(%arg12 : memref<!tpu.dma_semaphore, #tpu.memory_space<semaphore_mem>>)
      } else {
      }
    }
    %scan3A_67 = arith.constant 12 : i32
    %barrier3A_68 = arith.constant 0 : index
    tpu.barrier barrier_id(%barrier3A_68)
    %mul3A_69 = arith.constant 632 : i32
    %mul3A_70 = arith.muli %arg1, %mul3A_69 : i32
    %mul3A_71 = arith.constant 632 : i32
    %mul3A_72 = arith.muli %arg1, %mul3A_71 : i32
    "tpu.region"() ({
      %run_scoped3A = tpu.sem_alloc : memref<!tpu.dma_semaphore, #tpu.memory_space<semaphore_mem>>
      %dma_start3A_74 = arith.constant 0 : i32
      %dma_start3A_75 = arith.constant 0 : i32
      %dma_start3A_76 = tpu.memref_slice %arg5[%arg0, %dma_start3A_74, %dma_start3A_75] : memref<2x10112x128xf32, #tpu.memory_space<hbm>> -> memref<1x10112x128xf32, #tpu.memory_space<hbm>>
      %dma_start3A_77 = tpu.memref_squeeze %dma_start3A_76 : memref<1x10112x128xf32, #tpu.memory_space<hbm>> -> memref<10112x128xf32, #tpu.memory_space<hbm>>
      %dma_start3A_78 = arith.constant 0 : i32
      %dma_start3A_79 = tpu.memref_slice %dma_start3A_77[%mul3A_72, %dma_start3A_78] : memref<10112x128xf32, #tpu.memory_space<hbm>> -> memref<632x128xf32, #tpu.memory_space<hbm>>
      %dma_start3A_80 = arith.constant 0 : i32
      %dma_start3A_81 = tpu.memref_slice %arg6[%mul3A_70, %dma_start3A_80] : memref<10112x128xf32, #tpu.memory_space<vmem_shared>> -> memref<632x128xf32, #tpu.memory_space<vmem_shared>>
      tpu.enqueue_dma source(%dma_start3A_81 : memref<632x128xf32, #tpu.memory_space<vmem_shared>>) target(%dma_start3A_79 : memref<632x128xf32, #tpu.memory_space<hbm>>) target_semaphore(%run_scoped3A : memref<!tpu.dma_semaphore, #tpu.memory_space<semaphore_mem>>)
      %dma_wait3A = arith.constant 0 : i32
      %dma_wait3A_82 = arith.constant 0 : i32
      %dma_wait3A_83 = tpu.memref_slice %arg5[%arg0, %dma_wait3A, %dma_wait3A_82] : memref<2x10112x128xf32, #tpu.memory_space<hbm>> -> memref<1x10112x128xf32, #tpu.memory_space<hbm>>
      %dma_wait3A_84 = tpu.memref_squeeze %dma_wait3A_83 : memref<1x10112x128xf32, #tpu.memory_space<hbm>> -> memref<10112x128xf32, #tpu.memory_space<hbm>>
      %dma_wait3A_85 = arith.constant 0 : i32
      %dma_wait3A_86 = tpu.memref_slice %dma_wait3A_84[%mul3A_72, %dma_wait3A_85] : memref<10112x128xf32, #tpu.memory_space<hbm>> -> memref<632x128xf32, #tpu.memory_space<hbm>>
      %dma_wait3A_87 = arith.constant 0 : i32
      %dma_wait3A_88 = tpu.memref_slice %arg6[%mul3A_70, %dma_wait3A_87] : memref<10112x128xf32, #tpu.memory_space<vmem_shared>> -> memref<632x128xf32, #tpu.memory_space<vmem_shared>>
      tpu.wait_dma2 semaphore(%run_scoped3A : memref<!tpu.dma_semaphore, #tpu.memory_space<semaphore_mem>>) src(%dma_wait3A_88 : memref<632x128xf32, #tpu.memory_space<vmem_shared>>) dst(%dma_wait3A_86 : memref<632x128xf32, #tpu.memory_space<hbm>>)
      tpu.yield
    }) : () -> ()
    %barrier3A_73 = arith.constant 0 : index
    tpu.barrier barrier_id(%barrier3A_73)
    return
  }
}

module attributes {stable_mosaic.version = 14 : i64} {
  func.func @body(%arg0: i32, %arg1: memref<2048x128xf32, #tpu.memory_space<vmem>>, %arg2: memref<1x2048xf32, #tpu.memory_space<vmem>>, %arg3: memref<128x128xf32, #tpu.memory_space<vmem>>, %arg4: memref<2048x128xf32, #tpu.memory_space<vmem>>, %arg5: memref<1x2048xf32, #tpu.memory_space<vmem>>, %arg6: memref<128x128xf32, #tpu.memory_space<vmem>>, %arg7: memref<2048x128xf32, #tpu.memory_space<vmem>>, %arg8: memref<2048x128xf32, #tpu.memory_space<vmem>>, %arg9: memref<128x128xf32, #tpu.memory_space<vmem>>, %arg10: memref<128x128xf32, #tpu.memory_space<vmem>>, %arg11: memref<128x128xf32, #tpu.memory_space<vmem>>, %arg12: memref<1x128xf32, #tpu.memory_space<vmem>>, %arg13: memref<1x128xf32, #tpu.memory_space<vmem>>, %arg14: memref<1x128xf32, #tpu.memory_space<vmem>>, %arg15: memref<2048x128xf32, #tpu.memory_space<vmem>>, %arg16: memref<2048x128xf32, #tpu.memory_space<vmem>>) attributes {dimension_semantics = [#tpu.dimension_semantics<arbitrary>], iteration_bounds = array<i64: 5>, scalar_prefetch = 0 : i64, scratch_operands = 0 : i64, tpu.core_type = #tpu.core_type<tc>, window_params = [{transform_indices = @transform_0, window_bounds = array<i64: 2048, 128>}, {transform_indices = @transform_1, window_bounds = array<i64: 1, 2048>}, {pipeline_mode = #tpu.pipeline_mode<synchronous>, transform_indices = @transform_2, window_bounds = array<i64: 128, 128>}, {transform_indices = @transform_3, window_bounds = array<i64: 2048, 128>}, {transform_indices = @transform_4, window_bounds = array<i64: 1, 2048>}, {pipeline_mode = #tpu.pipeline_mode<synchronous>, transform_indices = @transform_5, window_bounds = array<i64: 128, 128>}, {transform_indices = @transform_6, window_bounds = array<i64: 2048, 128>}, {transform_indices = @transform_7, window_bounds = array<i64: 2048, 128>}, {pipeline_mode = #tpu.pipeline_mode<synchronous>, transform_indices = @transform_8, window_bounds = array<i64: 128, 128>}, {pipeline_mode = #tpu.pipeline_mode<synchronous>, transform_indices = @transform_9, window_bounds = array<i64: 128, 128>}, {pipeline_mode = #tpu.pipeline_mode<synchronous>, transform_indices = @transform_10, window_bounds = array<i64: 128, 128>}, {pipeline_mode = #tpu.pipeline_mode<synchronous>, transform_indices = @transform_11, window_bounds = array<i64: 1, 128>}, {pipeline_mode = #tpu.pipeline_mode<synchronous>, transform_indices = @transform_12, window_bounds = array<i64: 1, 128>}, {pipeline_mode = #tpu.pipeline_mode<synchronous>, transform_indices = @transform_13, window_bounds = array<i64: 1, 128>}, {transform_indices = @transform_14, window_bounds = array<i64: 2048, 128>}, {transform_indices = @transform_15, window_bounds = array<i64: 2048, 128>}]} {
    %get3A = arith.constant 0 : index
    %get3A_0 = arith.constant 0 : index
    %get3A_1 = vector.load %arg1[%get3A, %get3A_0] : memref<2048x128xf32, #tpu.memory_space<vmem>>, vector<2048x128xf32>
    %get3A_2 = arith.constant 0 : index
    %get3A_3 = arith.constant 0 : index
    %get3A_4 = vector.load %arg2[%get3A_2, %get3A_3] : memref<1x2048xf32, #tpu.memory_space<vmem>>, vector<1x2048xf32>
    %squeeze3A = vector.shape_cast %get3A_4 : vector<1x2048xf32> to vector<2048xf32>
    %max3A = arith.constant 1.000000e+00 : f32
    %max3A_5 = vector.broadcast %max3A : f32 to vector<2048xf32>
    %max3A_6 = arith.maximumf %squeeze3A, %max3A_5 : vector<2048xf32>
    %broadcast_in_dim3A = vector.shape_cast %max3A_6 : vector<2048xf32> to vector<2048x1xf32>
    %div3A = vector.broadcast %broadcast_in_dim3A : vector<2048x1xf32> to vector<2048x128xf32>
    %div3A_7 = arith.divf %get3A_1, %div3A : vector<2048x128xf32>
    %get3A_8 = arith.constant 0 : index
    %get3A_9 = arith.constant 0 : index
    %get3A_10 = vector.load %arg7[%get3A_8, %get3A_9] : memref<2048x128xf32, #tpu.memory_space<vmem>>, vector<2048x128xf32>
    %get3A_11 = arith.constant 0 : index
    %get3A_12 = arith.constant 0 : index
    %get3A_13 = vector.load %arg9[%get3A_11, %get3A_12] : memref<128x128xf32, #tpu.memory_space<vmem>>, vector<128x128xf32>
    %dot_general3A = arith.constant dense<0.000000e+00> : vector<2048x128xf32>
    %dot_general3A_14 = tpu.matmul %get3A_10, %get3A_13, %dot_general3A {dimension_numbers = #tpu.dot_dimension_numbers<[1], [0], [0], [1], [0, 0, 1, 1], [], []>, transpose_lhs_hint = false} : vector<2048x128xf32>, vector<128x128xf32>, vector<2048x128xf32> -> vector<2048x128xf32>
    %get3A_15 = arith.constant 0 : index
    %get3A_16 = arith.constant 0 : index
    %get3A_17 = vector.load %arg12[%get3A_15, %get3A_16] : memref<1x128xf32, #tpu.memory_space<vmem>>, vector<1x128xf32>
    %add3A = vector.broadcast %get3A_17 : vector<1x128xf32> to vector<2048x128xf32>
    %add3A_18 = arith.addf %dot_general3A_14, %add3A : vector<2048x128xf32>
    %get3A_19 = arith.constant 0 : index
    %get3A_20 = arith.constant 0 : index
    %get3A_21 = vector.load %arg3[%get3A_19, %get3A_20] : memref<128x128xf32, #tpu.memory_space<vmem>>, vector<128x128xf32>
    %dot_general3A_22 = arith.constant dense<0.000000e+00> : vector<2048x128xf32>
    %dot_general3A_23 = tpu.matmul %div3A_7, %get3A_21, %dot_general3A_22 {dimension_numbers = #tpu.dot_dimension_numbers<[1], [0], [0], [1], [0, 0, 1, 1], [], []>, transpose_lhs_hint = false} : vector<2048x128xf32>, vector<128x128xf32>, vector<2048x128xf32> -> vector<2048x128xf32>
    %add3A_24 = arith.addf %dot_general3A_23, %add3A_18 : vector<2048x128xf32>
    %max3A_25 = arith.constant 0.000000e+00 : f32
    %max3A_26 = vector.broadcast %max3A_25 : f32 to vector<2048x128xf32>
    %max3A_27 = arith.maximumf %add3A_24, %max3A_26 : vector<2048x128xf32>
    %swap3A = arith.constant 0 : index
    %swap3A_28 = arith.constant 0 : index
    %swap3A_29 = vector.load %arg15[%swap3A, %swap3A_28] : memref<2048x128xf32, #tpu.memory_space<vmem>>, vector<2048x128xf32>
    tpu.vector_store %arg15[%swap3A, %swap3A_28], %max3A_27 {strides = array<i32>} : memref<2048x128xf32, #tpu.memory_space<vmem>>, vector<2048x128xf32>,
    %get3A_30 = arith.constant 0 : index
    %get3A_31 = arith.constant 0 : index
    %get3A_32 = vector.load %arg4[%get3A_30, %get3A_31] : memref<2048x128xf32, #tpu.memory_space<vmem>>, vector<2048x128xf32>
    %get3A_33 = arith.constant 0 : index
    %get3A_34 = arith.constant 0 : index
    %get3A_35 = vector.load %arg5[%get3A_33, %get3A_34] : memref<1x2048xf32, #tpu.memory_space<vmem>>, vector<1x2048xf32>
    %squeeze3A_36 = vector.shape_cast %get3A_35 : vector<1x2048xf32> to vector<2048xf32>
    %max3A_37 = arith.constant 1.000000e+00 : f32
    %max3A_38 = vector.broadcast %max3A_37 : f32 to vector<2048xf32>
    %max3A_39 = arith.maximumf %squeeze3A_36, %max3A_38 : vector<2048xf32>
    %broadcast_in_dim3A_40 = vector.shape_cast %max3A_39 : vector<2048xf32> to vector<2048x1xf32>
    %div3A_41 = vector.broadcast %broadcast_in_dim3A_40 : vector<2048x1xf32> to vector<2048x128xf32>
    %div3A_42 = arith.divf %get3A_32, %div3A_41 : vector<2048x128xf32>
    %get3A_43 = arith.constant 0 : index
    %get3A_44 = arith.constant 0 : index
    %get3A_45 = vector.load %arg8[%get3A_43, %get3A_44] : memref<2048x128xf32, #tpu.memory_space<vmem>>, vector<2048x128xf32>
    %get3A_46 = arith.constant 0 : index
    %get3A_47 = arith.constant 0 : index
    %get3A_48 = vector.load %arg10[%get3A_46, %get3A_47] : memref<128x128xf32, #tpu.memory_space<vmem>>, vector<128x128xf32>
    %dot_general3A_49 = arith.constant dense<0.000000e+00> : vector<2048x128xf32>
    %dot_general3A_50 = tpu.matmul %get3A_45, %get3A_48, %dot_general3A_49 {dimension_numbers = #tpu.dot_dimension_numbers<[1], [0], [0], [1], [0, 0, 1, 1], [], []>, transpose_lhs_hint = false} : vector<2048x128xf32>, vector<128x128xf32>, vector<2048x128xf32> -> vector<2048x128xf32>
    %get3A_51 = arith.constant 0 : index
    %get3A_52 = arith.constant 0 : index
    %get3A_53 = vector.load %arg13[%get3A_51, %get3A_52] : memref<1x128xf32, #tpu.memory_space<vmem>>, vector<1x128xf32>
    %add3A_54 = vector.broadcast %get3A_53 : vector<1x128xf32> to vector<2048x128xf32>
    %add3A_55 = arith.addf %dot_general3A_50, %add3A_54 : vector<2048x128xf32>
    %get3A_56 = arith.constant 0 : index
    %get3A_57 = arith.constant 0 : index
    %get3A_58 = vector.load %arg6[%get3A_56, %get3A_57] : memref<128x128xf32, #tpu.memory_space<vmem>>, vector<128x128xf32>
    %dot_general3A_59 = arith.constant dense<0.000000e+00> : vector<2048x128xf32>
    %dot_general3A_60 = tpu.matmul %div3A_42, %get3A_58, %dot_general3A_59 {dimension_numbers = #tpu.dot_dimension_numbers<[1], [0], [0], [1], [0, 0, 1, 1], [], []>, transpose_lhs_hint = false} : vector<2048x128xf32>, vector<128x128xf32>, vector<2048x128xf32> -> vector<2048x128xf32>
    %add3A_61 = arith.addf %dot_general3A_60, %add3A_55 : vector<2048x128xf32>
    %max3A_62 = arith.constant 0.000000e+00 : f32
    %max3A_63 = vector.broadcast %max3A_62 : f32 to vector<2048x128xf32>
    %max3A_64 = arith.maximumf %add3A_61, %max3A_63 : vector<2048x128xf32>
    %get3A_65 = arith.constant 0 : index
    %get3A_66 = arith.constant 0 : index
    %get3A_67 = vector.load %arg11[%get3A_65, %get3A_66] : memref<128x128xf32, #tpu.memory_space<vmem>>, vector<128x128xf32>
    %dot_general3A_68 = arith.constant dense<0.000000e+00> : vector<2048x128xf32>
    %dot_general3A_69 = tpu.matmul %max3A_64, %get3A_67, %dot_general3A_68 {dimension_numbers = #tpu.dot_dimension_numbers<[1], [0], [0], [1], [0, 0, 1, 1], [], []>, transpose_lhs_hint = false} : vector<2048x128xf32>, vector<128x128xf32>, vector<2048x128xf32> -> vector<2048x128xf32>
    %get3A_70 = arith.constant 0 : index
    %get3A_71 = arith.constant 0 : index
    %get3A_72 = vector.load %arg14[%get3A_70, %get3A_71] : memref<1x128xf32, #tpu.memory_space<vmem>>, vector<1x128xf32>
    %add3A_73 = vector.broadcast %get3A_72 : vector<1x128xf32> to vector<2048x128xf32>
    %add3A_74 = arith.addf %dot_general3A_69, %add3A_73 : vector<2048x128xf32>
    %swap3A_75 = arith.constant 0 : index
    %swap3A_76 = arith.constant 0 : index
    %swap3A_77 = vector.load %arg16[%swap3A_75, %swap3A_76] : memref<2048x128xf32, #tpu.memory_space<vmem>>, vector<2048x128xf32>
    tpu.vector_store %arg16[%swap3A_75, %swap3A_76], %add3A_74 {strides = array<i32>} : memref<2048x128xf32, #tpu.memory_space<vmem>>, vector<2048x128xf32>,
    return
  }
  func.func @transform_0(%arg0: i32) -> (i32, i32) {
    %c0_i32 = arith.constant 0 : i32
    %c0_i32_0 = arith.constant 0 : i32
    return %arg0, %c0_i32 : i32, i32
  }
  func.func @transform_1(%arg0: i32) -> (i32, i32) {
    %c0_i32 = arith.constant 0 : i32
    %c0_i32_0 = arith.constant 0 : i32
    return %c0_i32, %arg0 : i32, i32
  }
  func.func @transform_2(%arg0: i32) -> (i32, i32) {
    %c0_i32 = arith.constant 0 : i32
    %c0_i32_0 = arith.constant 0 : i32
    %c0_i32_1 = arith.constant 0 : i32
    return %c0_i32, %c0_i32_0 : i32, i32
  }
  func.func @transform_3(%arg0: i32) -> (i32, i32) {
    %c0_i32 = arith.constant 0 : i32
    %c0_i32_0 = arith.constant 0 : i32
    return %arg0, %c0_i32 : i32, i32
  }
  func.func @transform_4(%arg0: i32) -> (i32, i32) {
    %c0_i32 = arith.constant 0 : i32
    %c0_i32_0 = arith.constant 0 : i32
    return %c0_i32, %arg0 : i32, i32
  }
  func.func @transform_5(%arg0: i32) -> (i32, i32) {
    %c0_i32 = arith.constant 0 : i32
    %c0_i32_0 = arith.constant 0 : i32
    %c0_i32_1 = arith.constant 0 : i32
    return %c0_i32, %c0_i32_0 : i32, i32
  }
  func.func @transform_6(%arg0: i32) -> (i32, i32) {
    %c0_i32 = arith.constant 0 : i32
    %c0_i32_0 = arith.constant 0 : i32
    return %arg0, %c0_i32 : i32, i32
  }
  func.func @transform_7(%arg0: i32) -> (i32, i32) {
    %c0_i32 = arith.constant 0 : i32
    %c0_i32_0 = arith.constant 0 : i32
    return %arg0, %c0_i32 : i32, i32
  }
  func.func @transform_8(%arg0: i32) -> (i32, i32) {
    %c0_i32 = arith.constant 0 : i32
    %c0_i32_0 = arith.constant 0 : i32
    %c0_i32_1 = arith.constant 0 : i32
    return %c0_i32, %c0_i32_0 : i32, i32
  }
  func.func @transform_9(%arg0: i32) -> (i32, i32) {
    %c0_i32 = arith.constant 0 : i32
    %c0_i32_0 = arith.constant 0 : i32
    %c0_i32_1 = arith.constant 0 : i32
    return %c0_i32, %c0_i32_0 : i32, i32
  }
  func.func @transform_10(%arg0: i32) -> (i32, i32) {
    %c0_i32 = arith.constant 0 : i32
    %c0_i32_0 = arith.constant 0 : i32
    %c0_i32_1 = arith.constant 0 : i32
    return %c0_i32, %c0_i32_0 : i32, i32
  }
  func.func @transform_11(%arg0: i32) -> (i32, i32) {
    %c0_i32 = arith.constant 0 : i32
    %c0_i32_0 = arith.constant 0 : i32
    %c0_i32_1 = arith.constant 0 : i32
    return %c0_i32, %c0_i32_0 : i32, i32
  }
  func.func @transform_12(%arg0: i32) -> (i32, i32) {
    %c0_i32 = arith.constant 0 : i32
    %c0_i32_0 = arith.constant 0 : i32
    %c0_i32_1 = arith.constant 0 : i32
    return %c0_i32, %c0_i32_0 : i32, i32
  }
  func.func @transform_13(%arg0: i32) -> (i32, i32) {
    %c0_i32 = arith.constant 0 : i32
    %c0_i32_0 = arith.constant 0 : i32
    %c0_i32_1 = arith.constant 0 : i32
    return %c0_i32, %c0_i32_0 : i32, i32
  }
  func.func @transform_14(%arg0: i32) -> (i32, i32) {
    %c0_i32 = arith.constant 0 : i32
    %c0_i32_0 = arith.constant 0 : i32
    return %arg0, %c0_i32 : i32, i32
  }
  func.func @transform_15(%arg0: i32) -> (i32, i32) {
    %c0_i32 = arith.constant 0 : i32
    %c0_i32_0 = arith.constant 0 : i32
    return %arg0, %c0_i32 : i32, i32
  }
}

module attributes {stable_mosaic.version = 14 : i64} {
  func.func @body(%arg0: i32, %arg1: memref<2x2048x128xf32, #tpu.memory_space<vmem>>, %arg2: memref<1x2048xf32, #tpu.memory_space<vmem>>, %arg3: memref<2048x128xf32, #tpu.memory_space<vmem>>, %arg4: memref<128x128xf32, #tpu.memory_space<vmem>>, %arg5: memref<128x128xf32, #tpu.memory_space<vmem>>, %arg6: memref<1x128xf32, #tpu.memory_space<vmem>>, %arg7: memref<2048x128xf32, #tpu.memory_space<vmem>>) attributes {dimension_semantics = [#tpu.dimension_semantics<arbitrary>], iteration_bounds = array<i64: 5>, scalar_prefetch = 0 : i64, scratch_operands = 0 : i64, tpu.core_type = #tpu.core_type<tc>, window_params = [{transform_indices = @transform_0, window_bounds = array<i64: 2, 2048, 128>}, {transform_indices = @transform_1, window_bounds = array<i64: 1, 2048>}, {transform_indices = @transform_2, window_bounds = array<i64: 2048, 128>}, {pipeline_mode = #tpu.pipeline_mode<synchronous>, transform_indices = @transform_3, window_bounds = array<i64: 128, 128>}, {pipeline_mode = #tpu.pipeline_mode<synchronous>, transform_indices = @transform_4, window_bounds = array<i64: 128, 128>}, {pipeline_mode = #tpu.pipeline_mode<synchronous>, transform_indices = @transform_5, window_bounds = array<i64: 1, 128>}, {transform_indices = @transform_6, window_bounds = array<i64: 2048, 128>}]} {
    %get3A = arith.constant 0 : index
    %get3A_0 = arith.constant 0 : index
    %get3A_1 = arith.constant 0 : index
    %get3A_2 = vector.load %arg1[%get3A, %get3A_0, %get3A_1] : memref<2x2048x128xf32, #tpu.memory_space<vmem>>, vector<2x2048x128xf32>
    %slice3A = vector.extract_strided_slice %get3A_2 {offsets = [0, 0, 0], sizes = [1, 2048, 128], strides = [1, 1, 1]} : vector<2x2048x128xf32> to vector<1x2048x128xf32>
    %squeeze3A = vector.shape_cast %slice3A : vector<1x2048x128xf32> to vector<2048x128xf32>
    %get3A_3 = arith.constant 0 : index
    %get3A_4 = arith.constant 0 : index
    %get3A_5 = arith.constant 0 : index
    %get3A_6 = vector.load %arg1[%get3A_3, %get3A_4, %get3A_5] : memref<2x2048x128xf32, #tpu.memory_space<vmem>>, vector<2x2048x128xf32>
    %slice3A_7 = vector.extract_strided_slice %get3A_6 {offsets = [1, 0, 0], sizes = [1, 2048, 128], strides = [1, 1, 1]} : vector<2x2048x128xf32> to vector<1x2048x128xf32>
    %squeeze3A_8 = vector.shape_cast %slice3A_7 : vector<1x2048x128xf32> to vector<2048x128xf32>
    %add3A = arith.addf %squeeze3A, %squeeze3A_8 : vector<2048x128xf32>
    %get3A_9 = arith.constant 0 : index
    %get3A_10 = arith.constant 0 : index
    %get3A_11 = vector.load %arg2[%get3A_9, %get3A_10] : memref<1x2048xf32, #tpu.memory_space<vmem>>, vector<1x2048xf32>
    %squeeze3A_12 = vector.shape_cast %get3A_11 : vector<1x2048xf32> to vector<2048xf32>
    %max3A = arith.constant 1.000000e+00 : f32
    %max3A_13 = vector.broadcast %max3A : f32 to vector<2048xf32>
    %max3A_14 = arith.maximumf %squeeze3A_12, %max3A_13 : vector<2048xf32>
    %broadcast_in_dim3A = vector.shape_cast %max3A_14 : vector<2048xf32> to vector<2048x1xf32>
    %div3A = vector.broadcast %broadcast_in_dim3A : vector<2048x1xf32> to vector<2048x128xf32>
    %div3A_15 = arith.divf %add3A, %div3A : vector<2048x128xf32>
    %get3A_16 = arith.constant 0 : index
    %get3A_17 = arith.constant 0 : index
    %get3A_18 = vector.load %arg4[%get3A_16, %get3A_17] : memref<128x128xf32, #tpu.memory_space<vmem>>, vector<128x128xf32>
    %dot_general3A = arith.constant dense<0.000000e+00> : vector<2048x128xf32>
    %dot_general3A_19 = tpu.matmul %div3A_15, %get3A_18, %dot_general3A {dimension_numbers = #tpu.dot_dimension_numbers<[1], [0], [0], [1], [0, 0, 1, 1], [], []>, transpose_lhs_hint = false} : vector<2048x128xf32>, vector<128x128xf32>, vector<2048x128xf32> -> vector<2048x128xf32>
    %get3A_20 = arith.constant 0 : index
    %get3A_21 = arith.constant 0 : index
    %get3A_22 = vector.load %arg3[%get3A_20, %get3A_21] : memref<2048x128xf32, #tpu.memory_space<vmem>>, vector<2048x128xf32>
    %add3A_23 = arith.addf %dot_general3A_19, %get3A_22 : vector<2048x128xf32>
    %max3A_24 = arith.constant 0.000000e+00 : f32
    %max3A_25 = vector.broadcast %max3A_24 : f32 to vector<2048x128xf32>
    %max3A_26 = arith.maximumf %add3A_23, %max3A_25 : vector<2048x128xf32>
    %get3A_27 = arith.constant 0 : index
    %get3A_28 = arith.constant 0 : index
    %get3A_29 = vector.load %arg5[%get3A_27, %get3A_28] : memref<128x128xf32, #tpu.memory_space<vmem>>, vector<128x128xf32>
    %dot_general3A_30 = arith.constant dense<0.000000e+00> : vector<2048x128xf32>
    %dot_general3A_31 = tpu.matmul %max3A_26, %get3A_29, %dot_general3A_30 {dimension_numbers = #tpu.dot_dimension_numbers<[1], [0], [0], [1], [0, 0, 1, 1], [], []>, transpose_lhs_hint = false} : vector<2048x128xf32>, vector<128x128xf32>, vector<2048x128xf32> -> vector<2048x128xf32>
    %get3A_32 = arith.constant 0 : index
    %get3A_33 = arith.constant 0 : index
    %get3A_34 = vector.load %arg6[%get3A_32, %get3A_33] : memref<1x128xf32, #tpu.memory_space<vmem>>, vector<1x128xf32>
    %add3A_35 = vector.broadcast %get3A_34 : vector<1x128xf32> to vector<2048x128xf32>
    %add3A_36 = arith.addf %dot_general3A_31, %add3A_35 : vector<2048x128xf32>
    %swap3A = arith.constant 0 : index
    %swap3A_37 = arith.constant 0 : index
    %swap3A_38 = vector.load %arg7[%swap3A, %swap3A_37] : memref<2048x128xf32, #tpu.memory_space<vmem>>, vector<2048x128xf32>
    tpu.vector_store %arg7[%swap3A, %swap3A_37], %add3A_36 {strides = array<i32>} : memref<2048x128xf32, #tpu.memory_space<vmem>>, vector<2048x128xf32>,
    return
  }
  func.func @transform_0(%arg0: i32) -> (i32, i32, i32) {
    %c0_i32 = arith.constant 0 : i32
    %c0_i32_0 = arith.constant 0 : i32
    %c0_i32_1 = arith.constant 0 : i32
    return %c0_i32, %arg0, %c0_i32_0 : i32, i32, i32
  }
  func.func @transform_1(%arg0: i32) -> (i32, i32) {
    %c0_i32 = arith.constant 0 : i32
    %c0_i32_0 = arith.constant 0 : i32
    return %c0_i32, %arg0 : i32, i32
  }
  func.func @transform_2(%arg0: i32) -> (i32, i32) {
    %c0_i32 = arith.constant 0 : i32
    %c0_i32_0 = arith.constant 0 : i32
    return %arg0, %c0_i32 : i32, i32
  }
  func.func @transform_3(%arg0: i32) -> (i32, i32) {
    %c0_i32 = arith.constant 0 : i32
    %c0_i32_0 = arith.constant 0 : i32
    %c0_i32_1 = arith.constant 0 : i32
    return %c0_i32, %c0_i32_0 : i32, i32
  }
  func.func @transform_4(%arg0: i32) -> (i32, i32) {
    %c0_i32 = arith.constant 0 : i32
    %c0_i32_0 = arith.constant 0 : i32
    %c0_i32_1 = arith.constant 0 : i32
    return %c0_i32, %c0_i32_0 : i32, i32
  }
  func.func @transform_5(%arg0: i32) -> (i32, i32) {
    %c0_i32 = arith.constant 0 : i32
    %c0_i32_0 = arith.constant 0 : i32
    %c0_i32_1 = arith.constant 0 : i32
    return %c0_i32, %c0_i32_0 : i32, i32
  }
  func.func @transform_6(%arg0: i32) -> (i32, i32) {
    %c0_i32 = arith.constant 0 : i32
    %c0_i32_0 = arith.constant 0 : i32
    return %arg0, %c0_i32 : i32, i32
  }
}

</mosaic_0001>

<sc_bundles>
// kernel: kernel.6.cloned.1.call-start
scs
__scs_entry_jumppad:
0x0: {  	(pc) =	sbr.rel $0x88, $3  }
0x1: {  	(tag) =	ssettag $0x0;
	lr =	simm.s32 $0x1  }
0x2: {  	[smem:$0x3F92] =	sst lr;
	_ =	strace $0xD0000000  }
0x3: {  	_ = 	snop  }
0x4: {  	_ = 	snop  }
0x5: {  	_ = 	snop  }
0x6: {  	_ = 	snop  }
0x7: {  	_ = 	snop  }
__scs_overlays_trampoline_lowered:
0x8: {  	[smem:$0x3FA1] =	sst s0  }
0x9: {  	[smem:$0x3FA2] =	sst s1  }
0xa: {  	[smem:$0x3FA3] =	sst s2  }
0xb: {  	[smem:$0x3FA4] =	sst s3  }
0xc: {  	[smem:$0x3FA5] =	sst s4  }
0xd: {  	[smem:$0x3FA6] =	sst s5  }
0xe: {  	[smem:$0x3FA7] =	sst s6  }
0xf: {  	[smem:$0x3FA8] =	sst s7  }
0x10: {  	[smem:$0x3FA9] =	sst s8  }
0x11: {  	[smem:$0x3FAA] =	sst s9;
	s0 =	simm.s32 @!p0 $0x0  }
0x12: {  	s1 =	sld [smem:$0x3F90];
	s0 =	simm.s32 @p0 $0x1  }
0x13: {  	[smem:$0x3FAB] =	sst s0;
	s0 =	simm.s32 @!p1 $0x0  }
0x14: {  	s2 =	sld [smem:$0x3F8F];
	s0 =	simm.s32 @p1 $0x1  }
0x15: {  	[smem:$0x3FAC] =	sst s0;
	s0 =	simm.s32 @!p2 $0x0  }
0x16: {  	s3 =	sld [smem:$0x3FDB];
	s0 =	simm.s32 @p2 $0x1  }
0x17: {  	s4 =	simm.s32 $0x1BF5;
	[smem:$0x3FAE] =	sst s0  }
0x18: {  	s0 =	sld [smem:$0x3F91];
	_ =	swait.ge [sflag:s4], $0x0  }
0x19: {  	s7 =	sld [smem:$0x3F92]  }
0x1a: {  	s8 =	sadd.s32 $0xFFFFE003, lr  }
0x1b: {  	s9 =	sadd.s32 $0xFFFFFEF7, lr;
	s5 =	simm.s32 $0xFFFFFFFF;
	p2 =	slt.u32 s8, $0xFFFFF086  }
0x1c: {  	p1 =	slt.u32 s9, $0xF7A;
	s5 =	simm.s32 @!p2 $0x0  }
0x1d: {  	s5 =	simm.s32 @p1 $0x1;
	p0 =	seq.s32 s7, s2  }
0x1e: {  	s7 =	smul.u32 @!p0 $0xF7A, s2;
	p2 =	seq.s32 @!p0 s5, $0x0  }
0x1f: {  	s9 =	smul.u32 $0xF7A, s1;
	s8 =	simm.s32 @!p0 $0x1BF5;
	p2 =	por !p2, p0  }
0x20: {  	[sflag:s8] =	ssyncset.s32 @!p0 $0xFFFFF086;
	s6 =	sadd.s32 @!p0 s3, s7;
	s7 =	simm.s32 @!p0 $0x108  }
0x21: {  	s3 =	sadd.s32 s3, s9;
	s6 =	sadd.s32 @!p0 $0x88, s6;
	s7 =	simm.s32 @p2 $0x1082  }
0x22: {  	[simem:s7], [sflag:s8] =	dma.local @!p0 [hbm:s6], $0xF7A  }
0x23: {  	s9 =	sor.u32 $0xD0000000, s2;
	s6 =	simm.s32 $0x108;
	_ =	swait.ge @!p0 [sflag:s8], $0x0  }
0x24: {  	s3 =	sadd.s32 $0x88, s3;
	s6 =	simm.s32 @!p1 $0x1082;
	[sflag:s4] =	ssyncset.s32 $0xFFFFF086  }
0x25: {  	[simem:s6], [sflag:s4] =	dma.local [hbm:s3], $0xF7A  }
0x26: {  	[smem:$0x3F92] =	sst s1;
	(tag) =	ssettag s2;
	_ =	strace s9  }
0x27: {  	s1 =	sld [smem:$0x3FA2]  }
0x28: {  	s2 =	sld [smem:$0x3FA3]  }
0x29: {  	s4 =	sld [smem:$0x3FA5]  }
0x2a: {  	p0 =	seq.s32 s5, $0x0;
	s5 =	sld [smem:$0x3FA6]  }
0x2b: {  	s6 =	sld [smem:$0x3FA7]  }
0x2c: {  	s7 =	sld [smem:$0x3FA8]  }
0x2d: {  	s3 =	simm.s32 $0x108;
	s8 =	sld [smem:$0x3FA9]  }
0x2e: {  	s3 =	simm.s32 @!p0 $0x1082;
	s9 =	sld [smem:$0x3FAA]  }
0x2f: {  	lr =	sadd.s32 s0, s3;
	s0 =	sld [smem:$0x3FA1]  }
0x30: {  	s3 =	sld [smem:$0x3FA4]  }
0x31: {  	[smem:$0x3FAD] =	sst s10  }
0x32: {  	s10 =	sld [smem:$0x3FAB];
	_ =	sdelay $0x3  }
0x33: {  	p0 =	seq.s32 s10, $0x1;
	s10 =	sld [smem:$0x3FAD];
	_ =	sdelay $0x3  }
0x34: {  	[smem:$0x3FAD] =	sst s10  }
0x35: {  	s10 =	sld [smem:$0x3FAC];
	_ =	sdelay $0x3  }
0x36: {  	p1 =	seq.s32 s10, $0x1;
	s10 =	sld [smem:$0x3FAD];
	_ =	sdelay $0x3  }
0x37: {  	[smem:$0x3FAD] =	sst s10  }
0x38: {  	s10 =	sld [smem:$0x3FAE]  }
0x39: {  	_ = 	snop;
	(pc) =	sbr.ind lr, $3  }
0x3a: {  	_ = 	snop  }
0x3b: {  	_ = 	snop  }
0x3c: {  	p2 =	seq.s32 s10, $0x1;
	s10 =	sld [smem:$0x3FAD]  }
0x3d: {  	_ =	shalt  }
0x3e: {  	_ =	shalt  }
0x3f: {  	_ =	shalt  }
0x40: {  	_ =	shalt  }
0x41: {  	_ =	shalt  }
0x42: {  	_ =	shalt  }
0x43: {  	_ =	shalt  }
0x44: {  	_ =	shalt  }
0x45: {  	_ =	shalt  }
0x46: {  	_ =	shalt  }
0x47: {  	_ =	shalt  }
0x48: {  	_ =	shalt  }
0x49: {  	_ =	shalt  }
0x4a: {  	_ =	shalt  }
0x4b: {  	_ =	shalt  }
0x4c: {  	_ =	shalt  }
0x4d: {  	_ =	shalt  }
0x4e: {  	_ =	shalt  }
0x4f: {  	_ =	shalt  }
0x50: {  	_ =	shalt  }
0x51: {  	_ =	shalt  }
0x52: {  	_ =	shalt  }
0x53: {  	_ =	shalt  }
0x54: {  	_ =	shalt  }
0x55: {  	_ =	shalt  }
0x56: {  	_ =	shalt  }
0x57: {  	_ =	shalt  }
0x58: {  	_ =	shalt  }
0x59: {  	_ =	shalt  }
0x5a: {  	_ =	shalt  }
0x5b: {  	_ =	shalt  }
0x5c: {  	_ =	shalt  }
0x5d: {  	_ =	shalt  }
0x5e: {  	_ =	shalt  }
0x5f: {  	_ =	shalt  }
0x60: {  	_ =	shalt  }
0x61: {  	_ =	shalt  }
0x62: {  	_ =	shalt  }
0x63: {  	_ =	shalt  }
0x64: {  	_ =	shalt  }
0x65: {  	_ =	shalt  }
0x66: {  	_ =	shalt  }
0x67: {  	_ =	shalt  }
0x68: {  	_ =	shalt  }
0x69: {  	_ =	shalt  }
0x6a: {  	_ =	shalt  }
0x6b: {  	_ =	shalt  }
0x6c: {  	_ =	shalt  }
0x6d: {  	_ =	shalt  }
0x6e: {  	_ =	shalt  }
0x6f: {  	_ =	shalt  }
0x70: {  	_ =	shalt  }
0x71: {  	_ =	shalt  }
0x72: {  	_ =	shalt  }
0x73: {  	_ =	shalt  }
0x74: {  	_ =	shalt  }
0x75: {  	_ =	shalt  }
0x76: {  	_ =	shalt  }
0x77: {  	_ =	shalt  }
0x78: {  	_ =	shalt  }
0x79: {  	_ =	shalt  }
0x7a: {  	_ =	shalt  }
0x7b: {  	_ =	shalt  }
0x7c: {  	_ =	shalt  }
0x7d: {  	_ =	shalt  }
0x7e: {  	_ =	shalt  }
0x7f: {  	_ =	shalt  }
0x80: {  	_ =	shalt  }
0x81: {  	_ =	shalt  }
0x82: {  	_ =	shalt  }
0x83: {  	_ =	shalt  }
0x84: {  	_ =	shalt  }
0x85: {  	_ =	shalt  }
0x86: {  	_ =	shalt  }
0x87: {  	_ =	shalt  }
.Lfunc_end0:
.L_simem_size_0:
called_computation_lowered:
.L_overlay_start_0:
0x88: {  	s2 =	sld [smem:$0x3FD9]  }
0x89: {  	s3 =	sld [smem:$0x3FFE];
	_ =	sdelay $0x1  }
0x8a: {  	s1 =	srdreg.scid  }
0x8b: {  	s0 =	sand.u32 $0x1, s1  }
0x8c: {  	s17 =	sshll.u32 s0, $0xA;
	s2 =	sadd.s32 s3, s2  }
0x8d: {  	s2 =	sadd.s32 s2, s17  }
0x8e: {  	[smem:$0x3FB9] =	sst s2  }
0x8f: {  	_ = 	snop  }
0x90: {  	s2 =	sld [smem:$0x3FC9]  }
0x91: {  	s18 =	sld [smem:$0x3FD0];
	(tm) =	ssettm $0x1  }
0x92: {  	s4 =	sld [smem:$0x3FFB];
	_ =	sdelay $0x3  }
0x93: {  	_ =	strace s4  }
0x94: {  	s4 =	sld [smem:$0x3FFC];
	_ =	sdelay $0x3  }
0x95: {  	_ =	strace s4  }
0x96: {  	s4 =	sld [smem:$0x3FFD];
	_ =	sdelay $0x3  }
0x97: {  	_ =	strace s4  }
0x98: {  	_ =	strace $0x8FFFFFFF  }
0x99: {  	s19 =	sld [smem:$0x3FDB];
	_ =	sdelay $0x1  }
0x9a: {  	s5 =	simm.s32 $_scs_section_size  }
0x9b: {  	s6 =	simm.s32 $_size__tile_overlayer_lowered;
	s7 =	simm.s32 $_tile_overlayer_lowered  }
0x9c: {  	s22 =	simm.s32 $0x1BFF;
	s21 =	sshll.u32 s7, $0x1;
	s4 =	sadd.s32 s5, s19  }
0x9d: {  	s8 =	simm.s32 $0x0;
	s20 =	sshll.u32 s6, $0x1;
	s6 =	sadd.s32 s21, s4  }
0x9e: {  	[timem:s8], [sflag:s22] =	dma.local [hbm:s6], s20  }
0x9f: {  	_ =	swait.ge [sflag:s22], s20  }
0xa0: {  	s5 =	ssub.s32 $0x0, s20;
	[sflag:s22] =	ssyncset.done $0x0  }
0xa1: {  	[sflag:s22] =	ssyncadd.s32 s5;
	_ =	sdelay $0x1  }
0xa2: {  	s23 =	simm.s32 $0x1B8B  }
0xa3: {  	_ =	swait.ge [sflag:s23], $0x1  }
0xa4: {  	[sflag:s23] =	ssyncset.done $0x0  }
0xa5: {  	s25 =	simm.s32 $0x1B8E;
	s24 =	sld [smem:$0x3FFE];
	[sflag:s23] =	ssyncadd.s32 $0xFFFFFFFF  }
0xa6: {  	s26 =	simm.s32 $execute0_lowered;
	[smem:$0x3FD2] =	sst s25  }
0xa7: {  	s6 =	sshll.u32 s26, $0x1;
	_ =	strace $0x80000046;
	[dreg:$0x1] =	wrdreg $0xFFFFFFFF  }
0xa8: {  	s28 =	simm.s32 $_size_execute0_lowered;
	s4 =	sadd.s32 s4, s6;
	[dreg:$0x0] =	wrdreg $0x0  }
0xa9: {  	s6 =	sshll.u32 s28, $0x1;
	[dreg:$0x2] =	wrdreg s4  }
0xaa: {  	[dreg:$0x3] =	wrdreg s6  }
0xab: {  	[dreg:$0x4] =	wrdreg $0xC0  }
0xac: {  	_ =	task [dreg:s8], $0x5FFFF  }
0xad: {  	[dreg:$0x1] =	wrdreg $0xFFFFFFFF  }
0xae: {  	[dreg:$0x0] =	wrdreg $0x60  }
0xaf: {  	[dreg:$0x2] =	wrdreg s24  }
0xb0: {  	[dreg:$0x3] =	wrdreg s18  }
0xb1: {  	[dreg:$0x4] =	wrdreg s2  }
0xb2: {  	[dreg:$0x5] =	wrdreg $0x0  }
0xb3: {  	[dreg:$0x6] =	wrdreg $0x13C000  }
0xb4: {  	[dreg:$0x7] =	wrdreg $0x9  }
0xb5: {  	_ =	task.clear_ibuf [dreg:s8], $0x8FFFF;
	_ =	strace $0x90000046  }
0xb6: {  	s29 =	simm.s32 $0x9;
	_ =	strace $0x80000048  }
0xb7: {  	_ =	swait.ge [sflag:s29], $0x1  }
0xb8: {  	[sflag:s29] =	ssyncadd.s32 $0xFFFFFFFF  }
0xb9: {  	_ =	strace $0x90000048  }
0xba: {  	_ =	sfence  }
0xbb: {  	s30 =	sld [smem:$0x0];
	_ =	sdelay $0x2  }
0xbc: {  	s31 =	sshll.u32 s1, $0xD;
	s1 =	sshrl.u32 s1, $0x2  }
0xbd: {  	s3 =	sand.u32 $0x4000, s31;
	s1 =	sadd.s32 s1, s30  }
0xbe: {  	s0 =	sor.u32 s3, s0;
	s1 =	sshll.u32 s1, $0x11  }
0xbf: {  	s0 =	sor.u32 s1, s0  }
0xc0: {  	s0 =	sadd.s32 $0x8F2B, s0  }
0xc1: {  	[sflag:s0] =	ssyncadd.remote.s32 $0x1  }
0xc2: {  	_ =	sfence.sel $0xFFFF  }
0xc3: {  	[dreg:$0x0] =	wrdreg $0xFFFFFFFF;
	(pc) =	sbr.abs _section_cstart, $3  }
0xc4: {  	[dreg:$0x1] =	wrdreg $0xFFFFFFFF  }
0xc5: {  	_ =	task.clear_ibuf [dreg:s8], $0x2FFFF;
	_ =	strace $0x9FFFFFFF  }
0xc6: {  	(tm) =	ssettm $0x7FFFFFFF  }
0xc7: {  	_ =	shalt  }
tec
execute0_lowered:
.L_overlay_start_1:
0x0: {  	(tag) =	ssettag $0x1  }
0x1: {  	s0 =	rddreg [dreg:$0x0]  }
0x2: {  	s5 =	rddreg [dreg:$0x1]  }
0x3: {  	s1 =	rddreg [dreg:$0x2]  }
0x4: {  	s2 =	rddreg [dreg:$0x3]  }
0x5: {  	s3 =	rddreg [dreg:$0x4];
	s4 =	simm.s32 $0x0;
	s7 =	srdreg.scid  }
0x6: {  	s16 =	stileid.u32;
	[smem:$0x7FF] =	sst s4  }
0x7: {  	s6 =	sadd.s32 $0x2A00, s0;
	s8 =	sadd.s32 $0x16A00, s0;
	s11 =	smul.u32 $0x278, s16  }
0x8: {  	s7 =	sand.u32 $0x1, s7;
	s9 =	sadd.s32 $0xCA00, s0;
	s13 =	smul.u32 $0x5000, s16  }
0x9: {  	s12 =	sadd.s32 $0x21600, s0;
	s14 =	sadd.s32 $0x21000, s0;
	s21 =	smul.u32 $0xA00, s16  }
0xa: {  	s22 =	smul.u32 $0x4F000, s16;
	_ =	strace $0x80000047;
	[dreg:$0x6] =	wrdreg s12  }
0xb: {  	s10 =	ssub.s32 $0x2, s7;
	[dreg:$0x7] =	wrdreg s14;
	p0 =	seq.s32 s7, $0x1  }
0xc: {  	s20 =	sshrl.u32 s10, $0x1;
	s13 =	sshrl.u32 s13, $0x3;
	s15 =	sadd.s32 s6, s21  }
0xd: {  	s14 =	sadd.s32 $0x80, s11;
	s17 =	sadd.s32 s5, s21;
	[dreg:$0x8] =	wrdreg s15  }
0xe: {  	s26 =	sadd.s32 s8, s21;
	s28 =	sadd.s32 s9, s21;
	[dreg:$0x9] =	wrdreg s17  }
0xf: {  	s19 =	sadd.s32 $0x100, s11;
	s23 =	sadd.s32 $0x380, s13;
	[dreg:$0xe] =	wrdreg s26  }
0x10: {  	s21 =	sadd.s32 $0x200, s11;
	[dreg:$0xf] =	wrdreg s28;
	s24 =	sadd.s32 s6, s23  }
0x11: {  	s13 =	sadd.s32 $0x700, s13;
	s25 =	sadd.s32 s5, s23;
	[dreg:$0xa] =	wrdreg s24  }
0x12: {  	s10 =	ssub.s32 s10, s20;
	s6 =	sadd.s32 s6, s13;
	[dreg:$0xb] =	wrdreg s25  }
0x13: {  	s15 =	sshrl.u32 s22, $0x2;
	s5 =	sadd.s32 s5, s13;
	[dreg:$0xc] =	wrdreg s6  }
0x14: {  	s17 =	sshll.u32 s14, $0x7;
	s29 =	sadd.s32 s8, s23;
	[dreg:$0xd] =	wrdreg s5  }
0x15: {  	s20 =	sadd.s32 $0x180, s11;
	s8 =	sadd.s32 s8, s13;
	[dreg:$0x10] =	wrdreg s29  }
0x16: {  	s31 =	sadd.s32 s21, s3;
	s12 =	sadd.s32 s9, s13;
	[dreg:$0x12] =	wrdreg s8  }
0x17: {  	s13 =	sadd.s32 $0x48E00, s0;
	s0 =	sadd.s32 $0x20A00, s0;
	[dreg:$0x13] =	wrdreg s12  }
0x18: {  	s22 =	sadd.s32 s15, s2;
	s18 =	sadd.s32 s17, s2;
	[dreg:$0x14] =	wrdreg s13  }
0x19: {  	s30 =	sadd.s32 s20, s3;
	s15 =	simm.s32 $0x1B678;
	[dreg:$0x15] =	wrdreg s0  }
0x1a: {  	s17 =	simm.s32 $0x1F678;
	s6 =	sadd.s32 s9, s23;
	[dreg:$0x16] =	wrdreg s18  }
0x1b: {  	s23 =	sshll.u32 s19, $0x7;
	s24 =	sshll.u32 s20, $0x7;
	s25 =	sshll.u32 s21, $0x7  }
0x1c: {  	s29 =	sadd.s32 s14, s3;
	s0 =	sadd.s32 s19, s3;
	s8 =	smax.u32 s10, $0x1  }
0x1d: {  	s9 =	smul.u32 $0x2780, s16;
	s10 =	simm.s32 $0x3;
	s12 =	simm.s32 $0x15A78  }
0x1e: {  	s13 =	simm.s32 $0x80;
	s14 =	simm.s32 $0x13EF8;
	s16 =	simm.s32 $0x1  }
0x1f: {  	s18 =	simm.s32 $0x2;
	s19 =	simm.s32 $0x17578;
	s20 =	simm.s32 $0x175F8  }
0x20: {  	s21 =	simm.s32 $0x17178;
	s5 =	simm.s32 $0x171F8;
	[dreg:$0x11] =	wrdreg s6  }
.Ltmp0:
0x21: {  	s7 =	sadd.s32 s23, s2;
	[dreg:$0x1a] =	wrdreg s29;
	(pc) =	sbr.rel .LBB2_1-.Ltmp0, $4  }
0x22: {  	s26 =	sadd.s32 s24, s2;
	s28 =	sadd.s32 s25, s2;
	[dreg:$0x1b] =	wrdreg s0  }
0x23: {  	s0 =	sadd.s32 s11, s3;
	s6 =	sshrl.u32 s11, $0x3;
	[dreg:$0x17] =	wrdreg s7  }
0x24: {  	s11 =	simm.s32 $0x13E78;
	s23 =	simm.s32 $0x1F6F8;
	[dreg:$0x18] =	wrdreg s26  }
0x25: {  	v0 =	vimm.f32 $1.000000000e+00;
	v1 =	vimm.f32 $0.0e+00;
	s24 =	simm.s32 $0x0;
	[dreg:$0x19] =	wrdreg s28;
	s7 =	simm.s32 $0x17678  }
.LBB2_17:
0x26: {  	[tilespmem:s15], [sflag:$0x2] =	stream.indirect.gather [hbm4b:s1+s13], $0x80, s26, s13, $0xb8;
	[tilespmem:$0x1F978] =	vst v63  }
0x27: {  	_ =	swait.ge [sflag:s16], $0x4000  }
0x28: {  	[sflag:s16] =	ssyncset.done $0x0  }
0x29: {  	[sflag:s16] =	ssyncadd.s32 $0xFFFFC000  }
0x2a: {  	[spmem:s2] =	stream.indirect.scatter.add.f32 [tilespmem:s7], [sflag:$0x3], $0x80, s21, s13, $0xb8;
	[tilespmem:$0x1F978] =	vst v63  }
0x2b: {  	_ =	swait.ge [sflag:s10], $0x4000  }
0x2c: {  	[sflag:s10] =	ssyncset.done $0x0  }
0x2d: {  	[sflag:s10] =	ssyncadd.s32 $0xFFFFC000  }
0x2e: {  	[spmem:s3] =	stream.indirect.scatter.add.f32 [tilespmem:s17], [sflag:$0x3], $0x1, s21, s13, $0xb8;
	[tilespmem:$0x1F978] =	vst v63  }
0x2f: {  	_ =	swait.ge [sflag:s10], $0x80  }
0x30: {  	[sflag:s10] =	ssyncset.done $0x0  }
0x31: {  	[sflag:s10] =	ssyncadd.s32 $0xFFFFFF80  }
0x32: {  	_ =	swait.ge [sflag:s18], $0x4000  }
0x33: {  	[sflag:s18] =	ssyncset.done $0x0  }
0x34: {  	[sflag:s18] =	ssyncadd.s32 $0xFFFFC000  }
0x35: {  	[spmem:s2] =	stream.indirect.scatter.add.f32 [tilespmem:s15], [sflag:$0x3], $0x80, s5, s13, $0xb8;
	[tilespmem:$0x1F978] =	vst v63  }
0x36: {  	_ =	swait.ge [sflag:s10], $0x4000  }
0x37: {  	[sflag:s10] =	ssyncset.done $0x0;
	s26 =	rddreg [dreg:$0x14]  }
0x38: {  	s25 =	rddreg [dreg:$0x15];
	[sflag:s10] =	ssyncadd.s32 $0xFFFFC000  }
0x39: {  	[spmem:s3] =	stream.indirect.scatter.add.f32 [tilespmem:s17], [sflag:$0x3], $0x1, s5, s13, $0xb8;
	[tilespmem:$0x1F978] =	vst v63  }
.LBB2_18:
0x3a: {  	_ =	swait.ge [sflag:s10], $0x80  }
0x3b: {  	s28 =	stileid.u32;
	[sflag:s10] =	ssyncset.done $0x0  }
0x3c: {  	s26 =	sadd.s32 s26, s9;
	s28 =	sshll.u32 s28, $0x6;
	[sflag:s10] =	ssyncadd.s32 $0xFFFFFF80  }
0x3d: {  	s29 =	sshrl.u32 s22, $0x3;
	s28 =	sor.u32 $0x1C03, s28;
	[bflag:$0x0] =	sbarrier.arrive $0xFFFF  }
0x3e: {  	[hbm:s26], [sflag:s28] =	dma.local [spmem:s29], $0x2780  }
0x3f: {  	_ =	swait.ge [sflag:s10], $0x2780  }
0x40: {  	[sflag:s10] =	ssyncset.done $0x0  }
0x41: {  	[sflag:s10] =	ssyncadd.s32 $0xFFFFD880  }
0x42: {  	[tilespmem:s23], [sflag:$0x3] =	stream.linear.gather [spmem:s0], $0x278, $0x38;
	[tilespmem:$0x1F978] =	vst v63  }
0x43: {  	_ =	swait.ge [sflag:s10], $0x278  }
0x44: {  	s24 =	sadd.s32 $0x1, s24;
	[sflag:s10] =	ssyncset.done $0x0  }
0x45: {  	s25 =	sadd.s32 s25, s6;
	p1 =	sne.s32 s24, s8;
	[sflag:s10] =	ssyncadd.s32 $0xFFFFFD88  }
0x46: {  	[hbm4b:s25+s4] =	stream.linear.scatter [tilespmem:s23], [sflag:$0x3], $0x278, $0x38;
	[tilespmem:$0x1F978] =	vst v63  }
.Ltmp1:
0x47: {  	_ =	swait.ge [sflag:s10], $0x278;
	(pc) =	sbr.rel @!p1 .LBB2_19-.Ltmp1, $3  }
0x48: {  	[sflag:s10] =	ssyncset.done $0x0  }
0x49: {  	[sflag:s10] =	ssyncadd.s32 $0xFFFFFD88  }
0x4a: {  	[bflag:$0x0] =	sbarrier.arrive $0xFFFF;
	_ =	sdelay $0x1  }
.LBB2_1:
0x4b: {  	[tilespmem:$0x1F678] =	vst v0  }
0x4c: {  	[tilespmem:$0x1F688] =	vst v0  }
0x4d: {  	[tilespmem:$0x1F698] =	vst v0  }
.Ltmp2:
0x4e: {  	[tilespmem:$0x1F6A8] =	vst v0;
	(pc) =	sbr.rel @!p0 .LBB2_2-.Ltmp2, $4  }
0x4f: {  	[tilespmem:$0x1F6B8] =	vst v0  }
0x50: {  	[tilespmem:$0x1F6C8] =	vst v0;
	s25 =	sand.u32 $0xFE00, s4  }
0x51: {  	[tilespmem:$0x1F6D8] =	vst v0;
	s26 =	sand.u32 $0x70, s4;
	s28 =	sshrl.u32 s25, $0x2  }
0x52: {  	[tilespmem:$0x1F6E8] =	vst v0;
	s25 =	simm.s32 $0x40;
	s28 =	sor.u32 s26, s28;
	s26 =	simm.s32 $0x0  }
.LBB2_10:
0x53: {  	p1 =	sne.s32 s25, $0xFFC0  }
0x54: {  	[tilespmem:s28+$0x17678] =	vst v1;
	s26 =	sadd.s32 $0x10, s26;
	s28 =	smov.u32 s25;
	s25 =	sadd.s32 $0x40, s25  }
.Ltmp3:
0x55: {  	(pc) =	sbr.rel @p1 .LBB2_10-.Ltmp3, $4  }
0x56: {  	_ = 	snop  }
0x57: {  	s28 =	sand.u32 $0xFE00, s28  }
0x58: {  	s29 =	sand.u32 $0x70, s26;
	s28 =	sshrl.u32 s28, $0x2  }
0x59: {  	s28 =	sor.u32 s29, s28  }
0x5a: {  	[tilespmem:s28+$0x17678] =	vst v1  }
0x5b: {  	[spmem:s22] =	stream.linear.scatter [tilespmem:s7], [sflag:$0x3], $0x4000, $0x38;
	[tilespmem:$0x1F978] =	vst v63  }
0x5c: {  	_ =	swait.ge [sflag:s10], $0x4000  }
0x5d: {  	[sflag:s10] =	ssyncset.done $0x0  }
0x5e: {  	s25 =	rddreg [dreg:$0x16];
	[sflag:s10] =	ssyncadd.s32 $0xFFFFC000  }
0x5f: {  	[spmem:s25] =	stream.linear.scatter [tilespmem:s7], [sflag:$0x3], $0x4000, $0x38;
	[tilespmem:$0x1F978] =	vst v63  }
0x60: {  	_ =	swait.ge [sflag:s10], $0x4000  }
0x61: {  	[sflag:s10] =	ssyncset.done $0x0  }
0x62: {  	s29 =	rddreg [dreg:$0x17];
	[sflag:s10] =	ssyncadd.s32 $0xFFFFC000  }
0x63: {  	[spmem:s29] =	stream.linear.scatter [tilespmem:s7], [sflag:$0x3], $0x4000, $0x38;
	[tilespmem:$0x1F978] =	vst v63  }
0x64: {  	_ =	swait.ge [sflag:s10], $0x4000  }
0x65: {  	[sflag:s10] =	ssyncset.done $0x0  }
0x66: {  	s26 =	rddreg [dreg:$0x18];
	[sflag:s10] =	ssyncadd.s32 $0xFFFFC000  }
0x67: {  	[spmem:s26] =	stream.linear.scatter [tilespmem:s7], [sflag:$0x3], $0x4000, $0x38;
	[tilespmem:$0x1F978] =	vst v63  }
0x68: {  	_ =	swait.ge [sflag:s10], $0x4000  }
0x69: {  	[sflag:s10] =	ssyncset.done $0x0  }
0x6a: {  	s28 =	rddreg [dreg:$0x19];
	[sflag:s10] =	ssyncadd.s32 $0xFFFFC000  }
0x6b: {  	[spmem:s28] =	stream.linear.scatter [tilespmem:s7], [sflag:$0x3], $0x3C00, $0x38;
	[tilespmem:$0x1F978] =	vst v63  }
0x6c: {  	_ =	swait.ge [sflag:s10], $0x3C00  }
0x6d: {  	[sflag:s10] =	ssyncset.done $0x0  }
0x6e: {  	[sflag:s10] =	ssyncadd.s32 $0xFFFFC400  }
0x6f: {  	[spmem:s0] =	stream.linear.scatter [tilespmem:s7], [sflag:$0x3], $0x80, $0x38;
	[tilespmem:$0x1F978] =	vst v63  }
0x70: {  	_ =	swait.ge [sflag:s10], $0x80  }
0x71: {  	[sflag:s10] =	ssyncset.done $0x0  }
0x72: {  	s29 =	rddreg [dreg:$0x1a];
	[sflag:s10] =	ssyncadd.s32 $0xFFFFFF80  }
0x73: {  	[spmem:s29] =	stream.linear.scatter [tilespmem:s7], [sflag:$0x3], $0x80, $0x38;
	[tilespmem:$0x1F978] =	vst v63  }
0x74: {  	_ =	swait.ge [sflag:s10], $0x80  }
0x75: {  	[sflag:s10] =	ssyncset.done $0x0  }
0x76: {  	s26 =	rddreg [dreg:$0x1b];
	[sflag:s10] =	ssyncadd.s32 $0xFFFFFF80  }
0x77: {  	[spmem:s26] =	stream.linear.scatter [tilespmem:s7], [sflag:$0x3], $0x80, $0x38;
	[tilespmem:$0x1F978] =	vst v63  }
0x78: {  	_ =	swait.ge [sflag:s10], $0x80  }
0x79: {  	[sflag:s10] =	ssyncset.done $0x0  }
0x7a: {  	[sflag:s10] =	ssyncadd.s32 $0xFFFFFF80  }
0x7b: {  	[spmem:s30] =	stream.linear.scatter [tilespmem:s7], [sflag:$0x3], $0x80, $0x38;
	[tilespmem:$0x1F978] =	vst v63  }
0x7c: {  	_ =	swait.ge [sflag:s10], $0x80  }
0x7d: {  	[sflag:s10] =	ssyncset.done $0x0  }
0x7e: {  	[sflag:s10] =	ssyncadd.s32 $0xFFFFFF80  }
0x7f: {  	[spmem:s31] =	stream.linear.scatter [tilespmem:s7], [sflag:$0x3], $0x78, $0x38;
	[tilespmem:$0x1F978] =	vst v63  }
0x80: {  	_ =	swait.ge [sflag:s10], $0x78  }
0x81: {  	[sflag:s10] =	ssyncset.done $0x0  }
0x82: {  	[sflag:s10] =	ssyncadd.s32 $0xFFFFFF88  }
0x83: {  	[bflag:$0x0] =	sbarrier.arrive $0xFFFF  }
0x84: {  	s28 =	simm.s32 $0x0;
	s26 =	rddreg [dreg:$0xe]  }
0x85: {  	[tilespmem:s11], [sflag:$0x3] =	stream.linear.gather [hbm4b:s26+s28], $0x1C00, $0x38;
	[tilespmem:$0x1F978] =	vst v63  }
0x86: {  	_ =	swait.ge [sflag:s10], $0x1C00  }
0x87: {  	[sflag:s10] =	ssyncset.done $0x0  }
0x88: {  	s29 =	rddreg [dreg:$0xf];
	[sflag:s10] =	ssyncadd.s32 $0xFFFFE400  }
0x89: {  	[tilespmem:s12], [sflag:$0x3] =	stream.linear.gather [hbm4b:s29+s28], $0x1C00, $0x38;
	[tilespmem:$0x1F978] =	vst v63  }
0x8a: {  	_ =	swait.ge [sflag:s10], $0x1C00  }
0x8b: {  	[sflag:s10] =	ssyncset.done $0x0  }
0x8c: {  	[sflag:s10] =	ssyncadd.s32 $0xFFFFE400  }
0x8d: {  	[tilespmem:s7], [sflag:$0x1] =	stream.indirect.gather [hbm4b:s1+s13], $0x80, s11, s13, $0xb8;
	[tilespmem:$0x1F978] =	vst v63  }
0x8e: {  	_ = 	snop  }
0x8f: {  	[tilespmem:s15], [sflag:$0x2] =	stream.indirect.gather [hbm4b:s1+s13], $0x80, s14, s13, $0xb8;
	[tilespmem:$0x1F978] =	vst v63  }
0x90: {  	_ =	swait.ge [sflag:s16], $0x4000  }
0x91: {  	[sflag:s16] =	ssyncset.done $0x0  }
0x92: {  	s26 =	simm.s32 $0x15A78;
	[sflag:s16] =	ssyncadd.s32 $0xFFFFC000  }
0x93: {  	[spmem:s2] =	stream.indirect.scatter.add.f32 [tilespmem:s7], [sflag:$0x3], $0x80, s26, s13, $0xb8;
	[tilespmem:$0x1F978] =	vst v63  }
0x94: {  	_ =	swait.ge [sflag:s10], $0x4000  }
0x95: {  	[sflag:s10] =	ssyncset.done $0x0  }
0x96: {  	[sflag:s10] =	ssyncadd.s32 $0xFFFFC000  }
0x97: {  	[spmem:s3] =	stream.indirect.scatter.add.f32 [tilespmem:s17], [sflag:$0x3], $0x1, s26, s13, $0xb8;
	[tilespmem:$0x1F978] =	vst v63  }
0x98: {  	_ =	swait.ge [sflag:s10], $0x80  }
0x99: {  	[sflag:s10] =	ssyncset.done $0x0  }
0x9a: {  	s28 =	simm.s32 $0x13F78;
	[sflag:s10] =	ssyncadd.s32 $0xFFFFFF80  }
0x9b: {  	[tilespmem:s7], [sflag:$0x1] =	stream.indirect.gather [hbm4b:s1+s13], $0x80, s28, s13, $0xb8;
	[tilespmem:$0x1F978] =	vst v63  }
0x9c: {  	_ =	swait.ge [sflag:s18], $0x4000  }
0x9d: {  	[sflag:s18] =	ssyncset.done $0x0  }
0x9e: {  	s29 =	simm.s32 $0x15AF8;
	[sflag:s18] =	ssyncadd.s32 $0xFFFFC000  }
0x9f: {  	[spmem:s2] =	stream.indirect.scatter.add.f32 [tilespmem:s15], [sflag:$0x3], $0x80, s29, s13, $0xb8;
	[tilespmem:$0x1F978] =	vst v63  }
0xa0: {  	_ =	swait.ge [sflag:s10], $0x4000  }
0xa1: {  	[sflag:s10] =	ssyncset.done $0x0  }
0xa2: {  	[sflag:s10] =	ssyncadd.s32 $0xFFFFC000  }
0xa3: {  	[spmem:s3] =	stream.indirect.scatter.add.f32 [tilespmem:s17], [sflag:$0x3], $0x1, s29, s13, $0xb8;
	[tilespmem:$0x1F978] =	vst v63  }
0xa4: {  	_ =	swait.ge [sflag:s10], $0x80  }
0xa5: {  	[sflag:s10] =	ssyncset.done $0x0  }
0xa6: {  	s25 =	simm.s32 $0x400;
	s26 =	simm.s32 $0x13FF8;
	[sflag:s10] =	ssyncadd.s32 $0xFFFFFF80  }
.LBB2_12:
0xa7: {  	[tilespmem:s15], [sflag:$0x2] =	stream.indirect.gather [hbm4b:s1+s13], $0x80, s26, s13, $0xb8;
	[tilespmem:$0x1F978] =	vst v63  }
0xa8: {  	s26 =	smov.u32 s25  }
0xa9: {  	p1 =	sne.s32 s25, $0x6800;
	s25 =	sadd.s32 $0x400, s25;
	_ =	swait.ge [sflag:s16], $0x4000  }
0xaa: {  	s26 =	sshra.s32 s26, $0x2;
	[sflag:s16] =	ssyncset.done $0x0  }
0xab: {  	s28 =	sadd.s32 $0x15A78, s26;
	[sflag:s16] =	ssyncadd.s32 $0xFFFFC000  }
0xac: {  	[spmem:s2] =	stream.indirect.scatter.add.f32 [tilespmem:s7], [sflag:$0x3], $0x80, s28, s13, $0xb8;
	[tilespmem:$0x1F978] =	vst v63  }
0xad: {  	_ =	swait.ge [sflag:s10], $0x4000  }
0xae: {  	[sflag:s10] =	ssyncset.done $0x0  }
0xaf: {  	[sflag:s10] =	ssyncadd.s32 $0xFFFFC000  }
0xb0: {  	[spmem:s3] =	stream.indirect.scatter.add.f32 [tilespmem:s17], [sflag:$0x3], $0x1, s28, s13, $0xb8;
	[tilespmem:$0x1F978] =	vst v63  }
0xb1: {  	_ =	swait.ge [sflag:s10], $0x80  }
0xb2: {  	[sflag:s10] =	ssyncset.done $0x0  }
0xb3: {  	s28 =	sadd.s32 $0x13F78, s26;
	[sflag:s10] =	ssyncadd.s32 $0xFFFFFF80  }
0xb4: {  	[tilespmem:s7], [sflag:$0x1] =	stream.indirect.gather [hbm4b:s1+s13], $0x80, s28, s13, $0xb8;
	[tilespmem:$0x1F978] =	vst v63  }
0xb5: {  	_ =	swait.ge [sflag:s18], $0x4000  }
0xb6: {  	[sflag:s18] =	ssyncset.done $0x0  }
0xb7: {  	s28 =	sadd.s32 $0x15AF8, s26;
	[sflag:s18] =	ssyncadd.s32 $0xFFFFC000  }
0xb8: {  	[spmem:s2] =	stream.indirect.scatter.add.f32 [tilespmem:s15], [sflag:$0x3], $0x80, s28, s13, $0xb8;
	[tilespmem:$0x1F978] =	vst v63  }
0xb9: {  	_ =	swait.ge [sflag:s10], $0x4000  }
0xba: {  	[sflag:s10] =	ssyncset.done $0x0  }
.Ltmp4:
0xbb: {  	[sflag:s10] =	ssyncadd.s32 $0xFFFFC000;
	(pc) =	sbr.rel @p1 .LBB2_12-.Ltmp4, $4  }
0xbc: {  	[spmem:s3] =	stream.indirect.scatter.add.f32 [tilespmem:s17], [sflag:$0x3], $0x1, s28, s13, $0xb8;
	[tilespmem:$0x1F978] =	vst v63  }
0xbd: {  	_ =	swait.ge [sflag:s10], $0x80  }
0xbe: {  	[sflag:s10] =	ssyncset.done $0x0  }
0xbf: {  	s26 =	sadd.s32 $0x13FF8, s26;
	[sflag:s10] =	ssyncadd.s32 $0xFFFFFF80  }
0xc0: {  	[tilespmem:s15], [sflag:$0x2] =	stream.indirect.gather [hbm4b:s1+s13], $0x80, s26, s13, $0xb8;
	[tilespmem:$0x1F978] =	vst v63  }
0xc1: {  	_ =	swait.ge [sflag:s16], $0x4000  }
0xc2: {  	[sflag:s16] =	ssyncset.done $0x0  }
0xc3: {  	[sflag:s16] =	ssyncadd.s32 $0xFFFFC000  }
0xc4: {  	[spmem:s2] =	stream.indirect.scatter.add.f32 [tilespmem:s7], [sflag:$0x3], $0x80, s19, s13, $0xb8;
	[tilespmem:$0x1F978] =	vst v63  }
0xc5: {  	_ =	swait.ge [sflag:s10], $0x4000  }
0xc6: {  	[sflag:s10] =	ssyncset.done $0x0  }
0xc7: {  	[sflag:s10] =	ssyncadd.s32 $0xFFFFC000  }
0xc8: {  	[spmem:s3] =	stream.indirect.scatter.add.f32 [tilespmem:s17], [sflag:$0x3], $0x1, s19, s13, $0xb8;
	[tilespmem:$0x1F978] =	vst v63  }
0xc9: {  	_ =	swait.ge [sflag:s10], $0x80  }
0xca: {  	[sflag:s10] =	ssyncset.done $0x0  }
0xcb: {  	[sflag:s10] =	ssyncadd.s32 $0xFFFFFF80  }
0xcc: {  	_ =	swait.ge [sflag:s18], $0x4000  }
0xcd: {  	[sflag:s18] =	ssyncset.done $0x0  }
0xce: {  	[sflag:s18] =	ssyncadd.s32 $0xFFFFC000  }
0xcf: {  	[spmem:s2] =	stream.indirect.scatter.add.f32 [tilespmem:s15], [sflag:$0x3], $0x80, s20, s13, $0xb8;
	[tilespmem:$0x1F978] =	vst v63  }
0xd0: {  	_ =	swait.ge [sflag:s10], $0x4000  }
0xd1: {  	[sflag:s10] =	ssyncset.done $0x0  }
0xd2: {  	[sflag:s10] =	ssyncadd.s32 $0xFFFFC000  }
0xd3: {  	[spmem:s3] =	stream.indirect.scatter.add.f32 [tilespmem:s17], [sflag:$0x3], $0x1, s20, s13, $0xb8;
	[tilespmem:$0x1F978] =	vst v63  }
0xd4: {  	_ =	swait.ge [sflag:s10], $0x80  }
0xd5: {  	[sflag:s10] =	ssyncset.done $0x0  }
0xd6: {  	s25 =	simm.s32 $0x0;
	s28 =	rddreg [dreg:$0x10];
	[sflag:s10] =	ssyncadd.s32 $0xFFFFFF80  }
0xd7: {  	[tilespmem:s11], [sflag:$0x3] =	stream.linear.gather [hbm4b:s28+s25], $0x1C00, $0x38;
	[tilespmem:$0x1F978] =	vst v63  }
0xd8: {  	_ =	swait.ge [sflag:s10], $0x1C00  }
0xd9: {  	[sflag:s10] =	ssyncset.done $0x0  }
0xda: {  	s29 =	rddreg [dreg:$0x11];
	[sflag:s10] =	ssyncadd.s32 $0xFFFFE400  }
0xdb: {  	[tilespmem:s12], [sflag:$0x3] =	stream.linear.gather [hbm4b:s29+s25], $0x1C00, $0x38;
	[tilespmem:$0x1F978] =	vst v63  }
0xdc: {  	_ =	swait.ge [sflag:s10], $0x1C00  }
0xdd: {  	[sflag:s10] =	ssyncset.done $0x0  }
0xde: {  	[sflag:s10] =	ssyncadd.s32 $0xFFFFE400  }
0xdf: {  	[tilespmem:s7], [sflag:$0x1] =	stream.indirect.gather [hbm4b:s1+s13], $0x80, s11, s13, $0xb8;
	[tilespmem:$0x1F978] =	vst v63  }
0xe0: {  	_ = 	snop  }
0xe1: {  	[tilespmem:s15], [sflag:$0x2] =	stream.indirect.gather [hbm4b:s1+s13], $0x80, s14, s13, $0xb8;
	[tilespmem:$0x1F978] =	vst v63  }
0xe2: {  	_ =	swait.ge [sflag:s16], $0x4000  }
0xe3: {  	[sflag:s16] =	ssyncset.done $0x0  }
0xe4: {  	s26 =	simm.s32 $0x15A78;
	[sflag:s16] =	ssyncadd.s32 $0xFFFFC000  }
0xe5: {  	[spmem:s2] =	stream.indirect.scatter.add.f32 [tilespmem:s7], [sflag:$0x3], $0x80, s26, s13, $0xb8;
	[tilespmem:$0x1F978] =	vst v63  }
0xe6: {  	_ =	swait.ge [sflag:s10], $0x4000  }
0xe7: {  	[sflag:s10] =	ssyncset.done $0x0  }
0xe8: {  	[sflag:s10] =	ssyncadd.s32 $0xFFFFC000  }
0xe9: {  	[spmem:s3] =	stream.indirect.scatter.add.f32 [tilespmem:s17], [sflag:$0x3], $0x1, s26, s13, $0xb8;
	[tilespmem:$0x1F978] =	vst v63  }
0xea: {  	_ =	swait.ge [sflag:s10], $0x80  }
0xeb: {  	[sflag:s10] =	ssyncset.done $0x0  }
0xec: {  	s28 =	simm.s32 $0x13F78;
	[sflag:s10] =	ssyncadd.s32 $0xFFFFFF80  }
0xed: {  	[tilespmem:s7], [sflag:$0x1] =	stream.indirect.gather [hbm4b:s1+s13], $0x80, s28, s13, $0xb8;
	[tilespmem:$0x1F978] =	vst v63  }
0xee: {  	_ =	swait.ge [sflag:s18], $0x4000  }
0xef: {  	[sflag:s18] =	ssyncset.done $0x0  }
0xf0: {  	s29 =	simm.s32 $0x15AF8;
	[sflag:s18] =	ssyncadd.s32 $0xFFFFC000  }
0xf1: {  	[spmem:s2] =	stream.indirect.scatter.add.f32 [tilespmem:s15], [sflag:$0x3], $0x80, s29, s13, $0xb8;
	[tilespmem:$0x1F978] =	vst v63  }
0xf2: {  	_ =	swait.ge [sflag:s10], $0x4000  }
0xf3: {  	[sflag:s10] =	ssyncset.done $0x0  }
0xf4: {  	[sflag:s10] =	ssyncadd.s32 $0xFFFFC000  }
0xf5: {  	[spmem:s3] =	stream.indirect.scatter.add.f32 [tilespmem:s17], [sflag:$0x3], $0x1, s29, s13, $0xb8;
	[tilespmem:$0x1F978] =	vst v63  }
0xf6: {  	_ =	swait.ge [sflag:s10], $0x80  }
0xf7: {  	[sflag:s10] =	ssyncset.done $0x0  }
0xf8: {  	s25 =	simm.s32 $0x400;
	s26 =	simm.s32 $0x13FF8;
	[sflag:s10] =	ssyncadd.s32 $0xFFFFFF80  }
.LBB2_14:
0xf9: {  	[tilespmem:s15], [sflag:$0x2] =	stream.indirect.gather [hbm4b:s1+s13], $0x80, s26, s13, $0xb8;
	[tilespmem:$0x1F978] =	vst v63  }
0xfa: {  	s26 =	smov.u32 s25  }
0xfb: {  	p1 =	sne.s32 s25, $0x6800;
	s25 =	sadd.s32 $0x400, s25;
	_ =	swait.ge [sflag:s16], $0x4000  }
0xfc: {  	s26 =	sshra.s32 s26, $0x2;
	[sflag:s16] =	ssyncset.done $0x0  }
0xfd: {  	s28 =	sadd.s32 $0x15A78, s26;
	[sflag:s16] =	ssyncadd.s32 $0xFFFFC000  }
0xfe: {  	[spmem:s2] =	stream.indirect.scatter.add.f32 [tilespmem:s7], [sflag:$0x3], $0x80, s28, s13, $0xb8;
	[tilespmem:$0x1F978] =	vst v63  }
0xff: {  	_ =	swait.ge [sflag:s10], $0x4000  }
0x100: {  	[sflag:s10] =	ssyncset.done $0x0  }
0x101: {  	[sflag:s10] =	ssyncadd.s32 $0xFFFFC000  }
0x102: {  	[spmem:s3] =	stream.indirect.scatter.add.f32 [tilespmem:s17], [sflag:$0x3], $0x1, s28, s13, $0xb8;
	[tilespmem:$0x1F978] =	vst v63  }
0x103: {  	_ =	swait.ge [sflag:s10], $0x80  }
0x104: {  	[sflag:s10] =	ssyncset.done $0x0  }
0x105: {  	s28 =	sadd.s32 $0x13F78, s26;
	[sflag:s10] =	ssyncadd.s32 $0xFFFFFF80  }
0x106: {  	[tilespmem:s7], [sflag:$0x1] =	stream.indirect.gather [hbm4b:s1+s13], $0x80, s28, s13, $0xb8;
	[tilespmem:$0x1F978] =	vst v63  }
0x107: {  	_ =	swait.ge [sflag:s18], $0x4000  }
0x108: {  	[sflag:s18] =	ssyncset.done $0x0  }
0x109: {  	s28 =	sadd.s32 $0x15AF8, s26;
	[sflag:s18] =	ssyncadd.s32 $0xFFFFC000  }
0x10a: {  	[spmem:s2] =	stream.indirect.scatter.add.f32 [tilespmem:s15], [sflag:$0x3], $0x80, s28, s13, $0xb8;
	[tilespmem:$0x1F978] =	vst v63  }
0x10b: {  	_ =	swait.ge [sflag:s10], $0x4000  }
0x10c: {  	[sflag:s10] =	ssyncset.done $0x0  }
.Ltmp5:
0x10d: {  	[sflag:s10] =	ssyncadd.s32 $0xFFFFC000;
	(pc) =	sbr.rel @p1 .LBB2_14-.Ltmp5, $4  }
0x10e: {  	[spmem:s3] =	stream.indirect.scatter.add.f32 [tilespmem:s17], [sflag:$0x3], $0x1, s28, s13, $0xb8;
	[tilespmem:$0x1F978] =	vst v63  }
0x10f: {  	_ =	swait.ge [sflag:s10], $0x80  }
0x110: {  	[sflag:s10] =	ssyncset.done $0x0  }
0x111: {  	s26 =	sadd.s32 $0x13FF8, s26;
	[sflag:s10] =	ssyncadd.s32 $0xFFFFFF80  }
0x112: {  	[tilespmem:s15], [sflag:$0x2] =	stream.indirect.gather [hbm4b:s1+s13], $0x80, s26, s13, $0xb8;
	[tilespmem:$0x1F978] =	vst v63  }
0x113: {  	_ =	swait.ge [sflag:s16], $0x4000  }
0x114: {  	[sflag:s16] =	ssyncset.done $0x0  }
0x115: {  	[sflag:s16] =	ssyncadd.s32 $0xFFFFC000  }
0x116: {  	[spmem:s2] =	stream.indirect.scatter.add.f32 [tilespmem:s7], [sflag:$0x3], $0x80, s19, s13, $0xb8;
	[tilespmem:$0x1F978] =	vst v63  }
0x117: {  	_ =	swait.ge [sflag:s10], $0x4000  }
0x118: {  	[sflag:s10] =	ssyncset.done $0x0  }
0x119: {  	[sflag:s10] =	ssyncadd.s32 $0xFFFFC000  }
0x11a: {  	[spmem:s3] =	stream.indirect.scatter.add.f32 [tilespmem:s17], [sflag:$0x3], $0x1, s19, s13, $0xb8;
	[tilespmem:$0x1F978] =	vst v63  }
0x11b: {  	_ =	swait.ge [sflag:s10], $0x80  }
0x11c: {  	[sflag:s10] =	ssyncset.done $0x0  }
0x11d: {  	[sflag:s10] =	ssyncadd.s32 $0xFFFFFF80  }
0x11e: {  	_ =	swait.ge [sflag:s18], $0x4000  }
0x11f: {  	[sflag:s18] =	ssyncset.done $0x0  }
0x120: {  	[sflag:s18] =	ssyncadd.s32 $0xFFFFC000  }
0x121: {  	[spmem:s2] =	stream.indirect.scatter.add.f32 [tilespmem:s15], [sflag:$0x3], $0x80, s20, s13, $0xb8;
	[tilespmem:$0x1F978] =	vst v63  }
0x122: {  	_ =	swait.ge [sflag:s10], $0x4000  }
0x123: {  	[sflag:s10] =	ssyncset.done $0x0  }
0x124: {  	[sflag:s10] =	ssyncadd.s32 $0xFFFFC000  }
0x125: {  	[spmem:s3] =	stream.indirect.scatter.add.f32 [tilespmem:s17], [sflag:$0x3], $0x1, s20, s13, $0xb8;
	[tilespmem:$0x1F978] =	vst v63  }
0x126: {  	_ =	swait.ge [sflag:s10], $0x80  }
0x127: {  	[sflag:s10] =	ssyncset.done $0x0  }
0x128: {  	s25 =	simm.s32 $0x0;
	s28 =	rddreg [dreg:$0x12];
	[sflag:s10] =	ssyncadd.s32 $0xFFFFFF80  }
0x129: {  	[tilespmem:s11], [sflag:$0x3] =	stream.linear.gather [hbm4b:s28+s25], $0x1800, $0x38;
	[tilespmem:$0x1F978] =	vst v63  }
0x12a: {  	_ =	swait.ge [sflag:s10], $0x1800  }
0x12b: {  	[sflag:s10] =	ssyncset.done $0x0  }
0x12c: {  	s29 =	rddreg [dreg:$0x13];
	[sflag:s10] =	ssyncadd.s32 $0xFFFFE800  }
0x12d: {  	[tilespmem:s12], [sflag:$0x3] =	stream.linear.gather [hbm4b:s29+s25], $0x1800, $0x38;
	[tilespmem:$0x1F978] =	vst v63  }
0x12e: {  	_ =	swait.ge [sflag:s10], $0x1800  }
0x12f: {  	[sflag:s10] =	ssyncset.done $0x0  }
0x130: {  	[sflag:s10] =	ssyncadd.s32 $0xFFFFE800  }
0x131: {  	[tilespmem:s7], [sflag:$0x1] =	stream.indirect.gather [hbm4b:s1+s13], $0x80, s11, s13, $0xb8;
	[tilespmem:$0x1F978] =	vst v63  }
0x132: {  	_ = 	snop  }
0x133: {  	[tilespmem:s15], [sflag:$0x2] =	stream.indirect.gather [hbm4b:s1+s13], $0x80, s14, s13, $0xb8;
	[tilespmem:$0x1F978] =	vst v63  }
0x134: {  	_ =	swait.ge [sflag:s16], $0x4000  }
0x135: {  	[sflag:s16] =	ssyncset.done $0x0  }
0x136: {  	s26 =	simm.s32 $0x15A78;
	[sflag:s16] =	ssyncadd.s32 $0xFFFFC000  }
0x137: {  	[spmem:s2] =	stream.indirect.scatter.add.f32 [tilespmem:s7], [sflag:$0x3], $0x80, s26, s13, $0xb8;
	[tilespmem:$0x1F978] =	vst v63  }
0x138: {  	_ =	swait.ge [sflag:s10], $0x4000  }
0x139: {  	[sflag:s10] =	ssyncset.done $0x0  }
0x13a: {  	[sflag:s10] =	ssyncadd.s32 $0xFFFFC000  }
0x13b: {  	[spmem:s3] =	stream.indirect.scatter.add.f32 [tilespmem:s17], [sflag:$0x3], $0x1, s26, s13, $0xb8;
	[tilespmem:$0x1F978] =	vst v63  }
0x13c: {  	_ =	swait.ge [sflag:s10], $0x80  }
0x13d: {  	[sflag:s10] =	ssyncset.done $0x0  }
0x13e: {  	s28 =	simm.s32 $0x13F78;
	[sflag:s10] =	ssyncadd.s32 $0xFFFFFF80  }
0x13f: {  	[tilespmem:s7], [sflag:$0x1] =	stream.indirect.gather [hbm4b:s1+s13], $0x80, s28, s13, $0xb8;
	[tilespmem:$0x1F978] =	vst v63  }
0x140: {  	_ =	swait.ge [sflag:s18], $0x4000  }
0x141: {  	[sflag:s18] =	ssyncset.done $0x0  }
0x142: {  	s29 =	simm.s32 $0x15AF8;
	[sflag:s18] =	ssyncadd.s32 $0xFFFFC000  }
0x143: {  	[spmem:s2] =	stream.indirect.scatter.add.f32 [tilespmem:s15], [sflag:$0x3], $0x80, s29, s13, $0xb8;
	[tilespmem:$0x1F978] =	vst v63  }
0x144: {  	_ =	swait.ge [sflag:s10], $0x4000  }
0x145: {  	[sflag:s10] =	ssyncset.done $0x0  }
0x146: {  	[sflag:s10] =	ssyncadd.s32 $0xFFFFC000  }
0x147: {  	[spmem:s3] =	stream.indirect.scatter.add.f32 [tilespmem:s17], [sflag:$0x3], $0x1, s29, s13, $0xb8;
	[tilespmem:$0x1F978] =	vst v63  }
0x148: {  	_ =	swait.ge [sflag:s10], $0x80  }
0x149: {  	[sflag:s10] =	ssyncset.done $0x0  }
0x14a: {  	s25 =	simm.s32 $0x400;
	s26 =	simm.s32 $0x13FF8;
	[sflag:s10] =	ssyncadd.s32 $0xFFFFFF80  }
.LBB2_16:
0x14b: {  	[tilespmem:s15], [sflag:$0x2] =	stream.indirect.gather [hbm4b:s1+s13], $0x80, s26, s13, $0xb8;
	[tilespmem:$0x1F978] =	vst v63  }
0x14c: {  	s26 =	smov.u32 s25  }
0x14d: {  	p1 =	sne.s32 s25, $0x5800;
	s25 =	sadd.s32 $0x400, s25;
	_ =	swait.ge [sflag:s16], $0x4000  }
0x14e: {  	s26 =	sshra.s32 s26, $0x2;
	[sflag:s16] =	ssyncset.done $0x0  }
0x14f: {  	s28 =	sadd.s32 $0x15A78, s26;
	[sflag:s16] =	ssyncadd.s32 $0xFFFFC000  }
0x150: {  	[spmem:s2] =	stream.indirect.scatter.add.f32 [tilespmem:s7], [sflag:$0x3], $0x80, s28, s13, $0xb8;
	[tilespmem:$0x1F978] =	vst v63  }
0x151: {  	_ =	swait.ge [sflag:s10], $0x4000  }
0x152: {  	[sflag:s10] =	ssyncset.done $0x0  }
0x153: {  	[sflag:s10] =	ssyncadd.s32 $0xFFFFC000  }
0x154: {  	[spmem:s3] =	stream.indirect.scatter.add.f32 [tilespmem:s17], [sflag:$0x3], $0x1, s28, s13, $0xb8;
	[tilespmem:$0x1F978] =	vst v63  }
0x155: {  	_ =	swait.ge [sflag:s10], $0x80  }
0x156: {  	[sflag:s10] =	ssyncset.done $0x0  }
0x157: {  	s28 =	sadd.s32 $0x13F78, s26;
	[sflag:s10] =	ssyncadd.s32 $0xFFFFFF80  }
0x158: {  	[tilespmem:s7], [sflag:$0x1] =	stream.indirect.gather [hbm4b:s1+s13], $0x80, s28, s13, $0xb8;
	[tilespmem:$0x1F978] =	vst v63  }
0x159: {  	_ =	swait.ge [sflag:s18], $0x4000  }
0x15a: {  	[sflag:s18] =	ssyncset.done $0x0  }
0x15b: {  	s28 =	sadd.s32 $0x15AF8, s26;
	[sflag:s18] =	ssyncadd.s32 $0xFFFFC000  }
0x15c: {  	[spmem:s2] =	stream.indirect.scatter.add.f32 [tilespmem:s15], [sflag:$0x3], $0x80, s28, s13, $0xb8;
	[tilespmem:$0x1F978] =	vst v63  }
0x15d: {  	_ =	swait.ge [sflag:s10], $0x4000  }
0x15e: {  	[sflag:s10] =	ssyncset.done $0x0  }
.Ltmp6:
0x15f: {  	[sflag:s10] =	ssyncadd.s32 $0xFFFFC000;
	(pc) =	sbr.rel @p1 .LBB2_16-.Ltmp6, $4  }
0x160: {  	[spmem:s3] =	stream.indirect.scatter.add.f32 [tilespmem:s17], [sflag:$0x3], $0x1, s28, s13, $0xb8;
	[tilespmem:$0x1F978] =	vst v63  }
0x161: {  	_ =	swait.ge [sflag:s10], $0x80  }
0x162: {  	[sflag:s10] =	ssyncset.done $0x0  }
0x163: {  	s26 =	sadd.s32 $0x13FF8, s26;
	[sflag:s10] =	ssyncadd.s32 $0xFFFFFF80  }
.Ltmp7:
0x164: {  	_ = 	snop;
	(pc) =	sbr.rel .LBB2_17-.Ltmp7, $1  }
0x165: {  	_ =	sdelay $0x3  }
.LBB2_2:
0x166: {  	p1 =	sne.s32 s25, $0xFFC0  }
0x167: {  	[tilespmem:s28+$0x17678] =	vst v1;
	s26 =	sadd.s32 $0x10, s26;
	s28 =	smov.u32 s25;
	s25 =	sadd.s32 $0x40, s25  }
.Ltmp8:
0x168: {  	(pc) =	sbr.rel @p1 .LBB2_2-.Ltmp8, $4  }
0x169: {  	_ = 	snop  }
0x16a: {  	s28 =	sand.u32 $0xFE00, s28  }
0x16b: {  	s29 =	sand.u32 $0x70, s26;
	s28 =	sshrl.u32 s28, $0x2  }
0x16c: {  	s28 =	sor.u32 s29, s28  }
0x16d: {  	[tilespmem:s28+$0x17678] =	vst v1  }
0x16e: {  	[spmem:s22] =	stream.linear.scatter [tilespmem:s7], [sflag:$0x3], $0x4000, $0x38;
	[tilespmem:$0x1F978] =	vst v63  }
0x16f: {  	_ =	swait.ge [sflag:s10], $0x4000  }
0x170: {  	[sflag:s10] =	ssyncset.done $0x0  }
0x171: {  	s25 =	rddreg [dreg:$0x16];
	[sflag:s10] =	ssyncadd.s32 $0xFFFFC000  }
0x172: {  	[spmem:s25] =	stream.linear.scatter [tilespmem:s7], [sflag:$0x3], $0x4000, $0x38;
	[tilespmem:$0x1F978] =	vst v63  }
0x173: {  	_ =	swait.ge [sflag:s10], $0x4000  }
0x174: {  	[sflag:s10] =	ssyncset.done $0x0  }
0x175: {  	s29 =	rddreg [dreg:$0x17];
	[sflag:s10] =	ssyncadd.s32 $0xFFFFC000  }
0x176: {  	[spmem:s29] =	stream.linear.scatter [tilespmem:s7], [sflag:$0x3], $0x4000, $0x38;
	[tilespmem:$0x1F978] =	vst v63  }
0x177: {  	_ =	swait.ge [sflag:s10], $0x4000  }
0x178: {  	[sflag:s10] =	ssyncset.done $0x0  }
0x179: {  	s26 =	rddreg [dreg:$0x18];
	[sflag:s10] =	ssyncadd.s32 $0xFFFFC000  }
0x17a: {  	[spmem:s26] =	stream.linear.scatter [tilespmem:s7], [sflag:$0x3], $0x4000, $0x38;
	[tilespmem:$0x1F978] =	vst v63  }
0x17b: {  	_ =	swait.ge [sflag:s10], $0x4000  }
0x17c: {  	[sflag:s10] =	ssyncset.done $0x0  }
0x17d: {  	s28 =	rddreg [dreg:$0x19];
	[sflag:s10] =	ssyncadd.s32 $0xFFFFC000  }
0x17e: {  	[spmem:s28] =	stream.linear.scatter [tilespmem:s7], [sflag:$0x3], $0x3C00, $0x38;
	[tilespmem:$0x1F978] =	vst v63  }
0x17f: {  	_ =	swait.ge [sflag:s10], $0x3C00  }
0x180: {  	[sflag:s10] =	ssyncset.done $0x0  }
0x181: {  	[sflag:s10] =	ssyncadd.s32 $0xFFFFC400  }
0x182: {  	[spmem:s0] =	stream.linear.scatter [tilespmem:s7], [sflag:$0x3], $0x80, $0x38;
	[tilespmem:$0x1F978] =	vst v63  }
0x183: {  	_ =	swait.ge [sflag:s10], $0x80  }
0x184: {  	[sflag:s10] =	ssyncset.done $0x0  }
0x185: {  	s29 =	rddreg [dreg:$0x1a];
	[sflag:s10] =	ssyncadd.s32 $0xFFFFFF80  }
0x186: {  	[spmem:s29] =	stream.linear.scatter [tilespmem:s7], [sflag:$0x3], $0x80, $0x38;
	[tilespmem:$0x1F978] =	vst v63  }
0x187: {  	_ =	swait.ge [sflag:s10], $0x80  }
0x188: {  	[sflag:s10] =	ssyncset.done $0x0  }
0x189: {  	s26 =	rddreg [dreg:$0x1b];
	[sflag:s10] =	ssyncadd.s32 $0xFFFFFF80  }
0x18a: {  	[spmem:s26] =	stream.linear.scatter [tilespmem:s7], [sflag:$0x3], $0x80, $0x38;
	[tilespmem:$0x1F978] =	vst v63  }
0x18b: {  	_ =	swait.ge [sflag:s10], $0x80  }
0x18c: {  	[sflag:s10] =	ssyncset.done $0x0  }
0x18d: {  	[sflag:s10] =	ssyncadd.s32 $0xFFFFFF80  }
0x18e: {  	[spmem:s30] =	stream.linear.scatter [tilespmem:s7], [sflag:$0x3], $0x80, $0x38;
	[tilespmem:$0x1F978] =	vst v63  }
0x18f: {  	_ =	swait.ge [sflag:s10], $0x80  }
0x190: {  	[sflag:s10] =	ssyncset.done $0x0  }
0x191: {  	[sflag:s10] =	ssyncadd.s32 $0xFFFFFF80  }
0x192: {  	[spmem:s31] =	stream.linear.scatter [tilespmem:s7], [sflag:$0x3], $0x78, $0x38;
	[tilespmem:$0x1F978] =	vst v63  }
0x193: {  	_ =	swait.ge [sflag:s10], $0x78  }
0x194: {  	[sflag:s10] =	ssyncset.done $0x0  }
0x195: {  	[sflag:s10] =	ssyncadd.s32 $0xFFFFFF88  }
0x196: {  	[bflag:$0x0] =	sbarrier.arrive $0xFFFF  }
0x197: {  	s28 =	simm.s32 $0x0;
	s26 =	rddreg [dreg:$0x8]  }
0x198: {  	[tilespmem:s11], [sflag:$0x3] =	stream.linear.gather [hbm4b:s26+s28], $0x1C00, $0x38;
	[tilespmem:$0x1F978] =	vst v63  }
0x199: {  	_ =	swait.ge [sflag:s10], $0x1C00  }
0x19a: {  	[sflag:s10] =	ssyncset.done $0x0  }
0x19b: {  	s29 =	rddreg [dreg:$0x9];
	[sflag:s10] =	ssyncadd.s32 $0xFFFFE400  }
0x19c: {  	[tilespmem:s12], [sflag:$0x3] =	stream.linear.gather [hbm4b:s29+s28], $0x1C00, $0x38;
	[tilespmem:$0x1F978] =	vst v63  }
0x19d: {  	_ =	swait.ge [sflag:s10], $0x1C00  }
0x19e: {  	[sflag:s10] =	ssyncset.done $0x0  }
0x19f: {  	[sflag:s10] =	ssyncadd.s32 $0xFFFFE400  }
0x1a0: {  	[tilespmem:s7], [sflag:$0x1] =	stream.indirect.gather [hbm4b:s1+s13], $0x80, s11, s13, $0xb8;
	[tilespmem:$0x1F978] =	vst v63  }
0x1a1: {  	_ = 	snop  }
0x1a2: {  	[tilespmem:s15], [sflag:$0x2] =	stream.indirect.gather [hbm4b:s1+s13], $0x80, s14, s13, $0xb8;
	[tilespmem:$0x1F978] =	vst v63  }
0x1a3: {  	_ =	swait.ge [sflag:s16], $0x4000  }
0x1a4: {  	[sflag:s16] =	ssyncset.done $0x0  }
0x1a5: {  	s26 =	simm.s32 $0x15A78;
	[sflag:s16] =	ssyncadd.s32 $0xFFFFC000  }
0x1a6: {  	[spmem:s2] =	stream.indirect.scatter.add.f32 [tilespmem:s7], [sflag:$0x3], $0x80, s26, s13, $0xb8;
	[tilespmem:$0x1F978] =	vst v63  }
0x1a7: {  	_ =	swait.ge [sflag:s10], $0x4000  }
0x1a8: {  	[sflag:s10] =	ssyncset.done $0x0  }
0x1a9: {  	[sflag:s10] =	ssyncadd.s32 $0xFFFFC000  }
0x1aa: {  	[spmem:s3] =	stream.indirect.scatter.add.f32 [tilespmem:s17], [sflag:$0x3], $0x1, s26, s13, $0xb8;
	[tilespmem:$0x1F978] =	vst v63  }
0x1ab: {  	_ =	swait.ge [sflag:s10], $0x80  }
0x1ac: {  	[sflag:s10] =	ssyncset.done $0x0  }
0x1ad: {  	s28 =	simm.s32 $0x13F78;
	[sflag:s10] =	ssyncadd.s32 $0xFFFFFF80  }
0x1ae: {  	[tilespmem:s7], [sflag:$0x1] =	stream.indirect.gather [hbm4b:s1+s13], $0x80, s28, s13, $0xb8;
	[tilespmem:$0x1F978] =	vst v63  }
0x1af: {  	_ =	swait.ge [sflag:s18], $0x4000  }
0x1b0: {  	[sflag:s18] =	ssyncset.done $0x0  }
0x1b1: {  	s29 =	simm.s32 $0x15AF8;
	[sflag:s18] =	ssyncadd.s32 $0xFFFFC000  }
0x1b2: {  	[spmem:s2] =	stream.indirect.scatter.add.f32 [tilespmem:s15], [sflag:$0x3], $0x80, s29, s13, $0xb8;
	[tilespmem:$0x1F978] =	vst v63  }
0x1b3: {  	_ =	swait.ge [sflag:s10], $0x4000  }
0x1b4: {  	[sflag:s10] =	ssyncset.done $0x0  }
0x1b5: {  	[sflag:s10] =	ssyncadd.s32 $0xFFFFC000  }
0x1b6: {  	[spmem:s3] =	stream.indirect.scatter.add.f32 [tilespmem:s17], [sflag:$0x3], $0x1, s29, s13, $0xb8;
	[tilespmem:$0x1F978] =	vst v63  }
0x1b7: {  	_ =	swait.ge [sflag:s10], $0x80  }
0x1b8: {  	[sflag:s10] =	ssyncset.done $0x0  }
0x1b9: {  	s25 =	simm.s32 $0x400;
	s26 =	simm.s32 $0x13FF8;
	[sflag:s10] =	ssyncadd.s32 $0xFFFFFF80  }
.LBB2_4:
0x1ba: {  	[tilespmem:s15], [sflag:$0x2] =	stream.indirect.gather [hbm4b:s1+s13], $0x80, s26, s13, $0xb8;
	[tilespmem:$0x1F978] =	vst v63  }
0x1bb: {  	s26 =	smov.u32 s25  }
0x1bc: {  	p1 =	sne.s32 s25, $0x6800;
	s25 =	sadd.s32 $0x400, s25;
	_ =	swait.ge [sflag:s16], $0x4000  }
0x1bd: {  	s26 =	sshra.s32 s26, $0x2;
	[sflag:s16] =	ssyncset.done $0x0  }
0x1be: {  	s28 =	sadd.s32 $0x15A78, s26;
	[sflag:s16] =	ssyncadd.s32 $0xFFFFC000  }
0x1bf: {  	[spmem:s2] =	stream.indirect.scatter.add.f32 [tilespmem:s7], [sflag:$0x3], $0x80, s28, s13, $0xb8;
	[tilespmem:$0x1F978] =	vst v63  }
0x1c0: {  	_ =	swait.ge [sflag:s10], $0x4000  }
0x1c1: {  	[sflag:s10] =	ssyncset.done $0x0  }
0x1c2: {  	[sflag:s10] =	ssyncadd.s32 $0xFFFFC000  }
0x1c3: {  	[spmem:s3] =	stream.indirect.scatter.add.f32 [tilespmem:s17], [sflag:$0x3], $0x1, s28, s13, $0xb8;
	[tilespmem:$0x1F978] =	vst v63  }
0x1c4: {  	_ =	swait.ge [sflag:s10], $0x80  }
0x1c5: {  	[sflag:s10] =	ssyncset.done $0x0  }
0x1c6: {  	s28 =	sadd.s32 $0x13F78, s26;
	[sflag:s10] =	ssyncadd.s32 $0xFFFFFF80  }
0x1c7: {  	[tilespmem:s7], [sflag:$0x1] =	stream.indirect.gather [hbm4b:s1+s13], $0x80, s28, s13, $0xb8;
	[tilespmem:$0x1F978] =	vst v63  }
0x1c8: {  	_ =	swait.ge [sflag:s18], $0x4000  }
0x1c9: {  	[sflag:s18] =	ssyncset.done $0x0  }
0x1ca: {  	s28 =	sadd.s32 $0x15AF8, s26;
	[sflag:s18] =	ssyncadd.s32 $0xFFFFC000  }
0x1cb: {  	[spmem:s2] =	stream.indirect.scatter.add.f32 [tilespmem:s15], [sflag:$0x3], $0x80, s28, s13, $0xb8;
	[tilespmem:$0x1F978] =	vst v63  }
0x1cc: {  	_ =	swait.ge [sflag:s10], $0x4000  }
0x1cd: {  	[sflag:s10] =	ssyncset.done $0x0  }
.Ltmp9:
0x1ce: {  	[sflag:s10] =	ssyncadd.s32 $0xFFFFC000;
	(pc) =	sbr.rel @p1 .LBB2_4-.Ltmp9, $4  }
0x1cf: {  	[spmem:s3] =	stream.indirect.scatter.add.f32 [tilespmem:s17], [sflag:$0x3], $0x1, s28, s13, $0xb8;
	[tilespmem:$0x1F978] =	vst v63  }
0x1d0: {  	_ =	swait.ge [sflag:s10], $0x80  }
0x1d1: {  	[sflag:s10] =	ssyncset.done $0x0  }
0x1d2: {  	s26 =	sadd.s32 $0x13FF8, s26;
	[sflag:s10] =	ssyncadd.s32 $0xFFFFFF80  }
0x1d3: {  	[tilespmem:s15], [sflag:$0x2] =	stream.indirect.gather [hbm4b:s1+s13], $0x80, s26, s13, $0xb8;
	[tilespmem:$0x1F978] =	vst v63  }
0x1d4: {  	_ =	swait.ge [sflag:s16], $0x4000  }
0x1d5: {  	[sflag:s16] =	ssyncset.done $0x0  }
0x1d6: {  	[sflag:s16] =	ssyncadd.s32 $0xFFFFC000  }
0x1d7: {  	[spmem:s2] =	stream.indirect.scatter.add.f32 [tilespmem:s7], [sflag:$0x3], $0x80, s19, s13, $0xb8;
	[tilespmem:$0x1F978] =	vst v63  }
0x1d8: {  	_ =	swait.ge [sflag:s10], $0x4000  }
0x1d9: {  	[sflag:s10] =	ssyncset.done $0x0  }
0x1da: {  	[sflag:s10] =	ssyncadd.s32 $0xFFFFC000  }
0x1db: {  	[spmem:s3] =	stream.indirect.scatter.add.f32 [tilespmem:s17], [sflag:$0x3], $0x1, s19, s13, $0xb8;
	[tilespmem:$0x1F978] =	vst v63  }
0x1dc: {  	_ =	swait.ge [sflag:s10], $0x80  }
0x1dd: {  	[sflag:s10] =	ssyncset.done $0x0  }
0x1de: {  	[sflag:s10] =	ssyncadd.s32 $0xFFFFFF80  }
0x1df: {  	_ =	swait.ge [sflag:s18], $0x4000  }
0x1e0: {  	[sflag:s18] =	ssyncset.done $0x0  }
0x1e1: {  	[sflag:s18] =	ssyncadd.s32 $0xFFFFC000  }
0x1e2: {  	[spmem:s2] =	stream.indirect.scatter.add.f32 [tilespmem:s15], [sflag:$0x3], $0x80, s20, s13, $0xb8;
	[tilespmem:$0x1F978] =	vst v63  }
0x1e3: {  	_ =	swait.ge [sflag:s10], $0x4000  }
0x1e4: {  	[sflag:s10] =	ssyncset.done $0x0  }
0x1e5: {  	[sflag:s10] =	ssyncadd.s32 $0xFFFFC000  }
0x1e6: {  	[spmem:s3] =	stream.indirect.scatter.add.f32 [tilespmem:s17], [sflag:$0x3], $0x1, s20, s13, $0xb8;
	[tilespmem:$0x1F978] =	vst v63  }
0x1e7: {  	_ =	swait.ge [sflag:s10], $0x80  }
0x1e8: {  	[sflag:s10] =	ssyncset.done $0x0  }
0x1e9: {  	s25 =	simm.s32 $0x0;
	s28 =	rddreg [dreg:$0xa];
	[sflag:s10] =	ssyncadd.s32 $0xFFFFFF80  }
0x1ea: {  	[tilespmem:s11], [sflag:$0x3] =	stream.linear.gather [hbm4b:s28+s25], $0x1C00, $0x38;
	[tilespmem:$0x1F978] =	vst v63  }
0x1eb: {  	_ =	swait.ge [sflag:s10], $0x1C00  }
0x1ec: {  	[sflag:s10] =	ssyncset.done $0x0  }
0x1ed: {  	s29 =	rddreg [dreg:$0xb];
	[sflag:s10] =	ssyncadd.s32 $0xFFFFE400  }
0x1ee: {  	[tilespmem:s12], [sflag:$0x3] =	stream.linear.gather [hbm4b:s29+s25], $0x1C00, $0x38;
	[tilespmem:$0x1F978] =	vst v63  }
0x1ef: {  	_ =	swait.ge [sflag:s10], $0x1C00  }
0x1f0: {  	[sflag:s10] =	ssyncset.done $0x0  }
0x1f1: {  	[sflag:s10] =	ssyncadd.s32 $0xFFFFE400  }
0x1f2: {  	[tilespmem:s7], [sflag:$0x1] =	stream.indirect.gather [hbm4b:s1+s13], $0x80, s11, s13, $0xb8;
	[tilespmem:$0x1F978] =	vst v63  }
0x1f3: {  	_ = 	snop  }
0x1f4: {  	[tilespmem:s15], [sflag:$0x2] =	stream.indirect.gather [hbm4b:s1+s13], $0x80, s14, s13, $0xb8;
	[tilespmem:$0x1F978] =	vst v63  }
0x1f5: {  	_ =	swait.ge [sflag:s16], $0x4000  }
0x1f6: {  	[sflag:s16] =	ssyncset.done $0x0  }
0x1f7: {  	s26 =	simm.s32 $0x15A78;
	[sflag:s16] =	ssyncadd.s32 $0xFFFFC000  }
0x1f8: {  	[spmem:s2] =	stream.indirect.scatter.add.f32 [tilespmem:s7], [sflag:$0x3], $0x80, s26, s13, $0xb8;
	[tilespmem:$0x1F978] =	vst v63  }
0x1f9: {  	_ =	swait.ge [sflag:s10], $0x4000  }
0x1fa: {  	[sflag:s10] =	ssyncset.done $0x0  }
0x1fb: {  	[sflag:s10] =	ssyncadd.s32 $0xFFFFC000  }
0x1fc: {  	[spmem:s3] =	stream.indirect.scatter.add.f32 [tilespmem:s17], [sflag:$0x3], $0x1, s26, s13, $0xb8;
	[tilespmem:$0x1F978] =	vst v63  }
0x1fd: {  	_ =	swait.ge [sflag:s10], $0x80  }
0x1fe: {  	[sflag:s10] =	ssyncset.done $0x0  }
0x1ff: {  	s28 =	simm.s32 $0x13F78;
	[sflag:s10] =	ssyncadd.s32 $0xFFFFFF80  }
0x200: {  	[tilespmem:s7], [sflag:$0x1] =	stream.indirect.gather [hbm4b:s1+s13], $0x80, s28, s13, $0xb8;
	[tilespmem:$0x1F978] =	vst v63  }
0x201: {  	_ =	swait.ge [sflag:s18], $0x4000  }
0x202: {  	[sflag:s18] =	ssyncset.done $0x0  }
0x203: {  	s29 =	simm.s32 $0x15AF8;
	[sflag:s18] =	ssyncadd.s32 $0xFFFFC000  }
0x204: {  	[spmem:s2] =	stream.indirect.scatter.add.f32 [tilespmem:s15], [sflag:$0x3], $0x80, s29, s13, $0xb8;
	[tilespmem:$0x1F978] =	vst v63  }
0x205: {  	_ =	swait.ge [sflag:s10], $0x4000  }
0x206: {  	[sflag:s10] =	ssyncset.done $0x0  }
0x207: {  	[sflag:s10] =	ssyncadd.s32 $0xFFFFC000  }
0x208: {  	[spmem:s3] =	stream.indirect.scatter.add.f32 [tilespmem:s17], [sflag:$0x3], $0x1, s29, s13, $0xb8;
	[tilespmem:$0x1F978] =	vst v63  }
0x209: {  	_ =	swait.ge [sflag:s10], $0x80  }
0x20a: {  	[sflag:s10] =	ssyncset.done $0x0  }
0x20b: {  	s25 =	simm.s32 $0x400;
	s26 =	simm.s32 $0x13FF8;
	[sflag:s10] =	ssyncadd.s32 $0xFFFFFF80  }
.LBB2_6:
0x20c: {  	[tilespmem:s15], [sflag:$0x2] =	stream.indirect.gather [hbm4b:s1+s13], $0x80, s26, s13, $0xb8;
	[tilespmem:$0x1F978] =	vst v63  }
0x20d: {  	s26 =	smov.u32 s25  }
0x20e: {  	p1 =	sne.s32 s25, $0x6800;
	s25 =	sadd.s32 $0x400, s25;
	_ =	swait.ge [sflag:s16], $0x4000  }
0x20f: {  	s26 =	sshra.s32 s26, $0x2;
	[sflag:s16] =	ssyncset.done $0x0  }
0x210: {  	s28 =	sadd.s32 $0x15A78, s26;
	[sflag:s16] =	ssyncadd.s32 $0xFFFFC000  }
0x211: {  	[spmem:s2] =	stream.indirect.scatter.add.f32 [tilespmem:s7], [sflag:$0x3], $0x80, s28, s13, $0xb8;
	[tilespmem:$0x1F978] =	vst v63  }
0x212: {  	_ =	swait.ge [sflag:s10], $0x4000  }
0x213: {  	[sflag:s10] =	ssyncset.done $0x0  }
0x214: {  	[sflag:s10] =	ssyncadd.s32 $0xFFFFC000  }
0x215: {  	[spmem:s3] =	stream.indirect.scatter.add.f32 [tilespmem:s17], [sflag:$0x3], $0x1, s28, s13, $0xb8;
	[tilespmem:$0x1F978] =	vst v63  }
0x216: {  	_ =	swait.ge [sflag:s10], $0x80  }
0x217: {  	[sflag:s10] =	ssyncset.done $0x0  }
0x218: {  	s28 =	sadd.s32 $0x13F78, s26;
	[sflag:s10] =	ssyncadd.s32 $0xFFFFFF80  }
0x219: {  	[tilespmem:s7], [sflag:$0x1] =	stream.indirect.gather [hbm4b:s1+s13], $0x80, s28, s13, $0xb8;
	[tilespmem:$0x1F978] =	vst v63  }
0x21a: {  	_ =	swait.ge [sflag:s18], $0x4000  }
0x21b: {  	[sflag:s18] =	ssyncset.done $0x0  }
0x21c: {  	s28 =	sadd.s32 $0x15AF8, s26;
	[sflag:s18] =	ssyncadd.s32 $0xFFFFC000  }
0x21d: {  	[spmem:s2] =	stream.indirect.scatter.add.f32 [tilespmem:s15], [sflag:$0x3], $0x80, s28, s13, $0xb8;
	[tilespmem:$0x1F978] =	vst v63  }
0x21e: {  	_ =	swait.ge [sflag:s10], $0x4000  }
0x21f: {  	[sflag:s10] =	ssyncset.done $0x0  }
.Ltmp10:
0x220: {  	[sflag:s10] =	ssyncadd.s32 $0xFFFFC000;
	(pc) =	sbr.rel @p1 .LBB2_6-.Ltmp10, $4  }
0x221: {  	[spmem:s3] =	stream.indirect.scatter.add.f32 [tilespmem:s17], [sflag:$0x3], $0x1, s28, s13, $0xb8;
	[tilespmem:$0x1F978] =	vst v63  }
0x222: {  	_ =	swait.ge [sflag:s10], $0x80  }
0x223: {  	[sflag:s10] =	ssyncset.done $0x0  }
0x224: {  	s26 =	sadd.s32 $0x13FF8, s26;
	[sflag:s10] =	ssyncadd.s32 $0xFFFFFF80  }
0x225: {  	[tilespmem:s15], [sflag:$0x2] =	stream.indirect.gather [hbm4b:s1+s13], $0x80, s26, s13, $0xb8;
	[tilespmem:$0x1F978] =	vst v63  }
0x226: {  	_ =	swait.ge [sflag:s16], $0x4000  }
0x227: {  	[sflag:s16] =	ssyncset.done $0x0  }
0x228: {  	[sflag:s16] =	ssyncadd.s32 $0xFFFFC000  }
0x229: {  	[spmem:s2] =	stream.indirect.scatter.add.f32 [tilespmem:s7], [sflag:$0x3], $0x80, s19, s13, $0xb8;
	[tilespmem:$0x1F978] =	vst v63  }
0x22a: {  	_ =	swait.ge [sflag:s10], $0x4000  }
0x22b: {  	[sflag:s10] =	ssyncset.done $0x0  }
0x22c: {  	[sflag:s10] =	ssyncadd.s32 $0xFFFFC000  }
0x22d: {  	[spmem:s3] =	stream.indirect.scatter.add.f32 [tilespmem:s17], [sflag:$0x3], $0x1, s19, s13, $0xb8;
	[tilespmem:$0x1F978] =	vst v63  }
0x22e: {  	_ =	swait.ge [sflag:s10], $0x80  }
0x22f: {  	[sflag:s10] =	ssyncset.done $0x0  }
0x230: {  	[sflag:s10] =	ssyncadd.s32 $0xFFFFFF80  }
0x231: {  	_ =	swait.ge [sflag:s18], $0x4000  }
0x232: {  	[sflag:s18] =	ssyncset.done $0x0  }
0x233: {  	[sflag:s18] =	ssyncadd.s32 $0xFFFFC000  }
0x234: {  	[spmem:s2] =	stream.indirect.scatter.add.f32 [tilespmem:s15], [sflag:$0x3], $0x80, s20, s13, $0xb8;
	[tilespmem:$0x1F978] =	vst v63  }
0x235: {  	_ =	swait.ge [sflag:s10], $0x4000  }
0x236: {  	[sflag:s10] =	ssyncset.done $0x0  }
0x237: {  	[sflag:s10] =	ssyncadd.s32 $0xFFFFC000  }
0x238: {  	[spmem:s3] =	stream.indirect.scatter.add.f32 [tilespmem:s17], [sflag:$0x3], $0x1, s20, s13, $0xb8;
	[tilespmem:$0x1F978] =	vst v63  }
0x239: {  	_ =	swait.ge [sflag:s10], $0x80  }
0x23a: {  	[sflag:s10] =	ssyncset.done $0x0  }
0x23b: {  	s25 =	simm.s32 $0x0;
	s28 =	rddreg [dreg:$0xc];
	[sflag:s10] =	ssyncadd.s32 $0xFFFFFF80  }
0x23c: {  	[tilespmem:s11], [sflag:$0x3] =	stream.linear.gather [hbm4b:s28+s25], $0x1800, $0x38;
	[tilespmem:$0x1F978] =	vst v63  }
0x23d: {  	_ =	swait.ge [sflag:s10], $0x1800  }
0x23e: {  	[sflag:s10] =	ssyncset.done $0x0  }
0x23f: {  	s29 =	rddreg [dreg:$0xd];
	[sflag:s10] =	ssyncadd.s32 $0xFFFFE800  }
0x240: {  	[tilespmem:s12], [sflag:$0x3] =	stream.linear.gather [hbm4b:s29+s25], $0x1800, $0x38;
	[tilespmem:$0x1F978] =	vst v63  }
0x241: {  	_ =	swait.ge [sflag:s10], $0x1800  }
0x242: {  	[sflag:s10] =	ssyncset.done $0x0  }
0x243: {  	[sflag:s10] =	ssyncadd.s32 $0xFFFFE800  }
0x244: {  	[tilespmem:s7], [sflag:$0x1] =	stream.indirect.gather [hbm4b:s1+s13], $0x80, s11, s13, $0xb8;
	[tilespmem:$0x1F978] =	vst v63  }
0x245: {  	_ = 	snop  }
0x246: {  	[tilespmem:s15], [sflag:$0x2] =	stream.indirect.gather [hbm4b:s1+s13], $0x80, s14, s13, $0xb8;
	[tilespmem:$0x1F978] =	vst v63  }
0x247: {  	_ =	swait.ge [sflag:s16], $0x4000  }
0x248: {  	[sflag:s16] =	ssyncset.done $0x0  }
0x249: {  	s26 =	simm.s32 $0x15A78;
	[sflag:s16] =	ssyncadd.s32 $0xFFFFC000  }
0x24a: {  	[spmem:s2] =	stream.indirect.scatter.add.f32 [tilespmem:s7], [sflag:$0x3], $0x80, s26, s13, $0xb8;
	[tilespmem:$0x1F978] =	vst v63  }
0x24b: {  	_ =	swait.ge [sflag:s10], $0x4000  }
0x24c: {  	[sflag:s10] =	ssyncset.done $0x0  }
0x24d: {  	[sflag:s10] =	ssyncadd.s32 $0xFFFFC000  }
0x24e: {  	[spmem:s3] =	stream.indirect.scatter.add.f32 [tilespmem:s17], [sflag:$0x3], $0x1, s26, s13, $0xb8;
	[tilespmem:$0x1F978] =	vst v63  }
0x24f: {  	_ =	swait.ge [sflag:s10], $0x80  }
0x250: {  	[sflag:s10] =	ssyncset.done $0x0  }
0x251: {  	s28 =	simm.s32 $0x13F78;
	[sflag:s10] =	ssyncadd.s32 $0xFFFFFF80  }
0x252: {  	[tilespmem:s7], [sflag:$0x1] =	stream.indirect.gather [hbm4b:s1+s13], $0x80, s28, s13, $0xb8;
	[tilespmem:$0x1F978] =	vst v63  }
0x253: {  	_ =	swait.ge [sflag:s18], $0x4000  }
0x254: {  	[sflag:s18] =	ssyncset.done $0x0  }
0x255: {  	s29 =	simm.s32 $0x15AF8;
	[sflag:s18] =	ssyncadd.s32 $0xFFFFC000  }
0x256: {  	[spmem:s2] =	stream.indirect.scatter.add.f32 [tilespmem:s15], [sflag:$0x3], $0x80, s29, s13, $0xb8;
	[tilespmem:$0x1F978] =	vst v63  }
0x257: {  	_ =	swait.ge [sflag:s10], $0x4000  }
0x258: {  	[sflag:s10] =	ssyncset.done $0x0  }
0x259: {  	[sflag:s10] =	ssyncadd.s32 $0xFFFFC000  }
0x25a: {  	[spmem:s3] =	stream.indirect.scatter.add.f32 [tilespmem:s17], [sflag:$0x3], $0x1, s29, s13, $0xb8;
	[tilespmem:$0x1F978] =	vst v63  }
0x25b: {  	_ =	swait.ge [sflag:s10], $0x80  }
0x25c: {  	[sflag:s10] =	ssyncset.done $0x0  }
0x25d: {  	s25 =	simm.s32 $0x400;
	s26 =	simm.s32 $0x13FF8;
	[sflag:s10] =	ssyncadd.s32 $0xFFFFFF80  }
.LBB2_8:
0x25e: {  	[tilespmem:s15], [sflag:$0x2] =	stream.indirect.gather [hbm4b:s1+s13], $0x80, s26, s13, $0xb8;
	[tilespmem:$0x1F978] =	vst v63  }
0x25f: {  	s26 =	smov.u32 s25  }
0x260: {  	p1 =	sne.s32 s25, $0x5800;
	s25 =	sadd.s32 $0x400, s25;
	_ =	swait.ge [sflag:s16], $0x4000  }
0x261: {  	s26 =	sshra.s32 s26, $0x2;
	[sflag:s16] =	ssyncset.done $0x0  }
0x262: {  	s28 =	sadd.s32 $0x15A78, s26;
	[sflag:s16] =	ssyncadd.s32 $0xFFFFC000  }
0x263: {  	[spmem:s2] =	stream.indirect.scatter.add.f32 [tilespmem:s7], [sflag:$0x3], $0x80, s28, s13, $0xb8;
	[tilespmem:$0x1F978] =	vst v63  }
0x264: {  	_ =	swait.ge [sflag:s10], $0x4000  }
0x265: {  	[sflag:s10] =	ssyncset.done $0x0  }
0x266: {  	[sflag:s10] =	ssyncadd.s32 $0xFFFFC000  }
0x267: {  	[spmem:s3] =	stream.indirect.scatter.add.f32 [tilespmem:s17], [sflag:$0x3], $0x1, s28, s13, $0xb8;
	[tilespmem:$0x1F978] =	vst v63  }
0x268: {  	_ =	swait.ge [sflag:s10], $0x80  }
0x269: {  	[sflag:s10] =	ssyncset.done $0x0  }
0x26a: {  	s28 =	sadd.s32 $0x13F78, s26;
	[sflag:s10] =	ssyncadd.s32 $0xFFFFFF80  }
0x26b: {  	[tilespmem:s7], [sflag:$0x1] =	stream.indirect.gather [hbm4b:s1+s13], $0x80, s28, s13, $0xb8;
	[tilespmem:$0x1F978] =	vst v63  }
0x26c: {  	_ =	swait.ge [sflag:s18], $0x4000  }
0x26d: {  	[sflag:s18] =	ssyncset.done $0x0  }
0x26e: {  	s28 =	sadd.s32 $0x15AF8, s26;
	[sflag:s18] =	ssyncadd.s32 $0xFFFFC000  }
0x26f: {  	[spmem:s2] =	stream.indirect.scatter.add.f32 [tilespmem:s15], [sflag:$0x3], $0x80, s28, s13, $0xb8;
	[tilespmem:$0x1F978] =	vst v63  }
0x270: {  	_ =	swait.ge [sflag:s10], $0x4000  }
0x271: {  	[sflag:s10] =	ssyncset.done $0x0  }
.Ltmp11:
0x272: {  	[sflag:s10] =	ssyncadd.s32 $0xFFFFC000;
	(pc) =	sbr.rel @p1 .LBB2_8-.Ltmp11, $4  }
0x273: {  	[spmem:s3] =	stream.indirect.scatter.add.f32 [tilespmem:s17], [sflag:$0x3], $0x1, s28, s13, $0xb8;
	[tilespmem:$0x1F978] =	vst v63  }
0x274: {  	_ =	swait.ge [sflag:s10], $0x80  }
0x275: {  	[sflag:s10] =	ssyncset.done $0x0  }
0x276: {  	s26 =	sadd.s32 $0x13FF8, s26;
	[sflag:s10] =	ssyncadd.s32 $0xFFFFFF80  }
0x277: {  	[tilespmem:s15], [sflag:$0x2] =	stream.indirect.gather [hbm4b:s1+s13], $0x80, s26, s13, $0xb8;
	[tilespmem:$0x1F978] =	vst v63  }
0x278: {  	_ =	swait.ge [sflag:s16], $0x4000  }
0x279: {  	[sflag:s16] =	ssyncset.done $0x0  }
0x27a: {  	[sflag:s16] =	ssyncadd.s32 $0xFFFFC000  }
0x27b: {  	[spmem:s2] =	stream.indirect.scatter.add.f32 [tilespmem:s7], [sflag:$0x3], $0x80, s21, s13, $0xb8;
	[tilespmem:$0x1F978] =	vst v63  }
0x27c: {  	_ =	swait.ge [sflag:s10], $0x4000  }
0x27d: {  	[sflag:s10] =	ssyncset.done $0x0  }
0x27e: {  	[sflag:s10] =	ssyncadd.s32 $0xFFFFC000  }
0x27f: {  	[spmem:s3] =	stream.indirect.scatter.add.f32 [tilespmem:s17], [sflag:$0x3], $0x1, s21, s13, $0xb8;
	[tilespmem:$0x1F978] =	vst v63  }
0x280: {  	_ =	swait.ge [sflag:s10], $0x80  }
0x281: {  	[sflag:s10] =	ssyncset.done $0x0  }
0x282: {  	[sflag:s10] =	ssyncadd.s32 $0xFFFFFF80  }
0x283: {  	_ =	swait.ge [sflag:s18], $0x4000  }
0x284: {  	[sflag:s18] =	ssyncset.done $0x0  }
0x285: {  	[sflag:s18] =	ssyncadd.s32 $0xFFFFC000  }
0x286: {  	[spmem:s2] =	stream.indirect.scatter.add.f32 [tilespmem:s15], [sflag:$0x3], $0x80, s5, s13, $0xb8;
	[tilespmem:$0x1F978] =	vst v63  }
.Ltmp12:
0x287: {  	_ = 	snop;
	(pc) =	sbr.rel .LBB2_18-.Ltmp12, $4  }
0x288: {  	_ =	swait.ge [sflag:s10], $0x4000  }
0x289: {  	[sflag:s10] =	ssyncset.done $0x0;
	s26 =	rddreg [dreg:$0x6]  }
0x28a: {  	s25 =	rddreg [dreg:$0x7];
	[sflag:s10] =	ssyncadd.s32 $0xFFFFC000  }
0x28b: {  	[spmem:s3] =	stream.indirect.scatter.add.f32 [tilespmem:s17], [sflag:$0x3], $0x1, s5, s13, $0xb8;
	[tilespmem:$0x1F978] =	vst v63  }
.LBB2_19:
0x28c: {  	_ =	sfence.sel $0x180000  }
0x28d: {  	[bflag:$0x0] =	sbarrier.arrive $0xFFFF  }
0x28e: {  	_ =	strace $0x90000047  }
0x28f: {  	s0 =	stileid.u32;
	[bflag:$0x2] =	sbarrier.arrive $0xFFFF  }
0x290: {  	p0 =	sne.s32 s0, $0x0;
	s0 =	rddreg [dreg:$0x5]  }
0x291: {  	s0 =	sadd.s32 @!p0 $0x100000, s0  }
0x292: {  	[sflag:s0] =	ssyncadd.tile.s32 @!p0 $0x1;
	_ =	shalt  }
.Lfunc_end2:
_tile_overlayer_lowered:
.L_overlay_start_2:
0x293: {  	(tag) =	ssettag $0x2  }
0x294: {  	s0 =	rddreg [dreg:$0x0];
	s2 =	stileid.u32  }
0x295: {  	s1 =	rddreg [dreg:$0x1];
	p0 =	sne.s32 s2, $0x0  }
0x296: {  	s3 =	rddreg [dreg:$0x2];
	[bflag:$0x3] =	sbarrier.arrive $0xFFFF;
	s2 =	simm.s32 @!p0 $0x1C03  }
0x297: {  	[timem:s3], [sflag:s2] =	dma.local @!p0 [hbm:s0], s1  }
0x298: {  	s0 =	simm.s32 @!p0 $0x3  }
0x299: {  	_ =	swait.ge @!p0 [sflag:s0], s1  }
0x29a: {  	s1 =	ssub.s32 @!p0 $0x0, s1;
	[sflag:s0] =	ssyncset.done @!p0 $0x0  }
0x29b: {  	[sflag:s0] =	ssyncadd.s32 @!p0 s1  }
0x29c: {  	[bflag:$0x3] =	sbarrier.arrive $0xFFFF  }
0x29d: {  	_ =	shalt  }

// kernel: kernel.9.cloned.1.call-start
scs
__scs_entry_jumppad:
0x0: {  	(pc) =	sbr.rel $0x88, $3  }
0x1: {  	(tag) =	ssettag $0x0;
	lr =	simm.s32 $0x1  }
0x2: {  	[smem:$0x3F92] =	sst lr;
	_ =	strace $0xD0000000  }
0x3: {  	_ = 	snop  }
0x4: {  	_ = 	snop  }
0x5: {  	_ = 	snop  }
0x6: {  	_ = 	snop  }
0x7: {  	_ = 	snop  }
__scs_overlays_trampoline_lowered:
0x8: {  	[smem:$0x3FA1] =	sst s0  }
0x9: {  	[smem:$0x3FA2] =	sst s1  }
0xa: {  	[smem:$0x3FA3] =	sst s2  }
0xb: {  	[smem:$0x3FA4] =	sst s3  }
0xc: {  	[smem:$0x3FA5] =	sst s4  }
0xd: {  	[smem:$0x3FA6] =	sst s5  }
0xe: {  	[smem:$0x3FA7] =	sst s6  }
0xf: {  	[smem:$0x3FA8] =	sst s7  }
0x10: {  	[smem:$0x3FA9] =	sst s8  }
0x11: {  	[smem:$0x3FAA] =	sst s9;
	s0 =	simm.s32 @!p0 $0x0  }
0x12: {  	s1 =	sld [smem:$0x3F90];
	s0 =	simm.s32 @p0 $0x1  }
0x13: {  	[smem:$0x3FAB] =	sst s0;
	s0 =	simm.s32 @!p1 $0x0  }
0x14: {  	s2 =	sld [smem:$0x3F8F];
	s0 =	simm.s32 @p1 $0x1  }
0x15: {  	[smem:$0x3FAC] =	sst s0;
	s0 =	simm.s32 @!p2 $0x0  }
0x16: {  	s3 =	sld [smem:$0x3FDB];
	s0 =	simm.s32 @p2 $0x1  }
0x17: {  	s4 =	simm.s32 $0x1BF5;
	[smem:$0x3FAE] =	sst s0  }
0x18: {  	s0 =	sld [smem:$0x3F91];
	_ =	swait.ge [sflag:s4], $0x0  }
0x19: {  	s7 =	sld [smem:$0x3F92]  }
0x1a: {  	s8 =	sadd.s32 $0xFFFFE003, lr  }
0x1b: {  	s9 =	sadd.s32 $0xFFFFFEF7, lr;
	s5 =	simm.s32 $0xFFFFFFFF;
	p2 =	slt.u32 s8, $0xFFFFF086  }
0x1c: {  	p1 =	slt.u32 s9, $0xF7A;
	s5 =	simm.s32 @!p2 $0x0  }
0x1d: {  	s5 =	simm.s32 @p1 $0x1;
	p0 =	seq.s32 s7, s2  }
0x1e: {  	s7 =	smul.u32 @!p0 $0xF7A, s2;
	p2 =	seq.s32 @!p0 s5, $0x0  }
0x1f: {  	s9 =	smul.u32 $0xF7A, s1;
	s8 =	simm.s32 @!p0 $0x1BF5;
	p2 =	por !p2, p0  }
0x20: {  	[sflag:s8] =	ssyncset.s32 @!p0 $0xFFFFF086;
	s6 =	sadd.s32 @!p0 s3, s7;
	s7 =	simm.s32 @!p0 $0x108  }
0x21: {  	s3 =	sadd.s32 s3, s9;
	s6 =	sadd.s32 @!p0 $0x88, s6;
	s7 =	simm.s32 @p2 $0x1082  }
0x22: {  	[simem:s7], [sflag:s8] =	dma.local @!p0 [hbm:s6], $0xF7A  }
0x23: {  	s9 =	sor.u32 $0xD0000000, s2;
	s6 =	simm.s32 $0x108;
	_ =	swait.ge @!p0 [sflag:s8], $0x0  }
0x24: {  	s3 =	sadd.s32 $0x88, s3;
	s6 =	simm.s32 @!p1 $0x1082;
	[sflag:s4] =	ssyncset.s32 $0xFFFFF086  }
0x25: {  	[simem:s6], [sflag:s4] =	dma.local [hbm:s3], $0xF7A  }
0x26: {  	[smem:$0x3F92] =	sst s1;
	(tag) =	ssettag s2;
	_ =	strace s9  }
0x27: {  	s1 =	sld [smem:$0x3FA2]  }
0x28: {  	s2 =	sld [smem:$0x3FA3]  }
0x29: {  	s4 =	sld [smem:$0x3FA5]  }
0x2a: {  	p0 =	seq.s32 s5, $0x0;
	s5 =	sld [smem:$0x3FA6]  }
0x2b: {  	s6 =	sld [smem:$0x3FA7]  }
0x2c: {  	s7 =	sld [smem:$0x3FA8]  }
0x2d: {  	s3 =	simm.s32 $0x108;
	s8 =	sld [smem:$0x3FA9]  }
0x2e: {  	s3 =	simm.s32 @!p0 $0x1082;
	s9 =	sld [smem:$0x3FAA]  }
0x2f: {  	lr =	sadd.s32 s0, s3;
	s0 =	sld [smem:$0x3FA1]  }
0x30: {  	s3 =	sld [smem:$0x3FA4]  }
0x31: {  	[smem:$0x3FAD] =	sst s10  }
0x32: {  	s10 =	sld [smem:$0x3FAB];
	_ =	sdelay $0x3  }
0x33: {  	p0 =	seq.s32 s10, $0x1;
	s10 =	sld [smem:$0x3FAD];
	_ =	sdelay $0x3  }
0x34: {  	[smem:$0x3FAD] =	sst s10  }
0x35: {  	s10 =	sld [smem:$0x3FAC];
	_ =	sdelay $0x3  }
0x36: {  	p1 =	seq.s32 s10, $0x1;
	s10 =	sld [smem:$0x3FAD];
	_ =	sdelay $0x3  }
0x37: {  	[smem:$0x3FAD] =	sst s10  }
0x38: {  	s10 =	sld [smem:$0x3FAE]  }
0x39: {  	_ = 	snop;
	(pc) =	sbr.ind lr, $3  }
0x3a: {  	_ = 	snop  }
0x3b: {  	_ = 	snop  }
0x3c: {  	p2 =	seq.s32 s10, $0x1;
	s10 =	sld [smem:$0x3FAD]  }
0x3d: {  	_ =	shalt  }
0x3e: {  	_ =	shalt  }
0x3f: {  	_ =	shalt  }
0x40: {  	_ =	shalt  }
0x41: {  	_ =	shalt  }
0x42: {  	_ =	shalt  }
0x43: {  	_ =	shalt  }
0x44: {  	_ =	shalt  }
0x45: {  	_ =	shalt  }
0x46: {  	_ =	shalt  }
0x47: {  	_ =	shalt  }
0x48: {  	_ =	shalt  }
0x49: {  	_ =	shalt  }
0x4a: {  	_ =	shalt  }
0x4b: {  	_ =	shalt  }
0x4c: {  	_ =	shalt  }
0x4d: {  	_ =	shalt  }
0x4e: {  	_ =	shalt  }
0x4f: {  	_ =	shalt  }
0x50: {  	_ =	shalt  }
0x51: {  	_ =	shalt  }
0x52: {  	_ =	shalt  }
0x53: {  	_ =	shalt  }
0x54: {  	_ =	shalt  }
0x55: {  	_ =	shalt  }
0x56: {  	_ =	shalt  }
0x57: {  	_ =	shalt  }
0x58: {  	_ =	shalt  }
0x59: {  	_ =	shalt  }
0x5a: {  	_ =	shalt  }
0x5b: {  	_ =	shalt  }
0x5c: {  	_ =	shalt  }
0x5d: {  	_ =	shalt  }
0x5e: {  	_ =	shalt  }
0x5f: {  	_ =	shalt  }
0x60: {  	_ =	shalt  }
0x61: {  	_ =	shalt  }
0x62: {  	_ =	shalt  }
0x63: {  	_ =	shalt  }
0x64: {  	_ =	shalt  }
0x65: {  	_ =	shalt  }
0x66: {  	_ =	shalt  }
0x67: {  	_ =	shalt  }
0x68: {  	_ =	shalt  }
0x69: {  	_ =	shalt  }
0x6a: {  	_ =	shalt  }
0x6b: {  	_ =	shalt  }
0x6c: {  	_ =	shalt  }
0x6d: {  	_ =	shalt  }
0x6e: {  	_ =	shalt  }
0x6f: {  	_ =	shalt  }
0x70: {  	_ =	shalt  }
0x71: {  	_ =	shalt  }
0x72: {  	_ =	shalt  }
0x73: {  	_ =	shalt  }
0x74: {  	_ =	shalt  }
0x75: {  	_ =	shalt  }
0x76: {  	_ =	shalt  }
0x77: {  	_ =	shalt  }
0x78: {  	_ =	shalt  }
0x79: {  	_ =	shalt  }
0x7a: {  	_ =	shalt  }
0x7b: {  	_ =	shalt  }
0x7c: {  	_ =	shalt  }
0x7d: {  	_ =	shalt  }
0x7e: {  	_ =	shalt  }
0x7f: {  	_ =	shalt  }
0x80: {  	_ =	shalt  }
0x81: {  	_ =	shalt  }
0x82: {  	_ =	shalt  }
0x83: {  	_ =	shalt  }
0x84: {  	_ =	shalt  }
0x85: {  	_ =	shalt  }
0x86: {  	_ =	shalt  }
0x87: {  	_ =	shalt  }
.Lfunc_end0:
.L_simem_size_0:
called_computation.1_lowered:
.L_overlay_start_0:
0x88: {  	s2 =	sld [smem:$0x3FD9]  }
0x89: {  	s3 =	sld [smem:$0x3FFE];
	_ =	sdelay $0x1  }
0x8a: {  	s1 =	srdreg.scid  }
0x8b: {  	s0 =	sand.u32 $0x1, s1  }
0x8c: {  	s17 =	sshll.u32 s0, $0xA;
	s2 =	sadd.s32 s3, s2  }
0x8d: {  	s2 =	sadd.s32 s2, s17  }
0x8e: {  	[smem:$0x3FB9] =	sst s2  }
0x8f: {  	_ = 	snop  }
0x90: {  	s2 =	sld [smem:$0x3FD0];
	(tm) =	ssettm $0x1  }
0x91: {  	s18 =	sld [smem:$0x3FFB];
	_ =	sdelay $0x3  }
0x92: {  	_ =	strace s18  }
0x93: {  	s3 =	sld [smem:$0x3FFC];
	_ =	sdelay $0x3  }
0x94: {  	_ =	strace s3  }
0x95: {  	s3 =	sld [smem:$0x3FFD];
	_ =	sdelay $0x3  }
0x96: {  	_ =	strace s3  }
0x97: {  	_ =	strace $0x8FFFFFFF  }
0x98: {  	s19 =	sld [smem:$0x3FDB];
	_ =	sdelay $0x1  }
0x99: {  	s4 =	simm.s32 $_scs_section_size  }
0x9a: {  	s5 =	simm.s32 $_size__tile_overlayer_lowered;
	s6 =	simm.s32 $_tile_overlayer_lowered  }
0x9b: {  	s22 =	simm.s32 $0x1BFF;
	s21 =	sshll.u32 s6, $0x1;
	s3 =	sadd.s32 s4, s19  }
0x9c: {  	s7 =	simm.s32 $0x0;
	s20 =	sshll.u32 s5, $0x1;
	s5 =	sadd.s32 s21, s3  }
0x9d: {  	[timem:s7], [sflag:s22] =	dma.local [hbm:s5], s20  }
0x9e: {  	_ =	swait.ge [sflag:s22], s20  }
0x9f: {  	s4 =	ssub.s32 $0x0, s20;
	[sflag:s22] =	ssyncset.done $0x0  }
0xa0: {  	[sflag:s22] =	ssyncadd.s32 s4;
	_ =	sdelay $0x1  }
0xa1: {  	s23 =	simm.s32 $0x1B8B  }
0xa2: {  	_ =	swait.ge [sflag:s23], $0x1  }
0xa3: {  	[sflag:s23] =	ssyncset.done $0x0  }
0xa4: {  	s25 =	simm.s32 $0x1B8E;
	s24 =	sld [smem:$0x3FFE];
	[sflag:s23] =	ssyncadd.s32 $0xFFFFFFFF  }
0xa5: {  	s26 =	simm.s32 $execute0_lowered;
	[smem:$0x3FD2] =	sst s25  }
0xa6: {  	s5 =	sshll.u32 s26, $0x1;
	_ =	strace $0x80000049;
	[dreg:$0x1] =	wrdreg $0xFFFFFFFF  }
0xa7: {  	s28 =	simm.s32 $_size_execute0_lowered;
	s3 =	sadd.s32 s3, s5;
	[dreg:$0x0] =	wrdreg $0x0  }
0xa8: {  	s5 =	sshll.u32 s28, $0x1;
	[dreg:$0x2] =	wrdreg s3  }
0xa9: {  	[dreg:$0x3] =	wrdreg s5  }
0xaa: {  	[dreg:$0x4] =	wrdreg $0xC0  }
0xab: {  	_ =	task [dreg:s7], $0x5FFFF  }
0xac: {  	[dreg:$0x1] =	wrdreg $0xFFFFFFFF  }
0xad: {  	[dreg:$0x0] =	wrdreg $0x60  }
0xae: {  	[dreg:$0x2] =	wrdreg s24  }
0xaf: {  	[dreg:$0x3] =	wrdreg s2  }
0xb0: {  	[dreg:$0x4] =	wrdreg $0x0  }
0xb1: {  	[dreg:$0x5] =	wrdreg $0x9  }
0xb2: {  	_ =	task.clear_ibuf [dreg:s7], $0x6FFFF;
	_ =	strace $0x90000049  }
0xb3: {  	s29 =	simm.s32 $0x9;
	_ =	strace $0x8000004B  }
0xb4: {  	_ =	swait.ge [sflag:s29], $0x1  }
0xb5: {  	[sflag:s29] =	ssyncadd.s32 $0xFFFFFFFF  }
0xb6: {  	_ =	strace $0x9000004B  }
0xb7: {  	_ =	sfence  }
0xb8: {  	s30 =	sld [smem:$0x0];
	_ =	sdelay $0x2  }
0xb9: {  	s31 =	sshll.u32 s1, $0xD;
	s1 =	sshrl.u32 s1, $0x2  }
0xba: {  	s3 =	sand.u32 $0x4000, s31;
	s1 =	sadd.s32 s1, s30  }
0xbb: {  	s0 =	sor.u32 s3, s0;
	s1 =	sshll.u32 s1, $0x11  }
0xbc: {  	s0 =	sor.u32 s1, s0  }
0xbd: {  	s0 =	sadd.s32 $0x8F2B, s0  }
0xbe: {  	[sflag:s0] =	ssyncadd.remote.s32 $0x1  }
0xbf: {  	_ =	sfence.sel $0xFFFF  }
0xc0: {  	[dreg:$0x0] =	wrdreg $0xFFFFFFFF;
	(pc) =	sbr.abs _section_cstart, $3  }
0xc1: {  	[dreg:$0x1] =	wrdreg $0xFFFFFFFF  }
0xc2: {  	_ =	task.clear_ibuf [dreg:s7], $0x2FFFF;
	_ =	strace $0x9FFFFFFF  }
0xc3: {  	(tm) =	ssettm $0x7FFFFFFF  }
tec
execute0_lowered:
.L_overlay_start_1:
0x0: {  	(tag) =	ssettag $0x1  }
0x1: {  	s0 =	rddreg [dreg:$0x0]  }
0x2: {  	s1 =	rddreg [dreg:$0x1]  }
0x3: {  	s2 =	rddreg [dreg:$0x2];
	s3 =	simm.s32 $0x0;
	s4 =	srdreg.scid  }
0x4: {  	s15 =	stileid.u32;
	s16 =	simm.s32 $0x3;
	s17 =	simm.s32 $0x13C00  }
0x5: {  	s18 =	simm.s32 $0x15800;
	s19 =	simm.s32 $0x80;
	s20 =	simm.s32 $0x13C80  }
0x6: {  	s21 =	simm.s32 $0x1B400;
	s22 =	simm.s32 $0x1;
	s23 =	simm.s32 $0x2  }
0x7: {  	s28 =	simm.s32 $0x16300;
	s29 =	simm.s32 $0x16380;
	s30 =	simm.s32 $0x0  }
0x8: {  	[smem:$0x7FF] =	sst s3;
	s4 =	sand.u32 $0x1, s4;
	s6 =	smul.u32 $0x4F000, s15  }
0x9: {  	s12 =	sadd.s32 $0x16A00, s0;
	s13 =	sadd.s32 $0xCA00, s0;
	s24 =	smul.u32 $0x2780, s15  }
0xa: {  	s5 =	smul.u32 $0x27800, s4;
	_ =	strace $0x8000004A;
	s25 =	sshll.u32 s4, $0x4  }
0xb: {  	s4 =	ssub.s32 $0x2, s4;
	s7 =	sor.u32 s15, s25;
	s26 =	sshrl.u32 s6, $0x2  }
0xc: {  	s31 =	sshrl.u32 s4, $0x1;
	s15 =	simm.s32 $0x17400;
	s0 =	sadd.s32 s5, s0  }
0xd: {  	s5 =	sadd.s32 s26, s2;
	s9 =	smul.u32 $0x2800, s7;
	s4 =	ssub.s32 s4, s31  }
0xe: {  	s11 =	smul.u32 $0x500, s7;
	s26 =	simm.s32 $0x17380;
	s6 =	sadd.s32 $0x4000, s5  }
0xf: {  	s7 =	sadd.s32 $0x8000, s5;
	s8 =	sadd.s32 $0xC000, s5;
	s0 =	sadd.s32 $0x20A00, s0  }
0x10: {  	s14 =	sshrl.u32 s9, $0x3;
	s9 =	sadd.s32 $0x10000, s5;
	s10 =	sadd.s32 s12, s11  }
0x11: {  	s11 =	sadd.s32 s13, s11;
	s24 =	sadd.s32 s24, s0;
	s14 =	sadd.s32 $0x380, s14  }
0x12: {  	v0 =	vimm.f32 $0.0e+00;
	s12 =	sadd.s32 s12, s14;
	s13 =	sadd.s32 s13, s14;
	s14 =	smax.u32 s4, $0x1  }
.LBB2_1:
0x13: {  	s0 =	sand.u32 $0xFE00, s3  }
0x14: {  	s4 =	sand.u32 $0x70, s3;
	s0 =	sshrl.u32 s0, $0x2  }
0x15: {  	s31 =	simm.s32 $0x40;
	s4 =	sor.u32 s4, s0;
	s0 =	simm.s32 $0x0  }
.LBB2_2:
0x16: {  	p0 =	sne.s32 s31, $0xFFC0  }
0x17: {  	[tilespmem:s4+$0x17400] =	vst v0;
	s0 =	sadd.s32 $0x10, s0;
	s4 =	smov.u32 s31;
	s31 =	sadd.s32 $0x40, s31  }
.Ltmp0:
0x18: {  	(pc) =	sbr.rel @p0 .LBB2_2-.Ltmp0, $4  }
0x19: {  	_ = 	snop  }
0x1a: {  	s4 =	sand.u32 $0xFE00, s4  }
0x1b: {  	s25 =	sand.u32 $0x70, s0;
	s4 =	sshrl.u32 s4, $0x2  }
0x1c: {  	s4 =	sor.u32 s25, s4  }
0x1d: {  	[tilespmem:s4+$0x17400] =	vst v0  }
0x1e: {  	[spmem:s5] =	stream.linear.scatter [tilespmem:s15], [sflag:$0x3], $0x4000, $0x38;
	[tilespmem:$0x1F400] =	vst v63  }
0x1f: {  	_ =	swait.ge [sflag:s16], $0x4000  }
0x20: {  	[sflag:s16] =	ssyncset.done $0x0  }
0x21: {  	[sflag:s16] =	ssyncadd.s32 $0xFFFFC000  }
0x22: {  	[spmem:s6] =	stream.linear.scatter [tilespmem:s15], [sflag:$0x3], $0x4000, $0x38;
	[tilespmem:$0x1F400] =	vst v63  }
0x23: {  	_ =	swait.ge [sflag:s16], $0x4000  }
0x24: {  	[sflag:s16] =	ssyncset.done $0x0  }
0x25: {  	[sflag:s16] =	ssyncadd.s32 $0xFFFFC000  }
0x26: {  	[spmem:s7] =	stream.linear.scatter [tilespmem:s15], [sflag:$0x3], $0x4000, $0x38;
	[tilespmem:$0x1F400] =	vst v63  }
0x27: {  	_ =	swait.ge [sflag:s16], $0x4000  }
0x28: {  	[sflag:s16] =	ssyncset.done $0x0  }
0x29: {  	[sflag:s16] =	ssyncadd.s32 $0xFFFFC000  }
0x2a: {  	[spmem:s8] =	stream.linear.scatter [tilespmem:s15], [sflag:$0x3], $0x4000, $0x38;
	[tilespmem:$0x1F400] =	vst v63  }
0x2b: {  	_ =	swait.ge [sflag:s16], $0x4000  }
0x2c: {  	[sflag:s16] =	ssyncset.done $0x0  }
0x2d: {  	[sflag:s16] =	ssyncadd.s32 $0xFFFFC000  }
0x2e: {  	[spmem:s9] =	stream.linear.scatter [tilespmem:s15], [sflag:$0x3], $0x3C00, $0x38;
	[tilespmem:$0x1F400] =	vst v63  }
0x2f: {  	_ =	swait.ge [sflag:s16], $0x3C00  }
0x30: {  	[sflag:s16] =	ssyncset.done $0x0  }
0x31: {  	[sflag:s16] =	ssyncadd.s32 $0xFFFFC400  }
0x32: {  	s0 =	simm.s32 $0x0;
	[bflag:$0x0] =	sbarrier.arrive $0xFFFF  }
0x33: {  	[tilespmem:s17], [sflag:$0x3] =	stream.linear.gather [hbm4b:s10+s0], $0x1C00, $0x38;
	[tilespmem:$0x1F400] =	vst v63  }
0x34: {  	_ =	swait.ge [sflag:s16], $0x1C00  }
0x35: {  	[sflag:s16] =	ssyncset.done $0x0  }
0x36: {  	[sflag:s16] =	ssyncadd.s32 $0xFFFFE400  }
0x37: {  	[tilespmem:s18], [sflag:$0x3] =	stream.linear.gather [hbm4b:s11+s0], $0x1C00, $0x38;
	[tilespmem:$0x1F400] =	vst v63  }
0x38: {  	_ =	swait.ge [sflag:s16], $0x1C00  }
0x39: {  	[sflag:s16] =	ssyncset.done $0x0  }
0x3a: {  	[sflag:s16] =	ssyncadd.s32 $0xFFFFE400  }
0x3b: {  	[tilespmem:s15], [sflag:$0x1] =	stream.indirect.gather [hbm4b:s1+s19], $0x80, s17, s19, $0xb8;
	[tilespmem:$0x1F400] =	vst v63  }
0x3c: {  	_ = 	snop  }
0x3d: {  	[tilespmem:s21], [sflag:$0x2] =	stream.indirect.gather [hbm4b:s1+s19], $0x80, s20, s19, $0xb8;
	[tilespmem:$0x1F400] =	vst v63  }
0x3e: {  	_ =	swait.ge [sflag:s22], $0x4000  }
0x3f: {  	[sflag:s22] =	ssyncset.done $0x0  }
0x40: {  	s25 =	simm.s32 $0x15800;
	[sflag:s22] =	ssyncadd.s32 $0xFFFFC000  }
0x41: {  	[spmem:s2] =	stream.indirect.scatter.add.f32 [tilespmem:s15], [sflag:$0x3], $0x80, s25, s19, $0xb8;
	[tilespmem:$0x1F400] =	vst v63  }
0x42: {  	_ =	swait.ge [sflag:s16], $0x4000  }
0x43: {  	[sflag:s16] =	ssyncset.done $0x0  }
0x44: {  	s4 =	simm.s32 $0x13D00;
	[sflag:s16] =	ssyncadd.s32 $0xFFFFC000  }
0x45: {  	[tilespmem:s15], [sflag:$0x1] =	stream.indirect.gather [hbm4b:s1+s19], $0x80, s4, s19, $0xb8;
	[tilespmem:$0x1F400] =	vst v63  }
0x46: {  	_ =	swait.ge [sflag:s23], $0x4000  }
0x47: {  	[sflag:s23] =	ssyncset.done $0x0  }
0x48: {  	s25 =	simm.s32 $0x15880;
	[sflag:s23] =	ssyncadd.s32 $0xFFFFC000  }
0x49: {  	[spmem:s2] =	stream.indirect.scatter.add.f32 [tilespmem:s21], [sflag:$0x3], $0x80, s25, s19, $0xb8;
	[tilespmem:$0x1F400] =	vst v63  }
0x4a: {  	_ =	swait.ge [sflag:s16], $0x4000  }
0x4b: {  	[sflag:s16] =	ssyncset.done $0x0  }
0x4c: {  	s31 =	simm.s32 $0x400;
	s0 =	simm.s32 $0x13D80;
	[sflag:s16] =	ssyncadd.s32 $0xFFFFC000  }
.LBB2_4:
0x4d: {  	[tilespmem:s21], [sflag:$0x2] =	stream.indirect.gather [hbm4b:s1+s19], $0x80, s0, s19, $0xb8;
	[tilespmem:$0x1F400] =	vst v63  }
0x4e: {  	s0 =	smov.u32 s31  }
0x4f: {  	p0 =	sne.s32 s31, $0x6800;
	s31 =	sadd.s32 $0x400, s31;
	_ =	swait.ge [sflag:s22], $0x4000  }
0x50: {  	s0 =	sshra.s32 s0, $0x2;
	[sflag:s22] =	ssyncset.done $0x0  }
0x51: {  	s4 =	sadd.s32 $0x15800, s0;
	[sflag:s22] =	ssyncadd.s32 $0xFFFFC000  }
0x52: {  	[spmem:s2] =	stream.indirect.scatter.add.f32 [tilespmem:s15], [sflag:$0x3], $0x80, s4, s19, $0xb8;
	[tilespmem:$0x1F400] =	vst v63  }
0x53: {  	_ =	swait.ge [sflag:s16], $0x4000  }
0x54: {  	[sflag:s16] =	ssyncset.done $0x0  }
0x55: {  	s4 =	sadd.s32 $0x13D00, s0;
	[sflag:s16] =	ssyncadd.s32 $0xFFFFC000  }
0x56: {  	[tilespmem:s15], [sflag:$0x1] =	stream.indirect.gather [hbm4b:s1+s19], $0x80, s4, s19, $0xb8;
	[tilespmem:$0x1F400] =	vst v63  }
0x57: {  	_ =	swait.ge [sflag:s23], $0x4000  }
0x58: {  	[sflag:s23] =	ssyncset.done $0x0  }
.Ltmp1:
0x59: {  	s4 =	sadd.s32 $0x15880, s0;
	[sflag:s23] =	ssyncadd.s32 $0xFFFFC000;
	(pc) =	sbr.rel @p0 .LBB2_4-.Ltmp1, $4  }
0x5a: {  	[spmem:s2] =	stream.indirect.scatter.add.f32 [tilespmem:s21], [sflag:$0x3], $0x80, s4, s19, $0xb8;
	[tilespmem:$0x1F400] =	vst v63  }
0x5b: {  	_ =	swait.ge [sflag:s16], $0x4000  }
0x5c: {  	[sflag:s16] =	ssyncset.done $0x0  }
0x5d: {  	s0 =	sadd.s32 $0x13D80, s0;
	[sflag:s16] =	ssyncadd.s32 $0xFFFFC000  }
0x5e: {  	[tilespmem:s21], [sflag:$0x2] =	stream.indirect.gather [hbm4b:s1+s19], $0x80, s0, s19, $0xb8;
	[tilespmem:$0x1F400] =	vst v63  }
0x5f: {  	_ =	swait.ge [sflag:s22], $0x4000  }
0x60: {  	[sflag:s22] =	ssyncset.done $0x0  }
0x61: {  	s25 =	simm.s32 $0x17300;
	[sflag:s22] =	ssyncadd.s32 $0xFFFFC000  }
0x62: {  	[spmem:s2] =	stream.indirect.scatter.add.f32 [tilespmem:s15], [sflag:$0x3], $0x80, s25, s19, $0xb8;
	[tilespmem:$0x1F400] =	vst v63  }
0x63: {  	_ =	swait.ge [sflag:s16], $0x4000  }
0x64: {  	[sflag:s16] =	ssyncset.done $0x0  }
0x65: {  	[sflag:s16] =	ssyncadd.s32 $0xFFFFC000  }
0x66: {  	_ =	swait.ge [sflag:s23], $0x4000  }
0x67: {  	[sflag:s23] =	ssyncset.done $0x0  }
0x68: {  	[sflag:s23] =	ssyncadd.s32 $0xFFFFC000  }
0x69: {  	[spmem:s2] =	stream.indirect.scatter.add.f32 [tilespmem:s21], [sflag:$0x3], $0x80, s26, s19, $0xb8;
	[tilespmem:$0x1F400] =	vst v63  }
0x6a: {  	_ =	swait.ge [sflag:s16], $0x4000  }
0x6b: {  	[sflag:s16] =	ssyncset.done $0x0  }
0x6c: {  	s4 =	simm.s32 $0x0;
	[sflag:s16] =	ssyncadd.s32 $0xFFFFC000  }
0x6d: {  	[tilespmem:s17], [sflag:$0x3] =	stream.linear.gather [hbm4b:s12+s4], $0xC00, $0x38;
	[tilespmem:$0x1F400] =	vst v63  }
0x6e: {  	_ =	swait.ge [sflag:s16], $0xC00  }
0x6f: {  	[sflag:s16] =	ssyncset.done $0x0  }
0x70: {  	[sflag:s16] =	ssyncadd.s32 $0xFFFFF400  }
0x71: {  	[tilespmem:s18], [sflag:$0x3] =	stream.linear.gather [hbm4b:s13+s4], $0xC00, $0x38;
	[tilespmem:$0x1F400] =	vst v63  }
0x72: {  	_ =	swait.ge [sflag:s16], $0xC00  }
0x73: {  	[sflag:s16] =	ssyncset.done $0x0  }
0x74: {  	[sflag:s16] =	ssyncadd.s32 $0xFFFFF400  }
0x75: {  	[tilespmem:s15], [sflag:$0x1] =	stream.indirect.gather [hbm4b:s1+s19], $0x80, s17, s19, $0xb8;
	[tilespmem:$0x1F400] =	vst v63  }
0x76: {  	_ = 	snop  }
0x77: {  	[tilespmem:s21], [sflag:$0x2] =	stream.indirect.gather [hbm4b:s1+s19], $0x80, s20, s19, $0xb8;
	[tilespmem:$0x1F400] =	vst v63  }
0x78: {  	_ =	swait.ge [sflag:s22], $0x4000  }
0x79: {  	[sflag:s22] =	ssyncset.done $0x0  }
0x7a: {  	s25 =	simm.s32 $0x15800;
	[sflag:s22] =	ssyncadd.s32 $0xFFFFC000  }
0x7b: {  	[spmem:s2] =	stream.indirect.scatter.add.f32 [tilespmem:s15], [sflag:$0x3], $0x80, s25, s19, $0xb8;
	[tilespmem:$0x1F400] =	vst v63  }
0x7c: {  	_ =	swait.ge [sflag:s16], $0x4000  }
0x7d: {  	[sflag:s16] =	ssyncset.done $0x0  }
0x7e: {  	s4 =	simm.s32 $0x13D00;
	[sflag:s16] =	ssyncadd.s32 $0xFFFFC000  }
0x7f: {  	[tilespmem:s15], [sflag:$0x1] =	stream.indirect.gather [hbm4b:s1+s19], $0x80, s4, s19, $0xb8;
	[tilespmem:$0x1F400] =	vst v63  }
0x80: {  	_ =	swait.ge [sflag:s23], $0x4000  }
0x81: {  	[sflag:s23] =	ssyncset.done $0x0  }
0x82: {  	s25 =	simm.s32 $0x15880;
	[sflag:s23] =	ssyncadd.s32 $0xFFFFC000  }
0x83: {  	[spmem:s2] =	stream.indirect.scatter.add.f32 [tilespmem:s21], [sflag:$0x3], $0x80, s25, s19, $0xb8;
	[tilespmem:$0x1F400] =	vst v63  }
0x84: {  	_ =	swait.ge [sflag:s16], $0x4000  }
0x85: {  	[sflag:s16] =	ssyncset.done $0x0  }
0x86: {  	s31 =	simm.s32 $0x400;
	s0 =	simm.s32 $0x13D80;
	[sflag:s16] =	ssyncadd.s32 $0xFFFFC000  }
.LBB2_6:
0x87: {  	[tilespmem:s21], [sflag:$0x2] =	stream.indirect.gather [hbm4b:s1+s19], $0x80, s0, s19, $0xb8;
	[tilespmem:$0x1F400] =	vst v63  }
0x88: {  	s0 =	smov.u32 s31  }
0x89: {  	p0 =	sne.s32 s31, $0x2800;
	s31 =	sadd.s32 $0x400, s31;
	_ =	swait.ge [sflag:s22], $0x4000  }
0x8a: {  	s0 =	sshra.s32 s0, $0x2;
	[sflag:s22] =	ssyncset.done $0x0  }
0x8b: {  	s4 =	sadd.s32 $0x15800, s0;
	[sflag:s22] =	ssyncadd.s32 $0xFFFFC000  }
0x8c: {  	[spmem:s2] =	stream.indirect.scatter.add.f32 [tilespmem:s15], [sflag:$0x3], $0x80, s4, s19, $0xb8;
	[tilespmem:$0x1F400] =	vst v63  }
0x8d: {  	_ =	swait.ge [sflag:s16], $0x4000  }
0x8e: {  	[sflag:s16] =	ssyncset.done $0x0  }
0x8f: {  	s4 =	sadd.s32 $0x13D00, s0;
	[sflag:s16] =	ssyncadd.s32 $0xFFFFC000  }
0x90: {  	[tilespmem:s15], [sflag:$0x1] =	stream.indirect.gather [hbm4b:s1+s19], $0x80, s4, s19, $0xb8;
	[tilespmem:$0x1F400] =	vst v63  }
0x91: {  	_ =	swait.ge [sflag:s23], $0x4000  }
0x92: {  	[sflag:s23] =	ssyncset.done $0x0  }
.Ltmp2:
0x93: {  	s4 =	sadd.s32 $0x15880, s0;
	[sflag:s23] =	ssyncadd.s32 $0xFFFFC000;
	(pc) =	sbr.rel @p0 .LBB2_6-.Ltmp2, $4  }
0x94: {  	[spmem:s2] =	stream.indirect.scatter.add.f32 [tilespmem:s21], [sflag:$0x3], $0x80, s4, s19, $0xb8;
	[tilespmem:$0x1F400] =	vst v63  }
0x95: {  	_ =	swait.ge [sflag:s16], $0x4000  }
0x96: {  	[sflag:s16] =	ssyncset.done $0x0  }
0x97: {  	s0 =	sadd.s32 $0x13D80, s0;
	[sflag:s16] =	ssyncadd.s32 $0xFFFFC000  }
0x98: {  	[tilespmem:s21], [sflag:$0x2] =	stream.indirect.gather [hbm4b:s1+s19], $0x80, s0, s19, $0xb8;
	[tilespmem:$0x1F400] =	vst v63  }
0x99: {  	_ =	swait.ge [sflag:s22], $0x4000  }
0x9a: {  	[sflag:s22] =	ssyncset.done $0x0  }
0x9b: {  	[sflag:s22] =	ssyncadd.s32 $0xFFFFC000  }
0x9c: {  	[spmem:s2] =	stream.indirect.scatter.add.f32 [tilespmem:s15], [sflag:$0x3], $0x80, s28, s19, $0xb8;
	[tilespmem:$0x1F400] =	vst v63  }
0x9d: {  	_ =	swait.ge [sflag:s16], $0x4000  }
0x9e: {  	[sflag:s16] =	ssyncset.done $0x0  }
0x9f: {  	[sflag:s16] =	ssyncadd.s32 $0xFFFFC000  }
0xa0: {  	_ =	swait.ge [sflag:s23], $0x4000  }
0xa1: {  	[sflag:s23] =	ssyncset.done $0x0  }
0xa2: {  	[sflag:s23] =	ssyncadd.s32 $0xFFFFC000  }
0xa3: {  	[spmem:s2] =	stream.indirect.scatter.add.f32 [tilespmem:s21], [sflag:$0x3], $0x80, s29, s19, $0xb8;
	[tilespmem:$0x1F400] =	vst v63  }
0xa4: {  	_ =	swait.ge [sflag:s16], $0x4000  }
0xa5: {  	s31 =	stileid.u32;
	s4 =	sshrl.u32 s5, $0x3;
	[sflag:s16] =	ssyncset.done $0x0  }
0xa6: {  	s30 =	sadd.s32 $0x1, s30;
	s0 =	sshll.u32 s31, $0x6;
	[sflag:s16] =	ssyncadd.s32 $0xFFFFC000  }
0xa7: {  	p0 =	sne.s32 s30, s14;
	s0 =	sor.u32 $0x1C03, s0;
	[bflag:$0x0] =	sbarrier.arrive $0xFFFF  }
0xa8: {  	[hbm:s24], [sflag:s0] =	dma.local [spmem:s4], $0x2780  }
.Ltmp3:
0xa9: {  	_ =	swait.ge [sflag:s16], $0x2780;
	(pc) =	sbr.rel @p0 .LBB2_1-.Ltmp3, $3  }
0xaa: {  	[sflag:s16] =	ssyncset.done $0x0  }
0xab: {  	[sflag:s16] =	ssyncadd.s32 $0xFFFFD880  }
0xac: {  	[bflag:$0x0] =	sbarrier.arrive $0xFFFF;
	_ =	sdelay $0x1  }
0xad: {  	_ =	sfence.sel $0x180000  }
0xae: {  	[bflag:$0x0] =	sbarrier.arrive $0xFFFF  }
0xaf: {  	_ =	strace $0x9000004A  }
0xb0: {  	s0 =	stileid.u32;
	[bflag:$0x2] =	sbarrier.arrive $0xFFFF  }
0xb1: {  	p0 =	sne.s32 s0, $0x0;
	s0 =	rddreg [dreg:$0x3]  }
0xb2: {  	s0 =	sadd.s32 @!p0 $0x100000, s0  }
0xb3: {  	[sflag:s0] =	ssyncadd.tile.s32 @!p0 $0x1;
	_ =	shalt  }
.Lfunc_end2:
_tile_overlayer_lowered:
.L_overlay_start_2:
0xb4: {  	(tag) =	ssettag $0x2  }
0xb5: {  	s0 =	rddreg [dreg:$0x0];
	s2 =	stileid.u32  }
0xb6: {  	s1 =	rddreg [dreg:$0x1];
	p0 =	sne.s32 s2, $0x0  }
0xb7: {  	s3 =	rddreg [dreg:$0x2];
	[bflag:$0x3] =	sbarrier.arrive $0xFFFF;
	s2 =	simm.s32 @!p0 $0x1C03  }
0xb8: {  	[timem:s3], [sflag:s2] =	dma.local @!p0 [hbm:s0], s1  }
0xb9: {  	s0 =	simm.s32 @!p0 $0x3  }
0xba: {  	_ =	swait.ge @!p0 [sflag:s0], s1  }
0xbb: {  	s1 =	ssub.s32 @!p0 $0x0, s1;
	[sflag:s0] =	ssyncset.done @!p0 $0x0  }
0xbc: {  	[sflag:s0] =	ssyncadd.s32 @!p0 s1  }
0xbd: {  	[bflag:$0x3] =	sbarrier.arrive $0xFFFF  }
0xbe: {  	_ =	shalt  }

</sc_bundles>
